<compile_context>
chip_gen: v7x
topology: tpu7x:2x2x1
jax: 0.10.2.dev20260603
libtpu: 0.0.44.dev20260713+nightly
codegen_flags: <defaults>
</compile_context>

<pallas_src>
import functools

import jax
import jax.numpy as jnp
from jax import lax
from jax.experimental import pallas as pl
from jax.experimental.pallas import tpu as pltpu
from jax.experimental.pallas import tpu_sc as plsc

N = 10000
E = 160000
B = 256
DIN = 15
DE = 4
HID = 30
EDIM = 1024
STEPS = 3
S2S_STEPS = 3
SLOPE = 0.22916667

NC = 2
NS = 16
NWORK = NC * NS
HP = 32
TW = (DE + 1) * HP
C = 128
CPW = 40
EPW = C * CPW
EPAD = EPW * NWORK
NPAD = 10112
RPT = NPAD // NS


def _edge_body(t_hbm, src_hbm, dst_hbm, ea_hbm, zero_hbm, out_hbm,
               s_shared, srcall_v, dstall_v, eaall_v,
               rows0_v, rows1_v, msg0_v, msg1_v, sem_g, sem_s):
    cid = lax.axis_index("c")
    sid = lax.axis_index("s")
    wid = sid * NC + cid

    pltpu.sync_copy(zero_hbm, s_shared.at[pl.ds(sid * RPT, RPT)])
    pltpu.sync_copy(src_hbm.at[pl.ds(wid * EPW, EPW)], srcall_v)
    pltpu.sync_copy(dst_hbm.at[pl.ds(wid * CPW, CPW)], dstall_v)
    pltpu.sync_copy(ea_hbm.at[pl.ds(wid * EPW * DE, EPW * DE + 16)], eaall_v)
    plsc.subcore_barrier()

    lane = lax.iota(jnp.int32, 16)
    onehot = jnp.where(lane == (HID - 16), 1.0, 0.0).astype(jnp.float32)

    def gstart(k, rows_r):
        pltpu.async_copy(t_hbm.at[srcall_v.at[pl.ds(k * C, C)]], rows_r, sem_g)

    def gwait(rows_r):
        pltpu.make_async_copy(
            t_hbm.at[srcall_v.at[pl.ds(0, C)]], rows_r, sem_g).wait()

    def sstart(k, msg_r):
        pltpu.async_copy(msg_r, s_shared.at[dstall_v.at[k]], sem_s, add=True)

    def swait(msg_r):
        pltpu.make_async_copy(msg_r, s_shared.at[dstall_v.at[0]], sem_s).wait()

    def compute(k, rows_r, msg_r):
        def do_edge(i, ev, lo):
            for j in range(2):
                o = j * 16
                m = ((ev[lo + 0] * rows_r[i, pl.ds(o, 16)]
                      + ev[lo + 1] * rows_r[i, pl.ds(HP + o, 16)])
                     + (ev[lo + 2] * rows_r[i, pl.ds(2 * HP + o, 16)]
                        + ev[lo + 3] * rows_r[i, pl.ds(3 * HP + o, 16)])
                     + rows_r[i, pl.ds(4 * HP + o, 16)])
                if j == 1:
                    m = m + onehot
                msg_r[i, pl.ds(o, 16)] = m

        @plsc.parallel_loop(0, C // 2, 1, unroll=8)
        def _edge_loop(i):
            ev = eaall_v[pl.ds(k * (C * DE) + 2 * DE * i, 16)]
            do_edge(2 * i, ev, 0)
            do_edge(2 * i + 1, ev, DE)

    gstart(0, rows0_v)

    def k2body(k2, carry):
        k = 2 * k2
        gwait(rows0_v)
        gstart(k + 1, rows1_v)

        @pl.when(k2 > 0)
        def _w0():
            swait(msg0_v)

        compute(k, rows0_v, msg0_v)
        sstart(k, msg0_v)

        gwait(rows1_v)

        @pl.when(k2 < CPW // 2 - 1)
        def _g2():
            gstart(k + 2, rows0_v)

        @pl.when(k2 > 0)
        def _w1():
            swait(msg1_v)

        compute(k + 1, rows1_v, msg1_v)
        sstart(k + 1, msg1_v)
        return carry

    lax.fori_loop(0, CPW // 2, k2body, 0)
    swait(msg0_v)
    swait(msg1_v)
    plsc.subcore_barrier()

    pltpu.sync_copy(s_shared.at[pl.ds(sid * RPT, RPT)],
                    out_hbm.at[cid, pl.ds(sid * RPT, RPT)])


_edge_call = functools.partial(
    pl.kernel,
    out_type=jax.ShapeDtypeStruct((NC, NPAD, HP), jnp.float32),
    mesh=plsc.VectorSubcoreMesh(core_axis_name="c", subcore_axis_name="s"),
    compiler_params=pltpu.CompilerParams(use_tc_tiling_on_sc=False),
    scratch_types=[
        pltpu.VMEM_SHARED((NPAD, HP), jnp.float32),
        pltpu.VMEM((EPW,), jnp.int32),
        pltpu.VMEM((CPW, C), jnp.int32),
        pltpu.VMEM((EPW * DE + 16,), jnp.float32),
        pltpu.VMEM((C, TW), jnp.float32),
        pltpu.VMEM((C, TW), jnp.float32),
        pltpu.VMEM((C, HP), jnp.float32),
        pltpu.VMEM((C, HP), jnp.float32),
        pltpu.SemaphoreType.DMA,
        pltpu.SemaphoreType.DMA,
    ],
)(_edge_body)


def _rrelu(z):
    return jnp.where(z >= 0, z, z * SLOPE)


def _gru(xg, h, Wih, Whh, bih, bhh):
    gi = xg @ Wih.T + bih
    gh = h @ Whh.T + bhh
    ir, iz, inn = jnp.split(gi, 3, axis=-1)
    hr, hz, hn = jnp.split(gh, 3, axis=-1)
    r = jax.nn.sigmoid(ir + hr)
    z = jax.nn.sigmoid(iz + hz)
    n = jnp.tanh(inn + r * hn)
    return (1.0 - z) * n + z * h


def _lstm(xg, h, c, Wih, Whh, bih, bhh):
    g = xg @ Wih.T + bih + h @ Whh.T + bhh
    i, f, gg, o = jnp.split(g, 4, axis=-1)
    i = jax.nn.sigmoid(i)
    f = jax.nn.sigmoid(f)
    gg = jnp.tanh(gg)
    o = jax.nn.sigmoid(o)
    c2 = f * c + i * gg
    return o * jnp.tanh(c2), c2


def _pmm(a, b):
    return jnp.matmul(a, b, precision=lax.Precision.HIGHEST)


def _set2set(xi, seg_bool, seg_oh, Wih, Whh, bih, bhh):
    h = jnp.zeros((B, HID), jnp.float32)
    c = jnp.zeros((B, HID), jnp.float32)
    q_star = jnp.zeros((B, 2 * HID), jnp.float32)
    for _ in range(S2S_STEPS):
        h, c = _lstm(q_star, h, c, Wih, Whh, bih, bhh)
        e = jnp.sum(xi * _pmm(seg_oh.T, h), axis=-1)
        m = jnp.max(jnp.where(seg_bool, e[None, :], -jnp.inf), axis=1)
        mf = jnp.maximum(m, -1e30)
        ex = jnp.exp(e - _pmm(seg_oh.T, mf))
        ssum = _pmm(seg_oh, ex)
        a = ex / (_pmm(seg_oh.T, ssum) + 1e-16)
        r = _pmm(seg_oh, a[:, None] * xi)
        q_star = jnp.concatenate([h, r], axis=-1)
    return q_star


def kernel(x, edge_index, edge_attr, batch, W0, b0, We, be, Wroot, bconv,
           gWih, gWhh, gbih, gbhh, lWih, lWhh, lbih, lbhh,
           Wflat, bflat, Wout, bout):
    with jax.default_matmul_precision("highest"):
        return _impl(x, edge_index, edge_attr, batch, W0, b0, We, be, Wroot,
                     bconv, gWih, gWhh, gbih, gbhh, lWih, lWhh, lbih, lbhh,
                     Wflat, bflat, Wout, bout)


def _impl(x, edge_index, edge_attr, batch, W0, b0, We, be, Wroot, bconv,
          gWih, gWhh, gbih, gbhh, lWih, lWhh, lbih, lbhh,
          Wflat, bflat, Wout, bout):
    f32 = jnp.float32
    xm = _rrelu(x @ W0 + b0)

    pad_e = EPAD - E
    src_p = jnp.concatenate([edge_index[0], jnp.full((pad_e,), N, jnp.int32)])
    dst_p = jnp.concatenate(
        [edge_index[1], jnp.full((pad_e,), N, jnp.int32)]
    ).reshape(NWORK * CPW, C)
    ea_p = jnp.concatenate(
        [edge_attr.reshape(-1), jnp.zeros((pad_e * DE + 16,), f32)])
    zero_blk = jnp.zeros((RPT, HP), f32)

    We3 = We.reshape(DE, HID, HID)
    We3p = jnp.pad(We3, ((0, 0), (0, 0), (0, HP - HID)))
    Mw = We3p.transpose(1, 0, 2).reshape(HID, DE * HP)
    Bp = jnp.pad(be.reshape(HID, HID), ((0, 0), (0, HP - HID)))
    M = jnp.concatenate([Mw, Bp], axis=1)

    h = xm
    for _ in range(STEPS):
        identity = xm
        t = jnp.pad(xm @ M, ((0, NPAD - N), (0, 0)))
        parts = _edge_call(t, src_p, dst_p, ea_p, zero_blk)
        s = parts[0] + parts[1]
        cnt = s[:N, HID]
        agg = s[:N, :HID] / jnp.maximum(cnt, 1.0)[:, None]
        xc = _rrelu(xm @ Wroot + agg + bconv)
        h = _gru(xc, h, gWih, gWhh, gbih, gbhh)
        xm = h + identity

    seg_bool = batch[None, :] == jnp.arange(B, dtype=batch.dtype)[:, None]
    seg_oh = seg_bool.astype(f32)
    q = _set2set(xm, seg_bool, seg_oh, lWih, lWhh, lbih, lbhh)
    cntb = jnp.sum(seg_oh, axis=1)
    ssum = _pmm(seg_oh, xm)
    mean = ssum / jnp.maximum(cntb, 1.0)[:, None]
    mx = jax.ops.segment_max(xm, batch, num_segments=B, indices_are_sorted=True)
    outm = jnp.concatenate([q, mean, mx, ssum], axis=-1)
    outm = _rrelu(outm @ Wflat + bflat)
    out = outm @ Wout + bout
    return out, xm

# --- scband reference (transcript-rebuilt; emitter-appended) ---
"""Pipeline reference for scband-glam-16784732193359 (READ-ONLY COPY).

The authoritative reference and input builder live on the scoring server;
editing this copy changes nothing except your own understanding.
"""

import jax, jax.numpy as jnp
import numpy as np

N = 10000
E = 160000
B = 256
DIN = 15
DE = 4
HID = 30
EDIM = 1024
STEPS = 3
S2S_STEPS = 3
SLOPE = 0.22916667  # RReLU eval slope = (1/8 + 1/3) / 2


def rrelu(x):
    return jnp.where(x >= 0, x, x * SLOPE)


def gru_cell(x, h, Wih, Whh, bih, bhh):
    gi = x @ Wih.T + bih
    gh = h @ Whh.T + bhh
    ir, iz, inn = jnp.split(gi, 3, axis=-1)
    hr, hz, hn = jnp.split(gh, 3, axis=-1)
    r = jax.nn.sigmoid(ir + hr)
    z = jax.nn.sigmoid(iz + hz)
    n = jnp.tanh(inn + r * hn)
    return (1.0 - z) * n + z * h


def lstm_cell(x, h, c, Wih, Whh, bih, bhh):
    g = x @ Wih.T + bih + h @ Whh.T + bhh
    i, f, gg, o = jnp.split(g, 4, axis=-1)
    i = jax.nn.sigmoid(i); f = jax.nn.sigmoid(f)
    gg = jnp.tanh(gg); o = jax.nn.sigmoid(o)
    c2 = f * c + i * gg
    return o * jnp.tanh(c2), c2


def seg_softmax(e, seg, num):
    m = jax.ops.segment_max(e, seg, num_segments=num)
    ex = jnp.exp(e - m[seg])
    s = jax.ops.segment_sum(ex, seg, num_segments=num)
    return ex / (s[seg] + 1e-16)


def nnconv(x, edge_index, edge_attr, We, be, Wroot, bconv):
    # PyG NNConv with aggr='mean': out_i = x_i @ Wroot + mean_j (x_j @ Theta(e_ji)) + b
    src, dst = edge_index[0], edge_index[1]
    w = (edge_attr @ We + be).reshape(-1, HID, HID)
    m = jnp.einsum('ei,eio->eo', x[src], w)
    s = jax.ops.segment_sum(m, dst, num_segments=N)
    cnt = jax.ops.segment_sum(jnp.ones((E,), jnp.float32), dst, num_segments=N)
    agg = s / jnp.maximum(cnt, 1.0)[:, None]
    return x @ Wroot + agg + bconv


def set2set(x, batch, Wih, Whh, bih, bhh):
    h = jnp.zeros((B, HID), jnp.float32)
    c = jnp.zeros((B, HID), jnp.float32)
    q_star = jnp.zeros((B, 2 * HID), jnp.float32)
    for _ in range(S2S_STEPS):
        h, c = lstm_cell(q_star, h, c, Wih, Whh, bih, bhh)
        e = jnp.sum(x * h[batch], axis=-1)
        a = seg_softmax(e, batch, B)
        r = jax.ops.segment_sum(a[:, None] * x, batch, num_segments=B)
        q_star = jnp.concatenate([h, r], axis=-1)
    return q_star


def _forward(x, edge_index, edge_attr, batch, W0, b0, We, be, Wroot, bconv,
             gWih, gWhh, gbih, gbhh, lWih, lWhh, lbih, lbhh, Wflat, bflat, Wout, bout):
    xm = rrelu(x @ W0 + b0)                                # mol_lin0 (norm/do = None, eval)
    h = xm                                                 # GRU hidden init (h=None -> x)
    for _ in range(STEPS):                                 # message_steps=3
        identity = xm
        xc = rrelu(nnconv(xm, edge_index, edge_attr, We, be, Wroot, bconv))
        h = gru_cell(xc, h, gWih, gWhh, gbih, gbhh)
        xm = h + identity                                  # graph_res=True
    s2s = set2set(xm, batch, lWih, lWhh, lbih, lbhh)       # [B, 2*HID]
    cnt = jax.ops.segment_sum(jnp.ones((N,), jnp.float32), batch, num_segments=B)
    mean = jax.ops.segment_sum(xm, batch, num_segments=B) / jnp.maximum(cnt, 1.0)[:, None]
    mx = jax.ops.segment_max(xm, batch, num_segments=B)
    add = jax.ops.segment_sum(xm, batch, num_segments=B)
    outm = jnp.concatenate([s2s, mean, mx, add], axis=-1)  # GlobalPool5 -> [B, 5*HID]
    outm = rrelu(outm @ Wflat + bflat)                     # mol_flat
    out = outm @ Wout + bout                               # lin_out1 (act=_None, eval)
    return out, xm


def setup_inputs(seed: int = 0):
    key = jax.random.key(seed)
    k = lambda i: jax.random.fold_in(key, i)
    p = lambda i, shape: 0.1 * jax.random.normal(k(i), shape, dtype=jnp.float32)
    return {
        'x': jax.random.normal(k(0), (N, DIN), dtype=jnp.float32),
        'edge_index': jax.random.randint(k(1), (2, E), 0, N, dtype=jnp.int32),
        'edge_attr': jax.random.uniform(k(2), (E, DE), dtype=jnp.float32),
        'batch': jnp.sort(jax.random.randint(k(3), (N,), 0, B, dtype=jnp.int32)),
        'W0': p(4, (DIN, HID)), 'b0': p(5, (HID,)),
        'We': p(6, (DE, HID * HID)), 'be': p(7, (HID * HID,)),
        'Wroot': p(8, (HID, HID)), 'bconv': p(9, (HID,)),
        'gWih': p(10, (3 * HID, HID)), 'gWhh': p(11, (3 * HID, HID)),
        'gbih': p(12, (3 * HID,)), 'gbhh': p(13, (3 * HID,)),
        'lWih': p(14, (4 * HID, 2 * HID)), 'lWhh': p(15, (4 * HID, HID)),
        'lbih': p(16, (4 * HID,)), 'lbhh': p(17, (4 * HID,)),
        'Wflat': p(18, (5 * HID, EDIM)), 'bflat': p(19, (EDIM,)),
        'Wout': p(20, (EDIM, 1)), 'bout': p(21, (1,)),
    }


def reference(x, edge_index, edge_attr, batch, W0, b0, We, be, Wroot, bconv,
              gWih, gWhh, gbih, gbhh, lWih, lWhh, lbih, lbhh, Wflat, bflat, Wout, bout):
    return _forward(x, edge_index, edge_attr, batch, W0, b0, We, be, Wroot, bconv,
                    gWih, gWhh, gbih, gbhh, lWih, lWhh, lbih, lbhh, Wflat, bflat, Wout, bout)

if __name__ == "__main__":
    import jax
    _d = setup_inputs()
    print(jax.jit(kernel)(*tuple(_d.values())))

</pallas_src>

<mosaic_0001>
#map = affine_map<(d0, d1) -> (0, 0)>
#map1 = affine_map<(d0, d1) -> (0)>
#map2 = affine_map<(d0, d1) -> (0, 0, 0)>
module attributes {stable_mosaic.version = 14 : i64} {
  func.func @_edge_body(%arg0: i32, %arg1: i32, %arg2: memref<10112x160xf32, #tpu.memory_space<hbm>>, %arg3: memref<163840xi32, #tpu.memory_space<hbm>>, %arg4: memref<1280x128xi32, #tpu.memory_space<hbm>>, %arg5: memref<655376xf32, #tpu.memory_space<hbm>>, %arg6: memref<632x32xf32, #tpu.memory_space<hbm>>, %arg7: memref<2x10112x32xf32, #tpu.memory_space<hbm>>, %arg8: memref<10112x32xf32, #tpu.memory_space<vmem_shared>>, %arg9: memref<5120xi32, #tpu.memory_space<vmem>>, %arg10: memref<40x128xi32, #tpu.memory_space<vmem>>, %arg11: memref<20496xf32, #tpu.memory_space<vmem>>, %arg12: memref<128x160xf32, #tpu.memory_space<vmem>>, %arg13: memref<128x160xf32, #tpu.memory_space<vmem>>, %arg14: memref<128x32xf32, #tpu.memory_space<vmem>>, %arg15: memref<128x32xf32, #tpu.memory_space<vmem>>, %arg16: memref<!tpu.dma_semaphore, #tpu.memory_space<semaphore_mem>>, %arg17: memref<!tpu.dma_semaphore, #tpu.memory_space<semaphore_mem>>) attributes {dimension_semantics = [#tpu.dimension_semantics<core_parallel>, #tpu.dimension_semantics<subcore_parallel>], iteration_bounds = array<i64: 2, 16>, scalar_prefetch = 0 : i64, scratch_operands = 10 : i64, tpu.core_type = #tpu.core_type<sc_vector_subcore>, window_params = [{transform_indices = #map}, {transform_indices = #map1}, {transform_indices = #map}, {transform_indices = #map1}, {transform_indices = #map}, {transform_indices = #map2}]} {
    %mul3A = arith.constant 2 : i32
    %mul3A_0 = arith.muli %arg1, %mul3A : i32
    %add3A = arith.addi %mul3A_0, %arg0 : i32
    %mul3A_1 = arith.constant 632 : i32
    %mul3A_2 = arith.muli %arg1, %mul3A_1 : i32
    "tpu.region"() ({
      %run_scoped3A = tpu.sem_alloc : memref<!tpu.dma_semaphore, #tpu.memory_space<semaphore_mem>>
      %dma_start3A_42 = arith.constant 0 : i32
      %dma_start3A_43 = tpu.memref_slice %arg8[%mul3A_2, %dma_start3A_42] : memref<10112x32xf32, #tpu.memory_space<vmem_shared>> -> memref<632x32xf32, #tpu.memory_space<vmem_shared>>
      tpu.enqueue_dma source(%arg6 : memref<632x32xf32, #tpu.memory_space<hbm>>) target(%dma_start3A_43 : memref<632x32xf32, #tpu.memory_space<vmem_shared>>) target_semaphore(%run_scoped3A : memref<!tpu.dma_semaphore, #tpu.memory_space<semaphore_mem>>)
      %dma_wait3A_44 = arith.constant 0 : i32
      %dma_wait3A_45 = tpu.memref_slice %arg8[%mul3A_2, %dma_wait3A_44] : memref<10112x32xf32, #tpu.memory_space<vmem_shared>> -> memref<632x32xf32, #tpu.memory_space<vmem_shared>>
      tpu.wait_dma2 semaphore(%run_scoped3A : memref<!tpu.dma_semaphore, #tpu.memory_space<semaphore_mem>>) src(%arg6 : memref<632x32xf32, #tpu.memory_space<hbm>>) dst(%dma_wait3A_45 : memref<632x32xf32, #tpu.memory_space<vmem_shared>>)
      tpu.yield
    }) : () -> ()
    %mul3A_3 = arith.constant 5120 : i32
    %mul3A_4 = arith.muli %add3A, %mul3A_3 : i32
    "tpu.region"() ({
      %run_scoped3A = tpu.sem_alloc : memref<!tpu.dma_semaphore, #tpu.memory_space<semaphore_mem>>
      %dma_start3A_42 = tpu.memref_slice %arg3[%mul3A_4] : memref<163840xi32, #tpu.memory_space<hbm>> -> memref<5120xi32, #tpu.memory_space<hbm>>
      %dma_start3A_43 = tpu.memref_slice %arg3[%mul3A_4] : memref<163840xi32, #tpu.memory_space<hbm>> -> memref<5120xi32, #tpu.memory_space<hbm>>
      tpu.enqueue_dma source(%dma_start3A_43 : memref<5120xi32, #tpu.memory_space<hbm>>) target(%arg9 : memref<5120xi32, #tpu.memory_space<vmem>>) target_semaphore(%run_scoped3A : memref<!tpu.dma_semaphore, #tpu.memory_space<semaphore_mem>>)
      %dma_wait3A_44 = tpu.memref_slice %arg3[%mul3A_4] : memref<163840xi32, #tpu.memory_space<hbm>> -> memref<5120xi32, #tpu.memory_space<hbm>>
      %dma_wait3A_45 = tpu.memref_slice %arg3[%mul3A_4] : memref<163840xi32, #tpu.memory_space<hbm>> -> memref<5120xi32, #tpu.memory_space<hbm>>
      tpu.wait_dma2 semaphore(%run_scoped3A : memref<!tpu.dma_semaphore, #tpu.memory_space<semaphore_mem>>) src(%dma_wait3A_45 : memref<5120xi32, #tpu.memory_space<hbm>>) dst(%arg9 : memref<5120xi32, #tpu.memory_space<vmem>>)
      tpu.yield
    }) : () -> ()
    %mul3A_5 = arith.constant 40 : i32
    %mul3A_6 = arith.muli %add3A, %mul3A_5 : i32
    "tpu.region"() ({
      %run_scoped3A = tpu.sem_alloc : memref<!tpu.dma_semaphore, #tpu.memory_space<semaphore_mem>>
      %dma_start3A_42 = arith.constant 0 : i32
      %dma_start3A_43 = tpu.memref_slice %arg4[%mul3A_6, %dma_start3A_42] : memref<1280x128xi32, #tpu.memory_space<hbm>> -> memref<40x128xi32, #tpu.memory_space<hbm>>
      %dma_start3A_44 = arith.constant 0 : i32
      %dma_start3A_45 = tpu.memref_slice %arg4[%mul3A_6, %dma_start3A_44] : memref<1280x128xi32, #tpu.memory_space<hbm>> -> memref<40x128xi32, #tpu.memory_space<hbm>>
      tpu.enqueue_dma source(%dma_start3A_45 : memref<40x128xi32, #tpu.memory_space<hbm>>) target(%arg10 : memref<40x128xi32, #tpu.memory_space<vmem>>) target_semaphore(%run_scoped3A : memref<!tpu.dma_semaphore, #tpu.memory_space<semaphore_mem>>)
      %dma_wait3A_46 = arith.constant 0 : i32
      %dma_wait3A_47 = tpu.memref_slice %arg4[%mul3A_6, %dma_wait3A_46] : memref<1280x128xi32, #tpu.memory_space<hbm>> -> memref<40x128xi32, #tpu.memory_space<hbm>>
      %dma_wait3A_48 = arith.constant 0 : i32
      %dma_wait3A_49 = tpu.memref_slice %arg4[%mul3A_6, %dma_wait3A_48] : memref<1280x128xi32, #tpu.memory_space<hbm>> -> memref<40x128xi32, #tpu.memory_space<hbm>>
      tpu.wait_dma2 semaphore(%run_scoped3A : memref<!tpu.dma_semaphore, #tpu.memory_space<semaphore_mem>>) src(%dma_wait3A_49 : memref<40x128xi32, #tpu.memory_space<hbm>>) dst(%arg10 : memref<40x128xi32, #tpu.memory_space<vmem>>)
      tpu.yield
    }) : () -> ()
    %mul3A_7 = arith.constant 5120 : i32
    %mul3A_8 = arith.muli %add3A, %mul3A_7 : i32
    %mul3A_9 = arith.constant 4 : i32
    %mul3A_10 = arith.muli %mul3A_8, %mul3A_9 : i32
    "tpu.region"() ({
      %run_scoped3A = tpu.sem_alloc : memref<!tpu.dma_semaphore, #tpu.memory_space<semaphore_mem>>
      %dma_start3A_42 = tpu.memref_slice %arg5[%mul3A_10] : memref<655376xf32, #tpu.memory_space<hbm>> -> memref<20496xf32, #tpu.memory_space<hbm>>
      %dma_start3A_43 = tpu.memref_slice %arg5[%mul3A_10] : memref<655376xf32, #tpu.memory_space<hbm>> -> memref<20496xf32, #tpu.memory_space<hbm>>
      tpu.enqueue_dma source(%dma_start3A_43 : memref<20496xf32, #tpu.memory_space<hbm>>) target(%arg11 : memref<20496xf32, #tpu.memory_space<vmem>>) target_semaphore(%run_scoped3A : memref<!tpu.dma_semaphore, #tpu.memory_space<semaphore_mem>>)
      %dma_wait3A_44 = tpu.memref_slice %arg5[%mul3A_10] : memref<655376xf32, #tpu.memory_space<hbm>> -> memref<20496xf32, #tpu.memory_space<hbm>>
      %dma_wait3A_45 = tpu.memref_slice %arg5[%mul3A_10] : memref<655376xf32, #tpu.memory_space<hbm>> -> memref<20496xf32, #tpu.memory_space<hbm>>
      tpu.wait_dma2 semaphore(%run_scoped3A : memref<!tpu.dma_semaphore, #tpu.memory_space<semaphore_mem>>) src(%dma_wait3A_45 : memref<20496xf32, #tpu.memory_space<hbm>>) dst(%arg11 : memref<20496xf32, #tpu.memory_space<vmem>>)
      tpu.yield
    }) : () -> ()
    %barrier3A = arith.constant 0 : index
    tpu.barrier barrier_id(%barrier3A)
    %iota3A = tpu.iota {dimensions = array<i32: 0>} : vector<16xi32>
    %eq3A = arith.constant 14 : i32
    %eq3A_11 = vector.broadcast %eq3A : i32 to vector<16xi32>
    %eq3A_12 = arith.cmpi eq, %iota3A, %eq3A_11 : vector<16xi32>
    %jit3A = arith.constant 1.000000e+00 : f32
    %jit3A_13 = arith.constant 0.000000e+00 : f32
    %broadcast_in_dim3A = vector.broadcast %jit3A : f32 to vector<16xf32>
    %broadcast_in_dim3A_14 = vector.broadcast %jit3A_13 : f32 to vector<16xf32>
    %select_n3A = arith.select %eq3A_12, %broadcast_in_dim3A, %broadcast_in_dim3A_14 : vector<16xi1>, vector<16xf32>
    %dma_start3A = arith.constant 0 : i32
    %dma_start3A_15 = tpu.memref_slice %arg9[%dma_start3A] : memref<5120xi32, #tpu.memory_space<vmem>> -> memref<128xi32, #tpu.memory_space<vmem>>
    %dma_start3A_16 = arith.constant 0 : i32
    %dma_start3A_17 = arith.constant 0 : i32
    %dma_start3A_18 = tpu.memref_slice %arg2[%dma_start3A_16, %dma_start3A_17] : memref<10112x160xf32, #tpu.memory_space<hbm>> -> memref<10112x160xf32, #tpu.memory_space<hbm>>
    tpu.enqueue_indirect_dma source(%dma_start3A_18 : memref<10112x160xf32, #tpu.memory_space<hbm>>) target(%arg12 : memref<128x160xf32, #tpu.memory_space<vmem>>) offsets(%dma_start3A_15 : memref<128xi32, #tpu.memory_space<vmem>>) semaphore(%arg16 : memref<!tpu.dma_semaphore, #tpu.memory_space<semaphore_mem>>)
    %scan3A = arith.constant 0 : i32
    %scan3A_19 = arith.constant 0 : i32
    %scan3A_20 = arith.constant 20 : i32
    %scan3A_21 = arith.addi %scan3A_19, %scan3A_20 : i32
    %scan3A_22 = arith.constant 1 : i32
    scf.for %scan3A_42 = %scan3A_19 to %scan3A_21 step %scan3A_22  : i32 {
      %mul3A_43 = arith.constant 2 : i32
      %mul3A_44 = arith.muli %mul3A_43, %scan3A_42 : i32
      %dma_wait3A_45 = arith.constant 0 : i32
      %dma_wait3A_46 = tpu.memref_slice %arg9[%dma_wait3A_45] : memref<5120xi32, #tpu.memory_space<vmem>> -> memref<128xi32, #tpu.memory_space<vmem>>
      %dma_wait3A_47 = arith.constant 0 : i32
      %dma_wait3A_48 = arith.constant 0 : i32
      %dma_wait3A_49 = tpu.memref_slice %arg2[%dma_wait3A_47, %dma_wait3A_48] : memref<10112x160xf32, #tpu.memory_space<hbm>> -> memref<10112x160xf32, #tpu.memory_space<hbm>>
      tpu.wait_indirect_dma semaphore(%arg16 : memref<!tpu.dma_semaphore, #tpu.memory_space<semaphore_mem>>) src(%dma_wait3A_49 : memref<10112x160xf32, #tpu.memory_space<hbm>>) dst(%arg12 : memref<128x160xf32, #tpu.memory_space<vmem>>)
      %add3A_50 = arith.constant 1 : i32
      %add3A_51 = arith.addi %mul3A_44, %add3A_50 : i32
      %mul3A_52 = arith.constant 128 : i32
      %mul3A_53 = arith.muli %add3A_51, %mul3A_52 : i32
      %dma_start3A_54 = tpu.memref_slice %arg9[%mul3A_53] : memref<5120xi32, #tpu.memory_space<vmem>> -> memref<128xi32, #tpu.memory_space<vmem>>
      %dma_start3A_55 = arith.constant 0 : i32
      %dma_start3A_56 = arith.constant 0 : i32
      %dma_start3A_57 = tpu.memref_slice %arg2[%dma_start3A_55, %dma_start3A_56] : memref<10112x160xf32, #tpu.memory_space<hbm>> -> memref<10112x160xf32, #tpu.memory_space<hbm>>
      tpu.enqueue_indirect_dma source(%dma_start3A_57 : memref<10112x160xf32, #tpu.memory_space<hbm>>) target(%arg13 : memref<128x160xf32, #tpu.memory_space<vmem>>) offsets(%dma_start3A_54 : memref<128xi32, #tpu.memory_space<vmem>>) semaphore(%arg16 : memref<!tpu.dma_semaphore, #tpu.memory_space<semaphore_mem>>)
      %gt3A = arith.constant 0 : i32
      %gt3A_58 = arith.cmpi sgt, %scan3A_42, %gt3A : i32
      %convert_element_type3A = arith.extui %gt3A_58 : i1 to i32
      %cond3A = arith.constant 0 : i32
      %cond3A_59 = arith.cmpi ne, %convert_element_type3A, %cond3A : i32
      scf.if %cond3A_59 {
        %dma_wait3A_95 = arith.constant 0 : i32
        %dma_wait3A_96 = arith.constant 0 : i32
        %dma_wait3A_97 = tpu.memref_slice %arg10[%dma_wait3A_95, %dma_wait3A_96] : memref<40x128xi32, #tpu.memory_space<vmem>> -> memref<1x128xi32, #tpu.memory_space<vmem>>
        %dma_wait3A_98 = tpu.memref_squeeze %dma_wait3A_97 : memref<1x128xi32, #tpu.memory_space<vmem>> -> memref<128xi32, #tpu.memory_space<vmem>>
        %dma_wait3A_99 = arith.constant 0 : i32
        %dma_wait3A_100 = arith.constant 0 : i32
        %dma_wait3A_101 = tpu.memref_slice %arg8[%dma_wait3A_99, %dma_wait3A_100] : memref<10112x32xf32, #tpu.memory_space<vmem_shared>> -> memref<10112x32xf32, #tpu.memory_space<vmem_shared>>
        tpu.wait_indirect_dma semaphore(%arg17 : memref<!tpu.dma_semaphore, #tpu.memory_space<semaphore_mem>>) src(%arg14 : memref<128x32xf32, #tpu.memory_space<vmem>>) dst(%dma_wait3A_101 : memref<10112x32xf32, #tpu.memory_space<vmem_shared>>)
      } else {
      }
      %parallel_loop3A = arith.constant 0 : i32
      %parallel_loop3A_60 = arith.constant 64 : i32
      %parallel_loop3A_61 = arith.constant 1 : i32
      scf.for %parallel_loop3A_95 = %parallel_loop3A to %parallel_loop3A_60 step %parallel_loop3A_61  : i32 {
        %parallel_loop3A_96 = arith.constant 512 : i32
        %parallel_loop3A_97 = arith.muli %mul3A_44, %parallel_loop3A_96 : i32
        %parallel_loop3A_98 = arith.constant 8 : i32
        %parallel_loop3A_99 = arith.muli %parallel_loop3A_98, %parallel_loop3A_95 : i32
        %parallel_loop3A_100 = arith.addi %parallel_loop3A_97, %parallel_loop3A_99 : i32
        %parallel_loop3A_101 = arith.index_cast %parallel_loop3A_100 : i32 to index
        %parallel_loop3A_102 = tpu.vector_load %arg11[%parallel_loop3A_101] {strides = array<i32>} : memref<20496xf32, #tpu.memory_space<vmem>>, vector<16xf32>,
        %parallel_loop3A_103 = vector.shape_cast %parallel_loop3A_102 : vector<16xf32> to vector<16xf32>
        %parallel_loop3A_104 = arith.constant 2 : i32
        %parallel_loop3A_105 = arith.muli %parallel_loop3A_104, %parallel_loop3A_95 : i32
        %parallel_loop3A_106 = vector.extract_strided_slice %parallel_loop3A_103 {offsets = [0], sizes = [1], strides = [1]} : vector<16xf32> to vector<1xf32>
        %parallel_loop3A_107 = vector.extract %parallel_loop3A_106[0] : f32 from vector<1xf32>
        %parallel_loop3A_108 = arith.index_cast %parallel_loop3A_105 : i32 to index
        %parallel_loop3A_109 = arith.constant 0 : index
        %parallel_loop3A_110 = tpu.vector_load %arg12[%parallel_loop3A_108, %parallel_loop3A_109] {strides = array<i32>} : memref<128x160xf32, #tpu.memory_space<vmem>>, vector<1x16xf32>,
        %parallel_loop3A_111 = vector.shape_cast %parallel_loop3A_110 : vector<1x16xf32> to vector<16xf32>
        %parallel_loop3A_112 = vector.broadcast %parallel_loop3A_107 : f32 to vector<16xf32>
        %parallel_loop3A_113 = arith.mulf %parallel_loop3A_112, %parallel_loop3A_111 : vector<16xf32>
        %parallel_loop3A_114 = vector.extract_strided_slice %parallel_loop3A_103 {offsets = [1], sizes = [1], strides = [1]} : vector<16xf32> to vector<1xf32>
        %parallel_loop3A_115 = vector.extract %parallel_loop3A_114[0] : f32 from vector<1xf32>
        %parallel_loop3A_116 = arith.index_cast %parallel_loop3A_105 : i32 to index
        %parallel_loop3A_117 = arith.constant 32 : index
        %parallel_loop3A_118 = tpu.vector_load %arg12[%parallel_loop3A_116, %parallel_loop3A_117] {strides = array<i32>} : memref<128x160xf32, #tpu.memory_space<vmem>>, vector<1x16xf32>,
        %parallel_loop3A_119 = vector.shape_cast %parallel_loop3A_118 : vector<1x16xf32> to vector<16xf32>
        %parallel_loop3A_120 = vector.broadcast %parallel_loop3A_115 : f32 to vector<16xf32>
        %parallel_loop3A_121 = arith.mulf %parallel_loop3A_120, %parallel_loop3A_119 : vector<16xf32>
        %parallel_loop3A_122 = arith.addf %parallel_loop3A_113, %parallel_loop3A_121 : vector<16xf32>
        %parallel_loop3A_123 = vector.extract_strided_slice %parallel_loop3A_103 {offsets = [2], sizes = [1], strides = [1]} : vector<16xf32> to vector<1xf32>
        %parallel_loop3A_124 = vector.extract %parallel_loop3A_123[0] : f32 from vector<1xf32>
        %parallel_loop3A_125 = arith.index_cast %parallel_loop3A_105 : i32 to index
        %parallel_loop3A_126 = arith.constant 64 : index
        %parallel_loop3A_127 = tpu.vector_load %arg12[%parallel_loop3A_125, %parallel_loop3A_126] {strides = array<i32>} : memref<128x160xf32, #tpu.memory_space<vmem>>, vector<1x16xf32>,
        %parallel_loop3A_128 = vector.shape_cast %parallel_loop3A_127 : vector<1x16xf32> to vector<16xf32>
        %parallel_loop3A_129 = vector.broadcast %parallel_loop3A_124 : f32 to vector<16xf32>
        %parallel_loop3A_130 = arith.mulf %parallel_loop3A_129, %parallel_loop3A_128 : vector<16xf32>
        %parallel_loop3A_131 = vector.extract_strided_slice %parallel_loop3A_103 {offsets = [3], sizes = [1], strides = [1]} : vector<16xf32> to vector<1xf32>
        %parallel_loop3A_132 = vector.extract %parallel_loop3A_131[0] : f32 from vector<1xf32>
        %parallel_loop3A_133 = arith.index_cast %parallel_loop3A_105 : i32 to index
        %parallel_loop3A_134 = arith.constant 96 : index
        %parallel_loop3A_135 = tpu.vector_load %arg12[%parallel_loop3A_133, %parallel_loop3A_134] {strides = array<i32>} : memref<128x160xf32, #tpu.memory_space<vmem>>, vector<1x16xf32>,
        %parallel_loop3A_136 = vector.shape_cast %parallel_loop3A_135 : vector<1x16xf32> to vector<16xf32>
        %parallel_loop3A_137 = vector.broadcast %parallel_loop3A_132 : f32 to vector<16xf32>
        %parallel_loop3A_138 = arith.mulf %parallel_loop3A_137, %parallel_loop3A_136 : vector<16xf32>
        %parallel_loop3A_139 = arith.addf %parallel_loop3A_130, %parallel_loop3A_138 : vector<16xf32>
        %parallel_loop3A_140 = arith.addf %parallel_loop3A_122, %parallel_loop3A_139 : vector<16xf32>
        %parallel_loop3A_141 = arith.index_cast %parallel_loop3A_105 : i32 to index
        %parallel_loop3A_142 = arith.constant 128 : index
        %parallel_loop3A_143 = tpu.vector_load %arg12[%parallel_loop3A_141, %parallel_loop3A_142] {strides = array<i32>} : memref<128x160xf32, #tpu.memory_space<vmem>>, vector<1x16xf32>,
        %parallel_loop3A_144 = vector.shape_cast %parallel_loop3A_143 : vector<1x16xf32> to vector<16xf32>
        %parallel_loop3A_145 = arith.addf %parallel_loop3A_140, %parallel_loop3A_144 : vector<16xf32>
        %parallel_loop3A_146 = arith.index_cast %parallel_loop3A_105 : i32 to index
        %parallel_loop3A_147 = arith.constant 0 : index
        %parallel_loop3A_148 = tpu.vector_load %arg14[%parallel_loop3A_146, %parallel_loop3A_147] {strides = array<i32>} : memref<128x32xf32, #tpu.memory_space<vmem>>, vector<1x16xf32>,
        %parallel_loop3A_149 = vector.shape_cast %parallel_loop3A_148 : vector<1x16xf32> to vector<16xf32>
        %parallel_loop3A_150 = vector.shape_cast %parallel_loop3A_145 : vector<16xf32> to vector<1x16xf32>
        tpu.vector_store %arg14[%parallel_loop3A_146, %parallel_loop3A_147], %parallel_loop3A_150 {strides = array<i32>} : memref<128x32xf32, #tpu.memory_space<vmem>>, vector<1x16xf32>,
        %parallel_loop3A_151 = vector.extract_strided_slice %parallel_loop3A_103 {offsets = [0], sizes = [1], strides = [1]} : vector<16xf32> to vector<1xf32>
        %parallel_loop3A_152 = vector.extract %parallel_loop3A_151[0] : f32 from vector<1xf32>
        %parallel_loop3A_153 = arith.index_cast %parallel_loop3A_105 : i32 to index
        %parallel_loop3A_154 = arith.constant 16 : index
        %parallel_loop3A_155 = tpu.vector_load %arg12[%parallel_loop3A_153, %parallel_loop3A_154] {strides = array<i32>} : memref<128x160xf32, #tpu.memory_space<vmem>>, vector<1x16xf32>,
        %parallel_loop3A_156 = vector.shape_cast %parallel_loop3A_155 : vector<1x16xf32> to vector<16xf32>
        %parallel_loop3A_157 = vector.broadcast %parallel_loop3A_152 : f32 to vector<16xf32>
        %parallel_loop3A_158 = arith.mulf %parallel_loop3A_157, %parallel_loop3A_156 : vector<16xf32>
        %parallel_loop3A_159 = vector.extract_strided_slice %parallel_loop3A_103 {offsets = [1], sizes = [1], strides = [1]} : vector<16xf32> to vector<1xf32>
        %parallel_loop3A_160 = vector.extract %parallel_loop3A_159[0] : f32 from vector<1xf32>
        %parallel_loop3A_161 = arith.index_cast %parallel_loop3A_105 : i32 to index
        %parallel_loop3A_162 = arith.constant 48 : index
        %parallel_loop3A_163 = tpu.vector_load %arg12[%parallel_loop3A_161, %parallel_loop3A_162] {strides = array<i32>} : memref<128x160xf32, #tpu.memory_space<vmem>>, vector<1x16xf32>,
        %parallel_loop3A_164 = vector.shape_cast %parallel_loop3A_163 : vector<1x16xf32> to vector<16xf32>
        %parallel_loop3A_165 = vector.broadcast %parallel_loop3A_160 : f32 to vector<16xf32>
        %parallel_loop3A_166 = arith.mulf %parallel_loop3A_165, %parallel_loop3A_164 : vector<16xf32>
        %parallel_loop3A_167 = arith.addf %parallel_loop3A_158, %parallel_loop3A_166 : vector<16xf32>
        %parallel_loop3A_168 = vector.extract_strided_slice %parallel_loop3A_103 {offsets = [2], sizes = [1], strides = [1]} : vector<16xf32> to vector<1xf32>
        %parallel_loop3A_169 = vector.extract %parallel_loop3A_168[0] : f32 from vector<1xf32>
        %parallel_loop3A_170 = arith.index_cast %parallel_loop3A_105 : i32 to index
        %parallel_loop3A_171 = arith.constant 80 : index
        %parallel_loop3A_172 = tpu.vector_load %arg12[%parallel_loop3A_170, %parallel_loop3A_171] {strides = array<i32>} : memref<128x160xf32, #tpu.memory_space<vmem>>, vector<1x16xf32>,
        %parallel_loop3A_173 = vector.shape_cast %parallel_loop3A_172 : vector<1x16xf32> to vector<16xf32>
        %parallel_loop3A_174 = vector.broadcast %parallel_loop3A_169 : f32 to vector<16xf32>
        %parallel_loop3A_175 = arith.mulf %parallel_loop3A_174, %parallel_loop3A_173 : vector<16xf32>
        %parallel_loop3A_176 = vector.extract_strided_slice %parallel_loop3A_103 {offsets = [3], sizes = [1], strides = [1]} : vector<16xf32> to vector<1xf32>
        %parallel_loop3A_177 = vector.extract %parallel_loop3A_176[0] : f32 from vector<1xf32>
        %parallel_loop3A_178 = arith.index_cast %parallel_loop3A_105 : i32 to index
        %parallel_loop3A_179 = arith.constant 112 : index
        %parallel_loop3A_180 = tpu.vector_load %arg12[%parallel_loop3A_178, %parallel_loop3A_179] {strides = array<i32>} : memref<128x160xf32, #tpu.memory_space<vmem>>, vector<1x16xf32>,
        %parallel_loop3A_181 = vector.shape_cast %parallel_loop3A_180 : vector<1x16xf32> to vector<16xf32>
        %parallel_loop3A_182 = vector.broadcast %parallel_loop3A_177 : f32 to vector<16xf32>
        %parallel_loop3A_183 = arith.mulf %parallel_loop3A_182, %parallel_loop3A_181 : vector<16xf32>
        %parallel_loop3A_184 = arith.addf %parallel_loop3A_175, %parallel_loop3A_183 : vector<16xf32>
        %parallel_loop3A_185 = arith.addf %parallel_loop3A_167, %parallel_loop3A_184 : vector<16xf32>
        %parallel_loop3A_186 = arith.index_cast %parallel_loop3A_105 : i32 to index
        %parallel_loop3A_187 = arith.constant 144 : index
        %parallel_loop3A_188 = tpu.vector_load %arg12[%parallel_loop3A_186, %parallel_loop3A_187] {strides = array<i32>} : memref<128x160xf32, #tpu.memory_space<vmem>>, vector<1x16xf32>,
        %parallel_loop3A_189 = vector.shape_cast %parallel_loop3A_188 : vector<1x16xf32> to vector<16xf32>
        %parallel_loop3A_190 = arith.addf %parallel_loop3A_185, %parallel_loop3A_189 : vector<16xf32>
        %parallel_loop3A_191 = arith.addf %parallel_loop3A_190, %select_n3A : vector<16xf32>
        %parallel_loop3A_192 = arith.index_cast %parallel_loop3A_105 : i32 to index
        %parallel_loop3A_193 = arith.constant 16 : index
        %parallel_loop3A_194 = tpu.vector_load %arg14[%parallel_loop3A_192, %parallel_loop3A_193] {strides = array<i32>} : memref<128x32xf32, #tpu.memory_space<vmem>>, vector<1x16xf32>,
        %parallel_loop3A_195 = vector.shape_cast %parallel_loop3A_194 : vector<1x16xf32> to vector<16xf32>
        %parallel_loop3A_196 = vector.shape_cast %parallel_loop3A_191 : vector<16xf32> to vector<1x16xf32>
        tpu.vector_store %arg14[%parallel_loop3A_192, %parallel_loop3A_193], %parallel_loop3A_196 {strides = array<i32>} : memref<128x32xf32, #tpu.memory_space<vmem>>, vector<1x16xf32>,
        %parallel_loop3A_197 = arith.constant 2 : i32
        %parallel_loop3A_198 = arith.muli %parallel_loop3A_197, %parallel_loop3A_95 : i32
        %parallel_loop3A_199 = arith.constant 1 : i32
        %parallel_loop3A_200 = arith.addi %parallel_loop3A_198, %parallel_loop3A_199 : i32
        %parallel_loop3A_201 = vector.extract_strided_slice %parallel_loop3A_103 {offsets = [4], sizes = [1], strides = [1]} : vector<16xf32> to vector<1xf32>
        %parallel_loop3A_202 = vector.extract %parallel_loop3A_201[0] : f32 from vector<1xf32>
        %parallel_loop3A_203 = arith.index_cast %parallel_loop3A_200 : i32 to index
        %parallel_loop3A_204 = arith.constant 0 : index
        %parallel_loop3A_205 = tpu.vector_load %arg12[%parallel_loop3A_203, %parallel_loop3A_204] {strides = array<i32>} : memref<128x160xf32, #tpu.memory_space<vmem>>, vector<1x16xf32>,
        %parallel_loop3A_206 = vector.shape_cast %parallel_loop3A_205 : vector<1x16xf32> to vector<16xf32>
        %parallel_loop3A_207 = vector.broadcast %parallel_loop3A_202 : f32 to vector<16xf32>
        %parallel_loop3A_208 = arith.mulf %parallel_loop3A_207, %parallel_loop3A_206 : vector<16xf32>
        %parallel_loop3A_209 = vector.extract_strided_slice %parallel_loop3A_103 {offsets = [5], sizes = [1], strides = [1]} : vector<16xf32> to vector<1xf32>
        %parallel_loop3A_210 = vector.extract %parallel_loop3A_209[0] : f32 from vector<1xf32>
        %parallel_loop3A_211 = arith.index_cast %parallel_loop3A_200 : i32 to index
        %parallel_loop3A_212 = arith.constant 32 : index
        %parallel_loop3A_213 = tpu.vector_load %arg12[%parallel_loop3A_211, %parallel_loop3A_212] {strides = array<i32>} : memref<128x160xf32, #tpu.memory_space<vmem>>, vector<1x16xf32>,
        %parallel_loop3A_214 = vector.shape_cast %parallel_loop3A_213 : vector<1x16xf32> to vector<16xf32>
        %parallel_loop3A_215 = vector.broadcast %parallel_loop3A_210 : f32 to vector<16xf32>
        %parallel_loop3A_216 = arith.mulf %parallel_loop3A_215, %parallel_loop3A_214 : vector<16xf32>
        %parallel_loop3A_217 = arith.addf %parallel_loop3A_208, %parallel_loop3A_216 : vector<16xf32>
        %parallel_loop3A_218 = vector.extract_strided_slice %parallel_loop3A_103 {offsets = [6], sizes = [1], strides = [1]} : vector<16xf32> to vector<1xf32>
        %parallel_loop3A_219 = vector.extract %parallel_loop3A_218[0] : f32 from vector<1xf32>
        %parallel_loop3A_220 = arith.index_cast %parallel_loop3A_200 : i32 to index
        %parallel_loop3A_221 = arith.constant 64 : index
        %parallel_loop3A_222 = tpu.vector_load %arg12[%parallel_loop3A_220, %parallel_loop3A_221] {strides = array<i32>} : memref<128x160xf32, #tpu.memory_space<vmem>>, vector<1x16xf32>,
        %parallel_loop3A_223 = vector.shape_cast %parallel_loop3A_222 : vector<1x16xf32> to vector<16xf32>
        %parallel_loop3A_224 = vector.broadcast %parallel_loop3A_219 : f32 to vector<16xf32>
        %parallel_loop3A_225 = arith.mulf %parallel_loop3A_224, %parallel_loop3A_223 : vector<16xf32>
        %parallel_loop3A_226 = vector.extract_strided_slice %parallel_loop3A_103 {offsets = [7], sizes = [1], strides = [1]} : vector<16xf32> to vector<1xf32>
        %parallel_loop3A_227 = vector.extract %parallel_loop3A_226[0] : f32 from vector<1xf32>
        %parallel_loop3A_228 = arith.index_cast %parallel_loop3A_200 : i32 to index
        %parallel_loop3A_229 = arith.constant 96 : index
        %parallel_loop3A_230 = tpu.vector_load %arg12[%parallel_loop3A_228, %parallel_loop3A_229] {strides = array<i32>} : memref<128x160xf32, #tpu.memory_space<vmem>>, vector<1x16xf32>,
        %parallel_loop3A_231 = vector.shape_cast %parallel_loop3A_230 : vector<1x16xf32> to vector<16xf32>
        %parallel_loop3A_232 = vector.broadcast %parallel_loop3A_227 : f32 to vector<16xf32>
        %parallel_loop3A_233 = arith.mulf %parallel_loop3A_232, %parallel_loop3A_231 : vector<16xf32>
        %parallel_loop3A_234 = arith.addf %parallel_loop3A_225, %parallel_loop3A_233 : vector<16xf32>
        %parallel_loop3A_235 = arith.addf %parallel_loop3A_217, %parallel_loop3A_234 : vector<16xf32>
        %parallel_loop3A_236 = arith.index_cast %parallel_loop3A_200 : i32 to index
        %parallel_loop3A_237 = arith.constant 128 : index
        %parallel_loop3A_238 = tpu.vector_load %arg12[%parallel_loop3A_236, %parallel_loop3A_237] {strides = array<i32>} : memref<128x160xf32, #tpu.memory_space<vmem>>, vector<1x16xf32>,
        %parallel_loop3A_239 = vector.shape_cast %parallel_loop3A_238 : vector<1x16xf32> to vector<16xf32>
        %parallel_loop3A_240 = arith.addf %parallel_loop3A_235, %parallel_loop3A_239 : vector<16xf32>
        %parallel_loop3A_241 = arith.index_cast %parallel_loop3A_200 : i32 to index
        %parallel_loop3A_242 = arith.constant 0 : index
        %parallel_loop3A_243 = tpu.vector_load %arg14[%parallel_loop3A_241, %parallel_loop3A_242] {strides = array<i32>} : memref<128x32xf32, #tpu.memory_space<vmem>>, vector<1x16xf32>,
        %parallel_loop3A_244 = vector.shape_cast %parallel_loop3A_243 : vector<1x16xf32> to vector<16xf32>
        %parallel_loop3A_245 = vector.shape_cast %parallel_loop3A_240 : vector<16xf32> to vector<1x16xf32>
        tpu.vector_store %arg14[%parallel_loop3A_241, %parallel_loop3A_242], %parallel_loop3A_245 {strides = array<i32>} : memref<128x32xf32, #tpu.memory_space<vmem>>, vector<1x16xf32>,
        %parallel_loop3A_246 = vector.extract_strided_slice %parallel_loop3A_103 {offsets = [4], sizes = [1], strides = [1]} : vector<16xf32> to vector<1xf32>
        %parallel_loop3A_247 = vector.extract %parallel_loop3A_246[0] : f32 from vector<1xf32>
        %parallel_loop3A_248 = arith.index_cast %parallel_loop3A_200 : i32 to index
        %parallel_loop3A_249 = arith.constant 16 : index
        %parallel_loop3A_250 = tpu.vector_load %arg12[%parallel_loop3A_248, %parallel_loop3A_249] {strides = array<i32>} : memref<128x160xf32, #tpu.memory_space<vmem>>, vector<1x16xf32>,
        %parallel_loop3A_251 = vector.shape_cast %parallel_loop3A_250 : vector<1x16xf32> to vector<16xf32>
        %parallel_loop3A_252 = vector.broadcast %parallel_loop3A_247 : f32 to vector<16xf32>
        %parallel_loop3A_253 = arith.mulf %parallel_loop3A_252, %parallel_loop3A_251 : vector<16xf32>
        %parallel_loop3A_254 = vector.extract_strided_slice %parallel_loop3A_103 {offsets = [5], sizes = [1], strides = [1]} : vector<16xf32> to vector<1xf32>
        %parallel_loop3A_255 = vector.extract %parallel_loop3A_254[0] : f32 from vector<1xf32>
        %parallel_loop3A_256 = arith.index_cast %parallel_loop3A_200 : i32 to index
        %parallel_loop3A_257 = arith.constant 48 : index
        %parallel_loop3A_258 = tpu.vector_load %arg12[%parallel_loop3A_256, %parallel_loop3A_257] {strides = array<i32>} : memref<128x160xf32, #tpu.memory_space<vmem>>, vector<1x16xf32>,
        %parallel_loop3A_259 = vector.shape_cast %parallel_loop3A_258 : vector<1x16xf32> to vector<16xf32>
        %parallel_loop3A_260 = vector.broadcast %parallel_loop3A_255 : f32 to vector<16xf32>
        %parallel_loop3A_261 = arith.mulf %parallel_loop3A_260, %parallel_loop3A_259 : vector<16xf32>
        %parallel_loop3A_262 = arith.addf %parallel_loop3A_253, %parallel_loop3A_261 : vector<16xf32>
        %parallel_loop3A_263 = vector.extract_strided_slice %parallel_loop3A_103 {offsets = [6], sizes = [1], strides = [1]} : vector<16xf32> to vector<1xf32>
        %parallel_loop3A_264 = vector.extract %parallel_loop3A_263[0] : f32 from vector<1xf32>
        %parallel_loop3A_265 = arith.index_cast %parallel_loop3A_200 : i32 to index
        %parallel_loop3A_266 = arith.constant 80 : index
        %parallel_loop3A_267 = tpu.vector_load %arg12[%parallel_loop3A_265, %parallel_loop3A_266] {strides = array<i32>} : memref<128x160xf32, #tpu.memory_space<vmem>>, vector<1x16xf32>,
        %parallel_loop3A_268 = vector.shape_cast %parallel_loop3A_267 : vector<1x16xf32> to vector<16xf32>
        %parallel_loop3A_269 = vector.broadcast %parallel_loop3A_264 : f32 to vector<16xf32>
        %parallel_loop3A_270 = arith.mulf %parallel_loop3A_269, %parallel_loop3A_268 : vector<16xf32>
        %parallel_loop3A_271 = vector.extract_strided_slice %parallel_loop3A_103 {offsets = [7], sizes = [1], strides = [1]} : vector<16xf32> to vector<1xf32>
        %parallel_loop3A_272 = vector.extract %parallel_loop3A_271[0] : f32 from vector<1xf32>
        %parallel_loop3A_273 = arith.index_cast %parallel_loop3A_200 : i32 to index
        %parallel_loop3A_274 = arith.constant 112 : index
        %parallel_loop3A_275 = tpu.vector_load %arg12[%parallel_loop3A_273, %parallel_loop3A_274] {strides = array<i32>} : memref<128x160xf32, #tpu.memory_space<vmem>>, vector<1x16xf32>,
        %parallel_loop3A_276 = vector.shape_cast %parallel_loop3A_275 : vector<1x16xf32> to vector<16xf32>
        %parallel_loop3A_277 = vector.broadcast %parallel_loop3A_272 : f32 to vector<16xf32>
        %parallel_loop3A_278 = arith.mulf %parallel_loop3A_277, %parallel_loop3A_276 : vector<16xf32>
        %parallel_loop3A_279 = arith.addf %parallel_loop3A_270, %parallel_loop3A_278 : vector<16xf32>
        %parallel_loop3A_280 = arith.addf %parallel_loop3A_262, %parallel_loop3A_279 : vector<16xf32>
        %parallel_loop3A_281 = arith.index_cast %parallel_loop3A_200 : i32 to index
        %parallel_loop3A_282 = arith.constant 144 : index
        %parallel_loop3A_283 = tpu.vector_load %arg12[%parallel_loop3A_281, %parallel_loop3A_282] {strides = array<i32>} : memref<128x160xf32, #tpu.memory_space<vmem>>, vector<1x16xf32>,
        %parallel_loop3A_284 = vector.shape_cast %parallel_loop3A_283 : vector<1x16xf32> to vector<16xf32>
        %parallel_loop3A_285 = arith.addf %parallel_loop3A_280, %parallel_loop3A_284 : vector<16xf32>
        %parallel_loop3A_286 = arith.addf %parallel_loop3A_285, %select_n3A : vector<16xf32>
        %parallel_loop3A_287 = arith.index_cast %parallel_loop3A_200 : i32 to index
        %parallel_loop3A_288 = arith.constant 16 : index
        %parallel_loop3A_289 = tpu.vector_load %arg14[%parallel_loop3A_287, %parallel_loop3A_288] {strides = array<i32>} : memref<128x32xf32, #tpu.memory_space<vmem>>, vector<1x16xf32>,
        %parallel_loop3A_290 = vector.shape_cast %parallel_loop3A_289 : vector<1x16xf32> to vector<16xf32>
        %parallel_loop3A_291 = vector.shape_cast %parallel_loop3A_286 : vector<16xf32> to vector<1x16xf32>
        tpu.vector_store %arg14[%parallel_loop3A_287, %parallel_loop3A_288], %parallel_loop3A_291 {strides = array<i32>} : memref<128x32xf32, #tpu.memory_space<vmem>>, vector<1x16xf32>,
      } {sc.loop_unroll_factor = 8 : i64, sc.parallel_access}
      %dma_start3A_62 = arith.constant 0 : i32
      %dma_start3A_63 = tpu.memref_slice %arg10[%mul3A_44, %dma_start3A_62] : memref<40x128xi32, #tpu.memory_space<vmem>> -> memref<1x128xi32, #tpu.memory_space<vmem>>
      %dma_start3A_64 = tpu.memref_squeeze %dma_start3A_63 : memref<1x128xi32, #tpu.memory_space<vmem>> -> memref<128xi32, #tpu.memory_space<vmem>>
      %dma_start3A_65 = arith.constant 0 : i32
      %dma_start3A_66 = arith.constant 0 : i32
      %dma_start3A_67 = tpu.memref_slice %arg8[%dma_start3A_65, %dma_start3A_66] : memref<10112x32xf32, #tpu.memory_space<vmem_shared>> -> memref<10112x32xf32, #tpu.memory_space<vmem_shared>>
      tpu.enqueue_indirect_dma source(%arg14 : memref<128x32xf32, #tpu.memory_space<vmem>>) target(%dma_start3A_67 : memref<10112x32xf32, #tpu.memory_space<vmem_shared>>) offsets(%dma_start3A_64 : memref<128xi32, #tpu.memory_space<vmem>>) semaphore(%arg17 : memref<!tpu.dma_semaphore, #tpu.memory_space<semaphore_mem>>) {add = true}
      %dma_wait3A_68 = arith.constant 0 : i32
      %dma_wait3A_69 = tpu.memref_slice %arg9[%dma_wait3A_68] : memref<5120xi32, #tpu.memory_space<vmem>> -> memref<128xi32, #tpu.memory_space<vmem>>
      %dma_wait3A_70 = arith.constant 0 : i32
      %dma_wait3A_71 = arith.constant 0 : i32
      %dma_wait3A_72 = tpu.memref_slice %arg2[%dma_wait3A_70, %dma_wait3A_71] : memref<10112x160xf32, #tpu.memory_space<hbm>> -> memref<10112x160xf32, #tpu.memory_space<hbm>>
      tpu.wait_indirect_dma semaphore(%arg16 : memref<!tpu.dma_semaphore, #tpu.memory_space<semaphore_mem>>) src(%dma_wait3A_72 : memref<10112x160xf32, #tpu.memory_space<hbm>>) dst(%arg13 : memref<128x160xf32, #tpu.memory_space<vmem>>)
      %lt3A = arith.constant 19 : i32
      %lt3A_73 = arith.cmpi slt, %scan3A_42, %lt3A : i32
      %convert_element_type3A_74 = arith.extui %lt3A_73 : i1 to i32
      %cond3A_75 = arith.constant 0 : i32
      %cond3A_76 = arith.cmpi ne, %convert_element_type3A_74, %cond3A_75 : i32
      scf.if %cond3A_76 {
        %add3A_95 = arith.constant 2 : i32
        %add3A_96 = arith.addi %mul3A_44, %add3A_95 : i32
        %mul3A_97 = arith.constant 128 : i32
        %mul3A_98 = arith.muli %add3A_96, %mul3A_97 : i32
        %dma_start3A_99 = tpu.memref_slice %arg9[%mul3A_98] : memref<5120xi32, #tpu.memory_space<vmem>> -> memref<128xi32, #tpu.memory_space<vmem>>
        %dma_start3A_100 = arith.constant 0 : i32
        %dma_start3A_101 = arith.constant 0 : i32
        %dma_start3A_102 = tpu.memref_slice %arg2[%dma_start3A_100, %dma_start3A_101] : memref<10112x160xf32, #tpu.memory_space<hbm>> -> memref<10112x160xf32, #tpu.memory_space<hbm>>
        tpu.enqueue_indirect_dma source(%dma_start3A_102 : memref<10112x160xf32, #tpu.memory_space<hbm>>) target(%arg12 : memref<128x160xf32, #tpu.memory_space<vmem>>) offsets(%dma_start3A_99 : memref<128xi32, #tpu.memory_space<vmem>>) semaphore(%arg16 : memref<!tpu.dma_semaphore, #tpu.memory_space<semaphore_mem>>)
      } else {
      }
      %gt3A_77 = arith.constant 0 : i32
      %gt3A_78 = arith.cmpi sgt, %scan3A_42, %gt3A_77 : i32
      %convert_element_type3A_79 = arith.extui %gt3A_78 : i1 to i32
      %cond3A_80 = arith.constant 0 : i32
      %cond3A_81 = arith.cmpi ne, %convert_element_type3A_79, %cond3A_80 : i32
      scf.if %cond3A_81 {
        %dma_wait3A_95 = arith.constant 0 : i32
        %dma_wait3A_96 = arith.constant 0 : i32
        %dma_wait3A_97 = tpu.memref_slice %arg10[%dma_wait3A_95, %dma_wait3A_96] : memref<40x128xi32, #tpu.memory_space<vmem>> -> memref<1x128xi32, #tpu.memory_space<vmem>>
        %dma_wait3A_98 = tpu.memref_squeeze %dma_wait3A_97 : memref<1x128xi32, #tpu.memory_space<vmem>> -> memref<128xi32, #tpu.memory_space<vmem>>
        %dma_wait3A_99 = arith.constant 0 : i32
        %dma_wait3A_100 = arith.constant 0 : i32
        %dma_wait3A_101 = tpu.memref_slice %arg8[%dma_wait3A_99, %dma_wait3A_100] : memref<10112x32xf32, #tpu.memory_space<vmem_shared>> -> memref<10112x32xf32, #tpu.memory_space<vmem_shared>>
        tpu.wait_indirect_dma semaphore(%arg17 : memref<!tpu.dma_semaphore, #tpu.memory_space<semaphore_mem>>) src(%arg15 : memref<128x32xf32, #tpu.memory_space<vmem>>) dst(%dma_wait3A_101 : memref<10112x32xf32, #tpu.memory_space<vmem_shared>>)
      } else {
      }
      %add3A_82 = arith.constant 1 : i32
      %add3A_83 = arith.addi %mul3A_44, %add3A_82 : i32
      %parallel_loop3A_84 = arith.constant 0 : i32
      %parallel_loop3A_85 = arith.constant 64 : i32
      %parallel_loop3A_86 = arith.constant 1 : i32
      scf.for %parallel_loop3A_95 = %parallel_loop3A_84 to %parallel_loop3A_85 step %parallel_loop3A_86  : i32 {
        %parallel_loop3A_96 = arith.constant 512 : i32
        %parallel_loop3A_97 = arith.muli %add3A_83, %parallel_loop3A_96 : i32
        %parallel_loop3A_98 = arith.constant 8 : i32
        %parallel_loop3A_99 = arith.muli %parallel_loop3A_98, %parallel_loop3A_95 : i32
        %parallel_loop3A_100 = arith.addi %parallel_loop3A_97, %parallel_loop3A_99 : i32
        %parallel_loop3A_101 = arith.index_cast %parallel_loop3A_100 : i32 to index
        %parallel_loop3A_102 = tpu.vector_load %arg11[%parallel_loop3A_101] {strides = array<i32>} : memref<20496xf32, #tpu.memory_space<vmem>>, vector<16xf32>,
        %parallel_loop3A_103 = vector.shape_cast %parallel_loop3A_102 : vector<16xf32> to vector<16xf32>
        %parallel_loop3A_104 = arith.constant 2 : i32
        %parallel_loop3A_105 = arith.muli %parallel_loop3A_104, %parallel_loop3A_95 : i32
        %parallel_loop3A_106 = vector.extract_strided_slice %parallel_loop3A_103 {offsets = [0], sizes = [1], strides = [1]} : vector<16xf32> to vector<1xf32>
        %parallel_loop3A_107 = vector.extract %parallel_loop3A_106[0] : f32 from vector<1xf32>
        %parallel_loop3A_108 = arith.index_cast %parallel_loop3A_105 : i32 to index
        %parallel_loop3A_109 = arith.constant 0 : index
        %parallel_loop3A_110 = tpu.vector_load %arg13[%parallel_loop3A_108, %parallel_loop3A_109] {strides = array<i32>} : memref<128x160xf32, #tpu.memory_space<vmem>>, vector<1x16xf32>,
        %parallel_loop3A_111 = vector.shape_cast %parallel_loop3A_110 : vector<1x16xf32> to vector<16xf32>
        %parallel_loop3A_112 = vector.broadcast %parallel_loop3A_107 : f32 to vector<16xf32>
        %parallel_loop3A_113 = arith.mulf %parallel_loop3A_112, %parallel_loop3A_111 : vector<16xf32>
        %parallel_loop3A_114 = vector.extract_strided_slice %parallel_loop3A_103 {offsets = [1], sizes = [1], strides = [1]} : vector<16xf32> to vector<1xf32>
        %parallel_loop3A_115 = vector.extract %parallel_loop3A_114[0] : f32 from vector<1xf32>
        %parallel_loop3A_116 = arith.index_cast %parallel_loop3A_105 : i32 to index
        %parallel_loop3A_117 = arith.constant 32 : index
        %parallel_loop3A_118 = tpu.vector_load %arg13[%parallel_loop3A_116, %parallel_loop3A_117] {strides = array<i32>} : memref<128x160xf32, #tpu.memory_space<vmem>>, vector<1x16xf32>,
        %parallel_loop3A_119 = vector.shape_cast %parallel_loop3A_118 : vector<1x16xf32> to vector<16xf32>
        %parallel_loop3A_120 = vector.broadcast %parallel_loop3A_115 : f32 to vector<16xf32>
        %parallel_loop3A_121 = arith.mulf %parallel_loop3A_120, %parallel_loop3A_119 : vector<16xf32>
        %parallel_loop3A_122 = arith.addf %parallel_loop3A_113, %parallel_loop3A_121 : vector<16xf32>
        %parallel_loop3A_123 = vector.extract_strided_slice %parallel_loop3A_103 {offsets = [2], sizes = [1], strides = [1]} : vector<16xf32> to vector<1xf32>
        %parallel_loop3A_124 = vector.extract %parallel_loop3A_123[0] : f32 from vector<1xf32>
        %parallel_loop3A_125 = arith.index_cast %parallel_loop3A_105 : i32 to index
        %parallel_loop3A_126 = arith.constant 64 : index
        %parallel_loop3A_127 = tpu.vector_load %arg13[%parallel_loop3A_125, %parallel_loop3A_126] {strides = array<i32>} : memref<128x160xf32, #tpu.memory_space<vmem>>, vector<1x16xf32>,
        %parallel_loop3A_128 = vector.shape_cast %parallel_loop3A_127 : vector<1x16xf32> to vector<16xf32>
        %parallel_loop3A_129 = vector.broadcast %parallel_loop3A_124 : f32 to vector<16xf32>
        %parallel_loop3A_130 = arith.mulf %parallel_loop3A_129, %parallel_loop3A_128 : vector<16xf32>
        %parallel_loop3A_131 = vector.extract_strided_slice %parallel_loop3A_103 {offsets = [3], sizes = [1], strides = [1]} : vector<16xf32> to vector<1xf32>
        %parallel_loop3A_132 = vector.extract %parallel_loop3A_131[0] : f32 from vector<1xf32>
        %parallel_loop3A_133 = arith.index_cast %parallel_loop3A_105 : i32 to index
        %parallel_loop3A_134 = arith.constant 96 : index
        %parallel_loop3A_135 = tpu.vector_load %arg13[%parallel_loop3A_133, %parallel_loop3A_134] {strides = array<i32>} : memref<128x160xf32, #tpu.memory_space<vmem>>, vector<1x16xf32>,
        %parallel_loop3A_136 = vector.shape_cast %parallel_loop3A_135 : vector<1x16xf32> to vector<16xf32>
        %parallel_loop3A_137 = vector.broadcast %parallel_loop3A_132 : f32 to vector<16xf32>
        %parallel_loop3A_138 = arith.mulf %parallel_loop3A_137, %parallel_loop3A_136 : vector<16xf32>
        %parallel_loop3A_139 = arith.addf %parallel_loop3A_130, %parallel_loop3A_138 : vector<16xf32>
        %parallel_loop3A_140 = arith.addf %parallel_loop3A_122, %parallel_loop3A_139 : vector<16xf32>
        %parallel_loop3A_141 = arith.index_cast %parallel_loop3A_105 : i32 to index
        %parallel_loop3A_142 = arith.constant 128 : index
        %parallel_loop3A_143 = tpu.vector_load %arg13[%parallel_loop3A_141, %parallel_loop3A_142] {strides = array<i32>} : memref<128x160xf32, #tpu.memory_space<vmem>>, vector<1x16xf32>,
        %parallel_loop3A_144 = vector.shape_cast %parallel_loop3A_143 : vector<1x16xf32> to vector<16xf32>
        %parallel_loop3A_145 = arith.addf %parallel_loop3A_140, %parallel_loop3A_144 : vector<16xf32>
        %parallel_loop3A_146 = arith.index_cast %parallel_loop3A_105 : i32 to index
        %parallel_loop3A_147 = arith.constant 0 : index
        %parallel_loop3A_148 = tpu.vector_load %arg15[%parallel_loop3A_146, %parallel_loop3A_147] {strides = array<i32>} : memref<128x32xf32, #tpu.memory_space<vmem>>, vector<1x16xf32>,
        %parallel_loop3A_149 = vector.shape_cast %parallel_loop3A_148 : vector<1x16xf32> to vector<16xf32>
        %parallel_loop3A_150 = vector.shape_cast %parallel_loop3A_145 : vector<16xf32> to vector<1x16xf32>
        tpu.vector_store %arg15[%parallel_loop3A_146, %parallel_loop3A_147], %parallel_loop3A_150 {strides = array<i32>} : memref<128x32xf32, #tpu.memory_space<vmem>>, vector<1x16xf32>,
        %parallel_loop3A_151 = vector.extract_strided_slice %parallel_loop3A_103 {offsets = [0], sizes = [1], strides = [1]} : vector<16xf32> to vector<1xf32>
        %parallel_loop3A_152 = vector.extract %parallel_loop3A_151[0] : f32 from vector<1xf32>
        %parallel_loop3A_153 = arith.index_cast %parallel_loop3A_105 : i32 to index
        %parallel_loop3A_154 = arith.constant 16 : index
        %parallel_loop3A_155 = tpu.vector_load %arg13[%parallel_loop3A_153, %parallel_loop3A_154] {strides = array<i32>} : memref<128x160xf32, #tpu.memory_space<vmem>>, vector<1x16xf32>,
        %parallel_loop3A_156 = vector.shape_cast %parallel_loop3A_155 : vector<1x16xf32> to vector<16xf32>
        %parallel_loop3A_157 = vector.broadcast %parallel_loop3A_152 : f32 to vector<16xf32>
        %parallel_loop3A_158 = arith.mulf %parallel_loop3A_157, %parallel_loop3A_156 : vector<16xf32>
        %parallel_loop3A_159 = vector.extract_strided_slice %parallel_loop3A_103 {offsets = [1], sizes = [1], strides = [1]} : vector<16xf32> to vector<1xf32>
        %parallel_loop3A_160 = vector.extract %parallel_loop3A_159[0] : f32 from vector<1xf32>
        %parallel_loop3A_161 = arith.index_cast %parallel_loop3A_105 : i32 to index
        %parallel_loop3A_162 = arith.constant 48 : index
        %parallel_loop3A_163 = tpu.vector_load %arg13[%parallel_loop3A_161, %parallel_loop3A_162] {strides = array<i32>} : memref<128x160xf32, #tpu.memory_space<vmem>>, vector<1x16xf32>,
        %parallel_loop3A_164 = vector.shape_cast %parallel_loop3A_163 : vector<1x16xf32> to vector<16xf32>
        %parallel_loop3A_165 = vector.broadcast %parallel_loop3A_160 : f32 to vector<16xf32>
        %parallel_loop3A_166 = arith.mulf %parallel_loop3A_165, %parallel_loop3A_164 : vector<16xf32>
        %parallel_loop3A_167 = arith.addf %parallel_loop3A_158, %parallel_loop3A_166 : vector<16xf32>
        %parallel_loop3A_168 = vector.extract_strided_slice %parallel_loop3A_103 {offsets = [2], sizes = [1], strides = [1]} : vector<16xf32> to vector<1xf32>
        %parallel_loop3A_169 = vector.extract %parallel_loop3A_168[0] : f32 from vector<1xf32>
        %parallel_loop3A_170 = arith.index_cast %parallel_loop3A_105 : i32 to index
        %parallel_loop3A_171 = arith.constant 80 : index
        %parallel_loop3A_172 = tpu.vector_load %arg13[%parallel_loop3A_170, %parallel_loop3A_171] {strides = array<i32>} : memref<128x160xf32, #tpu.memory_space<vmem>>, vector<1x16xf32>,
        %parallel_loop3A_173 = vector.shape_cast %parallel_loop3A_172 : vector<1x16xf32> to vector<16xf32>
        %parallel_loop3A_174 = vector.broadcast %parallel_loop3A_169 : f32 to vector<16xf32>
        %parallel_loop3A_175 = arith.mulf %parallel_loop3A_174, %parallel_loop3A_173 : vector<16xf32>
        %parallel_loop3A_176 = vector.extract_strided_slice %parallel_loop3A_103 {offsets = [3], sizes = [1], strides = [1]} : vector<16xf32> to vector<1xf32>
        %parallel_loop3A_177 = vector.extract %parallel_loop3A_176[0] : f32 from vector<1xf32>
        %parallel_loop3A_178 = arith.index_cast %parallel_loop3A_105 : i32 to index
        %parallel_loop3A_179 = arith.constant 112 : index
        %parallel_loop3A_180 = tpu.vector_load %arg13[%parallel_loop3A_178, %parallel_loop3A_179] {strides = array<i32>} : memref<128x160xf32, #tpu.memory_space<vmem>>, vector<1x16xf32>,
        %parallel_loop3A_181 = vector.shape_cast %parallel_loop3A_180 : vector<1x16xf32> to vector<16xf32>
        %parallel_loop3A_182 = vector.broadcast %parallel_loop3A_177 : f32 to vector<16xf32>
        %parallel_loop3A_183 = arith.mulf %parallel_loop3A_182, %parallel_loop3A_181 : vector<16xf32>
        %parallel_loop3A_184 = arith.addf %parallel_loop3A_175, %parallel_loop3A_183 : vector<16xf32>
        %parallel_loop3A_185 = arith.addf %parallel_loop3A_167, %parallel_loop3A_184 : vector<16xf32>
        %parallel_loop3A_186 = arith.index_cast %parallel_loop3A_105 : i32 to index
        %parallel_loop3A_187 = arith.constant 144 : index
        %parallel_loop3A_188 = tpu.vector_load %arg13[%parallel_loop3A_186, %parallel_loop3A_187] {strides = array<i32>} : memref<128x160xf32, #tpu.memory_space<vmem>>, vector<1x16xf32>,
        %parallel_loop3A_189 = vector.shape_cast %parallel_loop3A_188 : vector<1x16xf32> to vector<16xf32>
        %parallel_loop3A_190 = arith.addf %parallel_loop3A_185, %parallel_loop3A_189 : vector<16xf32>
        %parallel_loop3A_191 = arith.addf %parallel_loop3A_190, %select_n3A : vector<16xf32>
        %parallel_loop3A_192 = arith.index_cast %parallel_loop3A_105 : i32 to index
        %parallel_loop3A_193 = arith.constant 16 : index
        %parallel_loop3A_194 = tpu.vector_load %arg15[%parallel_loop3A_192, %parallel_loop3A_193] {strides = array<i32>} : memref<128x32xf32, #tpu.memory_space<vmem>>, vector<1x16xf32>,
        %parallel_loop3A_195 = vector.shape_cast %parallel_loop3A_194 : vector<1x16xf32> to vector<16xf32>
        %parallel_loop3A_196 = vector.shape_cast %parallel_loop3A_191 : vector<16xf32> to vector<1x16xf32>
        tpu.vector_store %arg15[%parallel_loop3A_192, %parallel_loop3A_193], %parallel_loop3A_196 {strides = array<i32>} : memref<128x32xf32, #tpu.memory_space<vmem>>, vector<1x16xf32>,
        %parallel_loop3A_197 = arith.constant 2 : i32
        %parallel_loop3A_198 = arith.muli %parallel_loop3A_197, %parallel_loop3A_95 : i32
        %parallel_loop3A_199 = arith.constant 1 : i32
        %parallel_loop3A_200 = arith.addi %parallel_loop3A_198, %parallel_loop3A_199 : i32
        %parallel_loop3A_201 = vector.extract_strided_slice %parallel_loop3A_103 {offsets = [4], sizes = [1], strides = [1]} : vector<16xf32> to vector<1xf32>
        %parallel_loop3A_202 = vector.extract %parallel_loop3A_201[0] : f32 from vector<1xf32>
        %parallel_loop3A_203 = arith.index_cast %parallel_loop3A_200 : i32 to index
        %parallel_loop3A_204 = arith.constant 0 : index
        %parallel_loop3A_205 = tpu.vector_load %arg13[%parallel_loop3A_203, %parallel_loop3A_204] {strides = array<i32>} : memref<128x160xf32, #tpu.memory_space<vmem>>, vector<1x16xf32>,
        %parallel_loop3A_206 = vector.shape_cast %parallel_loop3A_205 : vector<1x16xf32> to vector<16xf32>
        %parallel_loop3A_207 = vector.broadcast %parallel_loop3A_202 : f32 to vector<16xf32>
        %parallel_loop3A_208 = arith.mulf %parallel_loop3A_207, %parallel_loop3A_206 : vector<16xf32>
        %parallel_loop3A_209 = vector.extract_strided_slice %parallel_loop3A_103 {offsets = [5], sizes = [1], strides = [1]} : vector<16xf32> to vector<1xf32>
        %parallel_loop3A_210 = vector.extract %parallel_loop3A_209[0] : f32 from vector<1xf32>
        %parallel_loop3A_211 = arith.index_cast %parallel_loop3A_200 : i32 to index
        %parallel_loop3A_212 = arith.constant 32 : index
        %parallel_loop3A_213 = tpu.vector_load %arg13[%parallel_loop3A_211, %parallel_loop3A_212] {strides = array<i32>} : memref<128x160xf32, #tpu.memory_space<vmem>>, vector<1x16xf32>,
        %parallel_loop3A_214 = vector.shape_cast %parallel_loop3A_213 : vector<1x16xf32> to vector<16xf32>
        %parallel_loop3A_215 = vector.broadcast %parallel_loop3A_210 : f32 to vector<16xf32>
        %parallel_loop3A_216 = arith.mulf %parallel_loop3A_215, %parallel_loop3A_214 : vector<16xf32>
        %parallel_loop3A_217 = arith.addf %parallel_loop3A_208, %parallel_loop3A_216 : vector<16xf32>
        %parallel_loop3A_218 = vector.extract_strided_slice %parallel_loop3A_103 {offsets = [6], sizes = [1], strides = [1]} : vector<16xf32> to vector<1xf32>
        %parallel_loop3A_219 = vector.extract %parallel_loop3A_218[0] : f32 from vector<1xf32>
        %parallel_loop3A_220 = arith.index_cast %parallel_loop3A_200 : i32 to index
        %parallel_loop3A_221 = arith.constant 64 : index
        %parallel_loop3A_222 = tpu.vector_load %arg13[%parallel_loop3A_220, %parallel_loop3A_221] {strides = array<i32>} : memref<128x160xf32, #tpu.memory_space<vmem>>, vector<1x16xf32>,
        %parallel_loop3A_223 = vector.shape_cast %parallel_loop3A_222 : vector<1x16xf32> to vector<16xf32>
        %parallel_loop3A_224 = vector.broadcast %parallel_loop3A_219 : f32 to vector<16xf32>
        %parallel_loop3A_225 = arith.mulf %parallel_loop3A_224, %parallel_loop3A_223 : vector<16xf32>
        %parallel_loop3A_226 = vector.extract_strided_slice %parallel_loop3A_103 {offsets = [7], sizes = [1], strides = [1]} : vector<16xf32> to vector<1xf32>
        %parallel_loop3A_227 = vector.extract %parallel_loop3A_226[0] : f32 from vector<1xf32>
        %parallel_loop3A_228 = arith.index_cast %parallel_loop3A_200 : i32 to index
        %parallel_loop3A_229 = arith.constant 96 : index
        %parallel_loop3A_230 = tpu.vector_load %arg13[%parallel_loop3A_228, %parallel_loop3A_229] {strides = array<i32>} : memref<128x160xf32, #tpu.memory_space<vmem>>, vector<1x16xf32>,
        %parallel_loop3A_231 = vector.shape_cast %parallel_loop3A_230 : vector<1x16xf32> to vector<16xf32>
        %parallel_loop3A_232 = vector.broadcast %parallel_loop3A_227 : f32 to vector<16xf32>
        %parallel_loop3A_233 = arith.mulf %parallel_loop3A_232, %parallel_loop3A_231 : vector<16xf32>
        %parallel_loop3A_234 = arith.addf %parallel_loop3A_225, %parallel_loop3A_233 : vector<16xf32>
        %parallel_loop3A_235 = arith.addf %parallel_loop3A_217, %parallel_loop3A_234 : vector<16xf32>
        %parallel_loop3A_236 = arith.index_cast %parallel_loop3A_200 : i32 to index
        %parallel_loop3A_237 = arith.constant 128 : index
        %parallel_loop3A_238 = tpu.vector_load %arg13[%parallel_loop3A_236, %parallel_loop3A_237] {strides = array<i32>} : memref<128x160xf32, #tpu.memory_space<vmem>>, vector<1x16xf32>,
        %parallel_loop3A_239 = vector.shape_cast %parallel_loop3A_238 : vector<1x16xf32> to vector<16xf32>
        %parallel_loop3A_240 = arith.addf %parallel_loop3A_235, %parallel_loop3A_239 : vector<16xf32>
        %parallel_loop3A_241 = arith.index_cast %parallel_loop3A_200 : i32 to index
        %parallel_loop3A_242 = arith.constant 0 : index
        %parallel_loop3A_243 = tpu.vector_load %arg15[%parallel_loop3A_241, %parallel_loop3A_242] {strides = array<i32>} : memref<128x32xf32, #tpu.memory_space<vmem>>, vector<1x16xf32>,
        %parallel_loop3A_244 = vector.shape_cast %parallel_loop3A_243 : vector<1x16xf32> to vector<16xf32>
        %parallel_loop3A_245 = vector.shape_cast %parallel_loop3A_240 : vector<16xf32> to vector<1x16xf32>
        tpu.vector_store %arg15[%parallel_loop3A_241, %parallel_loop3A_242], %parallel_loop3A_245 {strides = array<i32>} : memref<128x32xf32, #tpu.memory_space<vmem>>, vector<1x16xf32>,
        %parallel_loop3A_246 = vector.extract_strided_slice %parallel_loop3A_103 {offsets = [4], sizes = [1], strides = [1]} : vector<16xf32> to vector<1xf32>
        %parallel_loop3A_247 = vector.extract %parallel_loop3A_246[0] : f32 from vector<1xf32>
        %parallel_loop3A_248 = arith.index_cast %parallel_loop3A_200 : i32 to index
        %parallel_loop3A_249 = arith.constant 16 : index
        %parallel_loop3A_250 = tpu.vector_load %arg13[%parallel_loop3A_248, %parallel_loop3A_249] {strides = array<i32>} : memref<128x160xf32, #tpu.memory_space<vmem>>, vector<1x16xf32>,
        %parallel_loop3A_251 = vector.shape_cast %parallel_loop3A_250 : vector<1x16xf32> to vector<16xf32>
        %parallel_loop3A_252 = vector.broadcast %parallel_loop3A_247 : f32 to vector<16xf32>
        %parallel_loop3A_253 = arith.mulf %parallel_loop3A_252, %parallel_loop3A_251 : vector<16xf32>
        %parallel_loop3A_254 = vector.extract_strided_slice %parallel_loop3A_103 {offsets = [5], sizes = [1], strides = [1]} : vector<16xf32> to vector<1xf32>
        %parallel_loop3A_255 = vector.extract %parallel_loop3A_254[0] : f32 from vector<1xf32>
        %parallel_loop3A_256 = arith.index_cast %parallel_loop3A_200 : i32 to index
        %parallel_loop3A_257 = arith.constant 48 : index
        %parallel_loop3A_258 = tpu.vector_load %arg13[%parallel_loop3A_256, %parallel_loop3A_257] {strides = array<i32>} : memref<128x160xf32, #tpu.memory_space<vmem>>, vector<1x16xf32>,
        %parallel_loop3A_259 = vector.shape_cast %parallel_loop3A_258 : vector<1x16xf32> to vector<16xf32>
        %parallel_loop3A_260 = vector.broadcast %parallel_loop3A_255 : f32 to vector<16xf32>
        %parallel_loop3A_261 = arith.mulf %parallel_loop3A_260, %parallel_loop3A_259 : vector<16xf32>
        %parallel_loop3A_262 = arith.addf %parallel_loop3A_253, %parallel_loop3A_261 : vector<16xf32>
        %parallel_loop3A_263 = vector.extract_strided_slice %parallel_loop3A_103 {offsets = [6], sizes = [1], strides = [1]} : vector<16xf32> to vector<1xf32>
        %parallel_loop3A_264 = vector.extract %parallel_loop3A_263[0] : f32 from vector<1xf32>
        %parallel_loop3A_265 = arith.index_cast %parallel_loop3A_200 : i32 to index
        %parallel_loop3A_266 = arith.constant 80 : index
        %parallel_loop3A_267 = tpu.vector_load %arg13[%parallel_loop3A_265, %parallel_loop3A_266] {strides = array<i32>} : memref<128x160xf32, #tpu.memory_space<vmem>>, vector<1x16xf32>,
        %parallel_loop3A_268 = vector.shape_cast %parallel_loop3A_267 : vector<1x16xf32> to vector<16xf32>
        %parallel_loop3A_269 = vector.broadcast %parallel_loop3A_264 : f32 to vector<16xf32>
        %parallel_loop3A_270 = arith.mulf %parallel_loop3A_269, %parallel_loop3A_268 : vector<16xf32>
        %parallel_loop3A_271 = vector.extract_strided_slice %parallel_loop3A_103 {offsets = [7], sizes = [1], strides = [1]} : vector<16xf32> to vector<1xf32>
        %parallel_loop3A_272 = vector.extract %parallel_loop3A_271[0] : f32 from vector<1xf32>
        %parallel_loop3A_273 = arith.index_cast %parallel_loop3A_200 : i32 to index
        %parallel_loop3A_274 = arith.constant 112 : index
        %parallel_loop3A_275 = tpu.vector_load %arg13[%parallel_loop3A_273, %parallel_loop3A_274] {strides = array<i32>} : memref<128x160xf32, #tpu.memory_space<vmem>>, vector<1x16xf32>,
        %parallel_loop3A_276 = vector.shape_cast %parallel_loop3A_275 : vector<1x16xf32> to vector<16xf32>
        %parallel_loop3A_277 = vector.broadcast %parallel_loop3A_272 : f32 to vector<16xf32>
        %parallel_loop3A_278 = arith.mulf %parallel_loop3A_277, %parallel_loop3A_276 : vector<16xf32>
        %parallel_loop3A_279 = arith.addf %parallel_loop3A_270, %parallel_loop3A_278 : vector<16xf32>
        %parallel_loop3A_280 = arith.addf %parallel_loop3A_262, %parallel_loop3A_279 : vector<16xf32>
        %parallel_loop3A_281 = arith.index_cast %parallel_loop3A_200 : i32 to index
        %parallel_loop3A_282 = arith.constant 144 : index
        %parallel_loop3A_283 = tpu.vector_load %arg13[%parallel_loop3A_281, %parallel_loop3A_282] {strides = array<i32>} : memref<128x160xf32, #tpu.memory_space<vmem>>, vector<1x16xf32>,
        %parallel_loop3A_284 = vector.shape_cast %parallel_loop3A_283 : vector<1x16xf32> to vector<16xf32>
        %parallel_loop3A_285 = arith.addf %parallel_loop3A_280, %parallel_loop3A_284 : vector<16xf32>
        %parallel_loop3A_286 = arith.addf %parallel_loop3A_285, %select_n3A : vector<16xf32>
        %parallel_loop3A_287 = arith.index_cast %parallel_loop3A_200 : i32 to index
        %parallel_loop3A_288 = arith.constant 16 : index
        %parallel_loop3A_289 = tpu.vector_load %arg15[%parallel_loop3A_287, %parallel_loop3A_288] {strides = array<i32>} : memref<128x32xf32, #tpu.memory_space<vmem>>, vector<1x16xf32>,
        %parallel_loop3A_290 = vector.shape_cast %parallel_loop3A_289 : vector<1x16xf32> to vector<16xf32>
        %parallel_loop3A_291 = vector.shape_cast %parallel_loop3A_286 : vector<16xf32> to vector<1x16xf32>
        tpu.vector_store %arg15[%parallel_loop3A_287, %parallel_loop3A_288], %parallel_loop3A_291 {strides = array<i32>} : memref<128x32xf32, #tpu.memory_space<vmem>>, vector<1x16xf32>,
      } {sc.loop_unroll_factor = 8 : i64, sc.parallel_access}
      %add3A_87 = arith.constant 1 : i32
      %add3A_88 = arith.addi %mul3A_44, %add3A_87 : i32
      %dma_start3A_89 = arith.constant 0 : i32
      %dma_start3A_90 = tpu.memref_slice %arg10[%add3A_88, %dma_start3A_89] : memref<40x128xi32, #tpu.memory_space<vmem>> -> memref<1x128xi32, #tpu.memory_space<vmem>>
      %dma_start3A_91 = tpu.memref_squeeze %dma_start3A_90 : memref<1x128xi32, #tpu.memory_space<vmem>> -> memref<128xi32, #tpu.memory_space<vmem>>
      %dma_start3A_92 = arith.constant 0 : i32
      %dma_start3A_93 = arith.constant 0 : i32
      %dma_start3A_94 = tpu.memref_slice %arg8[%dma_start3A_92, %dma_start3A_93] : memref<10112x32xf32, #tpu.memory_space<vmem_shared>> -> memref<10112x32xf32, #tpu.memory_space<vmem_shared>>
      tpu.enqueue_indirect_dma source(%arg15 : memref<128x32xf32, #tpu.memory_space<vmem>>) target(%dma_start3A_94 : memref<10112x32xf32, #tpu.memory_space<vmem_shared>>) offsets(%dma_start3A_91 : memref<128xi32, #tpu.memory_space<vmem>>) semaphore(%arg17 : memref<!tpu.dma_semaphore, #tpu.memory_space<semaphore_mem>>) {add = true}
    }
    %scan3A_23 = arith.constant 20 : i32
    %dma_wait3A = arith.constant 0 : i32
    %dma_wait3A_24 = arith.constant 0 : i32
    %dma_wait3A_25 = tpu.memref_slice %arg10[%dma_wait3A, %dma_wait3A_24] : memref<40x128xi32, #tpu.memory_space<vmem>> -> memref<1x128xi32, #tpu.memory_space<vmem>>
    %dma_wait3A_26 = tpu.memref_squeeze %dma_wait3A_25 : memref<1x128xi32, #tpu.memory_space<vmem>> -> memref<128xi32, #tpu.memory_space<vmem>>
    %dma_wait3A_27 = arith.constant 0 : i32
    %dma_wait3A_28 = arith.constant 0 : i32
    %dma_wait3A_29 = tpu.memref_slice %arg8[%dma_wait3A_27, %dma_wait3A_28] : memref<10112x32xf32, #tpu.memory_space<vmem_shared>> -> memref<10112x32xf32, #tpu.memory_space<vmem_shared>>
    tpu.wait_indirect_dma semaphore(%arg17 : memref<!tpu.dma_semaphore, #tpu.memory_space<semaphore_mem>>) src(%arg14 : memref<128x32xf32, #tpu.memory_space<vmem>>) dst(%dma_wait3A_29 : memref<10112x32xf32, #tpu.memory_space<vmem_shared>>)
    %dma_wait3A_30 = arith.constant 0 : i32
    %dma_wait3A_31 = arith.constant 0 : i32
    %dma_wait3A_32 = tpu.memref_slice %arg10[%dma_wait3A_30, %dma_wait3A_31] : memref<40x128xi32, #tpu.memory_space<vmem>> -> memref<1x128xi32, #tpu.memory_space<vmem>>
    %dma_wait3A_33 = tpu.memref_squeeze %dma_wait3A_32 : memref<1x128xi32, #tpu.memory_space<vmem>> -> memref<128xi32, #tpu.memory_space<vmem>>
    %dma_wait3A_34 = arith.constant 0 : i32
    %dma_wait3A_35 = arith.constant 0 : i32
    %dma_wait3A_36 = tpu.memref_slice %arg8[%dma_wait3A_34, %dma_wait3A_35] : memref<10112x32xf32, #tpu.memory_space<vmem_shared>> -> memref<10112x32xf32, #tpu.memory_space<vmem_shared>>
    tpu.wait_indirect_dma semaphore(%arg17 : memref<!tpu.dma_semaphore, #tpu.memory_space<semaphore_mem>>) src(%arg15 : memref<128x32xf32, #tpu.memory_space<vmem>>) dst(%dma_wait3A_36 : memref<10112x32xf32, #tpu.memory_space<vmem_shared>>)
    %barrier3A_37 = arith.constant 0 : index
    tpu.barrier barrier_id(%barrier3A_37)
    %mul3A_38 = arith.constant 632 : i32
    %mul3A_39 = arith.muli %arg1, %mul3A_38 : i32
    %mul3A_40 = arith.constant 632 : i32
    %mul3A_41 = arith.muli %arg1, %mul3A_40 : i32
    "tpu.region"() ({
      %run_scoped3A = tpu.sem_alloc : memref<!tpu.dma_semaphore, #tpu.memory_space<semaphore_mem>>
      %dma_start3A_42 = arith.constant 0 : i32
      %dma_start3A_43 = tpu.memref_slice %arg7[%arg0, %mul3A_41, %dma_start3A_42] : memref<2x10112x32xf32, #tpu.memory_space<hbm>> -> memref<1x632x32xf32, #tpu.memory_space<hbm>>
      %dma_start3A_44 = tpu.memref_squeeze %dma_start3A_43 : memref<1x632x32xf32, #tpu.memory_space<hbm>> -> memref<632x32xf32, #tpu.memory_space<hbm>>
      %dma_start3A_45 = arith.constant 0 : i32
      %dma_start3A_46 = tpu.memref_slice %arg8[%mul3A_39, %dma_start3A_45] : memref<10112x32xf32, #tpu.memory_space<vmem_shared>> -> memref<632x32xf32, #tpu.memory_space<vmem_shared>>
      tpu.enqueue_dma source(%dma_start3A_46 : memref<632x32xf32, #tpu.memory_space<vmem_shared>>) target(%dma_start3A_44 : memref<632x32xf32, #tpu.memory_space<hbm>>) target_semaphore(%run_scoped3A : memref<!tpu.dma_semaphore, #tpu.memory_space<semaphore_mem>>)
      %dma_wait3A_47 = arith.constant 0 : i32
      %dma_wait3A_48 = tpu.memref_slice %arg7[%arg0, %mul3A_41, %dma_wait3A_47] : memref<2x10112x32xf32, #tpu.memory_space<hbm>> -> memref<1x632x32xf32, #tpu.memory_space<hbm>>
      %dma_wait3A_49 = tpu.memref_squeeze %dma_wait3A_48 : memref<1x632x32xf32, #tpu.memory_space<hbm>> -> memref<632x32xf32, #tpu.memory_space<hbm>>
      %dma_wait3A_50 = arith.constant 0 : i32
      %dma_wait3A_51 = tpu.memref_slice %arg8[%mul3A_39, %dma_wait3A_50] : memref<10112x32xf32, #tpu.memory_space<vmem_shared>> -> memref<632x32xf32, #tpu.memory_space<vmem_shared>>
      tpu.wait_dma2 semaphore(%run_scoped3A : memref<!tpu.dma_semaphore, #tpu.memory_space<semaphore_mem>>) src(%dma_wait3A_51 : memref<632x32xf32, #tpu.memory_space<vmem_shared>>) dst(%dma_wait3A_49 : memref<632x32xf32, #tpu.memory_space<hbm>>)
      tpu.yield
    }) : () -> ()
    return
  }
}

#map = affine_map<(d0, d1) -> (0, 0)>
#map1 = affine_map<(d0, d1) -> (0)>
#map2 = affine_map<(d0, d1) -> (0, 0, 0)>
module attributes {stable_mosaic.version = 14 : i64} {
  func.func @_edge_body(%arg0: i32, %arg1: i32, %arg2: memref<10112x160xf32, #tpu.memory_space<hbm>>, %arg3: memref<163840xi32, #tpu.memory_space<hbm>>, %arg4: memref<1280x128xi32, #tpu.memory_space<hbm>>, %arg5: memref<655376xf32, #tpu.memory_space<hbm>>, %arg6: memref<632x32xf32, #tpu.memory_space<hbm>>, %arg7: memref<2x10112x32xf32, #tpu.memory_space<hbm>>, %arg8: memref<10112x32xf32, #tpu.memory_space<vmem_shared>>, %arg9: memref<5120xi32, #tpu.memory_space<vmem>>, %arg10: memref<40x128xi32, #tpu.memory_space<vmem>>, %arg11: memref<20496xf32, #tpu.memory_space<vmem>>, %arg12: memref<128x160xf32, #tpu.memory_space<vmem>>, %arg13: memref<128x160xf32, #tpu.memory_space<vmem>>, %arg14: memref<128x32xf32, #tpu.memory_space<vmem>>, %arg15: memref<128x32xf32, #tpu.memory_space<vmem>>, %arg16: memref<!tpu.dma_semaphore, #tpu.memory_space<semaphore_mem>>, %arg17: memref<!tpu.dma_semaphore, #tpu.memory_space<semaphore_mem>>) attributes {dimension_semantics = [#tpu.dimension_semantics<core_parallel>, #tpu.dimension_semantics<subcore_parallel>], iteration_bounds = array<i64: 2, 16>, scalar_prefetch = 0 : i64, scratch_operands = 10 : i64, tpu.core_type = #tpu.core_type<sc_vector_subcore>, window_params = [{transform_indices = #map}, {transform_indices = #map1}, {transform_indices = #map}, {transform_indices = #map1}, {transform_indices = #map}, {transform_indices = #map2}]} {
    %mul3A = arith.constant 2 : i32
    %mul3A_0 = arith.muli %arg1, %mul3A : i32
    %add3A = arith.addi %mul3A_0, %arg0 : i32
    %mul3A_1 = arith.constant 632 : i32
    %mul3A_2 = arith.muli %arg1, %mul3A_1 : i32
    "tpu.region"() ({
      %run_scoped3A = tpu.sem_alloc : memref<!tpu.dma_semaphore, #tpu.memory_space<semaphore_mem>>
      %dma_start3A_42 = arith.constant 0 : i32
      %dma_start3A_43 = tpu.memref_slice %arg8[%mul3A_2, %dma_start3A_42] : memref<10112x32xf32, #tpu.memory_space<vmem_shared>> -> memref<632x32xf32, #tpu.memory_space<vmem_shared>>
      tpu.enqueue_dma source(%arg6 : memref<632x32xf32, #tpu.memory_space<hbm>>) target(%dma_start3A_43 : memref<632x32xf32, #tpu.memory_space<vmem_shared>>) target_semaphore(%run_scoped3A : memref<!tpu.dma_semaphore, #tpu.memory_space<semaphore_mem>>)
      %dma_wait3A_44 = arith.constant 0 : i32
      %dma_wait3A_45 = tpu.memref_slice %arg8[%mul3A_2, %dma_wait3A_44] : memref<10112x32xf32, #tpu.memory_space<vmem_shared>> -> memref<632x32xf32, #tpu.memory_space<vmem_shared>>
      tpu.wait_dma2 semaphore(%run_scoped3A : memref<!tpu.dma_semaphore, #tpu.memory_space<semaphore_mem>>) src(%arg6 : memref<632x32xf32, #tpu.memory_space<hbm>>) dst(%dma_wait3A_45 : memref<632x32xf32, #tpu.memory_space<vmem_shared>>)
      tpu.yield
    }) : () -> ()
    %mul3A_3 = arith.constant 5120 : i32
    %mul3A_4 = arith.muli %add3A, %mul3A_3 : i32
    "tpu.region"() ({
      %run_scoped3A = tpu.sem_alloc : memref<!tpu.dma_semaphore, #tpu.memory_space<semaphore_mem>>
      %dma_start3A_42 = tpu.memref_slice %arg3[%mul3A_4] : memref<163840xi32, #tpu.memory_space<hbm>> -> memref<5120xi32, #tpu.memory_space<hbm>>
      %dma_start3A_43 = tpu.memref_slice %arg3[%mul3A_4] : memref<163840xi32, #tpu.memory_space<hbm>> -> memref<5120xi32, #tpu.memory_space<hbm>>
      tpu.enqueue_dma source(%dma_start3A_43 : memref<5120xi32, #tpu.memory_space<hbm>>) target(%arg9 : memref<5120xi32, #tpu.memory_space<vmem>>) target_semaphore(%run_scoped3A : memref<!tpu.dma_semaphore, #tpu.memory_space<semaphore_mem>>)
      %dma_wait3A_44 = tpu.memref_slice %arg3[%mul3A_4] : memref<163840xi32, #tpu.memory_space<hbm>> -> memref<5120xi32, #tpu.memory_space<hbm>>
      %dma_wait3A_45 = tpu.memref_slice %arg3[%mul3A_4] : memref<163840xi32, #tpu.memory_space<hbm>> -> memref<5120xi32, #tpu.memory_space<hbm>>
      tpu.wait_dma2 semaphore(%run_scoped3A : memref<!tpu.dma_semaphore, #tpu.memory_space<semaphore_mem>>) src(%dma_wait3A_45 : memref<5120xi32, #tpu.memory_space<hbm>>) dst(%arg9 : memref<5120xi32, #tpu.memory_space<vmem>>)
      tpu.yield
    }) : () -> ()
    %mul3A_5 = arith.constant 40 : i32
    %mul3A_6 = arith.muli %add3A, %mul3A_5 : i32
    "tpu.region"() ({
      %run_scoped3A = tpu.sem_alloc : memref<!tpu.dma_semaphore, #tpu.memory_space<semaphore_mem>>
      %dma_start3A_42 = arith.constant 0 : i32
      %dma_start3A_43 = tpu.memref_slice %arg4[%mul3A_6, %dma_start3A_42] : memref<1280x128xi32, #tpu.memory_space<hbm>> -> memref<40x128xi32, #tpu.memory_space<hbm>>
      %dma_start3A_44 = arith.constant 0 : i32
      %dma_start3A_45 = tpu.memref_slice %arg4[%mul3A_6, %dma_start3A_44] : memref<1280x128xi32, #tpu.memory_space<hbm>> -> memref<40x128xi32, #tpu.memory_space<hbm>>
      tpu.enqueue_dma source(%dma_start3A_45 : memref<40x128xi32, #tpu.memory_space<hbm>>) target(%arg10 : memref<40x128xi32, #tpu.memory_space<vmem>>) target_semaphore(%run_scoped3A : memref<!tpu.dma_semaphore, #tpu.memory_space<semaphore_mem>>)
      %dma_wait3A_46 = arith.constant 0 : i32
      %dma_wait3A_47 = tpu.memref_slice %arg4[%mul3A_6, %dma_wait3A_46] : memref<1280x128xi32, #tpu.memory_space<hbm>> -> memref<40x128xi32, #tpu.memory_space<hbm>>
      %dma_wait3A_48 = arith.constant 0 : i32
      %dma_wait3A_49 = tpu.memref_slice %arg4[%mul3A_6, %dma_wait3A_48] : memref<1280x128xi32, #tpu.memory_space<hbm>> -> memref<40x128xi32, #tpu.memory_space<hbm>>
      tpu.wait_dma2 semaphore(%run_scoped3A : memref<!tpu.dma_semaphore, #tpu.memory_space<semaphore_mem>>) src(%dma_wait3A_49 : memref<40x128xi32, #tpu.memory_space<hbm>>) dst(%arg10 : memref<40x128xi32, #tpu.memory_space<vmem>>)
      tpu.yield
    }) : () -> ()
    %mul3A_7 = arith.constant 5120 : i32
    %mul3A_8 = arith.muli %add3A, %mul3A_7 : i32
    %mul3A_9 = arith.constant 4 : i32
    %mul3A_10 = arith.muli %mul3A_8, %mul3A_9 : i32
    "tpu.region"() ({
      %run_scoped3A = tpu.sem_alloc : memref<!tpu.dma_semaphore, #tpu.memory_space<semaphore_mem>>
      %dma_start3A_42 = tpu.memref_slice %arg5[%mul3A_10] : memref<655376xf32, #tpu.memory_space<hbm>> -> memref<20496xf32, #tpu.memory_space<hbm>>
      %dma_start3A_43 = tpu.memref_slice %arg5[%mul3A_10] : memref<655376xf32, #tpu.memory_space<hbm>> -> memref<20496xf32, #tpu.memory_space<hbm>>
      tpu.enqueue_dma source(%dma_start3A_43 : memref<20496xf32, #tpu.memory_space<hbm>>) target(%arg11 : memref<20496xf32, #tpu.memory_space<vmem>>) target_semaphore(%run_scoped3A : memref<!tpu.dma_semaphore, #tpu.memory_space<semaphore_mem>>)
      %dma_wait3A_44 = tpu.memref_slice %arg5[%mul3A_10] : memref<655376xf32, #tpu.memory_space<hbm>> -> memref<20496xf32, #tpu.memory_space<hbm>>
      %dma_wait3A_45 = tpu.memref_slice %arg5[%mul3A_10] : memref<655376xf32, #tpu.memory_space<hbm>> -> memref<20496xf32, #tpu.memory_space<hbm>>
      tpu.wait_dma2 semaphore(%run_scoped3A : memref<!tpu.dma_semaphore, #tpu.memory_space<semaphore_mem>>) src(%dma_wait3A_45 : memref<20496xf32, #tpu.memory_space<hbm>>) dst(%arg11 : memref<20496xf32, #tpu.memory_space<vmem>>)
      tpu.yield
    }) : () -> ()
    %barrier3A = arith.constant 0 : index
    tpu.barrier barrier_id(%barrier3A)
    %iota3A = tpu.iota {dimensions = array<i32: 0>} : vector<16xi32>
    %eq3A = arith.constant 14 : i32
    %eq3A_11 = vector.broadcast %eq3A : i32 to vector<16xi32>
    %eq3A_12 = arith.cmpi eq, %iota3A, %eq3A_11 : vector<16xi32>
    %jit3A = arith.constant 1.000000e+00 : f32
    %jit3A_13 = arith.constant 0.000000e+00 : f32
    %broadcast_in_dim3A = vector.broadcast %jit3A : f32 to vector<16xf32>
    %broadcast_in_dim3A_14 = vector.broadcast %jit3A_13 : f32 to vector<16xf32>
    %select_n3A = arith.select %eq3A_12, %broadcast_in_dim3A, %broadcast_in_dim3A_14 : vector<16xi1>, vector<16xf32>
    %dma_start3A = arith.constant 0 : i32
    %dma_start3A_15 = tpu.memref_slice %arg9[%dma_start3A] : memref<5120xi32, #tpu.memory_space<vmem>> -> memref<128xi32, #tpu.memory_space<vmem>>
    %dma_start3A_16 = arith.constant 0 : i32
    %dma_start3A_17 = arith.constant 0 : i32
    %dma_start3A_18 = tpu.memref_slice %arg2[%dma_start3A_16, %dma_start3A_17] : memref<10112x160xf32, #tpu.memory_space<hbm>> -> memref<10112x160xf32, #tpu.memory_space<hbm>>
    tpu.enqueue_indirect_dma source(%dma_start3A_18 : memref<10112x160xf32, #tpu.memory_space<hbm>>) target(%arg12 : memref<128x160xf32, #tpu.memory_space<vmem>>) offsets(%dma_start3A_15 : memref<128xi32, #tpu.memory_space<vmem>>) semaphore(%arg16 : memref<!tpu.dma_semaphore, #tpu.memory_space<semaphore_mem>>)
    %scan3A = arith.constant 0 : i32
    %scan3A_19 = arith.constant 0 : i32
    %scan3A_20 = arith.constant 20 : i32
    %scan3A_21 = arith.addi %scan3A_19, %scan3A_20 : i32
    %scan3A_22 = arith.constant 1 : i32
    scf.for %scan3A_42 = %scan3A_19 to %scan3A_21 step %scan3A_22  : i32 {
      %mul3A_43 = arith.constant 2 : i32
      %mul3A_44 = arith.muli %mul3A_43, %scan3A_42 : i32
      %dma_wait3A_45 = arith.constant 0 : i32
      %dma_wait3A_46 = tpu.memref_slice %arg9[%dma_wait3A_45] : memref<5120xi32, #tpu.memory_space<vmem>> -> memref<128xi32, #tpu.memory_space<vmem>>
      %dma_wait3A_47 = arith.constant 0 : i32
      %dma_wait3A_48 = arith.constant 0 : i32
      %dma_wait3A_49 = tpu.memref_slice %arg2[%dma_wait3A_47, %dma_wait3A_48] : memref<10112x160xf32, #tpu.memory_space<hbm>> -> memref<10112x160xf32, #tpu.memory_space<hbm>>
      tpu.wait_indirect_dma semaphore(%arg16 : memref<!tpu.dma_semaphore, #tpu.memory_space<semaphore_mem>>) src(%dma_wait3A_49 : memref<10112x160xf32, #tpu.memory_space<hbm>>) dst(%arg12 : memref<128x160xf32, #tpu.memory_space<vmem>>)
      %add3A_50 = arith.constant 1 : i32
      %add3A_51 = arith.addi %mul3A_44, %add3A_50 : i32
      %mul3A_52 = arith.constant 128 : i32
      %mul3A_53 = arith.muli %add3A_51, %mul3A_52 : i32
      %dma_start3A_54 = tpu.memref_slice %arg9[%mul3A_53] : memref<5120xi32, #tpu.memory_space<vmem>> -> memref<128xi32, #tpu.memory_space<vmem>>
      %dma_start3A_55 = arith.constant 0 : i32
      %dma_start3A_56 = arith.constant 0 : i32
      %dma_start3A_57 = tpu.memref_slice %arg2[%dma_start3A_55, %dma_start3A_56] : memref<10112x160xf32, #tpu.memory_space<hbm>> -> memref<10112x160xf32, #tpu.memory_space<hbm>>
      tpu.enqueue_indirect_dma source(%dma_start3A_57 : memref<10112x160xf32, #tpu.memory_space<hbm>>) target(%arg13 : memref<128x160xf32, #tpu.memory_space<vmem>>) offsets(%dma_start3A_54 : memref<128xi32, #tpu.memory_space<vmem>>) semaphore(%arg16 : memref<!tpu.dma_semaphore, #tpu.memory_space<semaphore_mem>>)
      %gt3A = arith.constant 0 : i32
      %gt3A_58 = arith.cmpi sgt, %scan3A_42, %gt3A : i32
      %convert_element_type3A = arith.extui %gt3A_58 : i1 to i32
      %cond3A = arith.constant 0 : i32
      %cond3A_59 = arith.cmpi ne, %convert_element_type3A, %cond3A : i32
      scf.if %cond3A_59 {
        %dma_wait3A_95 = arith.constant 0 : i32
        %dma_wait3A_96 = arith.constant 0 : i32
        %dma_wait3A_97 = tpu.memref_slice %arg10[%dma_wait3A_95, %dma_wait3A_96] : memref<40x128xi32, #tpu.memory_space<vmem>> -> memref<1x128xi32, #tpu.memory_space<vmem>>
        %dma_wait3A_98 = tpu.memref_squeeze %dma_wait3A_97 : memref<1x128xi32, #tpu.memory_space<vmem>> -> memref<128xi32, #tpu.memory_space<vmem>>
        %dma_wait3A_99 = arith.constant 0 : i32
        %dma_wait3A_100 = arith.constant 0 : i32
        %dma_wait3A_101 = tpu.memref_slice %arg8[%dma_wait3A_99, %dma_wait3A_100] : memref<10112x32xf32, #tpu.memory_space<vmem_shared>> -> memref<10112x32xf32, #tpu.memory_space<vmem_shared>>
        tpu.wait_indirect_dma semaphore(%arg17 : memref<!tpu.dma_semaphore, #tpu.memory_space<semaphore_mem>>) src(%arg14 : memref<128x32xf32, #tpu.memory_space<vmem>>) dst(%dma_wait3A_101 : memref<10112x32xf32, #tpu.memory_space<vmem_shared>>)
      } else {
      }
      %parallel_loop3A = arith.constant 0 : i32
      %parallel_loop3A_60 = arith.constant 64 : i32
      %parallel_loop3A_61 = arith.constant 1 : i32
      scf.for %parallel_loop3A_95 = %parallel_loop3A to %parallel_loop3A_60 step %parallel_loop3A_61  : i32 {
        %parallel_loop3A_96 = arith.constant 512 : i32
        %parallel_loop3A_97 = arith.muli %mul3A_44, %parallel_loop3A_96 : i32
        %parallel_loop3A_98 = arith.constant 8 : i32
        %parallel_loop3A_99 = arith.muli %parallel_loop3A_98, %parallel_loop3A_95 : i32
        %parallel_loop3A_100 = arith.addi %parallel_loop3A_97, %parallel_loop3A_99 : i32
        %parallel_loop3A_101 = arith.index_cast %parallel_loop3A_100 : i32 to index
        %parallel_loop3A_102 = tpu.vector_load %arg11[%parallel_loop3A_101] {strides = array<i32>} : memref<20496xf32, #tpu.memory_space<vmem>>, vector<16xf32>,
        %parallel_loop3A_103 = vector.shape_cast %parallel_loop3A_102 : vector<16xf32> to vector<16xf32>
        %parallel_loop3A_104 = arith.constant 2 : i32
        %parallel_loop3A_105 = arith.muli %parallel_loop3A_104, %parallel_loop3A_95 : i32
        %parallel_loop3A_106 = vector.extract_strided_slice %parallel_loop3A_103 {offsets = [0], sizes = [1], strides = [1]} : vector<16xf32> to vector<1xf32>
        %parallel_loop3A_107 = vector.extract %parallel_loop3A_106[0] : f32 from vector<1xf32>
        %parallel_loop3A_108 = arith.index_cast %parallel_loop3A_105 : i32 to index
        %parallel_loop3A_109 = arith.constant 0 : index
        %parallel_loop3A_110 = tpu.vector_load %arg12[%parallel_loop3A_108, %parallel_loop3A_109] {strides = array<i32>} : memref<128x160xf32, #tpu.memory_space<vmem>>, vector<1x16xf32>,
        %parallel_loop3A_111 = vector.shape_cast %parallel_loop3A_110 : vector<1x16xf32> to vector<16xf32>
        %parallel_loop3A_112 = vector.broadcast %parallel_loop3A_107 : f32 to vector<16xf32>
        %parallel_loop3A_113 = arith.mulf %parallel_loop3A_112, %parallel_loop3A_111 : vector<16xf32>
        %parallel_loop3A_114 = vector.extract_strided_slice %parallel_loop3A_103 {offsets = [1], sizes = [1], strides = [1]} : vector<16xf32> to vector<1xf32>
        %parallel_loop3A_115 = vector.extract %parallel_loop3A_114[0] : f32 from vector<1xf32>
        %parallel_loop3A_116 = arith.index_cast %parallel_loop3A_105 : i32 to index
        %parallel_loop3A_117 = arith.constant 32 : index
        %parallel_loop3A_118 = tpu.vector_load %arg12[%parallel_loop3A_116, %parallel_loop3A_117] {strides = array<i32>} : memref<128x160xf32, #tpu.memory_space<vmem>>, vector<1x16xf32>,
        %parallel_loop3A_119 = vector.shape_cast %parallel_loop3A_118 : vector<1x16xf32> to vector<16xf32>
        %parallel_loop3A_120 = vector.broadcast %parallel_loop3A_115 : f32 to vector<16xf32>
        %parallel_loop3A_121 = arith.mulf %parallel_loop3A_120, %parallel_loop3A_119 : vector<16xf32>
        %parallel_loop3A_122 = arith.addf %parallel_loop3A_113, %parallel_loop3A_121 : vector<16xf32>
        %parallel_loop3A_123 = vector.extract_strided_slice %parallel_loop3A_103 {offsets = [2], sizes = [1], strides = [1]} : vector<16xf32> to vector<1xf32>
        %parallel_loop3A_124 = vector.extract %parallel_loop3A_123[0] : f32 from vector<1xf32>
        %parallel_loop3A_125 = arith.index_cast %parallel_loop3A_105 : i32 to index
        %parallel_loop3A_126 = arith.constant 64 : index
        %parallel_loop3A_127 = tpu.vector_load %arg12[%parallel_loop3A_125, %parallel_loop3A_126] {strides = array<i32>} : memref<128x160xf32, #tpu.memory_space<vmem>>, vector<1x16xf32>,
        %parallel_loop3A_128 = vector.shape_cast %parallel_loop3A_127 : vector<1x16xf32> to vector<16xf32>
        %parallel_loop3A_129 = vector.broadcast %parallel_loop3A_124 : f32 to vector<16xf32>
        %parallel_loop3A_130 = arith.mulf %parallel_loop3A_129, %parallel_loop3A_128 : vector<16xf32>
        %parallel_loop3A_131 = vector.extract_strided_slice %parallel_loop3A_103 {offsets = [3], sizes = [1], strides = [1]} : vector<16xf32> to vector<1xf32>
        %parallel_loop3A_132 = vector.extract %parallel_loop3A_131[0] : f32 from vector<1xf32>
        %parallel_loop3A_133 = arith.index_cast %parallel_loop3A_105 : i32 to index
        %parallel_loop3A_134 = arith.constant 96 : index
        %parallel_loop3A_135 = tpu.vector_load %arg12[%parallel_loop3A_133, %parallel_loop3A_134] {strides = array<i32>} : memref<128x160xf32, #tpu.memory_space<vmem>>, vector<1x16xf32>,
        %parallel_loop3A_136 = vector.shape_cast %parallel_loop3A_135 : vector<1x16xf32> to vector<16xf32>
        %parallel_loop3A_137 = vector.broadcast %parallel_loop3A_132 : f32 to vector<16xf32>
        %parallel_loop3A_138 = arith.mulf %parallel_loop3A_137, %parallel_loop3A_136 : vector<16xf32>
        %parallel_loop3A_139 = arith.addf %parallel_loop3A_130, %parallel_loop3A_138 : vector<16xf32>
        %parallel_loop3A_140 = arith.addf %parallel_loop3A_122, %parallel_loop3A_139 : vector<16xf32>
        %parallel_loop3A_141 = arith.index_cast %parallel_loop3A_105 : i32 to index
        %parallel_loop3A_142 = arith.constant 128 : index
        %parallel_loop3A_143 = tpu.vector_load %arg12[%parallel_loop3A_141, %parallel_loop3A_142] {strides = array<i32>} : memref<128x160xf32, #tpu.memory_space<vmem>>, vector<1x16xf32>,
        %parallel_loop3A_144 = vector.shape_cast %parallel_loop3A_143 : vector<1x16xf32> to vector<16xf32>
        %parallel_loop3A_145 = arith.addf %parallel_loop3A_140, %parallel_loop3A_144 : vector<16xf32>
        %parallel_loop3A_146 = arith.index_cast %parallel_loop3A_105 : i32 to index
        %parallel_loop3A_147 = arith.constant 0 : index
        %parallel_loop3A_148 = tpu.vector_load %arg14[%parallel_loop3A_146, %parallel_loop3A_147] {strides = array<i32>} : memref<128x32xf32, #tpu.memory_space<vmem>>, vector<1x16xf32>,
        %parallel_loop3A_149 = vector.shape_cast %parallel_loop3A_148 : vector<1x16xf32> to vector<16xf32>
        %parallel_loop3A_150 = vector.shape_cast %parallel_loop3A_145 : vector<16xf32> to vector<1x16xf32>
        tpu.vector_store %arg14[%parallel_loop3A_146, %parallel_loop3A_147], %parallel_loop3A_150 {strides = array<i32>} : memref<128x32xf32, #tpu.memory_space<vmem>>, vector<1x16xf32>,
        %parallel_loop3A_151 = vector.extract_strided_slice %parallel_loop3A_103 {offsets = [0], sizes = [1], strides = [1]} : vector<16xf32> to vector<1xf32>
        %parallel_loop3A_152 = vector.extract %parallel_loop3A_151[0] : f32 from vector<1xf32>
        %parallel_loop3A_153 = arith.index_cast %parallel_loop3A_105 : i32 to index
        %parallel_loop3A_154 = arith.constant 16 : index
        %parallel_loop3A_155 = tpu.vector_load %arg12[%parallel_loop3A_153, %parallel_loop3A_154] {strides = array<i32>} : memref<128x160xf32, #tpu.memory_space<vmem>>, vector<1x16xf32>,
        %parallel_loop3A_156 = vector.shape_cast %parallel_loop3A_155 : vector<1x16xf32> to vector<16xf32>
        %parallel_loop3A_157 = vector.broadcast %parallel_loop3A_152 : f32 to vector<16xf32>
        %parallel_loop3A_158 = arith.mulf %parallel_loop3A_157, %parallel_loop3A_156 : vector<16xf32>
        %parallel_loop3A_159 = vector.extract_strided_slice %parallel_loop3A_103 {offsets = [1], sizes = [1], strides = [1]} : vector<16xf32> to vector<1xf32>
        %parallel_loop3A_160 = vector.extract %parallel_loop3A_159[0] : f32 from vector<1xf32>
        %parallel_loop3A_161 = arith.index_cast %parallel_loop3A_105 : i32 to index
        %parallel_loop3A_162 = arith.constant 48 : index
        %parallel_loop3A_163 = tpu.vector_load %arg12[%parallel_loop3A_161, %parallel_loop3A_162] {strides = array<i32>} : memref<128x160xf32, #tpu.memory_space<vmem>>, vector<1x16xf32>,
        %parallel_loop3A_164 = vector.shape_cast %parallel_loop3A_163 : vector<1x16xf32> to vector<16xf32>
        %parallel_loop3A_165 = vector.broadcast %parallel_loop3A_160 : f32 to vector<16xf32>
        %parallel_loop3A_166 = arith.mulf %parallel_loop3A_165, %parallel_loop3A_164 : vector<16xf32>
        %parallel_loop3A_167 = arith.addf %parallel_loop3A_158, %parallel_loop3A_166 : vector<16xf32>
        %parallel_loop3A_168 = vector.extract_strided_slice %parallel_loop3A_103 {offsets = [2], sizes = [1], strides = [1]} : vector<16xf32> to vector<1xf32>
        %parallel_loop3A_169 = vector.extract %parallel_loop3A_168[0] : f32 from vector<1xf32>
        %parallel_loop3A_170 = arith.index_cast %parallel_loop3A_105 : i32 to index
        %parallel_loop3A_171 = arith.constant 80 : index
        %parallel_loop3A_172 = tpu.vector_load %arg12[%parallel_loop3A_170, %parallel_loop3A_171] {strides = array<i32>} : memref<128x160xf32, #tpu.memory_space<vmem>>, vector<1x16xf32>,
        %parallel_loop3A_173 = vector.shape_cast %parallel_loop3A_172 : vector<1x16xf32> to vector<16xf32>
        %parallel_loop3A_174 = vector.broadcast %parallel_loop3A_169 : f32 to vector<16xf32>
        %parallel_loop3A_175 = arith.mulf %parallel_loop3A_174, %parallel_loop3A_173 : vector<16xf32>
        %parallel_loop3A_176 = vector.extract_strided_slice %parallel_loop3A_103 {offsets = [3], sizes = [1], strides = [1]} : vector<16xf32> to vector<1xf32>
        %parallel_loop3A_177 = vector.extract %parallel_loop3A_176[0] : f32 from vector<1xf32>
        %parallel_loop3A_178 = arith.index_cast %parallel_loop3A_105 : i32 to index
        %parallel_loop3A_179 = arith.constant 112 : index
        %parallel_loop3A_180 = tpu.vector_load %arg12[%parallel_loop3A_178, %parallel_loop3A_179] {strides = array<i32>} : memref<128x160xf32, #tpu.memory_space<vmem>>, vector<1x16xf32>,
        %parallel_loop3A_181 = vector.shape_cast %parallel_loop3A_180 : vector<1x16xf32> to vector<16xf32>
        %parallel_loop3A_182 = vector.broadcast %parallel_loop3A_177 : f32 to vector<16xf32>
        %parallel_loop3A_183 = arith.mulf %parallel_loop3A_182, %parallel_loop3A_181 : vector<16xf32>
        %parallel_loop3A_184 = arith.addf %parallel_loop3A_175, %parallel_loop3A_183 : vector<16xf32>
        %parallel_loop3A_185 = arith.addf %parallel_loop3A_167, %parallel_loop3A_184 : vector<16xf32>
        %parallel_loop3A_186 = arith.index_cast %parallel_loop3A_105 : i32 to index
        %parallel_loop3A_187 = arith.constant 144 : index
        %parallel_loop3A_188 = tpu.vector_load %arg12[%parallel_loop3A_186, %parallel_loop3A_187] {strides = array<i32>} : memref<128x160xf32, #tpu.memory_space<vmem>>, vector<1x16xf32>,
        %parallel_loop3A_189 = vector.shape_cast %parallel_loop3A_188 : vector<1x16xf32> to vector<16xf32>
        %parallel_loop3A_190 = arith.addf %parallel_loop3A_185, %parallel_loop3A_189 : vector<16xf32>
        %parallel_loop3A_191 = arith.addf %parallel_loop3A_190, %select_n3A : vector<16xf32>
        %parallel_loop3A_192 = arith.index_cast %parallel_loop3A_105 : i32 to index
        %parallel_loop3A_193 = arith.constant 16 : index
        %parallel_loop3A_194 = tpu.vector_load %arg14[%parallel_loop3A_192, %parallel_loop3A_193] {strides = array<i32>} : memref<128x32xf32, #tpu.memory_space<vmem>>, vector<1x16xf32>,
        %parallel_loop3A_195 = vector.shape_cast %parallel_loop3A_194 : vector<1x16xf32> to vector<16xf32>
        %parallel_loop3A_196 = vector.shape_cast %parallel_loop3A_191 : vector<16xf32> to vector<1x16xf32>
        tpu.vector_store %arg14[%parallel_loop3A_192, %parallel_loop3A_193], %parallel_loop3A_196 {strides = array<i32>} : memref<128x32xf32, #tpu.memory_space<vmem>>, vector<1x16xf32>,
        %parallel_loop3A_197 = arith.constant 2 : i32
        %parallel_loop3A_198 = arith.muli %parallel_loop3A_197, %parallel_loop3A_95 : i32
        %parallel_loop3A_199 = arith.constant 1 : i32
        %parallel_loop3A_200 = arith.addi %parallel_loop3A_198, %parallel_loop3A_199 : i32
        %parallel_loop3A_201 = vector.extract_strided_slice %parallel_loop3A_103 {offsets = [4], sizes = [1], strides = [1]} : vector<16xf32> to vector<1xf32>
        %parallel_loop3A_202 = vector.extract %parallel_loop3A_201[0] : f32 from vector<1xf32>
        %parallel_loop3A_203 = arith.index_cast %parallel_loop3A_200 : i32 to index
        %parallel_loop3A_204 = arith.constant 0 : index
        %parallel_loop3A_205 = tpu.vector_load %arg12[%parallel_loop3A_203, %parallel_loop3A_204] {strides = array<i32>} : memref<128x160xf32, #tpu.memory_space<vmem>>, vector<1x16xf32>,
        %parallel_loop3A_206 = vector.shape_cast %parallel_loop3A_205 : vector<1x16xf32> to vector<16xf32>
        %parallel_loop3A_207 = vector.broadcast %parallel_loop3A_202 : f32 to vector<16xf32>
        %parallel_loop3A_208 = arith.mulf %parallel_loop3A_207, %parallel_loop3A_206 : vector<16xf32>
        %parallel_loop3A_209 = vector.extract_strided_slice %parallel_loop3A_103 {offsets = [5], sizes = [1], strides = [1]} : vector<16xf32> to vector<1xf32>
        %parallel_loop3A_210 = vector.extract %parallel_loop3A_209[0] : f32 from vector<1xf32>
        %parallel_loop3A_211 = arith.index_cast %parallel_loop3A_200 : i32 to index
        %parallel_loop3A_212 = arith.constant 32 : index
        %parallel_loop3A_213 = tpu.vector_load %arg12[%parallel_loop3A_211, %parallel_loop3A_212] {strides = array<i32>} : memref<128x160xf32, #tpu.memory_space<vmem>>, vector<1x16xf32>,
        %parallel_loop3A_214 = vector.shape_cast %parallel_loop3A_213 : vector<1x16xf32> to vector<16xf32>
        %parallel_loop3A_215 = vector.broadcast %parallel_loop3A_210 : f32 to vector<16xf32>
        %parallel_loop3A_216 = arith.mulf %parallel_loop3A_215, %parallel_loop3A_214 : vector<16xf32>
        %parallel_loop3A_217 = arith.addf %parallel_loop3A_208, %parallel_loop3A_216 : vector<16xf32>
        %parallel_loop3A_218 = vector.extract_strided_slice %parallel_loop3A_103 {offsets = [6], sizes = [1], strides = [1]} : vector<16xf32> to vector<1xf32>
        %parallel_loop3A_219 = vector.extract %parallel_loop3A_218[0] : f32 from vector<1xf32>
        %parallel_loop3A_220 = arith.index_cast %parallel_loop3A_200 : i32 to index
        %parallel_loop3A_221 = arith.constant 64 : index
        %parallel_loop3A_222 = tpu.vector_load %arg12[%parallel_loop3A_220, %parallel_loop3A_221] {strides = array<i32>} : memref<128x160xf32, #tpu.memory_space<vmem>>, vector<1x16xf32>,
        %parallel_loop3A_223 = vector.shape_cast %parallel_loop3A_222 : vector<1x16xf32> to vector<16xf32>
        %parallel_loop3A_224 = vector.broadcast %parallel_loop3A_219 : f32 to vector<16xf32>
        %parallel_loop3A_225 = arith.mulf %parallel_loop3A_224, %parallel_loop3A_223 : vector<16xf32>
        %parallel_loop3A_226 = vector.extract_strided_slice %parallel_loop3A_103 {offsets = [7], sizes = [1], strides = [1]} : vector<16xf32> to vector<1xf32>
        %parallel_loop3A_227 = vector.extract %parallel_loop3A_226[0] : f32 from vector<1xf32>
        %parallel_loop3A_228 = arith.index_cast %parallel_loop3A_200 : i32 to index
        %parallel_loop3A_229 = arith.constant 96 : index
        %parallel_loop3A_230 = tpu.vector_load %arg12[%parallel_loop3A_228, %parallel_loop3A_229] {strides = array<i32>} : memref<128x160xf32, #tpu.memory_space<vmem>>, vector<1x16xf32>,
        %parallel_loop3A_231 = vector.shape_cast %parallel_loop3A_230 : vector<1x16xf32> to vector<16xf32>
        %parallel_loop3A_232 = vector.broadcast %parallel_loop3A_227 : f32 to vector<16xf32>
        %parallel_loop3A_233 = arith.mulf %parallel_loop3A_232, %parallel_loop3A_231 : vector<16xf32>
        %parallel_loop3A_234 = arith.addf %parallel_loop3A_225, %parallel_loop3A_233 : vector<16xf32>
        %parallel_loop3A_235 = arith.addf %parallel_loop3A_217, %parallel_loop3A_234 : vector<16xf32>
        %parallel_loop3A_236 = arith.index_cast %parallel_loop3A_200 : i32 to index
        %parallel_loop3A_237 = arith.constant 128 : index
        %parallel_loop3A_238 = tpu.vector_load %arg12[%parallel_loop3A_236, %parallel_loop3A_237] {strides = array<i32>} : memref<128x160xf32, #tpu.memory_space<vmem>>, vector<1x16xf32>,
        %parallel_loop3A_239 = vector.shape_cast %parallel_loop3A_238 : vector<1x16xf32> to vector<16xf32>
        %parallel_loop3A_240 = arith.addf %parallel_loop3A_235, %parallel_loop3A_239 : vector<16xf32>
        %parallel_loop3A_241 = arith.index_cast %parallel_loop3A_200 : i32 to index
        %parallel_loop3A_242 = arith.constant 0 : index
        %parallel_loop3A_243 = tpu.vector_load %arg14[%parallel_loop3A_241, %parallel_loop3A_242] {strides = array<i32>} : memref<128x32xf32, #tpu.memory_space<vmem>>, vector<1x16xf32>,
        %parallel_loop3A_244 = vector.shape_cast %parallel_loop3A_243 : vector<1x16xf32> to vector<16xf32>
        %parallel_loop3A_245 = vector.shape_cast %parallel_loop3A_240 : vector<16xf32> to vector<1x16xf32>
        tpu.vector_store %arg14[%parallel_loop3A_241, %parallel_loop3A_242], %parallel_loop3A_245 {strides = array<i32>} : memref<128x32xf32, #tpu.memory_space<vmem>>, vector<1x16xf32>,
        %parallel_loop3A_246 = vector.extract_strided_slice %parallel_loop3A_103 {offsets = [4], sizes = [1], strides = [1]} : vector<16xf32> to vector<1xf32>
        %parallel_loop3A_247 = vector.extract %parallel_loop3A_246[0] : f32 from vector<1xf32>
        %parallel_loop3A_248 = arith.index_cast %parallel_loop3A_200 : i32 to index
        %parallel_loop3A_249 = arith.constant 16 : index
        %parallel_loop3A_250 = tpu.vector_load %arg12[%parallel_loop3A_248, %parallel_loop3A_249] {strides = array<i32>} : memref<128x160xf32, #tpu.memory_space<vmem>>, vector<1x16xf32>,
        %parallel_loop3A_251 = vector.shape_cast %parallel_loop3A_250 : vector<1x16xf32> to vector<16xf32>
        %parallel_loop3A_252 = vector.broadcast %parallel_loop3A_247 : f32 to vector<16xf32>
        %parallel_loop3A_253 = arith.mulf %parallel_loop3A_252, %parallel_loop3A_251 : vector<16xf32>
        %parallel_loop3A_254 = vector.extract_strided_slice %parallel_loop3A_103 {offsets = [5], sizes = [1], strides = [1]} : vector<16xf32> to vector<1xf32>
        %parallel_loop3A_255 = vector.extract %parallel_loop3A_254[0] : f32 from vector<1xf32>
        %parallel_loop3A_256 = arith.index_cast %parallel_loop3A_200 : i32 to index
        %parallel_loop3A_257 = arith.constant 48 : index
        %parallel_loop3A_258 = tpu.vector_load %arg12[%parallel_loop3A_256, %parallel_loop3A_257] {strides = array<i32>} : memref<128x160xf32, #tpu.memory_space<vmem>>, vector<1x16xf32>,
        %parallel_loop3A_259 = vector.shape_cast %parallel_loop3A_258 : vector<1x16xf32> to vector<16xf32>
        %parallel_loop3A_260 = vector.broadcast %parallel_loop3A_255 : f32 to vector<16xf32>
        %parallel_loop3A_261 = arith.mulf %parallel_loop3A_260, %parallel_loop3A_259 : vector<16xf32>
        %parallel_loop3A_262 = arith.addf %parallel_loop3A_253, %parallel_loop3A_261 : vector<16xf32>
        %parallel_loop3A_263 = vector.extract_strided_slice %parallel_loop3A_103 {offsets = [6], sizes = [1], strides = [1]} : vector<16xf32> to vector<1xf32>
        %parallel_loop3A_264 = vector.extract %parallel_loop3A_263[0] : f32 from vector<1xf32>
        %parallel_loop3A_265 = arith.index_cast %parallel_loop3A_200 : i32 to index
        %parallel_loop3A_266 = arith.constant 80 : index
        %parallel_loop3A_267 = tpu.vector_load %arg12[%parallel_loop3A_265, %parallel_loop3A_266] {strides = array<i32>} : memref<128x160xf32, #tpu.memory_space<vmem>>, vector<1x16xf32>,
        %parallel_loop3A_268 = vector.shape_cast %parallel_loop3A_267 : vector<1x16xf32> to vector<16xf32>
        %parallel_loop3A_269 = vector.broadcast %parallel_loop3A_264 : f32 to vector<16xf32>
        %parallel_loop3A_270 = arith.mulf %parallel_loop3A_269, %parallel_loop3A_268 : vector<16xf32>
        %parallel_loop3A_271 = vector.extract_strided_slice %parallel_loop3A_103 {offsets = [7], sizes = [1], strides = [1]} : vector<16xf32> to vector<1xf32>
        %parallel_loop3A_272 = vector.extract %parallel_loop3A_271[0] : f32 from vector<1xf32>
        %parallel_loop3A_273 = arith.index_cast %parallel_loop3A_200 : i32 to index
        %parallel_loop3A_274 = arith.constant 112 : index
        %parallel_loop3A_275 = tpu.vector_load %arg12[%parallel_loop3A_273, %parallel_loop3A_274] {strides = array<i32>} : memref<128x160xf32, #tpu.memory_space<vmem>>, vector<1x16xf32>,
        %parallel_loop3A_276 = vector.shape_cast %parallel_loop3A_275 : vector<1x16xf32> to vector<16xf32>
        %parallel_loop3A_277 = vector.broadcast %parallel_loop3A_272 : f32 to vector<16xf32>
        %parallel_loop3A_278 = arith.mulf %parallel_loop3A_277, %parallel_loop3A_276 : vector<16xf32>
        %parallel_loop3A_279 = arith.addf %parallel_loop3A_270, %parallel_loop3A_278 : vector<16xf32>
        %parallel_loop3A_280 = arith.addf %parallel_loop3A_262, %parallel_loop3A_279 : vector<16xf32>
        %parallel_loop3A_281 = arith.index_cast %parallel_loop3A_200 : i32 to index
        %parallel_loop3A_282 = arith.constant 144 : index
        %parallel_loop3A_283 = tpu.vector_load %arg12[%parallel_loop3A_281, %parallel_loop3A_282] {strides = array<i32>} : memref<128x160xf32, #tpu.memory_space<vmem>>, vector<1x16xf32>,
        %parallel_loop3A_284 = vector.shape_cast %parallel_loop3A_283 : vector<1x16xf32> to vector<16xf32>
        %parallel_loop3A_285 = arith.addf %parallel_loop3A_280, %parallel_loop3A_284 : vector<16xf32>
        %parallel_loop3A_286 = arith.addf %parallel_loop3A_285, %select_n3A : vector<16xf32>
        %parallel_loop3A_287 = arith.index_cast %parallel_loop3A_200 : i32 to index
        %parallel_loop3A_288 = arith.constant 16 : index
        %parallel_loop3A_289 = tpu.vector_load %arg14[%parallel_loop3A_287, %parallel_loop3A_288] {strides = array<i32>} : memref<128x32xf32, #tpu.memory_space<vmem>>, vector<1x16xf32>,
        %parallel_loop3A_290 = vector.shape_cast %parallel_loop3A_289 : vector<1x16xf32> to vector<16xf32>
        %parallel_loop3A_291 = vector.shape_cast %parallel_loop3A_286 : vector<16xf32> to vector<1x16xf32>
        tpu.vector_store %arg14[%parallel_loop3A_287, %parallel_loop3A_288], %parallel_loop3A_291 {strides = array<i32>} : memref<128x32xf32, #tpu.memory_space<vmem>>, vector<1x16xf32>,
      } {sc.loop_unroll_factor = 8 : i64, sc.parallel_access}
      %dma_start3A_62 = arith.constant 0 : i32
      %dma_start3A_63 = tpu.memref_slice %arg10[%mul3A_44, %dma_start3A_62] : memref<40x128xi32, #tpu.memory_space<vmem>> -> memref<1x128xi32, #tpu.memory_space<vmem>>
      %dma_start3A_64 = tpu.memref_squeeze %dma_start3A_63 : memref<1x128xi32, #tpu.memory_space<vmem>> -> memref<128xi32, #tpu.memory_space<vmem>>
      %dma_start3A_65 = arith.constant 0 : i32
      %dma_start3A_66 = arith.constant 0 : i32
      %dma_start3A_67 = tpu.memref_slice %arg8[%dma_start3A_65, %dma_start3A_66] : memref<10112x32xf32, #tpu.memory_space<vmem_shared>> -> memref<10112x32xf32, #tpu.memory_space<vmem_shared>>
      tpu.enqueue_indirect_dma source(%arg14 : memref<128x32xf32, #tpu.memory_space<vmem>>) target(%dma_start3A_67 : memref<10112x32xf32, #tpu.memory_space<vmem_shared>>) offsets(%dma_start3A_64 : memref<128xi32, #tpu.memory_space<vmem>>) semaphore(%arg17 : memref<!tpu.dma_semaphore, #tpu.memory_space<semaphore_mem>>) {add = true}
      %dma_wait3A_68 = arith.constant 0 : i32
      %dma_wait3A_69 = tpu.memref_slice %arg9[%dma_wait3A_68] : memref<5120xi32, #tpu.memory_space<vmem>> -> memref<128xi32, #tpu.memory_space<vmem>>
      %dma_wait3A_70 = arith.constant 0 : i32
      %dma_wait3A_71 = arith.constant 0 : i32
      %dma_wait3A_72 = tpu.memref_slice %arg2[%dma_wait3A_70, %dma_wait3A_71] : memref<10112x160xf32, #tpu.memory_space<hbm>> -> memref<10112x160xf32, #tpu.memory_space<hbm>>
      tpu.wait_indirect_dma semaphore(%arg16 : memref<!tpu.dma_semaphore, #tpu.memory_space<semaphore_mem>>) src(%dma_wait3A_72 : memref<10112x160xf32, #tpu.memory_space<hbm>>) dst(%arg13 : memref<128x160xf32, #tpu.memory_space<vmem>>)
      %lt3A = arith.constant 19 : i32
      %lt3A_73 = arith.cmpi slt, %scan3A_42, %lt3A : i32
      %convert_element_type3A_74 = arith.extui %lt3A_73 : i1 to i32
      %cond3A_75 = arith.constant 0 : i32
      %cond3A_76 = arith.cmpi ne, %convert_element_type3A_74, %cond3A_75 : i32
      scf.if %cond3A_76 {
        %add3A_95 = arith.constant 2 : i32
        %add3A_96 = arith.addi %mul3A_44, %add3A_95 : i32
        %mul3A_97 = arith.constant 128 : i32
        %mul3A_98 = arith.muli %add3A_96, %mul3A_97 : i32
        %dma_start3A_99 = tpu.memref_slice %arg9[%mul3A_98] : memref<5120xi32, #tpu.memory_space<vmem>> -> memref<128xi32, #tpu.memory_space<vmem>>
        %dma_start3A_100 = arith.constant 0 : i32
        %dma_start3A_101 = arith.constant 0 : i32
        %dma_start3A_102 = tpu.memref_slice %arg2[%dma_start3A_100, %dma_start3A_101] : memref<10112x160xf32, #tpu.memory_space<hbm>> -> memref<10112x160xf32, #tpu.memory_space<hbm>>
        tpu.enqueue_indirect_dma source(%dma_start3A_102 : memref<10112x160xf32, #tpu.memory_space<hbm>>) target(%arg12 : memref<128x160xf32, #tpu.memory_space<vmem>>) offsets(%dma_start3A_99 : memref<128xi32, #tpu.memory_space<vmem>>) semaphore(%arg16 : memref<!tpu.dma_semaphore, #tpu.memory_space<semaphore_mem>>)
      } else {
      }
      %gt3A_77 = arith.constant 0 : i32
      %gt3A_78 = arith.cmpi sgt, %scan3A_42, %gt3A_77 : i32
      %convert_element_type3A_79 = arith.extui %gt3A_78 : i1 to i32
      %cond3A_80 = arith.constant 0 : i32
      %cond3A_81 = arith.cmpi ne, %convert_element_type3A_79, %cond3A_80 : i32
      scf.if %cond3A_81 {
        %dma_wait3A_95 = arith.constant 0 : i32
        %dma_wait3A_96 = arith.constant 0 : i32
        %dma_wait3A_97 = tpu.memref_slice %arg10[%dma_wait3A_95, %dma_wait3A_96] : memref<40x128xi32, #tpu.memory_space<vmem>> -> memref<1x128xi32, #tpu.memory_space<vmem>>
        %dma_wait3A_98 = tpu.memref_squeeze %dma_wait3A_97 : memref<1x128xi32, #tpu.memory_space<vmem>> -> memref<128xi32, #tpu.memory_space<vmem>>
        %dma_wait3A_99 = arith.constant 0 : i32
        %dma_wait3A_100 = arith.constant 0 : i32
        %dma_wait3A_101 = tpu.memref_slice %arg8[%dma_wait3A_99, %dma_wait3A_100] : memref<10112x32xf32, #tpu.memory_space<vmem_shared>> -> memref<10112x32xf32, #tpu.memory_space<vmem_shared>>
        tpu.wait_indirect_dma semaphore(%arg17 : memref<!tpu.dma_semaphore, #tpu.memory_space<semaphore_mem>>) src(%arg15 : memref<128x32xf32, #tpu.memory_space<vmem>>) dst(%dma_wait3A_101 : memref<10112x32xf32, #tpu.memory_space<vmem_shared>>)
      } else {
      }
      %add3A_82 = arith.constant 1 : i32
      %add3A_83 = arith.addi %mul3A_44, %add3A_82 : i32
      %parallel_loop3A_84 = arith.constant 0 : i32
      %parallel_loop3A_85 = arith.constant 64 : i32
      %parallel_loop3A_86 = arith.constant 1 : i32
      scf.for %parallel_loop3A_95 = %parallel_loop3A_84 to %parallel_loop3A_85 step %parallel_loop3A_86  : i32 {
        %parallel_loop3A_96 = arith.constant 512 : i32
        %parallel_loop3A_97 = arith.muli %add3A_83, %parallel_loop3A_96 : i32
        %parallel_loop3A_98 = arith.constant 8 : i32
        %parallel_loop3A_99 = arith.muli %parallel_loop3A_98, %parallel_loop3A_95 : i32
        %parallel_loop3A_100 = arith.addi %parallel_loop3A_97, %parallel_loop3A_99 : i32
        %parallel_loop3A_101 = arith.index_cast %parallel_loop3A_100 : i32 to index
        %parallel_loop3A_102 = tpu.vector_load %arg11[%parallel_loop3A_101] {strides = array<i32>} : memref<20496xf32, #tpu.memory_space<vmem>>, vector<16xf32>,
        %parallel_loop3A_103 = vector.shape_cast %parallel_loop3A_102 : vector<16xf32> to vector<16xf32>
        %parallel_loop3A_104 = arith.constant 2 : i32
        %parallel_loop3A_105 = arith.muli %parallel_loop3A_104, %parallel_loop3A_95 : i32
        %parallel_loop3A_106 = vector.extract_strided_slice %parallel_loop3A_103 {offsets = [0], sizes = [1], strides = [1]} : vector<16xf32> to vector<1xf32>
        %parallel_loop3A_107 = vector.extract %parallel_loop3A_106[0] : f32 from vector<1xf32>
        %parallel_loop3A_108 = arith.index_cast %parallel_loop3A_105 : i32 to index
        %parallel_loop3A_109 = arith.constant 0 : index
        %parallel_loop3A_110 = tpu.vector_load %arg13[%parallel_loop3A_108, %parallel_loop3A_109] {strides = array<i32>} : memref<128x160xf32, #tpu.memory_space<vmem>>, vector<1x16xf32>,
        %parallel_loop3A_111 = vector.shape_cast %parallel_loop3A_110 : vector<1x16xf32> to vector<16xf32>
        %parallel_loop3A_112 = vector.broadcast %parallel_loop3A_107 : f32 to vector<16xf32>
        %parallel_loop3A_113 = arith.mulf %parallel_loop3A_112, %parallel_loop3A_111 : vector<16xf32>
        %parallel_loop3A_114 = vector.extract_strided_slice %parallel_loop3A_103 {offsets = [1], sizes = [1], strides = [1]} : vector<16xf32> to vector<1xf32>
        %parallel_loop3A_115 = vector.extract %parallel_loop3A_114[0] : f32 from vector<1xf32>
        %parallel_loop3A_116 = arith.index_cast %parallel_loop3A_105 : i32 to index
        %parallel_loop3A_117 = arith.constant 32 : index
        %parallel_loop3A_118 = tpu.vector_load %arg13[%parallel_loop3A_116, %parallel_loop3A_117] {strides = array<i32>} : memref<128x160xf32, #tpu.memory_space<vmem>>, vector<1x16xf32>,
        %parallel_loop3A_119 = vector.shape_cast %parallel_loop3A_118 : vector<1x16xf32> to vector<16xf32>
        %parallel_loop3A_120 = vector.broadcast %parallel_loop3A_115 : f32 to vector<16xf32>
        %parallel_loop3A_121 = arith.mulf %parallel_loop3A_120, %parallel_loop3A_119 : vector<16xf32>
        %parallel_loop3A_122 = arith.addf %parallel_loop3A_113, %parallel_loop3A_121 : vector<16xf32>
        %parallel_loop3A_123 = vector.extract_strided_slice %parallel_loop3A_103 {offsets = [2], sizes = [1], strides = [1]} : vector<16xf32> to vector<1xf32>
        %parallel_loop3A_124 = vector.extract %parallel_loop3A_123[0] : f32 from vector<1xf32>
        %parallel_loop3A_125 = arith.index_cast %parallel_loop3A_105 : i32 to index
        %parallel_loop3A_126 = arith.constant 64 : index
        %parallel_loop3A_127 = tpu.vector_load %arg13[%parallel_loop3A_125, %parallel_loop3A_126] {strides = array<i32>} : memref<128x160xf32, #tpu.memory_space<vmem>>, vector<1x16xf32>,
        %parallel_loop3A_128 = vector.shape_cast %parallel_loop3A_127 : vector<1x16xf32> to vector<16xf32>
        %parallel_loop3A_129 = vector.broadcast %parallel_loop3A_124 : f32 to vector<16xf32>
        %parallel_loop3A_130 = arith.mulf %parallel_loop3A_129, %parallel_loop3A_128 : vector<16xf32>
        %parallel_loop3A_131 = vector.extract_strided_slice %parallel_loop3A_103 {offsets = [3], sizes = [1], strides = [1]} : vector<16xf32> to vector<1xf32>
        %parallel_loop3A_132 = vector.extract %parallel_loop3A_131[0] : f32 from vector<1xf32>
        %parallel_loop3A_133 = arith.index_cast %parallel_loop3A_105 : i32 to index
        %parallel_loop3A_134 = arith.constant 96 : index
        %parallel_loop3A_135 = tpu.vector_load %arg13[%parallel_loop3A_133, %parallel_loop3A_134] {strides = array<i32>} : memref<128x160xf32, #tpu.memory_space<vmem>>, vector<1x16xf32>,
        %parallel_loop3A_136 = vector.shape_cast %parallel_loop3A_135 : vector<1x16xf32> to vector<16xf32>
        %parallel_loop3A_137 = vector.broadcast %parallel_loop3A_132 : f32 to vector<16xf32>
        %parallel_loop3A_138 = arith.mulf %parallel_loop3A_137, %parallel_loop3A_136 : vector<16xf32>
        %parallel_loop3A_139 = arith.addf %parallel_loop3A_130, %parallel_loop3A_138 : vector<16xf32>
        %parallel_loop3A_140 = arith.addf %parallel_loop3A_122, %parallel_loop3A_139 : vector<16xf32>
        %parallel_loop3A_141 = arith.index_cast %parallel_loop3A_105 : i32 to index
        %parallel_loop3A_142 = arith.constant 128 : index
        %parallel_loop3A_143 = tpu.vector_load %arg13[%parallel_loop3A_141, %parallel_loop3A_142] {strides = array<i32>} : memref<128x160xf32, #tpu.memory_space<vmem>>, vector<1x16xf32>,
        %parallel_loop3A_144 = vector.shape_cast %parallel_loop3A_143 : vector<1x16xf32> to vector<16xf32>
        %parallel_loop3A_145 = arith.addf %parallel_loop3A_140, %parallel_loop3A_144 : vector<16xf32>
        %parallel_loop3A_146 = arith.index_cast %parallel_loop3A_105 : i32 to index
        %parallel_loop3A_147 = arith.constant 0 : index
        %parallel_loop3A_148 = tpu.vector_load %arg15[%parallel_loop3A_146, %parallel_loop3A_147] {strides = array<i32>} : memref<128x32xf32, #tpu.memory_space<vmem>>, vector<1x16xf32>,
        %parallel_loop3A_149 = vector.shape_cast %parallel_loop3A_148 : vector<1x16xf32> to vector<16xf32>
        %parallel_loop3A_150 = vector.shape_cast %parallel_loop3A_145 : vector<16xf32> to vector<1x16xf32>
        tpu.vector_store %arg15[%parallel_loop3A_146, %parallel_loop3A_147], %parallel_loop3A_150 {strides = array<i32>} : memref<128x32xf32, #tpu.memory_space<vmem>>, vector<1x16xf32>,
        %parallel_loop3A_151 = vector.extract_strided_slice %parallel_loop3A_103 {offsets = [0], sizes = [1], strides = [1]} : vector<16xf32> to vector<1xf32>
        %parallel_loop3A_152 = vector.extract %parallel_loop3A_151[0] : f32 from vector<1xf32>
        %parallel_loop3A_153 = arith.index_cast %parallel_loop3A_105 : i32 to index
        %parallel_loop3A_154 = arith.constant 16 : index
        %parallel_loop3A_155 = tpu.vector_load %arg13[%parallel_loop3A_153, %parallel_loop3A_154] {strides = array<i32>} : memref<128x160xf32, #tpu.memory_space<vmem>>, vector<1x16xf32>,
        %parallel_loop3A_156 = vector.shape_cast %parallel_loop3A_155 : vector<1x16xf32> to vector<16xf32>
        %parallel_loop3A_157 = vector.broadcast %parallel_loop3A_152 : f32 to vector<16xf32>
        %parallel_loop3A_158 = arith.mulf %parallel_loop3A_157, %parallel_loop3A_156 : vector<16xf32>
        %parallel_loop3A_159 = vector.extract_strided_slice %parallel_loop3A_103 {offsets = [1], sizes = [1], strides = [1]} : vector<16xf32> to vector<1xf32>
        %parallel_loop3A_160 = vector.extract %parallel_loop3A_159[0] : f32 from vector<1xf32>
        %parallel_loop3A_161 = arith.index_cast %parallel_loop3A_105 : i32 to index
        %parallel_loop3A_162 = arith.constant 48 : index
        %parallel_loop3A_163 = tpu.vector_load %arg13[%parallel_loop3A_161, %parallel_loop3A_162] {strides = array<i32>} : memref<128x160xf32, #tpu.memory_space<vmem>>, vector<1x16xf32>,
        %parallel_loop3A_164 = vector.shape_cast %parallel_loop3A_163 : vector<1x16xf32> to vector<16xf32>
        %parallel_loop3A_165 = vector.broadcast %parallel_loop3A_160 : f32 to vector<16xf32>
        %parallel_loop3A_166 = arith.mulf %parallel_loop3A_165, %parallel_loop3A_164 : vector<16xf32>
        %parallel_loop3A_167 = arith.addf %parallel_loop3A_158, %parallel_loop3A_166 : vector<16xf32>
        %parallel_loop3A_168 = vector.extract_strided_slice %parallel_loop3A_103 {offsets = [2], sizes = [1], strides = [1]} : vector<16xf32> to vector<1xf32>
        %parallel_loop3A_169 = vector.extract %parallel_loop3A_168[0] : f32 from vector<1xf32>
        %parallel_loop3A_170 = arith.index_cast %parallel_loop3A_105 : i32 to index
        %parallel_loop3A_171 = arith.constant 80 : index
        %parallel_loop3A_172 = tpu.vector_load %arg13[%parallel_loop3A_170, %parallel_loop3A_171] {strides = array<i32>} : memref<128x160xf32, #tpu.memory_space<vmem>>, vector<1x16xf32>,
        %parallel_loop3A_173 = vector.shape_cast %parallel_loop3A_172 : vector<1x16xf32> to vector<16xf32>
        %parallel_loop3A_174 = vector.broadcast %parallel_loop3A_169 : f32 to vector<16xf32>
        %parallel_loop3A_175 = arith.mulf %parallel_loop3A_174, %parallel_loop3A_173 : vector<16xf32>
        %parallel_loop3A_176 = vector.extract_strided_slice %parallel_loop3A_103 {offsets = [3], sizes = [1], strides = [1]} : vector<16xf32> to vector<1xf32>
        %parallel_loop3A_177 = vector.extract %parallel_loop3A_176[0] : f32 from vector<1xf32>
        %parallel_loop3A_178 = arith.index_cast %parallel_loop3A_105 : i32 to index
        %parallel_loop3A_179 = arith.constant 112 : index
        %parallel_loop3A_180 = tpu.vector_load %arg13[%parallel_loop3A_178, %parallel_loop3A_179] {strides = array<i32>} : memref<128x160xf32, #tpu.memory_space<vmem>>, vector<1x16xf32>,
        %parallel_loop3A_181 = vector.shape_cast %parallel_loop3A_180 : vector<1x16xf32> to vector<16xf32>
        %parallel_loop3A_182 = vector.broadcast %parallel_loop3A_177 : f32 to vector<16xf32>
        %parallel_loop3A_183 = arith.mulf %parallel_loop3A_182, %parallel_loop3A_181 : vector<16xf32>
        %parallel_loop3A_184 = arith.addf %parallel_loop3A_175, %parallel_loop3A_183 : vector<16xf32>
        %parallel_loop3A_185 = arith.addf %parallel_loop3A_167, %parallel_loop3A_184 : vector<16xf32>
        %parallel_loop3A_186 = arith.index_cast %parallel_loop3A_105 : i32 to index
        %parallel_loop3A_187 = arith.constant 144 : index
        %parallel_loop3A_188 = tpu.vector_load %arg13[%parallel_loop3A_186, %parallel_loop3A_187] {strides = array<i32>} : memref<128x160xf32, #tpu.memory_space<vmem>>, vector<1x16xf32>,
        %parallel_loop3A_189 = vector.shape_cast %parallel_loop3A_188 : vector<1x16xf32> to vector<16xf32>
        %parallel_loop3A_190 = arith.addf %parallel_loop3A_185, %parallel_loop3A_189 : vector<16xf32>
        %parallel_loop3A_191 = arith.addf %parallel_loop3A_190, %select_n3A : vector<16xf32>
        %parallel_loop3A_192 = arith.index_cast %parallel_loop3A_105 : i32 to index
        %parallel_loop3A_193 = arith.constant 16 : index
        %parallel_loop3A_194 = tpu.vector_load %arg15[%parallel_loop3A_192, %parallel_loop3A_193] {strides = array<i32>} : memref<128x32xf32, #tpu.memory_space<vmem>>, vector<1x16xf32>,
        %parallel_loop3A_195 = vector.shape_cast %parallel_loop3A_194 : vector<1x16xf32> to vector<16xf32>
        %parallel_loop3A_196 = vector.shape_cast %parallel_loop3A_191 : vector<16xf32> to vector<1x16xf32>
        tpu.vector_store %arg15[%parallel_loop3A_192, %parallel_loop3A_193], %parallel_loop3A_196 {strides = array<i32>} : memref<128x32xf32, #tpu.memory_space<vmem>>, vector<1x16xf32>,
        %parallel_loop3A_197 = arith.constant 2 : i32
        %parallel_loop3A_198 = arith.muli %parallel_loop3A_197, %parallel_loop3A_95 : i32
        %parallel_loop3A_199 = arith.constant 1 : i32
        %parallel_loop3A_200 = arith.addi %parallel_loop3A_198, %parallel_loop3A_199 : i32
        %parallel_loop3A_201 = vector.extract_strided_slice %parallel_loop3A_103 {offsets = [4], sizes = [1], strides = [1]} : vector<16xf32> to vector<1xf32>
        %parallel_loop3A_202 = vector.extract %parallel_loop3A_201[0] : f32 from vector<1xf32>
        %parallel_loop3A_203 = arith.index_cast %parallel_loop3A_200 : i32 to index
        %parallel_loop3A_204 = arith.constant 0 : index
        %parallel_loop3A_205 = tpu.vector_load %arg13[%parallel_loop3A_203, %parallel_loop3A_204] {strides = array<i32>} : memref<128x160xf32, #tpu.memory_space<vmem>>, vector<1x16xf32>,
        %parallel_loop3A_206 = vector.shape_cast %parallel_loop3A_205 : vector<1x16xf32> to vector<16xf32>
        %parallel_loop3A_207 = vector.broadcast %parallel_loop3A_202 : f32 to vector<16xf32>
        %parallel_loop3A_208 = arith.mulf %parallel_loop3A_207, %parallel_loop3A_206 : vector<16xf32>
        %parallel_loop3A_209 = vector.extract_strided_slice %parallel_loop3A_103 {offsets = [5], sizes = [1], strides = [1]} : vector<16xf32> to vector<1xf32>
        %parallel_loop3A_210 = vector.extract %parallel_loop3A_209[0] : f32 from vector<1xf32>
        %parallel_loop3A_211 = arith.index_cast %parallel_loop3A_200 : i32 to index
        %parallel_loop3A_212 = arith.constant 32 : index
        %parallel_loop3A_213 = tpu.vector_load %arg13[%parallel_loop3A_211, %parallel_loop3A_212] {strides = array<i32>} : memref<128x160xf32, #tpu.memory_space<vmem>>, vector<1x16xf32>,
        %parallel_loop3A_214 = vector.shape_cast %parallel_loop3A_213 : vector<1x16xf32> to vector<16xf32>
        %parallel_loop3A_215 = vector.broadcast %parallel_loop3A_210 : f32 to vector<16xf32>
        %parallel_loop3A_216 = arith.mulf %parallel_loop3A_215, %parallel_loop3A_214 : vector<16xf32>
        %parallel_loop3A_217 = arith.addf %parallel_loop3A_208, %parallel_loop3A_216 : vector<16xf32>
        %parallel_loop3A_218 = vector.extract_strided_slice %parallel_loop3A_103 {offsets = [6], sizes = [1], strides = [1]} : vector<16xf32> to vector<1xf32>
        %parallel_loop3A_219 = vector.extract %parallel_loop3A_218[0] : f32 from vector<1xf32>
        %parallel_loop3A_220 = arith.index_cast %parallel_loop3A_200 : i32 to index
        %parallel_loop3A_221 = arith.constant 64 : index
        %parallel_loop3A_222 = tpu.vector_load %arg13[%parallel_loop3A_220, %parallel_loop3A_221] {strides = array<i32>} : memref<128x160xf32, #tpu.memory_space<vmem>>, vector<1x16xf32>,
        %parallel_loop3A_223 = vector.shape_cast %parallel_loop3A_222 : vector<1x16xf32> to vector<16xf32>
        %parallel_loop3A_224 = vector.broadcast %parallel_loop3A_219 : f32 to vector<16xf32>
        %parallel_loop3A_225 = arith.mulf %parallel_loop3A_224, %parallel_loop3A_223 : vector<16xf32>
        %parallel_loop3A_226 = vector.extract_strided_slice %parallel_loop3A_103 {offsets = [7], sizes = [1], strides = [1]} : vector<16xf32> to vector<1xf32>
        %parallel_loop3A_227 = vector.extract %parallel_loop3A_226[0] : f32 from vector<1xf32>
        %parallel_loop3A_228 = arith.index_cast %parallel_loop3A_200 : i32 to index
        %parallel_loop3A_229 = arith.constant 96 : index
        %parallel_loop3A_230 = tpu.vector_load %arg13[%parallel_loop3A_228, %parallel_loop3A_229] {strides = array<i32>} : memref<128x160xf32, #tpu.memory_space<vmem>>, vector<1x16xf32>,
        %parallel_loop3A_231 = vector.shape_cast %parallel_loop3A_230 : vector<1x16xf32> to vector<16xf32>
        %parallel_loop3A_232 = vector.broadcast %parallel_loop3A_227 : f32 to vector<16xf32>
        %parallel_loop3A_233 = arith.mulf %parallel_loop3A_232, %parallel_loop3A_231 : vector<16xf32>
        %parallel_loop3A_234 = arith.addf %parallel_loop3A_225, %parallel_loop3A_233 : vector<16xf32>
        %parallel_loop3A_235 = arith.addf %parallel_loop3A_217, %parallel_loop3A_234 : vector<16xf32>
        %parallel_loop3A_236 = arith.index_cast %parallel_loop3A_200 : i32 to index
        %parallel_loop3A_237 = arith.constant 128 : index
        %parallel_loop3A_238 = tpu.vector_load %arg13[%parallel_loop3A_236, %parallel_loop3A_237] {strides = array<i32>} : memref<128x160xf32, #tpu.memory_space<vmem>>, vector<1x16xf32>,
        %parallel_loop3A_239 = vector.shape_cast %parallel_loop3A_238 : vector<1x16xf32> to vector<16xf32>
        %parallel_loop3A_240 = arith.addf %parallel_loop3A_235, %parallel_loop3A_239 : vector<16xf32>
        %parallel_loop3A_241 = arith.index_cast %parallel_loop3A_200 : i32 to index
        %parallel_loop3A_242 = arith.constant 0 : index
        %parallel_loop3A_243 = tpu.vector_load %arg15[%parallel_loop3A_241, %parallel_loop3A_242] {strides = array<i32>} : memref<128x32xf32, #tpu.memory_space<vmem>>, vector<1x16xf32>,
        %parallel_loop3A_244 = vector.shape_cast %parallel_loop3A_243 : vector<1x16xf32> to vector<16xf32>
        %parallel_loop3A_245 = vector.shape_cast %parallel_loop3A_240 : vector<16xf32> to vector<1x16xf32>
        tpu.vector_store %arg15[%parallel_loop3A_241, %parallel_loop3A_242], %parallel_loop3A_245 {strides = array<i32>} : memref<128x32xf32, #tpu.memory_space<vmem>>, vector<1x16xf32>,
        %parallel_loop3A_246 = vector.extract_strided_slice %parallel_loop3A_103 {offsets = [4], sizes = [1], strides = [1]} : vector<16xf32> to vector<1xf32>
        %parallel_loop3A_247 = vector.extract %parallel_loop3A_246[0] : f32 from vector<1xf32>
        %parallel_loop3A_248 = arith.index_cast %parallel_loop3A_200 : i32 to index
        %parallel_loop3A_249 = arith.constant 16 : index
        %parallel_loop3A_250 = tpu.vector_load %arg13[%parallel_loop3A_248, %parallel_loop3A_249] {strides = array<i32>} : memref<128x160xf32, #tpu.memory_space<vmem>>, vector<1x16xf32>,
        %parallel_loop3A_251 = vector.shape_cast %parallel_loop3A_250 : vector<1x16xf32> to vector<16xf32>
        %parallel_loop3A_252 = vector.broadcast %parallel_loop3A_247 : f32 to vector<16xf32>
        %parallel_loop3A_253 = arith.mulf %parallel_loop3A_252, %parallel_loop3A_251 : vector<16xf32>
        %parallel_loop3A_254 = vector.extract_strided_slice %parallel_loop3A_103 {offsets = [5], sizes = [1], strides = [1]} : vector<16xf32> to vector<1xf32>
        %parallel_loop3A_255 = vector.extract %parallel_loop3A_254[0] : f32 from vector<1xf32>
        %parallel_loop3A_256 = arith.index_cast %parallel_loop3A_200 : i32 to index
        %parallel_loop3A_257 = arith.constant 48 : index
        %parallel_loop3A_258 = tpu.vector_load %arg13[%parallel_loop3A_256, %parallel_loop3A_257] {strides = array<i32>} : memref<128x160xf32, #tpu.memory_space<vmem>>, vector<1x16xf32>,
        %parallel_loop3A_259 = vector.shape_cast %parallel_loop3A_258 : vector<1x16xf32> to vector<16xf32>
        %parallel_loop3A_260 = vector.broadcast %parallel_loop3A_255 : f32 to vector<16xf32>
        %parallel_loop3A_261 = arith.mulf %parallel_loop3A_260, %parallel_loop3A_259 : vector<16xf32>
        %parallel_loop3A_262 = arith.addf %parallel_loop3A_253, %parallel_loop3A_261 : vector<16xf32>
        %parallel_loop3A_263 = vector.extract_strided_slice %parallel_loop3A_103 {offsets = [6], sizes = [1], strides = [1]} : vector<16xf32> to vector<1xf32>
        %parallel_loop3A_264 = vector.extract %parallel_loop3A_263[0] : f32 from vector<1xf32>
        %parallel_loop3A_265 = arith.index_cast %parallel_loop3A_200 : i32 to index
        %parallel_loop3A_266 = arith.constant 80 : index
        %parallel_loop3A_267 = tpu.vector_load %arg13[%parallel_loop3A_265, %parallel_loop3A_266] {strides = array<i32>} : memref<128x160xf32, #tpu.memory_space<vmem>>, vector<1x16xf32>,
        %parallel_loop3A_268 = vector.shape_cast %parallel_loop3A_267 : vector<1x16xf32> to vector<16xf32>
        %parallel_loop3A_269 = vector.broadcast %parallel_loop3A_264 : f32 to vector<16xf32>
        %parallel_loop3A_270 = arith.mulf %parallel_loop3A_269, %parallel_loop3A_268 : vector<16xf32>
        %parallel_loop3A_271 = vector.extract_strided_slice %parallel_loop3A_103 {offsets = [7], sizes = [1], strides = [1]} : vector<16xf32> to vector<1xf32>
        %parallel_loop3A_272 = vector.extract %parallel_loop3A_271[0] : f32 from vector<1xf32>
        %parallel_loop3A_273 = arith.index_cast %parallel_loop3A_200 : i32 to index
        %parallel_loop3A_274 = arith.constant 112 : index
        %parallel_loop3A_275 = tpu.vector_load %arg13[%parallel_loop3A_273, %parallel_loop3A_274] {strides = array<i32>} : memref<128x160xf32, #tpu.memory_space<vmem>>, vector<1x16xf32>,
        %parallel_loop3A_276 = vector.shape_cast %parallel_loop3A_275 : vector<1x16xf32> to vector<16xf32>
        %parallel_loop3A_277 = vector.broadcast %parallel_loop3A_272 : f32 to vector<16xf32>
        %parallel_loop3A_278 = arith.mulf %parallel_loop3A_277, %parallel_loop3A_276 : vector<16xf32>
        %parallel_loop3A_279 = arith.addf %parallel_loop3A_270, %parallel_loop3A_278 : vector<16xf32>
        %parallel_loop3A_280 = arith.addf %parallel_loop3A_262, %parallel_loop3A_279 : vector<16xf32>
        %parallel_loop3A_281 = arith.index_cast %parallel_loop3A_200 : i32 to index
        %parallel_loop3A_282 = arith.constant 144 : index
        %parallel_loop3A_283 = tpu.vector_load %arg13[%parallel_loop3A_281, %parallel_loop3A_282] {strides = array<i32>} : memref<128x160xf32, #tpu.memory_space<vmem>>, vector<1x16xf32>,
        %parallel_loop3A_284 = vector.shape_cast %parallel_loop3A_283 : vector<1x16xf32> to vector<16xf32>
        %parallel_loop3A_285 = arith.addf %parallel_loop3A_280, %parallel_loop3A_284 : vector<16xf32>
        %parallel_loop3A_286 = arith.addf %parallel_loop3A_285, %select_n3A : vector<16xf32>
        %parallel_loop3A_287 = arith.index_cast %parallel_loop3A_200 : i32 to index
        %parallel_loop3A_288 = arith.constant 16 : index
        %parallel_loop3A_289 = tpu.vector_load %arg15[%parallel_loop3A_287, %parallel_loop3A_288] {strides = array<i32>} : memref<128x32xf32, #tpu.memory_space<vmem>>, vector<1x16xf32>,
        %parallel_loop3A_290 = vector.shape_cast %parallel_loop3A_289 : vector<1x16xf32> to vector<16xf32>
        %parallel_loop3A_291 = vector.shape_cast %parallel_loop3A_286 : vector<16xf32> to vector<1x16xf32>
        tpu.vector_store %arg15[%parallel_loop3A_287, %parallel_loop3A_288], %parallel_loop3A_291 {strides = array<i32>} : memref<128x32xf32, #tpu.memory_space<vmem>>, vector<1x16xf32>,
      } {sc.loop_unroll_factor = 8 : i64, sc.parallel_access}
      %add3A_87 = arith.constant 1 : i32
      %add3A_88 = arith.addi %mul3A_44, %add3A_87 : i32
      %dma_start3A_89 = arith.constant 0 : i32
      %dma_start3A_90 = tpu.memref_slice %arg10[%add3A_88, %dma_start3A_89] : memref<40x128xi32, #tpu.memory_space<vmem>> -> memref<1x128xi32, #tpu.memory_space<vmem>>
      %dma_start3A_91 = tpu.memref_squeeze %dma_start3A_90 : memref<1x128xi32, #tpu.memory_space<vmem>> -> memref<128xi32, #tpu.memory_space<vmem>>
      %dma_start3A_92 = arith.constant 0 : i32
      %dma_start3A_93 = arith.constant 0 : i32
      %dma_start3A_94 = tpu.memref_slice %arg8[%dma_start3A_92, %dma_start3A_93] : memref<10112x32xf32, #tpu.memory_space<vmem_shared>> -> memref<10112x32xf32, #tpu.memory_space<vmem_shared>>
      tpu.enqueue_indirect_dma source(%arg15 : memref<128x32xf32, #tpu.memory_space<vmem>>) target(%dma_start3A_94 : memref<10112x32xf32, #tpu.memory_space<vmem_shared>>) offsets(%dma_start3A_91 : memref<128xi32, #tpu.memory_space<vmem>>) semaphore(%arg17 : memref<!tpu.dma_semaphore, #tpu.memory_space<semaphore_mem>>) {add = true}
    }
    %scan3A_23 = arith.constant 20 : i32
    %dma_wait3A = arith.constant 0 : i32
    %dma_wait3A_24 = arith.constant 0 : i32
    %dma_wait3A_25 = tpu.memref_slice %arg10[%dma_wait3A, %dma_wait3A_24] : memref<40x128xi32, #tpu.memory_space<vmem>> -> memref<1x128xi32, #tpu.memory_space<vmem>>
    %dma_wait3A_26 = tpu.memref_squeeze %dma_wait3A_25 : memref<1x128xi32, #tpu.memory_space<vmem>> -> memref<128xi32, #tpu.memory_space<vmem>>
    %dma_wait3A_27 = arith.constant 0 : i32
    %dma_wait3A_28 = arith.constant 0 : i32
    %dma_wait3A_29 = tpu.memref_slice %arg8[%dma_wait3A_27, %dma_wait3A_28] : memref<10112x32xf32, #tpu.memory_space<vmem_shared>> -> memref<10112x32xf32, #tpu.memory_space<vmem_shared>>
    tpu.wait_indirect_dma semaphore(%arg17 : memref<!tpu.dma_semaphore, #tpu.memory_space<semaphore_mem>>) src(%arg14 : memref<128x32xf32, #tpu.memory_space<vmem>>) dst(%dma_wait3A_29 : memref<10112x32xf32, #tpu.memory_space<vmem_shared>>)
    %dma_wait3A_30 = arith.constant 0 : i32
    %dma_wait3A_31 = arith.constant 0 : i32
    %dma_wait3A_32 = tpu.memref_slice %arg10[%dma_wait3A_30, %dma_wait3A_31] : memref<40x128xi32, #tpu.memory_space<vmem>> -> memref<1x128xi32, #tpu.memory_space<vmem>>
    %dma_wait3A_33 = tpu.memref_squeeze %dma_wait3A_32 : memref<1x128xi32, #tpu.memory_space<vmem>> -> memref<128xi32, #tpu.memory_space<vmem>>
    %dma_wait3A_34 = arith.constant 0 : i32
    %dma_wait3A_35 = arith.constant 0 : i32
    %dma_wait3A_36 = tpu.memref_slice %arg8[%dma_wait3A_34, %dma_wait3A_35] : memref<10112x32xf32, #tpu.memory_space<vmem_shared>> -> memref<10112x32xf32, #tpu.memory_space<vmem_shared>>
    tpu.wait_indirect_dma semaphore(%arg17 : memref<!tpu.dma_semaphore, #tpu.memory_space<semaphore_mem>>) src(%arg15 : memref<128x32xf32, #tpu.memory_space<vmem>>) dst(%dma_wait3A_36 : memref<10112x32xf32, #tpu.memory_space<vmem_shared>>)
    %barrier3A_37 = arith.constant 0 : index
    tpu.barrier barrier_id(%barrier3A_37)
    %mul3A_38 = arith.constant 632 : i32
    %mul3A_39 = arith.muli %arg1, %mul3A_38 : i32
    %mul3A_40 = arith.constant 632 : i32
    %mul3A_41 = arith.muli %arg1, %mul3A_40 : i32
    "tpu.region"() ({
      %run_scoped3A = tpu.sem_alloc : memref<!tpu.dma_semaphore, #tpu.memory_space<semaphore_mem>>
      %dma_start3A_42 = arith.constant 0 : i32
      %dma_start3A_43 = tpu.memref_slice %arg7[%arg0, %mul3A_41, %dma_start3A_42] : memref<2x10112x32xf32, #tpu.memory_space<hbm>> -> memref<1x632x32xf32, #tpu.memory_space<hbm>>
      %dma_start3A_44 = tpu.memref_squeeze %dma_start3A_43 : memref<1x632x32xf32, #tpu.memory_space<hbm>> -> memref<632x32xf32, #tpu.memory_space<hbm>>
      %dma_start3A_45 = arith.constant 0 : i32
      %dma_start3A_46 = tpu.memref_slice %arg8[%mul3A_39, %dma_start3A_45] : memref<10112x32xf32, #tpu.memory_space<vmem_shared>> -> memref<632x32xf32, #tpu.memory_space<vmem_shared>>
      tpu.enqueue_dma source(%dma_start3A_46 : memref<632x32xf32, #tpu.memory_space<vmem_shared>>) target(%dma_start3A_44 : memref<632x32xf32, #tpu.memory_space<hbm>>) target_semaphore(%run_scoped3A : memref<!tpu.dma_semaphore, #tpu.memory_space<semaphore_mem>>)
      %dma_wait3A_47 = arith.constant 0 : i32
      %dma_wait3A_48 = tpu.memref_slice %arg7[%arg0, %mul3A_41, %dma_wait3A_47] : memref<2x10112x32xf32, #tpu.memory_space<hbm>> -> memref<1x632x32xf32, #tpu.memory_space<hbm>>
      %dma_wait3A_49 = tpu.memref_squeeze %dma_wait3A_48 : memref<1x632x32xf32, #tpu.memory_space<hbm>> -> memref<632x32xf32, #tpu.memory_space<hbm>>
      %dma_wait3A_50 = arith.constant 0 : i32
      %dma_wait3A_51 = tpu.memref_slice %arg8[%mul3A_39, %dma_wait3A_50] : memref<10112x32xf32, #tpu.memory_space<vmem_shared>> -> memref<632x32xf32, #tpu.memory_space<vmem_shared>>
      tpu.wait_dma2 semaphore(%run_scoped3A : memref<!tpu.dma_semaphore, #tpu.memory_space<semaphore_mem>>) src(%dma_wait3A_51 : memref<632x32xf32, #tpu.memory_space<vmem_shared>>) dst(%dma_wait3A_49 : memref<632x32xf32, #tpu.memory_space<hbm>>)
      tpu.yield
    }) : () -> ()
    return
  }
}

#map = affine_map<(d0, d1) -> (0, 0)>
#map1 = affine_map<(d0, d1) -> (0)>
#map2 = affine_map<(d0, d1) -> (0, 0, 0)>
module attributes {stable_mosaic.version = 14 : i64} {
  func.func @_edge_body(%arg0: i32, %arg1: i32, %arg2: memref<10112x160xf32, #tpu.memory_space<hbm>>, %arg3: memref<163840xi32, #tpu.memory_space<hbm>>, %arg4: memref<1280x128xi32, #tpu.memory_space<hbm>>, %arg5: memref<655376xf32, #tpu.memory_space<hbm>>, %arg6: memref<632x32xf32, #tpu.memory_space<hbm>>, %arg7: memref<2x10112x32xf32, #tpu.memory_space<hbm>>, %arg8: memref<10112x32xf32, #tpu.memory_space<vmem_shared>>, %arg9: memref<5120xi32, #tpu.memory_space<vmem>>, %arg10: memref<40x128xi32, #tpu.memory_space<vmem>>, %arg11: memref<20496xf32, #tpu.memory_space<vmem>>, %arg12: memref<128x160xf32, #tpu.memory_space<vmem>>, %arg13: memref<128x160xf32, #tpu.memory_space<vmem>>, %arg14: memref<128x32xf32, #tpu.memory_space<vmem>>, %arg15: memref<128x32xf32, #tpu.memory_space<vmem>>, %arg16: memref<!tpu.dma_semaphore, #tpu.memory_space<semaphore_mem>>, %arg17: memref<!tpu.dma_semaphore, #tpu.memory_space<semaphore_mem>>) attributes {dimension_semantics = [#tpu.dimension_semantics<core_parallel>, #tpu.dimension_semantics<subcore_parallel>], iteration_bounds = array<i64: 2, 16>, scalar_prefetch = 0 : i64, scratch_operands = 10 : i64, tpu.core_type = #tpu.core_type<sc_vector_subcore>, window_params = [{transform_indices = #map}, {transform_indices = #map1}, {transform_indices = #map}, {transform_indices = #map1}, {transform_indices = #map}, {transform_indices = #map2}]} {
    %mul3A = arith.constant 2 : i32
    %mul3A_0 = arith.muli %arg1, %mul3A : i32
    %add3A = arith.addi %mul3A_0, %arg0 : i32
    %mul3A_1 = arith.constant 632 : i32
    %mul3A_2 = arith.muli %arg1, %mul3A_1 : i32
    "tpu.region"() ({
      %run_scoped3A = tpu.sem_alloc : memref<!tpu.dma_semaphore, #tpu.memory_space<semaphore_mem>>
      %dma_start3A_42 = arith.constant 0 : i32
      %dma_start3A_43 = tpu.memref_slice %arg8[%mul3A_2, %dma_start3A_42] : memref<10112x32xf32, #tpu.memory_space<vmem_shared>> -> memref<632x32xf32, #tpu.memory_space<vmem_shared>>
      tpu.enqueue_dma source(%arg6 : memref<632x32xf32, #tpu.memory_space<hbm>>) target(%dma_start3A_43 : memref<632x32xf32, #tpu.memory_space<vmem_shared>>) target_semaphore(%run_scoped3A : memref<!tpu.dma_semaphore, #tpu.memory_space<semaphore_mem>>)
      %dma_wait3A_44 = arith.constant 0 : i32
      %dma_wait3A_45 = tpu.memref_slice %arg8[%mul3A_2, %dma_wait3A_44] : memref<10112x32xf32, #tpu.memory_space<vmem_shared>> -> memref<632x32xf32, #tpu.memory_space<vmem_shared>>
      tpu.wait_dma2 semaphore(%run_scoped3A : memref<!tpu.dma_semaphore, #tpu.memory_space<semaphore_mem>>) src(%arg6 : memref<632x32xf32, #tpu.memory_space<hbm>>) dst(%dma_wait3A_45 : memref<632x32xf32, #tpu.memory_space<vmem_shared>>)
      tpu.yield
    }) : () -> ()
    %mul3A_3 = arith.constant 5120 : i32
    %mul3A_4 = arith.muli %add3A, %mul3A_3 : i32
    "tpu.region"() ({
      %run_scoped3A = tpu.sem_alloc : memref<!tpu.dma_semaphore, #tpu.memory_space<semaphore_mem>>
      %dma_start3A_42 = tpu.memref_slice %arg3[%mul3A_4] : memref<163840xi32, #tpu.memory_space<hbm>> -> memref<5120xi32, #tpu.memory_space<hbm>>
      %dma_start3A_43 = tpu.memref_slice %arg3[%mul3A_4] : memref<163840xi32, #tpu.memory_space<hbm>> -> memref<5120xi32, #tpu.memory_space<hbm>>
      tpu.enqueue_dma source(%dma_start3A_43 : memref<5120xi32, #tpu.memory_space<hbm>>) target(%arg9 : memref<5120xi32, #tpu.memory_space<vmem>>) target_semaphore(%run_scoped3A : memref<!tpu.dma_semaphore, #tpu.memory_space<semaphore_mem>>)
      %dma_wait3A_44 = tpu.memref_slice %arg3[%mul3A_4] : memref<163840xi32, #tpu.memory_space<hbm>> -> memref<5120xi32, #tpu.memory_space<hbm>>
      %dma_wait3A_45 = tpu.memref_slice %arg3[%mul3A_4] : memref<163840xi32, #tpu.memory_space<hbm>> -> memref<5120xi32, #tpu.memory_space<hbm>>
      tpu.wait_dma2 semaphore(%run_scoped3A : memref<!tpu.dma_semaphore, #tpu.memory_space<semaphore_mem>>) src(%dma_wait3A_45 : memref<5120xi32, #tpu.memory_space<hbm>>) dst(%arg9 : memref<5120xi32, #tpu.memory_space<vmem>>)
      tpu.yield
    }) : () -> ()
    %mul3A_5 = arith.constant 40 : i32
    %mul3A_6 = arith.muli %add3A, %mul3A_5 : i32
    "tpu.region"() ({
      %run_scoped3A = tpu.sem_alloc : memref<!tpu.dma_semaphore, #tpu.memory_space<semaphore_mem>>
      %dma_start3A_42 = arith.constant 0 : i32
      %dma_start3A_43 = tpu.memref_slice %arg4[%mul3A_6, %dma_start3A_42] : memref<1280x128xi32, #tpu.memory_space<hbm>> -> memref<40x128xi32, #tpu.memory_space<hbm>>
      %dma_start3A_44 = arith.constant 0 : i32
      %dma_start3A_45 = tpu.memref_slice %arg4[%mul3A_6, %dma_start3A_44] : memref<1280x128xi32, #tpu.memory_space<hbm>> -> memref<40x128xi32, #tpu.memory_space<hbm>>
      tpu.enqueue_dma source(%dma_start3A_45 : memref<40x128xi32, #tpu.memory_space<hbm>>) target(%arg10 : memref<40x128xi32, #tpu.memory_space<vmem>>) target_semaphore(%run_scoped3A : memref<!tpu.dma_semaphore, #tpu.memory_space<semaphore_mem>>)
      %dma_wait3A_46 = arith.constant 0 : i32
      %dma_wait3A_47 = tpu.memref_slice %arg4[%mul3A_6, %dma_wait3A_46] : memref<1280x128xi32, #tpu.memory_space<hbm>> -> memref<40x128xi32, #tpu.memory_space<hbm>>
      %dma_wait3A_48 = arith.constant 0 : i32
      %dma_wait3A_49 = tpu.memref_slice %arg4[%mul3A_6, %dma_wait3A_48] : memref<1280x128xi32, #tpu.memory_space<hbm>> -> memref<40x128xi32, #tpu.memory_space<hbm>>
      tpu.wait_dma2 semaphore(%run_scoped3A : memref<!tpu.dma_semaphore, #tpu.memory_space<semaphore_mem>>) src(%dma_wait3A_49 : memref<40x128xi32, #tpu.memory_space<hbm>>) dst(%arg10 : memref<40x128xi32, #tpu.memory_space<vmem>>)
      tpu.yield
    }) : () -> ()
    %mul3A_7 = arith.constant 5120 : i32
    %mul3A_8 = arith.muli %add3A, %mul3A_7 : i32
    %mul3A_9 = arith.constant 4 : i32
    %mul3A_10 = arith.muli %mul3A_8, %mul3A_9 : i32
    "tpu.region"() ({
      %run_scoped3A = tpu.sem_alloc : memref<!tpu.dma_semaphore, #tpu.memory_space<semaphore_mem>>
      %dma_start3A_42 = tpu.memref_slice %arg5[%mul3A_10] : memref<655376xf32, #tpu.memory_space<hbm>> -> memref<20496xf32, #tpu.memory_space<hbm>>
      %dma_start3A_43 = tpu.memref_slice %arg5[%mul3A_10] : memref<655376xf32, #tpu.memory_space<hbm>> -> memref<20496xf32, #tpu.memory_space<hbm>>
      tpu.enqueue_dma source(%dma_start3A_43 : memref<20496xf32, #tpu.memory_space<hbm>>) target(%arg11 : memref<20496xf32, #tpu.memory_space<vmem>>) target_semaphore(%run_scoped3A : memref<!tpu.dma_semaphore, #tpu.memory_space<semaphore_mem>>)
      %dma_wait3A_44 = tpu.memref_slice %arg5[%mul3A_10] : memref<655376xf32, #tpu.memory_space<hbm>> -> memref<20496xf32, #tpu.memory_space<hbm>>
      %dma_wait3A_45 = tpu.memref_slice %arg5[%mul3A_10] : memref<655376xf32, #tpu.memory_space<hbm>> -> memref<20496xf32, #tpu.memory_space<hbm>>
      tpu.wait_dma2 semaphore(%run_scoped3A : memref<!tpu.dma_semaphore, #tpu.memory_space<semaphore_mem>>) src(%dma_wait3A_45 : memref<20496xf32, #tpu.memory_space<hbm>>) dst(%arg11 : memref<20496xf32, #tpu.memory_space<vmem>>)
      tpu.yield
    }) : () -> ()
    %barrier3A = arith.constant 0 : index
    tpu.barrier barrier_id(%barrier3A)
    %iota3A = tpu.iota {dimensions = array<i32: 0>} : vector<16xi32>
    %eq3A = arith.constant 14 : i32
    %eq3A_11 = vector.broadcast %eq3A : i32 to vector<16xi32>
    %eq3A_12 = arith.cmpi eq, %iota3A, %eq3A_11 : vector<16xi32>
    %jit3A = arith.constant 1.000000e+00 : f32
    %jit3A_13 = arith.constant 0.000000e+00 : f32
    %broadcast_in_dim3A = vector.broadcast %jit3A : f32 to vector<16xf32>
    %broadcast_in_dim3A_14 = vector.broadcast %jit3A_13 : f32 to vector<16xf32>
    %select_n3A = arith.select %eq3A_12, %broadcast_in_dim3A, %broadcast_in_dim3A_14 : vector<16xi1>, vector<16xf32>
    %dma_start3A = arith.constant 0 : i32
    %dma_start3A_15 = tpu.memref_slice %arg9[%dma_start3A] : memref<5120xi32, #tpu.memory_space<vmem>> -> memref<128xi32, #tpu.memory_space<vmem>>
    %dma_start3A_16 = arith.constant 0 : i32
    %dma_start3A_17 = arith.constant 0 : i32
    %dma_start3A_18 = tpu.memref_slice %arg2[%dma_start3A_16, %dma_start3A_17] : memref<10112x160xf32, #tpu.memory_space<hbm>> -> memref<10112x160xf32, #tpu.memory_space<hbm>>
    tpu.enqueue_indirect_dma source(%dma_start3A_18 : memref<10112x160xf32, #tpu.memory_space<hbm>>) target(%arg12 : memref<128x160xf32, #tpu.memory_space<vmem>>) offsets(%dma_start3A_15 : memref<128xi32, #tpu.memory_space<vmem>>) semaphore(%arg16 : memref<!tpu.dma_semaphore, #tpu.memory_space<semaphore_mem>>)
    %scan3A = arith.constant 0 : i32
    %scan3A_19 = arith.constant 0 : i32
    %scan3A_20 = arith.constant 20 : i32
    %scan3A_21 = arith.addi %scan3A_19, %scan3A_20 : i32
    %scan3A_22 = arith.constant 1 : i32
    scf.for %scan3A_42 = %scan3A_19 to %scan3A_21 step %scan3A_22  : i32 {
      %mul3A_43 = arith.constant 2 : i32
      %mul3A_44 = arith.muli %mul3A_43, %scan3A_42 : i32
      %dma_wait3A_45 = arith.constant 0 : i32
      %dma_wait3A_46 = tpu.memref_slice %arg9[%dma_wait3A_45] : memref<5120xi32, #tpu.memory_space<vmem>> -> memref<128xi32, #tpu.memory_space<vmem>>
      %dma_wait3A_47 = arith.constant 0 : i32
      %dma_wait3A_48 = arith.constant 0 : i32
      %dma_wait3A_49 = tpu.memref_slice %arg2[%dma_wait3A_47, %dma_wait3A_48] : memref<10112x160xf32, #tpu.memory_space<hbm>> -> memref<10112x160xf32, #tpu.memory_space<hbm>>
      tpu.wait_indirect_dma semaphore(%arg16 : memref<!tpu.dma_semaphore, #tpu.memory_space<semaphore_mem>>) src(%dma_wait3A_49 : memref<10112x160xf32, #tpu.memory_space<hbm>>) dst(%arg12 : memref<128x160xf32, #tpu.memory_space<vmem>>)
      %add3A_50 = arith.constant 1 : i32
      %add3A_51 = arith.addi %mul3A_44, %add3A_50 : i32
      %mul3A_52 = arith.constant 128 : i32
      %mul3A_53 = arith.muli %add3A_51, %mul3A_52 : i32
      %dma_start3A_54 = tpu.memref_slice %arg9[%mul3A_53] : memref<5120xi32, #tpu.memory_space<vmem>> -> memref<128xi32, #tpu.memory_space<vmem>>
      %dma_start3A_55 = arith.constant 0 : i32
      %dma_start3A_56 = arith.constant 0 : i32
      %dma_start3A_57 = tpu.memref_slice %arg2[%dma_start3A_55, %dma_start3A_56] : memref<10112x160xf32, #tpu.memory_space<hbm>> -> memref<10112x160xf32, #tpu.memory_space<hbm>>
      tpu.enqueue_indirect_dma source(%dma_start3A_57 : memref<10112x160xf32, #tpu.memory_space<hbm>>) target(%arg13 : memref<128x160xf32, #tpu.memory_space<vmem>>) offsets(%dma_start3A_54 : memref<128xi32, #tpu.memory_space<vmem>>) semaphore(%arg16 : memref<!tpu.dma_semaphore, #tpu.memory_space<semaphore_mem>>)
      %gt3A = arith.constant 0 : i32
      %gt3A_58 = arith.cmpi sgt, %scan3A_42, %gt3A : i32
      %convert_element_type3A = arith.extui %gt3A_58 : i1 to i32
      %cond3A = arith.constant 0 : i32
      %cond3A_59 = arith.cmpi ne, %convert_element_type3A, %cond3A : i32
      scf.if %cond3A_59 {
        %dma_wait3A_95 = arith.constant 0 : i32
        %dma_wait3A_96 = arith.constant 0 : i32
        %dma_wait3A_97 = tpu.memref_slice %arg10[%dma_wait3A_95, %dma_wait3A_96] : memref<40x128xi32, #tpu.memory_space<vmem>> -> memref<1x128xi32, #tpu.memory_space<vmem>>
        %dma_wait3A_98 = tpu.memref_squeeze %dma_wait3A_97 : memref<1x128xi32, #tpu.memory_space<vmem>> -> memref<128xi32, #tpu.memory_space<vmem>>
        %dma_wait3A_99 = arith.constant 0 : i32
        %dma_wait3A_100 = arith.constant 0 : i32
        %dma_wait3A_101 = tpu.memref_slice %arg8[%dma_wait3A_99, %dma_wait3A_100] : memref<10112x32xf32, #tpu.memory_space<vmem_shared>> -> memref<10112x32xf32, #tpu.memory_space<vmem_shared>>
        tpu.wait_indirect_dma semaphore(%arg17 : memref<!tpu.dma_semaphore, #tpu.memory_space<semaphore_mem>>) src(%arg14 : memref<128x32xf32, #tpu.memory_space<vmem>>) dst(%dma_wait3A_101 : memref<10112x32xf32, #tpu.memory_space<vmem_shared>>)
      } else {
      }
      %parallel_loop3A = arith.constant 0 : i32
      %parallel_loop3A_60 = arith.constant 64 : i32
      %parallel_loop3A_61 = arith.constant 1 : i32
      scf.for %parallel_loop3A_95 = %parallel_loop3A to %parallel_loop3A_60 step %parallel_loop3A_61  : i32 {
        %parallel_loop3A_96 = arith.constant 512 : i32
        %parallel_loop3A_97 = arith.muli %mul3A_44, %parallel_loop3A_96 : i32
        %parallel_loop3A_98 = arith.constant 8 : i32
        %parallel_loop3A_99 = arith.muli %parallel_loop3A_98, %parallel_loop3A_95 : i32
        %parallel_loop3A_100 = arith.addi %parallel_loop3A_97, %parallel_loop3A_99 : i32
        %parallel_loop3A_101 = arith.index_cast %parallel_loop3A_100 : i32 to index
        %parallel_loop3A_102 = tpu.vector_load %arg11[%parallel_loop3A_101] {strides = array<i32>} : memref<20496xf32, #tpu.memory_space<vmem>>, vector<16xf32>,
        %parallel_loop3A_103 = vector.shape_cast %parallel_loop3A_102 : vector<16xf32> to vector<16xf32>
        %parallel_loop3A_104 = arith.constant 2 : i32
        %parallel_loop3A_105 = arith.muli %parallel_loop3A_104, %parallel_loop3A_95 : i32
        %parallel_loop3A_106 = vector.extract_strided_slice %parallel_loop3A_103 {offsets = [0], sizes = [1], strides = [1]} : vector<16xf32> to vector<1xf32>
        %parallel_loop3A_107 = vector.extract %parallel_loop3A_106[0] : f32 from vector<1xf32>
        %parallel_loop3A_108 = arith.index_cast %parallel_loop3A_105 : i32 to index
        %parallel_loop3A_109 = arith.constant 0 : index
        %parallel_loop3A_110 = tpu.vector_load %arg12[%parallel_loop3A_108, %parallel_loop3A_109] {strides = array<i32>} : memref<128x160xf32, #tpu.memory_space<vmem>>, vector<1x16xf32>,
        %parallel_loop3A_111 = vector.shape_cast %parallel_loop3A_110 : vector<1x16xf32> to vector<16xf32>
        %parallel_loop3A_112 = vector.broadcast %parallel_loop3A_107 : f32 to vector<16xf32>
        %parallel_loop3A_113 = arith.mulf %parallel_loop3A_112, %parallel_loop3A_111 : vector<16xf32>
        %parallel_loop3A_114 = vector.extract_strided_slice %parallel_loop3A_103 {offsets = [1], sizes = [1], strides = [1]} : vector<16xf32> to vector<1xf32>
        %parallel_loop3A_115 = vector.extract %parallel_loop3A_114[0] : f32 from vector<1xf32>
        %parallel_loop3A_116 = arith.index_cast %parallel_loop3A_105 : i32 to index
        %parallel_loop3A_117 = arith.constant 32 : index
        %parallel_loop3A_118 = tpu.vector_load %arg12[%parallel_loop3A_116, %parallel_loop3A_117] {strides = array<i32>} : memref<128x160xf32, #tpu.memory_space<vmem>>, vector<1x16xf32>,
        %parallel_loop3A_119 = vector.shape_cast %parallel_loop3A_118 : vector<1x16xf32> to vector<16xf32>
        %parallel_loop3A_120 = vector.broadcast %parallel_loop3A_115 : f32 to vector<16xf32>
        %parallel_loop3A_121 = arith.mulf %parallel_loop3A_120, %parallel_loop3A_119 : vector<16xf32>
        %parallel_loop3A_122 = arith.addf %parallel_loop3A_113, %parallel_loop3A_121 : vector<16xf32>
        %parallel_loop3A_123 = vector.extract_strided_slice %parallel_loop3A_103 {offsets = [2], sizes = [1], strides = [1]} : vector<16xf32> to vector<1xf32>
        %parallel_loop3A_124 = vector.extract %parallel_loop3A_123[0] : f32 from vector<1xf32>
        %parallel_loop3A_125 = arith.index_cast %parallel_loop3A_105 : i32 to index
        %parallel_loop3A_126 = arith.constant 64 : index
        %parallel_loop3A_127 = tpu.vector_load %arg12[%parallel_loop3A_125, %parallel_loop3A_126] {strides = array<i32>} : memref<128x160xf32, #tpu.memory_space<vmem>>, vector<1x16xf32>,
        %parallel_loop3A_128 = vector.shape_cast %parallel_loop3A_127 : vector<1x16xf32> to vector<16xf32>
        %parallel_loop3A_129 = vector.broadcast %parallel_loop3A_124 : f32 to vector<16xf32>
        %parallel_loop3A_130 = arith.mulf %parallel_loop3A_129, %parallel_loop3A_128 : vector<16xf32>
        %parallel_loop3A_131 = vector.extract_strided_slice %parallel_loop3A_103 {offsets = [3], sizes = [1], strides = [1]} : vector<16xf32> to vector<1xf32>
        %parallel_loop3A_132 = vector.extract %parallel_loop3A_131[0] : f32 from vector<1xf32>
        %parallel_loop3A_133 = arith.index_cast %parallel_loop3A_105 : i32 to index
        %parallel_loop3A_134 = arith.constant 96 : index
        %parallel_loop3A_135 = tpu.vector_load %arg12[%parallel_loop3A_133, %parallel_loop3A_134] {strides = array<i32>} : memref<128x160xf32, #tpu.memory_space<vmem>>, vector<1x16xf32>,
        %parallel_loop3A_136 = vector.shape_cast %parallel_loop3A_135 : vector<1x16xf32> to vector<16xf32>
        %parallel_loop3A_137 = vector.broadcast %parallel_loop3A_132 : f32 to vector<16xf32>
        %parallel_loop3A_138 = arith.mulf %parallel_loop3A_137, %parallel_loop3A_136 : vector<16xf32>
        %parallel_loop3A_139 = arith.addf %parallel_loop3A_130, %parallel_loop3A_138 : vector<16xf32>
        %parallel_loop3A_140 = arith.addf %parallel_loop3A_122, %parallel_loop3A_139 : vector<16xf32>
        %parallel_loop3A_141 = arith.index_cast %parallel_loop3A_105 : i32 to index
        %parallel_loop3A_142 = arith.constant 128 : index
        %parallel_loop3A_143 = tpu.vector_load %arg12[%parallel_loop3A_141, %parallel_loop3A_142] {strides = array<i32>} : memref<128x160xf32, #tpu.memory_space<vmem>>, vector<1x16xf32>,
        %parallel_loop3A_144 = vector.shape_cast %parallel_loop3A_143 : vector<1x16xf32> to vector<16xf32>
        %parallel_loop3A_145 = arith.addf %parallel_loop3A_140, %parallel_loop3A_144 : vector<16xf32>
        %parallel_loop3A_146 = arith.index_cast %parallel_loop3A_105 : i32 to index
        %parallel_loop3A_147 = arith.constant 0 : index
        %parallel_loop3A_148 = tpu.vector_load %arg14[%parallel_loop3A_146, %parallel_loop3A_147] {strides = array<i32>} : memref<128x32xf32, #tpu.memory_space<vmem>>, vector<1x16xf32>,
        %parallel_loop3A_149 = vector.shape_cast %parallel_loop3A_148 : vector<1x16xf32> to vector<16xf32>
        %parallel_loop3A_150 = vector.shape_cast %parallel_loop3A_145 : vector<16xf32> to vector<1x16xf32>
        tpu.vector_store %arg14[%parallel_loop3A_146, %parallel_loop3A_147], %parallel_loop3A_150 {strides = array<i32>} : memref<128x32xf32, #tpu.memory_space<vmem>>, vector<1x16xf32>,
        %parallel_loop3A_151 = vector.extract_strided_slice %parallel_loop3A_103 {offsets = [0], sizes = [1], strides = [1]} : vector<16xf32> to vector<1xf32>
        %parallel_loop3A_152 = vector.extract %parallel_loop3A_151[0] : f32 from vector<1xf32>
        %parallel_loop3A_153 = arith.index_cast %parallel_loop3A_105 : i32 to index
        %parallel_loop3A_154 = arith.constant 16 : index
        %parallel_loop3A_155 = tpu.vector_load %arg12[%parallel_loop3A_153, %parallel_loop3A_154] {strides = array<i32>} : memref<128x160xf32, #tpu.memory_space<vmem>>, vector<1x16xf32>,
        %parallel_loop3A_156 = vector.shape_cast %parallel_loop3A_155 : vector<1x16xf32> to vector<16xf32>
        %parallel_loop3A_157 = vector.broadcast %parallel_loop3A_152 : f32 to vector<16xf32>
        %parallel_loop3A_158 = arith.mulf %parallel_loop3A_157, %parallel_loop3A_156 : vector<16xf32>
        %parallel_loop3A_159 = vector.extract_strided_slice %parallel_loop3A_103 {offsets = [1], sizes = [1], strides = [1]} : vector<16xf32> to vector<1xf32>
        %parallel_loop3A_160 = vector.extract %parallel_loop3A_159[0] : f32 from vector<1xf32>
        %parallel_loop3A_161 = arith.index_cast %parallel_loop3A_105 : i32 to index
        %parallel_loop3A_162 = arith.constant 48 : index
        %parallel_loop3A_163 = tpu.vector_load %arg12[%parallel_loop3A_161, %parallel_loop3A_162] {strides = array<i32>} : memref<128x160xf32, #tpu.memory_space<vmem>>, vector<1x16xf32>,
        %parallel_loop3A_164 = vector.shape_cast %parallel_loop3A_163 : vector<1x16xf32> to vector<16xf32>
        %parallel_loop3A_165 = vector.broadcast %parallel_loop3A_160 : f32 to vector<16xf32>
        %parallel_loop3A_166 = arith.mulf %parallel_loop3A_165, %parallel_loop3A_164 : vector<16xf32>
        %parallel_loop3A_167 = arith.addf %parallel_loop3A_158, %parallel_loop3A_166 : vector<16xf32>
        %parallel_loop3A_168 = vector.extract_strided_slice %parallel_loop3A_103 {offsets = [2], sizes = [1], strides = [1]} : vector<16xf32> to vector<1xf32>
        %parallel_loop3A_169 = vector.extract %parallel_loop3A_168[0] : f32 from vector<1xf32>
        %parallel_loop3A_170 = arith.index_cast %parallel_loop3A_105 : i32 to index
        %parallel_loop3A_171 = arith.constant 80 : index
        %parallel_loop3A_172 = tpu.vector_load %arg12[%parallel_loop3A_170, %parallel_loop3A_171] {strides = array<i32>} : memref<128x160xf32, #tpu.memory_space<vmem>>, vector<1x16xf32>,
        %parallel_loop3A_173 = vector.shape_cast %parallel_loop3A_172 : vector<1x16xf32> to vector<16xf32>
        %parallel_loop3A_174 = vector.broadcast %parallel_loop3A_169 : f32 to vector<16xf32>
        %parallel_loop3A_175 = arith.mulf %parallel_loop3A_174, %parallel_loop3A_173 : vector<16xf32>
        %parallel_loop3A_176 = vector.extract_strided_slice %parallel_loop3A_103 {offsets = [3], sizes = [1], strides = [1]} : vector<16xf32> to vector<1xf32>
        %parallel_loop3A_177 = vector.extract %parallel_loop3A_176[0] : f32 from vector<1xf32>
        %parallel_loop3A_178 = arith.index_cast %parallel_loop3A_105 : i32 to index
        %parallel_loop3A_179 = arith.constant 112 : index
        %parallel_loop3A_180 = tpu.vector_load %arg12[%parallel_loop3A_178, %parallel_loop3A_179] {strides = array<i32>} : memref<128x160xf32, #tpu.memory_space<vmem>>, vector<1x16xf32>,
        %parallel_loop3A_181 = vector.shape_cast %parallel_loop3A_180 : vector<1x16xf32> to vector<16xf32>
        %parallel_loop3A_182 = vector.broadcast %parallel_loop3A_177 : f32 to vector<16xf32>
        %parallel_loop3A_183 = arith.mulf %parallel_loop3A_182, %parallel_loop3A_181 : vector<16xf32>
        %parallel_loop3A_184 = arith.addf %parallel_loop3A_175, %parallel_loop3A_183 : vector<16xf32>
        %parallel_loop3A_185 = arith.addf %parallel_loop3A_167, %parallel_loop3A_184 : vector<16xf32>
        %parallel_loop3A_186 = arith.index_cast %parallel_loop3A_105 : i32 to index
        %parallel_loop3A_187 = arith.constant 144 : index
        %parallel_loop3A_188 = tpu.vector_load %arg12[%parallel_loop3A_186, %parallel_loop3A_187] {strides = array<i32>} : memref<128x160xf32, #tpu.memory_space<vmem>>, vector<1x16xf32>,
        %parallel_loop3A_189 = vector.shape_cast %parallel_loop3A_188 : vector<1x16xf32> to vector<16xf32>
        %parallel_loop3A_190 = arith.addf %parallel_loop3A_185, %parallel_loop3A_189 : vector<16xf32>
        %parallel_loop3A_191 = arith.addf %parallel_loop3A_190, %select_n3A : vector<16xf32>
        %parallel_loop3A_192 = arith.index_cast %parallel_loop3A_105 : i32 to index
        %parallel_loop3A_193 = arith.constant 16 : index
        %parallel_loop3A_194 = tpu.vector_load %arg14[%parallel_loop3A_192, %parallel_loop3A_193] {strides = array<i32>} : memref<128x32xf32, #tpu.memory_space<vmem>>, vector<1x16xf32>,
        %parallel_loop3A_195 = vector.shape_cast %parallel_loop3A_194 : vector<1x16xf32> to vector<16xf32>
        %parallel_loop3A_196 = vector.shape_cast %parallel_loop3A_191 : vector<16xf32> to vector<1x16xf32>
        tpu.vector_store %arg14[%parallel_loop3A_192, %parallel_loop3A_193], %parallel_loop3A_196 {strides = array<i32>} : memref<128x32xf32, #tpu.memory_space<vmem>>, vector<1x16xf32>,
        %parallel_loop3A_197 = arith.constant 2 : i32
        %parallel_loop3A_198 = arith.muli %parallel_loop3A_197, %parallel_loop3A_95 : i32
        %parallel_loop3A_199 = arith.constant 1 : i32
        %parallel_loop3A_200 = arith.addi %parallel_loop3A_198, %parallel_loop3A_199 : i32
        %parallel_loop3A_201 = vector.extract_strided_slice %parallel_loop3A_103 {offsets = [4], sizes = [1], strides = [1]} : vector<16xf32> to vector<1xf32>
        %parallel_loop3A_202 = vector.extract %parallel_loop3A_201[0] : f32 from vector<1xf32>
        %parallel_loop3A_203 = arith.index_cast %parallel_loop3A_200 : i32 to index
        %parallel_loop3A_204 = arith.constant 0 : index
        %parallel_loop3A_205 = tpu.vector_load %arg12[%parallel_loop3A_203, %parallel_loop3A_204] {strides = array<i32>} : memref<128x160xf32, #tpu.memory_space<vmem>>, vector<1x16xf32>,
        %parallel_loop3A_206 = vector.shape_cast %parallel_loop3A_205 : vector<1x16xf32> to vector<16xf32>
        %parallel_loop3A_207 = vector.broadcast %parallel_loop3A_202 : f32 to vector<16xf32>
        %parallel_loop3A_208 = arith.mulf %parallel_loop3A_207, %parallel_loop3A_206 : vector<16xf32>
        %parallel_loop3A_209 = vector.extract_strided_slice %parallel_loop3A_103 {offsets = [5], sizes = [1], strides = [1]} : vector<16xf32> to vector<1xf32>
        %parallel_loop3A_210 = vector.extract %parallel_loop3A_209[0] : f32 from vector<1xf32>
        %parallel_loop3A_211 = arith.index_cast %parallel_loop3A_200 : i32 to index
        %parallel_loop3A_212 = arith.constant 32 : index
        %parallel_loop3A_213 = tpu.vector_load %arg12[%parallel_loop3A_211, %parallel_loop3A_212] {strides = array<i32>} : memref<128x160xf32, #tpu.memory_space<vmem>>, vector<1x16xf32>,
        %parallel_loop3A_214 = vector.shape_cast %parallel_loop3A_213 : vector<1x16xf32> to vector<16xf32>
        %parallel_loop3A_215 = vector.broadcast %parallel_loop3A_210 : f32 to vector<16xf32>
        %parallel_loop3A_216 = arith.mulf %parallel_loop3A_215, %parallel_loop3A_214 : vector<16xf32>
        %parallel_loop3A_217 = arith.addf %parallel_loop3A_208, %parallel_loop3A_216 : vector<16xf32>
        %parallel_loop3A_218 = vector.extract_strided_slice %parallel_loop3A_103 {offsets = [6], sizes = [1], strides = [1]} : vector<16xf32> to vector<1xf32>
        %parallel_loop3A_219 = vector.extract %parallel_loop3A_218[0] : f32 from vector<1xf32>
        %parallel_loop3A_220 = arith.index_cast %parallel_loop3A_200 : i32 to index
        %parallel_loop3A_221 = arith.constant 64 : index
        %parallel_loop3A_222 = tpu.vector_load %arg12[%parallel_loop3A_220, %parallel_loop3A_221] {strides = array<i32>} : memref<128x160xf32, #tpu.memory_space<vmem>>, vector<1x16xf32>,
        %parallel_loop3A_223 = vector.shape_cast %parallel_loop3A_222 : vector<1x16xf32> to vector<16xf32>
        %parallel_loop3A_224 = vector.broadcast %parallel_loop3A_219 : f32 to vector<16xf32>
        %parallel_loop3A_225 = arith.mulf %parallel_loop3A_224, %parallel_loop3A_223 : vector<16xf32>
        %parallel_loop3A_226 = vector.extract_strided_slice %parallel_loop3A_103 {offsets = [7], sizes = [1], strides = [1]} : vector<16xf32> to vector<1xf32>
        %parallel_loop3A_227 = vector.extract %parallel_loop3A_226[0] : f32 from vector<1xf32>
        %parallel_loop3A_228 = arith.index_cast %parallel_loop3A_200 : i32 to index
        %parallel_loop3A_229 = arith.constant 96 : index
        %parallel_loop3A_230 = tpu.vector_load %arg12[%parallel_loop3A_228, %parallel_loop3A_229] {strides = array<i32>} : memref<128x160xf32, #tpu.memory_space<vmem>>, vector<1x16xf32>,
        %parallel_loop3A_231 = vector.shape_cast %parallel_loop3A_230 : vector<1x16xf32> to vector<16xf32>
        %parallel_loop3A_232 = vector.broadcast %parallel_loop3A_227 : f32 to vector<16xf32>
        %parallel_loop3A_233 = arith.mulf %parallel_loop3A_232, %parallel_loop3A_231 : vector<16xf32>
        %parallel_loop3A_234 = arith.addf %parallel_loop3A_225, %parallel_loop3A_233 : vector<16xf32>
        %parallel_loop3A_235 = arith.addf %parallel_loop3A_217, %parallel_loop3A_234 : vector<16xf32>
        %parallel_loop3A_236 = arith.index_cast %parallel_loop3A_200 : i32 to index
        %parallel_loop3A_237 = arith.constant 128 : index
        %parallel_loop3A_238 = tpu.vector_load %arg12[%parallel_loop3A_236, %parallel_loop3A_237] {strides = array<i32>} : memref<128x160xf32, #tpu.memory_space<vmem>>, vector<1x16xf32>,
        %parallel_loop3A_239 = vector.shape_cast %parallel_loop3A_238 : vector<1x16xf32> to vector<16xf32>
        %parallel_loop3A_240 = arith.addf %parallel_loop3A_235, %parallel_loop3A_239 : vector<16xf32>
        %parallel_loop3A_241 = arith.index_cast %parallel_loop3A_200 : i32 to index
        %parallel_loop3A_242 = arith.constant 0 : index
        %parallel_loop3A_243 = tpu.vector_load %arg14[%parallel_loop3A_241, %parallel_loop3A_242] {strides = array<i32>} : memref<128x32xf32, #tpu.memory_space<vmem>>, vector<1x16xf32>,
        %parallel_loop3A_244 = vector.shape_cast %parallel_loop3A_243 : vector<1x16xf32> to vector<16xf32>
        %parallel_loop3A_245 = vector.shape_cast %parallel_loop3A_240 : vector<16xf32> to vector<1x16xf32>
        tpu.vector_store %arg14[%parallel_loop3A_241, %parallel_loop3A_242], %parallel_loop3A_245 {strides = array<i32>} : memref<128x32xf32, #tpu.memory_space<vmem>>, vector<1x16xf32>,
        %parallel_loop3A_246 = vector.extract_strided_slice %parallel_loop3A_103 {offsets = [4], sizes = [1], strides = [1]} : vector<16xf32> to vector<1xf32>
        %parallel_loop3A_247 = vector.extract %parallel_loop3A_246[0] : f32 from vector<1xf32>
        %parallel_loop3A_248 = arith.index_cast %parallel_loop3A_200 : i32 to index
        %parallel_loop3A_249 = arith.constant 16 : index
        %parallel_loop3A_250 = tpu.vector_load %arg12[%parallel_loop3A_248, %parallel_loop3A_249] {strides = array<i32>} : memref<128x160xf32, #tpu.memory_space<vmem>>, vector<1x16xf32>,
        %parallel_loop3A_251 = vector.shape_cast %parallel_loop3A_250 : vector<1x16xf32> to vector<16xf32>
        %parallel_loop3A_252 = vector.broadcast %parallel_loop3A_247 : f32 to vector<16xf32>
        %parallel_loop3A_253 = arith.mulf %parallel_loop3A_252, %parallel_loop3A_251 : vector<16xf32>
        %parallel_loop3A_254 = vector.extract_strided_slice %parallel_loop3A_103 {offsets = [5], sizes = [1], strides = [1]} : vector<16xf32> to vector<1xf32>
        %parallel_loop3A_255 = vector.extract %parallel_loop3A_254[0] : f32 from vector<1xf32>
        %parallel_loop3A_256 = arith.index_cast %parallel_loop3A_200 : i32 to index
        %parallel_loop3A_257 = arith.constant 48 : index
        %parallel_loop3A_258 = tpu.vector_load %arg12[%parallel_loop3A_256, %parallel_loop3A_257] {strides = array<i32>} : memref<128x160xf32, #tpu.memory_space<vmem>>, vector<1x16xf32>,
        %parallel_loop3A_259 = vector.shape_cast %parallel_loop3A_258 : vector<1x16xf32> to vector<16xf32>
        %parallel_loop3A_260 = vector.broadcast %parallel_loop3A_255 : f32 to vector<16xf32>
        %parallel_loop3A_261 = arith.mulf %parallel_loop3A_260, %parallel_loop3A_259 : vector<16xf32>
        %parallel_loop3A_262 = arith.addf %parallel_loop3A_253, %parallel_loop3A_261 : vector<16xf32>
        %parallel_loop3A_263 = vector.extract_strided_slice %parallel_loop3A_103 {offsets = [6], sizes = [1], strides = [1]} : vector<16xf32> to vector<1xf32>
        %parallel_loop3A_264 = vector.extract %parallel_loop3A_263[0] : f32 from vector<1xf32>
        %parallel_loop3A_265 = arith.index_cast %parallel_loop3A_200 : i32 to index
        %parallel_loop3A_266 = arith.constant 80 : index
        %parallel_loop3A_267 = tpu.vector_load %arg12[%parallel_loop3A_265, %parallel_loop3A_266] {strides = array<i32>} : memref<128x160xf32, #tpu.memory_space<vmem>>, vector<1x16xf32>,
        %parallel_loop3A_268 = vector.shape_cast %parallel_loop3A_267 : vector<1x16xf32> to vector<16xf32>
        %parallel_loop3A_269 = vector.broadcast %parallel_loop3A_264 : f32 to vector<16xf32>
        %parallel_loop3A_270 = arith.mulf %parallel_loop3A_269, %parallel_loop3A_268 : vector<16xf32>
        %parallel_loop3A_271 = vector.extract_strided_slice %parallel_loop3A_103 {offsets = [7], sizes = [1], strides = [1]} : vector<16xf32> to vector<1xf32>
        %parallel_loop3A_272 = vector.extract %parallel_loop3A_271[0] : f32 from vector<1xf32>
        %parallel_loop3A_273 = arith.index_cast %parallel_loop3A_200 : i32 to index
        %parallel_loop3A_274 = arith.constant 112 : index
        %parallel_loop3A_275 = tpu.vector_load %arg12[%parallel_loop3A_273, %parallel_loop3A_274] {strides = array<i32>} : memref<128x160xf32, #tpu.memory_space<vmem>>, vector<1x16xf32>,
        %parallel_loop3A_276 = vector.shape_cast %parallel_loop3A_275 : vector<1x16xf32> to vector<16xf32>
        %parallel_loop3A_277 = vector.broadcast %parallel_loop3A_272 : f32 to vector<16xf32>
        %parallel_loop3A_278 = arith.mulf %parallel_loop3A_277, %parallel_loop3A_276 : vector<16xf32>
        %parallel_loop3A_279 = arith.addf %parallel_loop3A_270, %parallel_loop3A_278 : vector<16xf32>
        %parallel_loop3A_280 = arith.addf %parallel_loop3A_262, %parallel_loop3A_279 : vector<16xf32>
        %parallel_loop3A_281 = arith.index_cast %parallel_loop3A_200 : i32 to index
        %parallel_loop3A_282 = arith.constant 144 : index
        %parallel_loop3A_283 = tpu.vector_load %arg12[%parallel_loop3A_281, %parallel_loop3A_282] {strides = array<i32>} : memref<128x160xf32, #tpu.memory_space<vmem>>, vector<1x16xf32>,
        %parallel_loop3A_284 = vector.shape_cast %parallel_loop3A_283 : vector<1x16xf32> to vector<16xf32>
        %parallel_loop3A_285 = arith.addf %parallel_loop3A_280, %parallel_loop3A_284 : vector<16xf32>
        %parallel_loop3A_286 = arith.addf %parallel_loop3A_285, %select_n3A : vector<16xf32>
        %parallel_loop3A_287 = arith.index_cast %parallel_loop3A_200 : i32 to index
        %parallel_loop3A_288 = arith.constant 16 : index
        %parallel_loop3A_289 = tpu.vector_load %arg14[%parallel_loop3A_287, %parallel_loop3A_288] {strides = array<i32>} : memref<128x32xf32, #tpu.memory_space<vmem>>, vector<1x16xf32>,
        %parallel_loop3A_290 = vector.shape_cast %parallel_loop3A_289 : vector<1x16xf32> to vector<16xf32>
        %parallel_loop3A_291 = vector.shape_cast %parallel_loop3A_286 : vector<16xf32> to vector<1x16xf32>
        tpu.vector_store %arg14[%parallel_loop3A_287, %parallel_loop3A_288], %parallel_loop3A_291 {strides = array<i32>} : memref<128x32xf32, #tpu.memory_space<vmem>>, vector<1x16xf32>,
      } {sc.loop_unroll_factor = 8 : i64, sc.parallel_access}
      %dma_start3A_62 = arith.constant 0 : i32
      %dma_start3A_63 = tpu.memref_slice %arg10[%mul3A_44, %dma_start3A_62] : memref<40x128xi32, #tpu.memory_space<vmem>> -> memref<1x128xi32, #tpu.memory_space<vmem>>
      %dma_start3A_64 = tpu.memref_squeeze %dma_start3A_63 : memref<1x128xi32, #tpu.memory_space<vmem>> -> memref<128xi32, #tpu.memory_space<vmem>>
      %dma_start3A_65 = arith.constant 0 : i32
      %dma_start3A_66 = arith.constant 0 : i32
      %dma_start3A_67 = tpu.memref_slice %arg8[%dma_start3A_65, %dma_start3A_66] : memref<10112x32xf32, #tpu.memory_space<vmem_shared>> -> memref<10112x32xf32, #tpu.memory_space<vmem_shared>>
      tpu.enqueue_indirect_dma source(%arg14 : memref<128x32xf32, #tpu.memory_space<vmem>>) target(%dma_start3A_67 : memref<10112x32xf32, #tpu.memory_space<vmem_shared>>) offsets(%dma_start3A_64 : memref<128xi32, #tpu.memory_space<vmem>>) semaphore(%arg17 : memref<!tpu.dma_semaphore, #tpu.memory_space<semaphore_mem>>) {add = true}
      %dma_wait3A_68 = arith.constant 0 : i32
      %dma_wait3A_69 = tpu.memref_slice %arg9[%dma_wait3A_68] : memref<5120xi32, #tpu.memory_space<vmem>> -> memref<128xi32, #tpu.memory_space<vmem>>
      %dma_wait3A_70 = arith.constant 0 : i32
      %dma_wait3A_71 = arith.constant 0 : i32
      %dma_wait3A_72 = tpu.memref_slice %arg2[%dma_wait3A_70, %dma_wait3A_71] : memref<10112x160xf32, #tpu.memory_space<hbm>> -> memref<10112x160xf32, #tpu.memory_space<hbm>>
      tpu.wait_indirect_dma semaphore(%arg16 : memref<!tpu.dma_semaphore, #tpu.memory_space<semaphore_mem>>) src(%dma_wait3A_72 : memref<10112x160xf32, #tpu.memory_space<hbm>>) dst(%arg13 : memref<128x160xf32, #tpu.memory_space<vmem>>)
      %lt3A = arith.constant 19 : i32
      %lt3A_73 = arith.cmpi slt, %scan3A_42, %lt3A : i32
      %convert_element_type3A_74 = arith.extui %lt3A_73 : i1 to i32
      %cond3A_75 = arith.constant 0 : i32
      %cond3A_76 = arith.cmpi ne, %convert_element_type3A_74, %cond3A_75 : i32
      scf.if %cond3A_76 {
        %add3A_95 = arith.constant 2 : i32
        %add3A_96 = arith.addi %mul3A_44, %add3A_95 : i32
        %mul3A_97 = arith.constant 128 : i32
        %mul3A_98 = arith.muli %add3A_96, %mul3A_97 : i32
        %dma_start3A_99 = tpu.memref_slice %arg9[%mul3A_98] : memref<5120xi32, #tpu.memory_space<vmem>> -> memref<128xi32, #tpu.memory_space<vmem>>
        %dma_start3A_100 = arith.constant 0 : i32
        %dma_start3A_101 = arith.constant 0 : i32
        %dma_start3A_102 = tpu.memref_slice %arg2[%dma_start3A_100, %dma_start3A_101] : memref<10112x160xf32, #tpu.memory_space<hbm>> -> memref<10112x160xf32, #tpu.memory_space<hbm>>
        tpu.enqueue_indirect_dma source(%dma_start3A_102 : memref<10112x160xf32, #tpu.memory_space<hbm>>) target(%arg12 : memref<128x160xf32, #tpu.memory_space<vmem>>) offsets(%dma_start3A_99 : memref<128xi32, #tpu.memory_space<vmem>>) semaphore(%arg16 : memref<!tpu.dma_semaphore, #tpu.memory_space<semaphore_mem>>)
      } else {
      }
      %gt3A_77 = arith.constant 0 : i32
      %gt3A_78 = arith.cmpi sgt, %scan3A_42, %gt3A_77 : i32
      %convert_element_type3A_79 = arith.extui %gt3A_78 : i1 to i32
      %cond3A_80 = arith.constant 0 : i32
      %cond3A_81 = arith.cmpi ne, %convert_element_type3A_79, %cond3A_80 : i32
      scf.if %cond3A_81 {
        %dma_wait3A_95 = arith.constant 0 : i32
        %dma_wait3A_96 = arith.constant 0 : i32
        %dma_wait3A_97 = tpu.memref_slice %arg10[%dma_wait3A_95, %dma_wait3A_96] : memref<40x128xi32, #tpu.memory_space<vmem>> -> memref<1x128xi32, #tpu.memory_space<vmem>>
        %dma_wait3A_98 = tpu.memref_squeeze %dma_wait3A_97 : memref<1x128xi32, #tpu.memory_space<vmem>> -> memref<128xi32, #tpu.memory_space<vmem>>
        %dma_wait3A_99 = arith.constant 0 : i32
        %dma_wait3A_100 = arith.constant 0 : i32
        %dma_wait3A_101 = tpu.memref_slice %arg8[%dma_wait3A_99, %dma_wait3A_100] : memref<10112x32xf32, #tpu.memory_space<vmem_shared>> -> memref<10112x32xf32, #tpu.memory_space<vmem_shared>>
        tpu.wait_indirect_dma semaphore(%arg17 : memref<!tpu.dma_semaphore, #tpu.memory_space<semaphore_mem>>) src(%arg15 : memref<128x32xf32, #tpu.memory_space<vmem>>) dst(%dma_wait3A_101 : memref<10112x32xf32, #tpu.memory_space<vmem_shared>>)
      } else {
      }
      %add3A_82 = arith.constant 1 : i32
      %add3A_83 = arith.addi %mul3A_44, %add3A_82 : i32
      %parallel_loop3A_84 = arith.constant 0 : i32
      %parallel_loop3A_85 = arith.constant 64 : i32
      %parallel_loop3A_86 = arith.constant 1 : i32
      scf.for %parallel_loop3A_95 = %parallel_loop3A_84 to %parallel_loop3A_85 step %parallel_loop3A_86  : i32 {
        %parallel_loop3A_96 = arith.constant 512 : i32
        %parallel_loop3A_97 = arith.muli %add3A_83, %parallel_loop3A_96 : i32
        %parallel_loop3A_98 = arith.constant 8 : i32
        %parallel_loop3A_99 = arith.muli %parallel_loop3A_98, %parallel_loop3A_95 : i32
        %parallel_loop3A_100 = arith.addi %parallel_loop3A_97, %parallel_loop3A_99 : i32
        %parallel_loop3A_101 = arith.index_cast %parallel_loop3A_100 : i32 to index
        %parallel_loop3A_102 = tpu.vector_load %arg11[%parallel_loop3A_101] {strides = array<i32>} : memref<20496xf32, #tpu.memory_space<vmem>>, vector<16xf32>,
        %parallel_loop3A_103 = vector.shape_cast %parallel_loop3A_102 : vector<16xf32> to vector<16xf32>
        %parallel_loop3A_104 = arith.constant 2 : i32
        %parallel_loop3A_105 = arith.muli %parallel_loop3A_104, %parallel_loop3A_95 : i32
        %parallel_loop3A_106 = vector.extract_strided_slice %parallel_loop3A_103 {offsets = [0], sizes = [1], strides = [1]} : vector<16xf32> to vector<1xf32>
        %parallel_loop3A_107 = vector.extract %parallel_loop3A_106[0] : f32 from vector<1xf32>
        %parallel_loop3A_108 = arith.index_cast %parallel_loop3A_105 : i32 to index
        %parallel_loop3A_109 = arith.constant 0 : index
        %parallel_loop3A_110 = tpu.vector_load %arg13[%parallel_loop3A_108, %parallel_loop3A_109] {strides = array<i32>} : memref<128x160xf32, #tpu.memory_space<vmem>>, vector<1x16xf32>,
        %parallel_loop3A_111 = vector.shape_cast %parallel_loop3A_110 : vector<1x16xf32> to vector<16xf32>
        %parallel_loop3A_112 = vector.broadcast %parallel_loop3A_107 : f32 to vector<16xf32>
        %parallel_loop3A_113 = arith.mulf %parallel_loop3A_112, %parallel_loop3A_111 : vector<16xf32>
        %parallel_loop3A_114 = vector.extract_strided_slice %parallel_loop3A_103 {offsets = [1], sizes = [1], strides = [1]} : vector<16xf32> to vector<1xf32>
        %parallel_loop3A_115 = vector.extract %parallel_loop3A_114[0] : f32 from vector<1xf32>
        %parallel_loop3A_116 = arith.index_cast %parallel_loop3A_105 : i32 to index
        %parallel_loop3A_117 = arith.constant 32 : index
        %parallel_loop3A_118 = tpu.vector_load %arg13[%parallel_loop3A_116, %parallel_loop3A_117] {strides = array<i32>} : memref<128x160xf32, #tpu.memory_space<vmem>>, vector<1x16xf32>,
        %parallel_loop3A_119 = vector.shape_cast %parallel_loop3A_118 : vector<1x16xf32> to vector<16xf32>
        %parallel_loop3A_120 = vector.broadcast %parallel_loop3A_115 : f32 to vector<16xf32>
        %parallel_loop3A_121 = arith.mulf %parallel_loop3A_120, %parallel_loop3A_119 : vector<16xf32>
        %parallel_loop3A_122 = arith.addf %parallel_loop3A_113, %parallel_loop3A_121 : vector<16xf32>
        %parallel_loop3A_123 = vector.extract_strided_slice %parallel_loop3A_103 {offsets = [2], sizes = [1], strides = [1]} : vector<16xf32> to vector<1xf32>
        %parallel_loop3A_124 = vector.extract %parallel_loop3A_123[0] : f32 from vector<1xf32>
        %parallel_loop3A_125 = arith.index_cast %parallel_loop3A_105 : i32 to index
        %parallel_loop3A_126 = arith.constant 64 : index
        %parallel_loop3A_127 = tpu.vector_load %arg13[%parallel_loop3A_125, %parallel_loop3A_126] {strides = array<i32>} : memref<128x160xf32, #tpu.memory_space<vmem>>, vector<1x16xf32>,
        %parallel_loop3A_128 = vector.shape_cast %parallel_loop3A_127 : vector<1x16xf32> to vector<16xf32>
        %parallel_loop3A_129 = vector.broadcast %parallel_loop3A_124 : f32 to vector<16xf32>
        %parallel_loop3A_130 = arith.mulf %parallel_loop3A_129, %parallel_loop3A_128 : vector<16xf32>
        %parallel_loop3A_131 = vector.extract_strided_slice %parallel_loop3A_103 {offsets = [3], sizes = [1], strides = [1]} : vector<16xf32> to vector<1xf32>
        %parallel_loop3A_132 = vector.extract %parallel_loop3A_131[0] : f32 from vector<1xf32>
        %parallel_loop3A_133 = arith.index_cast %parallel_loop3A_105 : i32 to index
        %parallel_loop3A_134 = arith.constant 96 : index
        %parallel_loop3A_135 = tpu.vector_load %arg13[%parallel_loop3A_133, %parallel_loop3A_134] {strides = array<i32>} : memref<128x160xf32, #tpu.memory_space<vmem>>, vector<1x16xf32>,
        %parallel_loop3A_136 = vector.shape_cast %parallel_loop3A_135 : vector<1x16xf32> to vector<16xf32>
        %parallel_loop3A_137 = vector.broadcast %parallel_loop3A_132 : f32 to vector<16xf32>
        %parallel_loop3A_138 = arith.mulf %parallel_loop3A_137, %parallel_loop3A_136 : vector<16xf32>
        %parallel_loop3A_139 = arith.addf %parallel_loop3A_130, %parallel_loop3A_138 : vector<16xf32>
        %parallel_loop3A_140 = arith.addf %parallel_loop3A_122, %parallel_loop3A_139 : vector<16xf32>
        %parallel_loop3A_141 = arith.index_cast %parallel_loop3A_105 : i32 to index
        %parallel_loop3A_142 = arith.constant 128 : index
        %parallel_loop3A_143 = tpu.vector_load %arg13[%parallel_loop3A_141, %parallel_loop3A_142] {strides = array<i32>} : memref<128x160xf32, #tpu.memory_space<vmem>>, vector<1x16xf32>,
        %parallel_loop3A_144 = vector.shape_cast %parallel_loop3A_143 : vector<1x16xf32> to vector<16xf32>
        %parallel_loop3A_145 = arith.addf %parallel_loop3A_140, %parallel_loop3A_144 : vector<16xf32>
        %parallel_loop3A_146 = arith.index_cast %parallel_loop3A_105 : i32 to index
        %parallel_loop3A_147 = arith.constant 0 : index
        %parallel_loop3A_148 = tpu.vector_load %arg15[%parallel_loop3A_146, %parallel_loop3A_147] {strides = array<i32>} : memref<128x32xf32, #tpu.memory_space<vmem>>, vector<1x16xf32>,
        %parallel_loop3A_149 = vector.shape_cast %parallel_loop3A_148 : vector<1x16xf32> to vector<16xf32>
        %parallel_loop3A_150 = vector.shape_cast %parallel_loop3A_145 : vector<16xf32> to vector<1x16xf32>
        tpu.vector_store %arg15[%parallel_loop3A_146, %parallel_loop3A_147], %parallel_loop3A_150 {strides = array<i32>} : memref<128x32xf32, #tpu.memory_space<vmem>>, vector<1x16xf32>,
        %parallel_loop3A_151 = vector.extract_strided_slice %parallel_loop3A_103 {offsets = [0], sizes = [1], strides = [1]} : vector<16xf32> to vector<1xf32>
        %parallel_loop3A_152 = vector.extract %parallel_loop3A_151[0] : f32 from vector<1xf32>
        %parallel_loop3A_153 = arith.index_cast %parallel_loop3A_105 : i32 to index
        %parallel_loop3A_154 = arith.constant 16 : index
        %parallel_loop3A_155 = tpu.vector_load %arg13[%parallel_loop3A_153, %parallel_loop3A_154] {strides = array<i32>} : memref<128x160xf32, #tpu.memory_space<vmem>>, vector<1x16xf32>,
        %parallel_loop3A_156 = vector.shape_cast %parallel_loop3A_155 : vector<1x16xf32> to vector<16xf32>
        %parallel_loop3A_157 = vector.broadcast %parallel_loop3A_152 : f32 to vector<16xf32>
        %parallel_loop3A_158 = arith.mulf %parallel_loop3A_157, %parallel_loop3A_156 : vector<16xf32>
        %parallel_loop3A_159 = vector.extract_strided_slice %parallel_loop3A_103 {offsets = [1], sizes = [1], strides = [1]} : vector<16xf32> to vector<1xf32>
        %parallel_loop3A_160 = vector.extract %parallel_loop3A_159[0] : f32 from vector<1xf32>
        %parallel_loop3A_161 = arith.index_cast %parallel_loop3A_105 : i32 to index
        %parallel_loop3A_162 = arith.constant 48 : index
        %parallel_loop3A_163 = tpu.vector_load %arg13[%parallel_loop3A_161, %parallel_loop3A_162] {strides = array<i32>} : memref<128x160xf32, #tpu.memory_space<vmem>>, vector<1x16xf32>,
        %parallel_loop3A_164 = vector.shape_cast %parallel_loop3A_163 : vector<1x16xf32> to vector<16xf32>
        %parallel_loop3A_165 = vector.broadcast %parallel_loop3A_160 : f32 to vector<16xf32>
        %parallel_loop3A_166 = arith.mulf %parallel_loop3A_165, %parallel_loop3A_164 : vector<16xf32>
        %parallel_loop3A_167 = arith.addf %parallel_loop3A_158, %parallel_loop3A_166 : vector<16xf32>
        %parallel_loop3A_168 = vector.extract_strided_slice %parallel_loop3A_103 {offsets = [2], sizes = [1], strides = [1]} : vector<16xf32> to vector<1xf32>
        %parallel_loop3A_169 = vector.extract %parallel_loop3A_168[0] : f32 from vector<1xf32>
        %parallel_loop3A_170 = arith.index_cast %parallel_loop3A_105 : i32 to index
        %parallel_loop3A_171 = arith.constant 80 : index
        %parallel_loop3A_172 = tpu.vector_load %arg13[%parallel_loop3A_170, %parallel_loop3A_171] {strides = array<i32>} : memref<128x160xf32, #tpu.memory_space<vmem>>, vector<1x16xf32>,
        %parallel_loop3A_173 = vector.shape_cast %parallel_loop3A_172 : vector<1x16xf32> to vector<16xf32>
        %parallel_loop3A_174 = vector.broadcast %parallel_loop3A_169 : f32 to vector<16xf32>
        %parallel_loop3A_175 = arith.mulf %parallel_loop3A_174, %parallel_loop3A_173 : vector<16xf32>
        %parallel_loop3A_176 = vector.extract_strided_slice %parallel_loop3A_103 {offsets = [3], sizes = [1], strides = [1]} : vector<16xf32> to vector<1xf32>
        %parallel_loop3A_177 = vector.extract %parallel_loop3A_176[0] : f32 from vector<1xf32>
        %parallel_loop3A_178 = arith.index_cast %parallel_loop3A_105 : i32 to index
        %parallel_loop3A_179 = arith.constant 112 : index
        %parallel_loop3A_180 = tpu.vector_load %arg13[%parallel_loop3A_178, %parallel_loop3A_179] {strides = array<i32>} : memref<128x160xf32, #tpu.memory_space<vmem>>, vector<1x16xf32>,
        %parallel_loop3A_181 = vector.shape_cast %parallel_loop3A_180 : vector<1x16xf32> to vector<16xf32>
        %parallel_loop3A_182 = vector.broadcast %parallel_loop3A_177 : f32 to vector<16xf32>
        %parallel_loop3A_183 = arith.mulf %parallel_loop3A_182, %parallel_loop3A_181 : vector<16xf32>
        %parallel_loop3A_184 = arith.addf %parallel_loop3A_175, %parallel_loop3A_183 : vector<16xf32>
        %parallel_loop3A_185 = arith.addf %parallel_loop3A_167, %parallel_loop3A_184 : vector<16xf32>
        %parallel_loop3A_186 = arith.index_cast %parallel_loop3A_105 : i32 to index
        %parallel_loop3A_187 = arith.constant 144 : index
        %parallel_loop3A_188 = tpu.vector_load %arg13[%parallel_loop3A_186, %parallel_loop3A_187] {strides = array<i32>} : memref<128x160xf32, #tpu.memory_space<vmem>>, vector<1x16xf32>,
        %parallel_loop3A_189 = vector.shape_cast %parallel_loop3A_188 : vector<1x16xf32> to vector<16xf32>
        %parallel_loop3A_190 = arith.addf %parallel_loop3A_185, %parallel_loop3A_189 : vector<16xf32>
        %parallel_loop3A_191 = arith.addf %parallel_loop3A_190, %select_n3A : vector<16xf32>
        %parallel_loop3A_192 = arith.index_cast %parallel_loop3A_105 : i32 to index
        %parallel_loop3A_193 = arith.constant 16 : index
        %parallel_loop3A_194 = tpu.vector_load %arg15[%parallel_loop3A_192, %parallel_loop3A_193] {strides = array<i32>} : memref<128x32xf32, #tpu.memory_space<vmem>>, vector<1x16xf32>,
        %parallel_loop3A_195 = vector.shape_cast %parallel_loop3A_194 : vector<1x16xf32> to vector<16xf32>
        %parallel_loop3A_196 = vector.shape_cast %parallel_loop3A_191 : vector<16xf32> to vector<1x16xf32>
        tpu.vector_store %arg15[%parallel_loop3A_192, %parallel_loop3A_193], %parallel_loop3A_196 {strides = array<i32>} : memref<128x32xf32, #tpu.memory_space<vmem>>, vector<1x16xf32>,
        %parallel_loop3A_197 = arith.constant 2 : i32
        %parallel_loop3A_198 = arith.muli %parallel_loop3A_197, %parallel_loop3A_95 : i32
        %parallel_loop3A_199 = arith.constant 1 : i32
        %parallel_loop3A_200 = arith.addi %parallel_loop3A_198, %parallel_loop3A_199 : i32
        %parallel_loop3A_201 = vector.extract_strided_slice %parallel_loop3A_103 {offsets = [4], sizes = [1], strides = [1]} : vector<16xf32> to vector<1xf32>
        %parallel_loop3A_202 = vector.extract %parallel_loop3A_201[0] : f32 from vector<1xf32>
        %parallel_loop3A_203 = arith.index_cast %parallel_loop3A_200 : i32 to index
        %parallel_loop3A_204 = arith.constant 0 : index
        %parallel_loop3A_205 = tpu.vector_load %arg13[%parallel_loop3A_203, %parallel_loop3A_204] {strides = array<i32>} : memref<128x160xf32, #tpu.memory_space<vmem>>, vector<1x16xf32>,
        %parallel_loop3A_206 = vector.shape_cast %parallel_loop3A_205 : vector<1x16xf32> to vector<16xf32>
        %parallel_loop3A_207 = vector.broadcast %parallel_loop3A_202 : f32 to vector<16xf32>
        %parallel_loop3A_208 = arith.mulf %parallel_loop3A_207, %parallel_loop3A_206 : vector<16xf32>
        %parallel_loop3A_209 = vector.extract_strided_slice %parallel_loop3A_103 {offsets = [5], sizes = [1], strides = [1]} : vector<16xf32> to vector<1xf32>
        %parallel_loop3A_210 = vector.extract %parallel_loop3A_209[0] : f32 from vector<1xf32>
        %parallel_loop3A_211 = arith.index_cast %parallel_loop3A_200 : i32 to index
        %parallel_loop3A_212 = arith.constant 32 : index
        %parallel_loop3A_213 = tpu.vector_load %arg13[%parallel_loop3A_211, %parallel_loop3A_212] {strides = array<i32>} : memref<128x160xf32, #tpu.memory_space<vmem>>, vector<1x16xf32>,
        %parallel_loop3A_214 = vector.shape_cast %parallel_loop3A_213 : vector<1x16xf32> to vector<16xf32>
        %parallel_loop3A_215 = vector.broadcast %parallel_loop3A_210 : f32 to vector<16xf32>
        %parallel_loop3A_216 = arith.mulf %parallel_loop3A_215, %parallel_loop3A_214 : vector<16xf32>
        %parallel_loop3A_217 = arith.addf %parallel_loop3A_208, %parallel_loop3A_216 : vector<16xf32>
        %parallel_loop3A_218 = vector.extract_strided_slice %parallel_loop3A_103 {offsets = [6], sizes = [1], strides = [1]} : vector<16xf32> to vector<1xf32>
        %parallel_loop3A_219 = vector.extract %parallel_loop3A_218[0] : f32 from vector<1xf32>
        %parallel_loop3A_220 = arith.index_cast %parallel_loop3A_200 : i32 to index
        %parallel_loop3A_221 = arith.constant 64 : index
        %parallel_loop3A_222 = tpu.vector_load %arg13[%parallel_loop3A_220, %parallel_loop3A_221] {strides = array<i32>} : memref<128x160xf32, #tpu.memory_space<vmem>>, vector<1x16xf32>,
        %parallel_loop3A_223 = vector.shape_cast %parallel_loop3A_222 : vector<1x16xf32> to vector<16xf32>
        %parallel_loop3A_224 = vector.broadcast %parallel_loop3A_219 : f32 to vector<16xf32>
        %parallel_loop3A_225 = arith.mulf %parallel_loop3A_224, %parallel_loop3A_223 : vector<16xf32>
        %parallel_loop3A_226 = vector.extract_strided_slice %parallel_loop3A_103 {offsets = [7], sizes = [1], strides = [1]} : vector<16xf32> to vector<1xf32>
        %parallel_loop3A_227 = vector.extract %parallel_loop3A_226[0] : f32 from vector<1xf32>
        %parallel_loop3A_228 = arith.index_cast %parallel_loop3A_200 : i32 to index
        %parallel_loop3A_229 = arith.constant 96 : index
        %parallel_loop3A_230 = tpu.vector_load %arg13[%parallel_loop3A_228, %parallel_loop3A_229] {strides = array<i32>} : memref<128x160xf32, #tpu.memory_space<vmem>>, vector<1x16xf32>,
        %parallel_loop3A_231 = vector.shape_cast %parallel_loop3A_230 : vector<1x16xf32> to vector<16xf32>
        %parallel_loop3A_232 = vector.broadcast %parallel_loop3A_227 : f32 to vector<16xf32>
        %parallel_loop3A_233 = arith.mulf %parallel_loop3A_232, %parallel_loop3A_231 : vector<16xf32>
        %parallel_loop3A_234 = arith.addf %parallel_loop3A_225, %parallel_loop3A_233 : vector<16xf32>
        %parallel_loop3A_235 = arith.addf %parallel_loop3A_217, %parallel_loop3A_234 : vector<16xf32>
        %parallel_loop3A_236 = arith.index_cast %parallel_loop3A_200 : i32 to index
        %parallel_loop3A_237 = arith.constant 128 : index
        %parallel_loop3A_238 = tpu.vector_load %arg13[%parallel_loop3A_236, %parallel_loop3A_237] {strides = array<i32>} : memref<128x160xf32, #tpu.memory_space<vmem>>, vector<1x16xf32>,
        %parallel_loop3A_239 = vector.shape_cast %parallel_loop3A_238 : vector<1x16xf32> to vector<16xf32>
        %parallel_loop3A_240 = arith.addf %parallel_loop3A_235, %parallel_loop3A_239 : vector<16xf32>
        %parallel_loop3A_241 = arith.index_cast %parallel_loop3A_200 : i32 to index
        %parallel_loop3A_242 = arith.constant 0 : index
        %parallel_loop3A_243 = tpu.vector_load %arg15[%parallel_loop3A_241, %parallel_loop3A_242] {strides = array<i32>} : memref<128x32xf32, #tpu.memory_space<vmem>>, vector<1x16xf32>,
        %parallel_loop3A_244 = vector.shape_cast %parallel_loop3A_243 : vector<1x16xf32> to vector<16xf32>
        %parallel_loop3A_245 = vector.shape_cast %parallel_loop3A_240 : vector<16xf32> to vector<1x16xf32>
        tpu.vector_store %arg15[%parallel_loop3A_241, %parallel_loop3A_242], %parallel_loop3A_245 {strides = array<i32>} : memref<128x32xf32, #tpu.memory_space<vmem>>, vector<1x16xf32>,
        %parallel_loop3A_246 = vector.extract_strided_slice %parallel_loop3A_103 {offsets = [4], sizes = [1], strides = [1]} : vector<16xf32> to vector<1xf32>
        %parallel_loop3A_247 = vector.extract %parallel_loop3A_246[0] : f32 from vector<1xf32>
        %parallel_loop3A_248 = arith.index_cast %parallel_loop3A_200 : i32 to index
        %parallel_loop3A_249 = arith.constant 16 : index
        %parallel_loop3A_250 = tpu.vector_load %arg13[%parallel_loop3A_248, %parallel_loop3A_249] {strides = array<i32>} : memref<128x160xf32, #tpu.memory_space<vmem>>, vector<1x16xf32>,
        %parallel_loop3A_251 = vector.shape_cast %parallel_loop3A_250 : vector<1x16xf32> to vector<16xf32>
        %parallel_loop3A_252 = vector.broadcast %parallel_loop3A_247 : f32 to vector<16xf32>
        %parallel_loop3A_253 = arith.mulf %parallel_loop3A_252, %parallel_loop3A_251 : vector<16xf32>
        %parallel_loop3A_254 = vector.extract_strided_slice %parallel_loop3A_103 {offsets = [5], sizes = [1], strides = [1]} : vector<16xf32> to vector<1xf32>
        %parallel_loop3A_255 = vector.extract %parallel_loop3A_254[0] : f32 from vector<1xf32>
        %parallel_loop3A_256 = arith.index_cast %parallel_loop3A_200 : i32 to index
        %parallel_loop3A_257 = arith.constant 48 : index
        %parallel_loop3A_258 = tpu.vector_load %arg13[%parallel_loop3A_256, %parallel_loop3A_257] {strides = array<i32>} : memref<128x160xf32, #tpu.memory_space<vmem>>, vector<1x16xf32>,
        %parallel_loop3A_259 = vector.shape_cast %parallel_loop3A_258 : vector<1x16xf32> to vector<16xf32>
        %parallel_loop3A_260 = vector.broadcast %parallel_loop3A_255 : f32 to vector<16xf32>
        %parallel_loop3A_261 = arith.mulf %parallel_loop3A_260, %parallel_loop3A_259 : vector<16xf32>
        %parallel_loop3A_262 = arith.addf %parallel_loop3A_253, %parallel_loop3A_261 : vector<16xf32>
        %parallel_loop3A_263 = vector.extract_strided_slice %parallel_loop3A_103 {offsets = [6], sizes = [1], strides = [1]} : vector<16xf32> to vector<1xf32>
        %parallel_loop3A_264 = vector.extract %parallel_loop3A_263[0] : f32 from vector<1xf32>
        %parallel_loop3A_265 = arith.index_cast %parallel_loop3A_200 : i32 to index
        %parallel_loop3A_266 = arith.constant 80 : index
        %parallel_loop3A_267 = tpu.vector_load %arg13[%parallel_loop3A_265, %parallel_loop3A_266] {strides = array<i32>} : memref<128x160xf32, #tpu.memory_space<vmem>>, vector<1x16xf32>,
        %parallel_loop3A_268 = vector.shape_cast %parallel_loop3A_267 : vector<1x16xf32> to vector<16xf32>
        %parallel_loop3A_269 = vector.broadcast %parallel_loop3A_264 : f32 to vector<16xf32>
        %parallel_loop3A_270 = arith.mulf %parallel_loop3A_269, %parallel_loop3A_268 : vector<16xf32>
        %parallel_loop3A_271 = vector.extract_strided_slice %parallel_loop3A_103 {offsets = [7], sizes = [1], strides = [1]} : vector<16xf32> to vector<1xf32>
        %parallel_loop3A_272 = vector.extract %parallel_loop3A_271[0] : f32 from vector<1xf32>
        %parallel_loop3A_273 = arith.index_cast %parallel_loop3A_200 : i32 to index
        %parallel_loop3A_274 = arith.constant 112 : index
        %parallel_loop3A_275 = tpu.vector_load %arg13[%parallel_loop3A_273, %parallel_loop3A_274] {strides = array<i32>} : memref<128x160xf32, #tpu.memory_space<vmem>>, vector<1x16xf32>,
        %parallel_loop3A_276 = vector.shape_cast %parallel_loop3A_275 : vector<1x16xf32> to vector<16xf32>
        %parallel_loop3A_277 = vector.broadcast %parallel_loop3A_272 : f32 to vector<16xf32>
        %parallel_loop3A_278 = arith.mulf %parallel_loop3A_277, %parallel_loop3A_276 : vector<16xf32>
        %parallel_loop3A_279 = arith.addf %parallel_loop3A_270, %parallel_loop3A_278 : vector<16xf32>
        %parallel_loop3A_280 = arith.addf %parallel_loop3A_262, %parallel_loop3A_279 : vector<16xf32>
        %parallel_loop3A_281 = arith.index_cast %parallel_loop3A_200 : i32 to index
        %parallel_loop3A_282 = arith.constant 144 : index
        %parallel_loop3A_283 = tpu.vector_load %arg13[%parallel_loop3A_281, %parallel_loop3A_282] {strides = array<i32>} : memref<128x160xf32, #tpu.memory_space<vmem>>, vector<1x16xf32>,
        %parallel_loop3A_284 = vector.shape_cast %parallel_loop3A_283 : vector<1x16xf32> to vector<16xf32>
        %parallel_loop3A_285 = arith.addf %parallel_loop3A_280, %parallel_loop3A_284 : vector<16xf32>
        %parallel_loop3A_286 = arith.addf %parallel_loop3A_285, %select_n3A : vector<16xf32>
        %parallel_loop3A_287 = arith.index_cast %parallel_loop3A_200 : i32 to index
        %parallel_loop3A_288 = arith.constant 16 : index
        %parallel_loop3A_289 = tpu.vector_load %arg15[%parallel_loop3A_287, %parallel_loop3A_288] {strides = array<i32>} : memref<128x32xf32, #tpu.memory_space<vmem>>, vector<1x16xf32>,
        %parallel_loop3A_290 = vector.shape_cast %parallel_loop3A_289 : vector<1x16xf32> to vector<16xf32>
        %parallel_loop3A_291 = vector.shape_cast %parallel_loop3A_286 : vector<16xf32> to vector<1x16xf32>
        tpu.vector_store %arg15[%parallel_loop3A_287, %parallel_loop3A_288], %parallel_loop3A_291 {strides = array<i32>} : memref<128x32xf32, #tpu.memory_space<vmem>>, vector<1x16xf32>,
      } {sc.loop_unroll_factor = 8 : i64, sc.parallel_access}
      %add3A_87 = arith.constant 1 : i32
      %add3A_88 = arith.addi %mul3A_44, %add3A_87 : i32
      %dma_start3A_89 = arith.constant 0 : i32
      %dma_start3A_90 = tpu.memref_slice %arg10[%add3A_88, %dma_start3A_89] : memref<40x128xi32, #tpu.memory_space<vmem>> -> memref<1x128xi32, #tpu.memory_space<vmem>>
      %dma_start3A_91 = tpu.memref_squeeze %dma_start3A_90 : memref<1x128xi32, #tpu.memory_space<vmem>> -> memref<128xi32, #tpu.memory_space<vmem>>
      %dma_start3A_92 = arith.constant 0 : i32
      %dma_start3A_93 = arith.constant 0 : i32
      %dma_start3A_94 = tpu.memref_slice %arg8[%dma_start3A_92, %dma_start3A_93] : memref<10112x32xf32, #tpu.memory_space<vmem_shared>> -> memref<10112x32xf32, #tpu.memory_space<vmem_shared>>
      tpu.enqueue_indirect_dma source(%arg15 : memref<128x32xf32, #tpu.memory_space<vmem>>) target(%dma_start3A_94 : memref<10112x32xf32, #tpu.memory_space<vmem_shared>>) offsets(%dma_start3A_91 : memref<128xi32, #tpu.memory_space<vmem>>) semaphore(%arg17 : memref<!tpu.dma_semaphore, #tpu.memory_space<semaphore_mem>>) {add = true}
    }
    %scan3A_23 = arith.constant 20 : i32
    %dma_wait3A = arith.constant 0 : i32
    %dma_wait3A_24 = arith.constant 0 : i32
    %dma_wait3A_25 = tpu.memref_slice %arg10[%dma_wait3A, %dma_wait3A_24] : memref<40x128xi32, #tpu.memory_space<vmem>> -> memref<1x128xi32, #tpu.memory_space<vmem>>
    %dma_wait3A_26 = tpu.memref_squeeze %dma_wait3A_25 : memref<1x128xi32, #tpu.memory_space<vmem>> -> memref<128xi32, #tpu.memory_space<vmem>>
    %dma_wait3A_27 = arith.constant 0 : i32
    %dma_wait3A_28 = arith.constant 0 : i32
    %dma_wait3A_29 = tpu.memref_slice %arg8[%dma_wait3A_27, %dma_wait3A_28] : memref<10112x32xf32, #tpu.memory_space<vmem_shared>> -> memref<10112x32xf32, #tpu.memory_space<vmem_shared>>
    tpu.wait_indirect_dma semaphore(%arg17 : memref<!tpu.dma_semaphore, #tpu.memory_space<semaphore_mem>>) src(%arg14 : memref<128x32xf32, #tpu.memory_space<vmem>>) dst(%dma_wait3A_29 : memref<10112x32xf32, #tpu.memory_space<vmem_shared>>)
    %dma_wait3A_30 = arith.constant 0 : i32
    %dma_wait3A_31 = arith.constant 0 : i32
    %dma_wait3A_32 = tpu.memref_slice %arg10[%dma_wait3A_30, %dma_wait3A_31] : memref<40x128xi32, #tpu.memory_space<vmem>> -> memref<1x128xi32, #tpu.memory_space<vmem>>
    %dma_wait3A_33 = tpu.memref_squeeze %dma_wait3A_32 : memref<1x128xi32, #tpu.memory_space<vmem>> -> memref<128xi32, #tpu.memory_space<vmem>>
    %dma_wait3A_34 = arith.constant 0 : i32
    %dma_wait3A_35 = arith.constant 0 : i32
    %dma_wait3A_36 = tpu.memref_slice %arg8[%dma_wait3A_34, %dma_wait3A_35] : memref<10112x32xf32, #tpu.memory_space<vmem_shared>> -> memref<10112x32xf32, #tpu.memory_space<vmem_shared>>
    tpu.wait_indirect_dma semaphore(%arg17 : memref<!tpu.dma_semaphore, #tpu.memory_space<semaphore_mem>>) src(%arg15 : memref<128x32xf32, #tpu.memory_space<vmem>>) dst(%dma_wait3A_36 : memref<10112x32xf32, #tpu.memory_space<vmem_shared>>)
    %barrier3A_37 = arith.constant 0 : index
    tpu.barrier barrier_id(%barrier3A_37)
    %mul3A_38 = arith.constant 632 : i32
    %mul3A_39 = arith.muli %arg1, %mul3A_38 : i32
    %mul3A_40 = arith.constant 632 : i32
    %mul3A_41 = arith.muli %arg1, %mul3A_40 : i32
    "tpu.region"() ({
      %run_scoped3A = tpu.sem_alloc : memref<!tpu.dma_semaphore, #tpu.memory_space<semaphore_mem>>
      %dma_start3A_42 = arith.constant 0 : i32
      %dma_start3A_43 = tpu.memref_slice %arg7[%arg0, %mul3A_41, %dma_start3A_42] : memref<2x10112x32xf32, #tpu.memory_space<hbm>> -> memref<1x632x32xf32, #tpu.memory_space<hbm>>
      %dma_start3A_44 = tpu.memref_squeeze %dma_start3A_43 : memref<1x632x32xf32, #tpu.memory_space<hbm>> -> memref<632x32xf32, #tpu.memory_space<hbm>>
      %dma_start3A_45 = arith.constant 0 : i32
      %dma_start3A_46 = tpu.memref_slice %arg8[%mul3A_39, %dma_start3A_45] : memref<10112x32xf32, #tpu.memory_space<vmem_shared>> -> memref<632x32xf32, #tpu.memory_space<vmem_shared>>
      tpu.enqueue_dma source(%dma_start3A_46 : memref<632x32xf32, #tpu.memory_space<vmem_shared>>) target(%dma_start3A_44 : memref<632x32xf32, #tpu.memory_space<hbm>>) target_semaphore(%run_scoped3A : memref<!tpu.dma_semaphore, #tpu.memory_space<semaphore_mem>>)
      %dma_wait3A_47 = arith.constant 0 : i32
      %dma_wait3A_48 = tpu.memref_slice %arg7[%arg0, %mul3A_41, %dma_wait3A_47] : memref<2x10112x32xf32, #tpu.memory_space<hbm>> -> memref<1x632x32xf32, #tpu.memory_space<hbm>>
      %dma_wait3A_49 = tpu.memref_squeeze %dma_wait3A_48 : memref<1x632x32xf32, #tpu.memory_space<hbm>> -> memref<632x32xf32, #tpu.memory_space<hbm>>
      %dma_wait3A_50 = arith.constant 0 : i32
      %dma_wait3A_51 = tpu.memref_slice %arg8[%mul3A_39, %dma_wait3A_50] : memref<10112x32xf32, #tpu.memory_space<vmem_shared>> -> memref<632x32xf32, #tpu.memory_space<vmem_shared>>
      tpu.wait_dma2 semaphore(%run_scoped3A : memref<!tpu.dma_semaphore, #tpu.memory_space<semaphore_mem>>) src(%dma_wait3A_51 : memref<632x32xf32, #tpu.memory_space<vmem_shared>>) dst(%dma_wait3A_49 : memref<632x32xf32, #tpu.memory_space<hbm>>)
      tpu.yield
    }) : () -> ()
    return
  }
}

</mosaic_0001>

<sc_bundles>
// kernel: kernel.11.cloned.1.call-start
scs
__scs_entry_jumppad:
0x0: {  	(pc) =	sbr.rel $0x88, $3  }
0x1: {  	(tag) =	ssettag $0x0;
	lr =	simm.s32 $0x1  }
0x2: {  	[smem:$0x3F8B] =	sst lr;
	_ =	strace $0xD0000000  }
0x3: {  	_ = 	snop  }
0x4: {  	_ = 	snop  }
0x5: {  	_ = 	snop  }
0x6: {  	_ = 	snop  }
0x7: {  	_ = 	snop  }
__scs_overlays_trampoline_lowered:
0x8: {  	[smem:$0x3F9A] =	sst s0  }
0x9: {  	[smem:$0x3F9B] =	sst s1  }
0xa: {  	[smem:$0x3F9C] =	sst s2  }
0xb: {  	[smem:$0x3F9D] =	sst s3  }
0xc: {  	[smem:$0x3F9E] =	sst s4  }
0xd: {  	[smem:$0x3F9F] =	sst s5  }
0xe: {  	[smem:$0x3FA0] =	sst s6  }
0xf: {  	[smem:$0x3FA1] =	sst s7  }
0x10: {  	[smem:$0x3FA2] =	sst s8  }
0x11: {  	[smem:$0x3FA3] =	sst s9;
	s0 =	simm.s32 @!p0 $0x0  }
0x12: {  	s1 =	sld [smem:$0x3F89];
	s0 =	simm.s32 @p0 $0x1  }
0x13: {  	[smem:$0x3FA4] =	sst s0;
	s0 =	simm.s32 @!p1 $0x0  }
0x14: {  	s2 =	sld [smem:$0x3F88];
	s0 =	simm.s32 @p1 $0x1  }
0x15: {  	[smem:$0x3FA5] =	sst s0;
	s0 =	simm.s32 @!p2 $0x0  }
0x16: {  	s3 =	sld [smem:$0x3FDB];
	s0 =	simm.s32 @p2 $0x1  }
0x17: {  	s4 =	simm.s32 $0x1BF5;
	[smem:$0x3FA7] =	sst s0  }
0x18: {  	s0 =	sld [smem:$0x3F8A];
	_ =	swait.ge [sflag:s4], $0x0  }
0x19: {  	s7 =	sld [smem:$0x3F8B]  }
0x1a: {  	s8 =	sadd.s32 $0xFFFFE003, lr  }
0x1b: {  	s9 =	sadd.s32 $0xFFFFFEF7, lr;
	s5 =	simm.s32 $0xFFFFFFFF;
	p2 =	slt.u32 s8, $0xFFFFF086  }
0x1c: {  	p1 =	slt.u32 s9, $0xF7A;
	s5 =	simm.s32 @!p2 $0x0  }
0x1d: {  	s5 =	simm.s32 @p1 $0x1;
	p0 =	seq.s32 s7, s2  }
0x1e: {  	s7 =	smul.u32 @!p0 $0xF7A, s2;
	p2 =	seq.s32 @!p0 s5, $0x0  }
0x1f: {  	s9 =	smul.u32 $0xF7A, s1;
	s8 =	simm.s32 @!p0 $0x1BF5;
	p2 =	por !p2, p0  }
0x20: {  	[sflag:s8] =	ssyncset.s32 @!p0 $0xFFFFF086;
	s6 =	sadd.s32 @!p0 s3, s7;
	s7 =	simm.s32 @!p0 $0x108  }
0x21: {  	s3 =	sadd.s32 s3, s9;
	s6 =	sadd.s32 @!p0 $0x88, s6;
	s7 =	simm.s32 @p2 $0x1082  }
0x22: {  	[simem:s7], [sflag:s8] =	dma.local @!p0 [hbm:s6], $0xF7A  }
0x23: {  	s9 =	sor.u32 $0xD0000000, s2;
	s6 =	simm.s32 $0x108;
	_ =	swait.ge @!p0 [sflag:s8], $0x0  }
0x24: {  	s3 =	sadd.s32 $0x88, s3;
	s6 =	simm.s32 @!p1 $0x1082;
	[sflag:s4] =	ssyncset.s32 $0xFFFFF086  }
0x25: {  	[simem:s6], [sflag:s4] =	dma.local [hbm:s3], $0xF7A  }
0x26: {  	[smem:$0x3F8B] =	sst s1;
	(tag) =	ssettag s2;
	_ =	strace s9  }
0x27: {  	s1 =	sld [smem:$0x3F9B]  }
0x28: {  	s2 =	sld [smem:$0x3F9C]  }
0x29: {  	s4 =	sld [smem:$0x3F9E]  }
0x2a: {  	p0 =	seq.s32 s5, $0x0;
	s5 =	sld [smem:$0x3F9F]  }
0x2b: {  	s6 =	sld [smem:$0x3FA0]  }
0x2c: {  	s7 =	sld [smem:$0x3FA1]  }
0x2d: {  	s3 =	simm.s32 $0x108;
	s8 =	sld [smem:$0x3FA2]  }
0x2e: {  	s3 =	simm.s32 @!p0 $0x1082;
	s9 =	sld [smem:$0x3FA3]  }
0x2f: {  	lr =	sadd.s32 s0, s3;
	s0 =	sld [smem:$0x3F9A]  }
0x30: {  	s3 =	sld [smem:$0x3F9D]  }
0x31: {  	[smem:$0x3FA6] =	sst s10  }
0x32: {  	s10 =	sld [smem:$0x3FA4];
	_ =	sdelay $0x3  }
0x33: {  	p0 =	seq.s32 s10, $0x1;
	s10 =	sld [smem:$0x3FA6];
	_ =	sdelay $0x3  }
0x34: {  	[smem:$0x3FA6] =	sst s10  }
0x35: {  	s10 =	sld [smem:$0x3FA5];
	_ =	sdelay $0x3  }
0x36: {  	p1 =	seq.s32 s10, $0x1;
	s10 =	sld [smem:$0x3FA6];
	_ =	sdelay $0x3  }
0x37: {  	[smem:$0x3FA6] =	sst s10  }
0x38: {  	s10 =	sld [smem:$0x3FA7]  }
0x39: {  	_ = 	snop;
	(pc) =	sbr.ind lr, $3  }
0x3a: {  	_ = 	snop  }
0x3b: {  	_ = 	snop  }
0x3c: {  	p2 =	seq.s32 s10, $0x1;
	s10 =	sld [smem:$0x3FA6]  }
0x3d: {  	_ =	shalt  }
0x3e: {  	_ =	shalt  }
0x3f: {  	_ =	shalt  }
0x40: {  	_ =	shalt  }
0x41: {  	_ =	shalt  }
0x42: {  	_ =	shalt  }
0x43: {  	_ =	shalt  }
0x44: {  	_ =	shalt  }
0x45: {  	_ =	shalt  }
0x46: {  	_ =	shalt  }
0x47: {  	_ =	shalt  }
0x48: {  	_ =	shalt  }
0x49: {  	_ =	shalt  }
0x4a: {  	_ =	shalt  }
0x4b: {  	_ =	shalt  }
0x4c: {  	_ =	shalt  }
0x4d: {  	_ =	shalt  }
0x4e: {  	_ =	shalt  }
0x4f: {  	_ =	shalt  }
0x50: {  	_ =	shalt  }
0x51: {  	_ =	shalt  }
0x52: {  	_ =	shalt  }
0x53: {  	_ =	shalt  }
0x54: {  	_ =	shalt  }
0x55: {  	_ =	shalt  }
0x56: {  	_ =	shalt  }
0x57: {  	_ =	shalt  }
0x58: {  	_ =	shalt  }
0x59: {  	_ =	shalt  }
0x5a: {  	_ =	shalt  }
0x5b: {  	_ =	shalt  }
0x5c: {  	_ =	shalt  }
0x5d: {  	_ =	shalt  }
0x5e: {  	_ =	shalt  }
0x5f: {  	_ =	shalt  }
0x60: {  	_ =	shalt  }
0x61: {  	_ =	shalt  }
0x62: {  	_ =	shalt  }
0x63: {  	_ =	shalt  }
0x64: {  	_ =	shalt  }
0x65: {  	_ =	shalt  }
0x66: {  	_ =	shalt  }
0x67: {  	_ =	shalt  }
0x68: {  	_ =	shalt  }
0x69: {  	_ =	shalt  }
0x6a: {  	_ =	shalt  }
0x6b: {  	_ =	shalt  }
0x6c: {  	_ =	shalt  }
0x6d: {  	_ =	shalt  }
0x6e: {  	_ =	shalt  }
0x6f: {  	_ =	shalt  }
0x70: {  	_ =	shalt  }
0x71: {  	_ =	shalt  }
0x72: {  	_ =	shalt  }
0x73: {  	_ =	shalt  }
0x74: {  	_ =	shalt  }
0x75: {  	_ =	shalt  }
0x76: {  	_ =	shalt  }
0x77: {  	_ =	shalt  }
0x78: {  	_ =	shalt  }
0x79: {  	_ =	shalt  }
0x7a: {  	_ =	shalt  }
0x7b: {  	_ =	shalt  }
0x7c: {  	_ =	shalt  }
0x7d: {  	_ =	shalt  }
0x7e: {  	_ =	shalt  }
0x7f: {  	_ =	shalt  }
0x80: {  	_ =	shalt  }
0x81: {  	_ =	shalt  }
0x82: {  	_ =	shalt  }
0x83: {  	_ =	shalt  }
0x84: {  	_ =	shalt  }
0x85: {  	_ =	shalt  }
0x86: {  	_ =	shalt  }
0x87: {  	_ =	shalt  }
.Lfunc_end0:
.L_simem_size_0:
called_computation.3_lowered:
.L_overlay_start_0:
0x88: {  	s2 =	sld [smem:$0x3FD9]  }
0x89: {  	s3 =	sld [smem:$0x3FFE];
	_ =	sdelay $0x1  }
0x8a: {  	s1 =	srdreg.scid  }
0x8b: {  	s0 =	sand.u32 $0x1, s1  }
0x8c: {  	s14 =	sshll.u32 s0, $0xA;
	s2 =	sadd.s32 s3, s2  }
0x8d: {  	s2 =	sadd.s32 s2, s14  }
0x8e: {  	[smem:$0x3FB2] =	sst s2  }
0x8f: {  	_ = 	snop  }
0x90: {  	s2 =	sld [smem:$0x3FD0];
	_ =	sdelay $0x2  }
0x91: {  	s15 =	simm.s32 $0xA;
	s4 =	simm.s32 $0x10  }
0x92: {  	[smem:s4], [sflag:s15] =	dma.local [hbm:s2], $0x1  }
0x93: {  	_ =	swait.eq [sflag:s15], $0x1  }
0x94: {  	[sflag:s15] =	ssyncset.done $0x0  }
0x95: {  	[sflag:s15] =	ssyncadd.s32 $0xFFFFFFFF  }
0x96: {  	s16 =	sld [smem:$0x11];
	(tm) =	ssettm $0x1  }
0x97: {  	s17 =	sld [smem:$0x3FFB];
	_ =	sdelay $0x3  }
0x98: {  	_ =	strace s17  }
0x99: {  	s3 =	sld [smem:$0x3FFC];
	_ =	sdelay $0x3  }
0x9a: {  	_ =	strace s3  }
0x9b: {  	s3 =	sld [smem:$0x3FFD];
	_ =	sdelay $0x3  }
0x9c: {  	_ =	strace s3  }
0x9d: {  	_ =	strace $0x8FFFFFFF  }
0x9e: {  	s18 =	sld [smem:$0x3FDB];
	_ =	sdelay $0x1  }
0x9f: {  	s19 =	simm.s32 $_scs_section_size  }
0xa0: {  	s5 =	simm.s32 $_size__tile_overlayer_lowered;
	s6 =	simm.s32 $_tile_overlayer_lowered  }
0xa1: {  	s22 =	simm.s32 $0x1BFF;
	s21 =	sshll.u32 s6, $0x1;
	s3 =	sadd.s32 s19, s18  }
0xa2: {  	s7 =	simm.s32 $0x0;
	s20 =	sshll.u32 s5, $0x1;
	s5 =	sadd.s32 s21, s3  }
0xa3: {  	[timem:s7], [sflag:s22] =	dma.local [hbm:s5], s20  }
0xa4: {  	_ =	swait.ge [sflag:s22], s20  }
0xa5: {  	s4 =	ssub.s32 $0x0, s20;
	[sflag:s22] =	ssyncset.done $0x0  }
0xa6: {  	[sflag:s22] =	ssyncadd.s32 s4;
	_ =	sdelay $0x1  }
0xa7: {  	s23 =	simm.s32 $0x1B8B  }
0xa8: {  	_ =	swait.ge [sflag:s23], $0x1  }
0xa9: {  	[sflag:s23] =	ssyncset.done $0x0  }
0xaa: {  	s25 =	simm.s32 $0x1B8E;
	s24 =	sld [smem:$0x3FFE];
	[sflag:s23] =	ssyncadd.s32 $0xFFFFFFFF  }
0xab: {  	s26 =	simm.s32 $execute0_lowered;
	[smem:$0x3FD2] =	sst s25  }
0xac: {  	s5 =	sshll.u32 s26, $0x1;
	_ =	strace $0x8000004C;
	[dreg:$0x1] =	wrdreg $0xFFFFFFFF  }
0xad: {  	s28 =	simm.s32 $_size_execute0_lowered;
	s3 =	sadd.s32 s3, s5;
	[dreg:$0x0] =	wrdreg $0x0  }
0xae: {  	s5 =	sshll.u32 s28, $0x1;
	[dreg:$0x2] =	wrdreg s3  }
0xaf: {  	[dreg:$0x3] =	wrdreg s5  }
0xb0: {  	[dreg:$0x4] =	wrdreg $0xC0  }
0xb1: {  	_ =	task [dreg:s7], $0x5FFFF  }
0xb2: {  	[dreg:$0x1] =	wrdreg $0xFFFFFFFF  }
0xb3: {  	[dreg:$0x0] =	wrdreg $0x60  }
0xb4: {  	[dreg:$0x2] =	wrdreg s24  }
0xb5: {  	[dreg:$0x3] =	wrdreg s16  }
0xb6: {  	[dreg:$0x4] =	wrdreg $0x0  }
0xb7: {  	[dreg:$0x5] =	wrdreg $0x9  }
0xb8: {  	_ =	task.clear_ibuf [dreg:s7], $0x6FFFF;
	_ =	strace $0x9000004C  }
0xb9: {  	s29 =	simm.s32 $0x9;
	_ =	strace $0x8000004E  }
0xba: {  	_ =	swait.ge [sflag:s29], $0x1  }
0xbb: {  	[sflag:s29] =	ssyncadd.s32 $0xFFFFFFFF  }
0xbc: {  	_ =	strace $0x9000004E  }
0xbd: {  	_ =	sfence  }
0xbe: {  	s30 =	sld [smem:$0x0];
	_ =	sdelay $0x2  }
0xbf: {  	s31 =	sshll.u32 s1, $0xD;
	s1 =	sshrl.u32 s1, $0x2  }
0xc0: {  	s3 =	sand.u32 $0x4000, s31;
	s1 =	sadd.s32 s1, s30  }
0xc1: {  	s0 =	sor.u32 s3, s0;
	s1 =	sshll.u32 s1, $0x11  }
0xc2: {  	s0 =	sor.u32 s1, s0  }
0xc3: {  	s0 =	sadd.s32 $0x8F2B, s0  }
0xc4: {  	[sflag:s0] =	ssyncadd.remote.s32 $0x1  }
0xc5: {  	_ =	sfence.sel $0xFFFF  }
0xc6: {  	[dreg:$0x0] =	wrdreg $0xFFFFFFFF;
	(pc) =	sbr.abs _section_cstart, $3  }
0xc7: {  	[dreg:$0x1] =	wrdreg $0xFFFFFFFF  }
0xc8: {  	_ =	task.clear_ibuf [dreg:s7], $0x2FFFF;
	_ =	strace $0x9FFFFFFF  }
0xc9: {  	(tm) =	ssettm $0x7FFFFFFF  }
tec
execute0_lowered:
.L_overlay_start_1:
0x0: {  	(tag) =	ssettag $0x1  }
0x1: {  	s2 =	rddreg [dreg:$0x0]  }
0x2: {  	s0 =	srdreg.scid;
	s4 =	rddreg [dreg:$0x1]  }
0x3: {  	s10 =	stileid.u32;
	s3 =	rddreg [dreg:$0x2];
	s7 =	simm.s32 $0x0  }
0x4: {  	s13 =	simm.s32 $0x3;
	s17 =	simm.s32 $0x80;
	s19 =	simm.s32 $0x1  }
0x5: {  	s20 =	simm.s32 $0x11710;
	s21 =	simm.s32 $0x16710;
	s22 =	simm.s32 $0x17710  }
0x6: {  	s23 =	simm.s32 $0x2;
	s0 =	sand.u32 $0x1, s0;
	s1 =	sshll.u32 s10, $0x1  }
0x7: {  	s6 =	smul.u32 $0x4F00, s10;
	[smem:$0x7FF] =	sst s7;
	s9 =	sadd.s32 $0x4A800, s2  }
0x8: {  	s1 =	sor.u32 s0, s1;
	s28 =	smul.u32 $0x4F000, s0;
	_ =	strace $0x8000004D  }
0x9: {  	[dreg:$0x4] =	wrdreg s9;
	s0 =	ssub.s32 $0x2, s0;
	s5 =	smul.u32 $0x280, s1  }
0xa: {  	s1 =	smul.u32 $0xA00, s1;
	s29 =	sshrl.u32 s0, $0x1;
	s7 =	sadd.s32 s6, s28  }
0xb: {  	s0 =	ssub.s32 s0, s29;
	s8 =	sadd.s32 s5, s2;
	s4 =	sadd.s32 s4, s5  }
0xc: {  	s1 =	sadd.s32 s1, s2;
	s0 =	smax.u32 s0, $0x1;
	[dreg:$0x5] =	wrdreg s4  }
0xd: {  	s7 =	sshrl.u32 s7, $0x3;
	s30 =	sadd.s32 $0x31600, s8;
	[dreg:$0x9] =	wrdreg s0  }
0xe: {  	s7 =	sadd.s32 s7, s2;
	s1 =	sadd.s32 $0x36600, s1;
	[dreg:$0x6] =	wrdreg s30  }
0xf: {  	v0 =	vimm.f32 $0.0e+00;
	vm0 =	vcmask $0x3B38;
	s6 =	sadd.s32 s6, s3;
	[dreg:$0x7] =	wrdreg s1;
	s31 =	sadd.s32 $0x4B200, s7  }
0x10: {  	s10 =	sshll.u32 s10, $0x6;
	v1 =	vsel vm0, $0x3F800000, v0;
	s1 =	sshrl.u32 s6, $0x3;
	[dreg:$0x8] =	wrdreg s31  }
0x11: {  	s24 =	simm.s32 $0x0;
	s9 =	sor.u32 $0x1C03, s10;
	[tilespmem:$0x1FFF0] =	vst v1;
	[dreg:$0xa] =	wrdreg s1  }
.LBB2_1:
0x12: {  	s0 =	rddreg [dreg:$0x4]  }
0x13: {  	[spmem:s1], [sflag:s9] =	dma.local [hbm:s0], $0x9E0  }
0x14: {  	_ =	swait.ge [sflag:s13], $0x9E0  }
0x15: {  	s25 =	simm.s32 $0x0;
	[sflag:s13] =	ssyncset.done $0x0  }
0x16: {  	s4 =	simm.s32 $0x4F00;
	s26 =	rddreg [dreg:$0x5];
	[sflag:s13] =	ssyncadd.s32 $0xFFFFF620  }
0x17: {  	[tilespmem:s4], [sflag:$0x3] =	stream.linear.gather [hbm4b:s26+s25], $0x1400, $0x38;
	[tilespmem:$0x18710] =	vst v63  }
0x18: {  	_ =	swait.ge [sflag:s13], $0x1400  }
0x19: {  	[sflag:s13] =	ssyncset.done $0x0  }
0x1a: {  	s5 =	simm.s32 $0x6300;
	s28 =	rddreg [dreg:$0x6];
	[sflag:s13] =	ssyncadd.s32 $0xFFFFEC00  }
0x1b: {  	[tilespmem:s5], [sflag:$0x3] =	stream.linear.gather [hbm4b:s28+s25], $0x1400, $0x38;
	[tilespmem:$0x18710] =	vst v63  }
0x1c: {  	_ =	swait.ge [sflag:s13], $0x1400  }
0x1d: {  	[sflag:s13] =	ssyncset.done $0x0  }
0x1e: {  	s30 =	simm.s32 $0x7700;
	s29 =	rddreg [dreg:$0x7];
	[sflag:s13] =	ssyncadd.s32 $0xFFFFEC00  }
0x1f: {  	[tilespmem:s30], [sflag:$0x3] =	stream.linear.gather [hbm4b:s29+s25], $0x5010, $0x38;
	[tilespmem:$0x18710] =	vst v63  }
0x20: {  	_ =	swait.ge [sflag:s13], $0x5010  }
0x21: {  	[sflag:s13] =	ssyncset.done $0x0  }
0x22: {  	s12 =	smov.u32 s9;
	[sflag:s13] =	ssyncadd.s32 $0xFFFFAFF0  }
0x23: {  	s31 =	simm.s32 $0xC710;
	s25 =	simm.s32 $0x0;
	[bflag:$0x0] =	sbarrier.arrive $0xFFFF  }
0x24: {  	[tilespmem:s31], [sflag:$0x1] =	stream.indirect.gather [hbm4b:s2+s17], $0xA0, s4, s17, $0xb8;
	[tilespmem:$0x18710] =	vst v63  }
.LBB2_2:
0x25: {  	_ =	swait.ge [sflag:s19], $0x5000;
	s28 =	sshllo.u32 s25, $0x1  }
0x26: {  	p0 =	seq.s32 s25, $0x0;
	[sflag:s19] =	ssyncset.done $0x0;
	s26 =	sshll.u32 s28, $0x7  }
0x27: {  	s29 =	sshll.u32 s25, $0xA;
	[sflag:s19] =	ssyncadd.s32 $0xFFFFB000;
	s0 =	sadd.s32 $0x4F00, s26  }
0x28: {  	[tilespmem:s20], [sflag:$0x1] =	stream.indirect.gather [hbm4b:s2+s17], $0xA0, s0, s17, $0xb8;
	[tilespmem:$0x18710] =	vst v63  }
0x29: {  	s1 =	sand.u32 $0x3FFFFC00, s29;
	s0 =	simm.s32 @!p0 $0x2  }
0x2a: {  	s1 =	sadd.s32 $0x7700, s1;
	_ =	swait.ge @!p0 [sflag:s0], $0x1000  }
0x2b: {  	v0 =	vmov s1;
	[sflag:s0] =	ssyncset.done @!p0 $0x0  }
0x2c: {  	s30 =	simm.s32 $0x0;
	[tilespmem:$0x1FFE0] =	vst v0;
	[sflag:s0] =	ssyncadd.s32 @!p0 $0xFFFFF000  }
.LBB2_3:
0x2d: {  	v0 =	vld [tilespmem:$0x1FFE0];
	_ =	sdelay $0x3  }
0x2e: {  	s1 =	smul.u32 $0x500, s30;
	_ =	sdelay $0x1  }
0x2f: {  	s0 =	sshll.u32 s30, $0x3;
	s11 =	sshra.s32 s1, $0x2  }
0x30: {  	s0 =	sand.u32 $0x3FFFFFF8, s0;
	v2 =	vld [tilespmem:s11+$0xC710]  }
0x31: {  	v3 =	vld.idx.msk [tilespmem:v0+s0+$0x0 ss:$0x1], $0xffff  }
0x32: {  	v4 =	vld [tilespmem:s11+$0xC730]  }
0x33: {  	v5 =	vld [tilespmem:s11+$0xC750]  }
0x34: {  	v6 =	vld [tilespmem:s11+$0xC770];
	_ =	sdelay $0x1  }
0x35: {  	s14 =	sor.u32 $0x1, s30;
	v7 =	vbroadcast v3, $0x0;
	v8 =	vbroadcast v3, $0x1  }
0x36: {  	s5 =	smul.u32 $0x500, s14;
	v9 =	vbroadcast v3, $0x2;
	v10 =	vbroadcast v3, $0x3  }
0x37: {  	v2 =	vmul.f32 v2, v7;
	v4 =	vmul.f32 v4, v8  }
0x38: {  	s4 =	sshll.u32 s14, $0x3;
	v11 =	vld [tilespmem:s11+$0xC790];
	s5 =	sshra.s32 s5, $0x2;
	v5 =	vmul.f32 v5, v9;
	v6 =	vmul.f32 v6, v10  }
0x39: {  	s4 =	sand.u32 $0x3FFFFFF8, s4;
	v62 =	vld [tilespmem:s5+$0xC710]  }
0x3a: {  	v12 =	vld.idx.msk [tilespmem:v0+s4+$0x0 ss:$0x1], $0xffff;
	v2 =	vadd.f32 v4, v2;
	v61 =	vadd.f32 v6, v5  }
0x3b: {  	v63 =	vld [tilespmem:s5+$0xC730]  }
0x3c: {  	v21 =	vld [tilespmem:s5+$0xC750];
	v2 =	vadd.f32 v61, v2  }
0x3d: {  	v22 =	vld [tilespmem:s5+$0xC770]  }
0x3e: {  	s15 =	sshll.u32 s30, $0x6;
	v2 =	vadd.f32 v2, v11  }
0x3f: {  	s6 =	sand.u32 $0x3FFFFFC0, s15;
	v13 =	vbroadcast v12, $0x0;
	v14 =	vbroadcast v12, $0x1  }
0x40: {  	v20 =	vld [tilespmem:s5+$0xC790];
	v16 =	vbroadcast v12, $0x2;
	v17 =	vbroadcast v12, $0x3;
	[tilespmem:s6+$0x16710] =	vst v2  }
0x41: {  	v4 =	vmul.f32 v62, v13;
	v5 =	vmul.f32 v63, v14;
	v2 =	vld [tilespmem:s11+$0xC720]  }
0x42: {  	v6 =	vmul.f32 v21, v16;
	v11 =	vmul.f32 v22, v17;
	v15 =	vld [tilespmem:s11+$0xC740]  }
0x43: {  	v18 =	vld [tilespmem:s11+$0xC760]  }
0x44: {  	v4 =	vadd.f32 v5, v4;
	v23 =	vadd.f32 v11, v6;
	v19 =	vld [tilespmem:s11+$0xC780];
	_ =	sdelay $0x1  }
0x45: {  	v4 =	vadd.f32 v23, v4;
	_ =	sdelay $0x1  }
0x46: {  	s16 =	sshll.u32 s14, $0x6;
	v4 =	vadd.f32 v4, v20;
	v2 =	vmul.f32 v2, v7;
	v24 =	vmul.f32 v15, v8  }
0x47: {  	s9 =	sand.u32 $0x3FFFFFC0, s16;
	v25 =	vmul.f32 v18, v9;
	v26 =	vmul.f32 v19, v10  }
0x48: {  	v27 =	vld [tilespmem:s11+$0xC7A0];
	[tilespmem:s9+$0x16710] =	vst v4  }
0x49: {  	v4 =	vld [tilespmem:s5+$0xC720];
	v2 =	vadd.f32 v24, v2;
	v28 =	vadd.f32 v26, v25  }
0x4a: {  	v29 =	vld [tilespmem:s5+$0xC740]  }
0x4b: {  	s0 =	sor.u32 $0x2, s30;
	v30 =	vld [tilespmem:s5+$0xC760];
	v2 =	vadd.f32 v28, v2  }
0x4c: {  	s8 =	smul.u32 $0x500, s0;
	v31 =	vld [tilespmem:s5+$0xC780]  }
0x4d: {  	v2 =	vadd.f32 v2, v27  }
0x4e: {  	s8 =	sshra.s32 s8, $0x2  }
0x4f: {  	s18 =	sshllo.u32 s30, $0x1;
	v42 =	vld [tilespmem:s8+$0xC710];
	v2 =	vadd.f32 v1, v2  }
0x50: {  	s31 =	smul.u32 $0x280, s18;
	v44 =	vld [tilespmem:s8+$0xC730];
	v32 =	vmul.f32 v29, v14;
	v34 =	vmul.f32 v30, v16  }
0x51: {  	v45 =	vld [tilespmem:s8+$0xC750];
	v35 =	vmul.f32 v31, v17;
	[tilespmem:s6+$0x16720] =	vst v2;
	v2 =	vmul.f32 v4, v13  }
0x52: {  	s7 =	sshra.s32 s31, $0x2;
	v36 =	vld [tilespmem:s5+$0xC7A0];
	s6 =	sshll.u32 s0, $0x3  }
0x53: {  	v38 =	vadd.f32 v35, v34;
	v33 =	vld [tilespmem:s7+$0xC710];
	s5 =	sand.u32 $0x3FFFFFF8, s6;
	v2 =	vadd.f32 v32, v2  }
0x54: {  	v14 =	vld.idx.msk [tilespmem:v0+s5+$0x0 ss:$0x1], $0xffff  }
0x55: {  	v46 =	vld [tilespmem:s8+$0xC770];
	v2 =	vadd.f32 v38, v2  }
0x56: {  	v54 =	vld [tilespmem:s8+$0xC790];
	v5 =	vbroadcast v3, $0x4  }
0x57: {  	v37 =	vld [tilespmem:s7+$0xC730];
	v2 =	vadd.f32 v2, v36  }
0x58: {  	s1 =	sshllo.u32 s14, $0x1;
	v4 =	vbroadcast v3, $0x5;
	v39 =	vld [tilespmem:s7+$0xC750];
	s5 =	sor.u32 $0x3, s30;
	v8 =	vmul.f32 v33, v5  }
0x59: {  	s10 =	smul.u32 $0x280, s1;
	v40 =	vld [tilespmem:s7+$0xC770];
	s11 =	sshll.u32 s5, $0x3;
	v49 =	vbroadcast v14, $0x0;
	v50 =	vbroadcast v14, $0x1;
	v43 =	vadd.f32 v1, v2  }
0x5a: {  	v41 =	vld [tilespmem:s7+$0xC790];
	s6 =	sand.u32 $0x3FFFFFF8, s11;
	v23 =	vbroadcast v14, $0x2;
	v24 =	vbroadcast v14, $0x3  }
0x5b: {  	s14 =	sshra.s32 s10, $0x2;
	v22 =	vld.idx.msk [tilespmem:v0+s6+$0x0 ss:$0x1], $0xffff;
	v2 =	vbroadcast v3, $0x6;
	v3 =	vbroadcast v3, $0x7;
	[tilespmem:s9+$0x16720] =	vst v43  }
0x5c: {  	s15 =	smul.u32 $0x500, s5;
	v7 =	vmul.f32 v42, v49;
	v52 =	vmul.f32 v44, v50;
	v47 =	vld [tilespmem:s14+$0xC710]  }
0x5d: {  	v53 =	vmul.f32 v45, v23;
	v13 =	vmul.f32 v46, v24;
	v48 =	vld [tilespmem:s14+$0xC730]  }
0x5e: {  	v9 =	vmul.f32 v37, v4;
	v6 =	vmul.f32 v39, v2;
	s9 =	sshra.s32 s15, $0x2;
	v21 =	vld [tilespmem:s14+$0xC750]  }
0x5f: {  	v10 =	vmul.f32 v40, v3;
	v25 =	vadd.f32 v52, v7;
	v13 =	vadd.f32 v13, v53;
	v55 =	vld [tilespmem:s9+$0xC710]  }
0x60: {  	v8 =	vadd.f32 v9, v8;
	v9 =	vbroadcast v12, $0x5;
	v26 =	vld [tilespmem:s9+$0xC730]  }
0x61: {  	v27 =	vbroadcast v22, $0x0;
	v57 =	vld [tilespmem:s9+$0xC750];
	v6 =	vadd.f32 v10, v6;
	v56 =	vadd.f32 v13, v25  }
0x62: {  	v28 =	vbroadcast v22, $0x1;
	v29 =	vbroadcast v22, $0x2;
	v58 =	vld [tilespmem:s9+$0xC770]  }
0x63: {  	s16 =	sshll.u32 s0, $0x6;
	v51 =	vld [tilespmem:s14+$0xC770];
	v6 =	vadd.f32 v6, v8;
	v8 =	vbroadcast v12, $0x4;
	v16 =	vadd.f32 v56, v54  }
0x64: {  	s4 =	sshll.u32 s18, $0x5;
	s18 =	sand.u32 $0x3FFFFFC0, s16;
	v30 =	vbroadcast v22, $0x3;
	v7 =	vbroadcast v12, $0x7;
	v59 =	vld [tilespmem:s14+$0xC790]  }
0x65: {  	v63 =	vld [tilespmem:s9+$0xC790];
	v11 =	vadd.f32 v6, v41;
	v6 =	vbroadcast v12, $0x6;
	v17 =	vmul.f32 v47, v8;
	[tilespmem:s18+$0x16710] =	vst v16  }
0x66: {  	v15 =	vmul.f32 v55, v27;
	v61 =	vmul.f32 v26, v28;
	v60 =	vld [tilespmem:s8+$0xC720]  }
0x67: {  	v13 =	vmul.f32 v57, v29;
	v25 =	vmul.f32 v58, v30;
	v62 =	vld [tilespmem:s8+$0xC740]  }
0x68: {  	v18 =	vmul.f32 v48, v9;
	v10 =	vmul.f32 v51, v7;
	v31 =	vld [tilespmem:s8+$0xC760]  }
0x69: {  	s31 =	sand.u32 $0x3FFFFFE0, s4;
	v21 =	vmul.f32 v21, v6;
	v15 =	vadd.f32 v61, v15;
	v13 =	vadd.f32 v25, v13;
	v36 =	vld [tilespmem:s8+$0xC780]  }
0x6a: {  	[tilespmem:s31+$0x16710] =	vst v11;
	v17 =	vadd.f32 v18, v17;
	v41 =	vld [tilespmem:s8+$0xC7A0]  }
0x6b: {  	v11 =	vld [tilespmem:s7+$0xC720];
	v10 =	vadd.f32 v10, v21;
	v13 =	vadd.f32 v13, v15  }
0x6c: {  	v12 =	vld [tilespmem:s7+$0xC740]  }
0x6d: {  	s10 =	sshll.u32 s5, $0x6;
	v16 =	vld [tilespmem:s7+$0xC760];
	v10 =	vadd.f32 v10, v17;
	v13 =	vadd.f32 v13, v63  }
0x6e: {  	s4 =	sand.u32 $0x3FFFFFC0, s10;
	v18 =	vld [tilespmem:s7+$0xC780]  }
0x6f: {  	v32 =	vadd.f32 v10, v59;
	v10 =	vld [tilespmem:s7+$0xC7A0];
	[tilespmem:s4+$0x16710] =	vst v13  }
0x70: {  	v13 =	vld [tilespmem:s9+$0xC720]  }
0x71: {  	v43 =	vld [tilespmem:s9+$0xC740]  }
0x72: {  	s1 =	sshll.u32 s1, $0x5;
	v37 =	vmul.f32 v60, v49;
	v38 =	vmul.f32 v62, v50;
	v44 =	vld [tilespmem:s9+$0xC760]  }
0x73: {  	s1 =	sand.u32 $0x3FFFFFE0, s1;
	v39 =	vmul.f32 v31, v23;
	v40 =	vmul.f32 v36, v24;
	s7 =	sor.u32 $0x4, s30;
	v45 =	vld [tilespmem:s9+$0xC780]  }
0x74: {  	s11 =	sshll.u32 s7, $0x3;
	s10 =	smul.u32 $0x500, s7;
	v50 =	vld [tilespmem:s9+$0xC7A0];
	[tilespmem:s1+$0x16710] =	vst v32  }
0x75: {  	v15 =	vadd.f32 v38, v37;
	v42 =	vadd.f32 v40, v39;
	s8 =	sand.u32 $0x3FFFFFF8, s11;
	v17 =	vld [tilespmem:s14+$0xC720]  }
0x76: {  	v34 =	vld.idx.msk [tilespmem:v0+s8+$0x0 ss:$0x1], $0xffff;
	s10 =	sshra.s32 s10, $0x2  }
0x77: {  	v15 =	vadd.f32 v42, v15;
	v46 =	vld [tilespmem:s10+$0xC710]  }
0x78: {  	v47 =	vld [tilespmem:s10+$0xC730]  }
0x79: {  	v48 =	vld [tilespmem:s10+$0xC750];
	v15 =	vadd.f32 v15, v41;
	v13 =	vmul.f32 v13, v27;
	v20 =	vmul.f32 v43, v28  }
0x7a: {  	s0 =	sshllo.u32 s0, $0x1;
	v49 =	vld [tilespmem:s10+$0xC770];
	v21 =	vmul.f32 v44, v29;
	v19 =	vmul.f32 v45, v30  }
0x7b: {  	s15 =	smul.u32 $0x280, s0;
	v31 =	vld [tilespmem:s14+$0xC740];
	v15 =	vadd.f32 v1, v15;
	v13 =	vadd.f32 v20, v13  }
0x7c: {  	v36 =	vld [tilespmem:s10+$0xC790];
	v19 =	vadd.f32 v19, v21;
	v52 =	vbroadcast v34, $0x0;
	v53 =	vbroadcast v34, $0x1  }
0x7d: {  	s8 =	sshra.s32 s15, $0x2;
	v27 =	vld [tilespmem:s14+$0xC760];
	v33 =	vbroadcast v34, $0x2;
	v35 =	vbroadcast v34, $0x3;
	[tilespmem:s18+$0x16720] =	vst v15  }
0x7e: {  	v51 =	vld [tilespmem:s8+$0xC710];
	v13 =	vadd.f32 v19, v13;
	v56 =	vmul.f32 v46, v52;
	v57 =	vmul.f32 v47, v53  }
0x7f: {  	v54 =	vld [tilespmem:s8+$0xC730];
	v25 =	vmul.f32 v48, v33;
	v26 =	vmul.f32 v49, v35  }
0x80: {  	v55 =	vld [tilespmem:s8+$0xC750];
	v15 =	vadd.f32 v13, v50  }
0x81: {  	s16 =	sshllo.u32 s5, $0x1;
	v58 =	vld [tilespmem:s8+$0xC770];
	v19 =	vadd.f32 v57, v56;
	v25 =	vadd.f32 v26, v25  }
0x82: {  	s5 =	smul.u32 $0x280, s16;
	v29 =	vld [tilespmem:s14+$0xC780];
	v59 =	vadd.f32 v1, v15  }
0x83: {  	v23 =	vbroadcast v14, $0x4;
	v60 =	vld [tilespmem:s8+$0xC790];
	v13 =	vbroadcast v14, $0x5;
	v19 =	vadd.f32 v25, v19  }
0x84: {  	s18 =	sshra.s32 s5, $0x2;
	v15 =	vbroadcast v14, $0x6;
	v14 =	vbroadcast v14, $0x7;
	v25 =	vld [tilespmem:s14+$0xC7A0];
	[tilespmem:s4+$0x16720] =	vst v59  }
0x85: {  	s9 =	sshll.u32 s7, $0x6;
	v20 =	vmul.f32 v51, v23;
	v21 =	vmul.f32 v54, v13;
	v19 =	vadd.f32 v19, v36;
	v62 =	vld [tilespmem:s18+$0xC710]  }
0x86: {  	s11 =	sand.u32 $0x3FFFFFC0, s9;
	v61 =	vmul.f32 v55, v15;
	v24 =	vmul.f32 v58, v14;
	v63 =	vld [tilespmem:s18+$0xC730]  }
0x87: {  	v45 =	vld [tilespmem:s18+$0xC750];
	[tilespmem:s11+$0x16710] =	vst v19  }
0x88: {  	v20 =	vadd.f32 v21, v20;
	v44 =	vadd.f32 v24, v61;
	v37 =	vld [tilespmem:s10+$0xC720]  }
0x89: {  	v38 =	vld [tilespmem:s10+$0xC740]  }
0x8a: {  	v39 =	vld [tilespmem:s10+$0xC760];
	v46 =	vadd.f32 v44, v20  }
0x8b: {  	v19 =	vbroadcast v22, $0x4;
	v40 =	vld [tilespmem:s10+$0xC780];
	v20 =	vbroadcast v22, $0x5  }
0x8c: {  	s0 =	sshll.u32 s0, $0x5;
	s5 =	sor.u32 $0x5, s30;
	v41 =	vld [tilespmem:s18+$0xC770];
	v21 =	vadd.f32 v46, v60  }
0x8d: {  	s0 =	sand.u32 $0x3FFFFFE0, s0;
	s14 =	sshll.u32 s5, $0x3;
	v49 =	vld [tilespmem:s18+$0xC790];
	v42 =	vmul.f32 v62, v19;
	v36 =	vmul.f32 v63, v20  }
0x8e: {  	s4 =	sand.u32 $0x3FFFFFF8, s14;
	v48 =	vld [tilespmem:s10+$0xC7A0];
	[tilespmem:s0+$0x16710] =	vst v21;
	v21 =	vbroadcast v22, $0x6;
	v22 =	vbroadcast v22, $0x7  }
0x8f: {  	v37 =	vmul.f32 v37, v52;
	v30 =	vmul.f32 v38, v53;
	v50 =	vadd.f32 v36, v42;
	v36 =	vld.idx.msk [tilespmem:v0+s4+$0x0 ss:$0x1], $0xffff  }
0x90: {  	s15 =	smul.u32 $0x500, s5;
	v33 =	vmul.f32 v39, v33;
	v35 =	vmul.f32 v40, v35;
	v32 =	vld [tilespmem:s8+$0xC720]  }
0x91: {  	v26 =	vld [tilespmem:s8+$0xC740];
	v24 =	vmul.f32 v45, v21;
	v47 =	vmul.f32 v41, v22  }
0x92: {  	s4 =	sshra.s32 s15, $0x2;
	v28 =	vld [tilespmem:s8+$0xC760];
	v37 =	vadd.f32 v30, v37;
	v33 =	vadd.f32 v35, v33  }
0x93: {  	v51 =	vld [tilespmem:s4+$0xC710];
	v24 =	vadd.f32 v47, v24  }
0x94: {  	v52 =	vld [tilespmem:s4+$0xC730];
	v33 =	vadd.f32 v33, v37  }
0x95: {  	v54 =	vld [tilespmem:s4+$0xC750];
	v24 =	vadd.f32 v24, v50  }
0x96: {  	v56 =	vld [tilespmem:s4+$0xC770];
	v33 =	vadd.f32 v33, v48  }
0x97: {  	s6 =	sshll.u32 s16, $0x5;
	s14 =	sshllo.u32 s7, $0x1;
	v58 =	vld [tilespmem:s4+$0xC790];
	v53 =	vadd.f32 v24, v49  }
0x98: {  	s16 =	smul.u32 $0x280, s14;
	s15 =	sand.u32 $0x3FFFFFE0, s6;
	v30 =	vld [tilespmem:s8+$0xC780];
	v55 =	vadd.f32 v1, v33  }
0x99: {  	v38 =	vbroadcast v36, $0x0;
	v42 =	vbroadcast v36, $0x1;
	v24 =	vld [tilespmem:s8+$0xC7A0];
	[tilespmem:s15+$0x16710] =	vst v53  }
0x9a: {  	s16 =	sshra.s32 s16, $0x2;
	v44 =	vbroadcast v36, $0x2;
	v45 =	vbroadcast v36, $0x3;
	[tilespmem:s11+$0x16720] =	vst v55;
	v33 =	vld [tilespmem:s18+$0xC720]  }
0x9b: {  	[tilespmem:$0x1FFD0] =	vst v2;
	v35 =	vmul.f32 v51, v38;
	v37 =	vmul.f32 v52, v42;
	v2 =	vld [tilespmem:s16+$0xC710]  }
0x9c: {  	v39 =	vmul.f32 v54, v44;
	v57 =	vmul.f32 v56, v45;
	s8 =	sor.u32 $0x6, s30;
	v46 =	vld [tilespmem:s16+$0xC730]  }
0x9d: {  	s7 =	sshll.u32 s8, $0x3;
	s9 =	smul.u32 $0x500, s8;
	v47 =	vld [tilespmem:s16+$0xC750]  }
0x9e: {  	v35 =	vadd.f32 v37, v35;
	v59 =	vadd.f32 v57, v39;
	s6 =	sand.u32 $0x3FFFFFF8, s7;
	v48 =	vld [tilespmem:s16+$0xC770]  }
0x9f: {  	v40 =	vld.idx.msk [tilespmem:v0+s6+$0x0 ss:$0x1], $0xffff;
	s6 =	sshra.s32 s9, $0x2  }
0xa0: {  	s10 =	sshll.u32 s5, $0x6;
	s7 =	sor.u32 $0x7, s30;
	v35 =	vadd.f32 v59, v35;
	v60 =	vld [tilespmem:s6+$0xC710]  }
0xa1: {  	s11 =	sshll.u32 s7, $0x3;
	s9 =	sand.u32 $0x3FFFFFC0, s10;
	v49 =	vld [tilespmem:s6+$0xC730]  }
0xa2: {  	v61 =	vld [tilespmem:s6+$0xC750];
	s10 =	sand.u32 $0x3FFFFFF8, s11;
	s11 =	smul.u32 $0x500, s7;
	v35 =	vadd.f32 v35, v58  }
0xa3: {  	v50 =	vld [tilespmem:s6+$0xC770]  }
0xa4: {  	v37 =	vld.idx.msk [tilespmem:v0+s10+$0x0 ss:$0x1], $0xffff;
	s10 =	sshra.s32 s11, $0x2;
	[tilespmem:s9+$0x16710] =	vst v35;
	v35 =	vbroadcast v34, $0x4;
	v53 =	vbroadcast v40, $0x1  }
0xa5: {  	v57 =	vld [tilespmem:s10+$0xC730];
	v52 =	vbroadcast v40, $0x0;
	v54 =	vbroadcast v40, $0x2  }
0xa6: {  	v55 =	vbroadcast v40, $0x3;
	v63 =	vmul.f32 v49, v53;
	v49 =	vld [tilespmem:s10+$0xC710]  }
0xa7: {  	v51 =	vld [tilespmem:s4+$0xC720];
	v2 =	vmul.f32 v2, v35;
	v62 =	vmul.f32 v60, v52  }
0xa8: {  	v56 =	vld [tilespmem:s6+$0xC790];
	v41 =	vmul.f32 v61, v54;
	v50 =	vmul.f32 v50, v55  }
0xa9: {  	v60 =	vld [tilespmem:s4+$0xC760];
	v61 =	vbroadcast v37, $0x0;
	v39 =	vadd.f32 v63, v62;
	v62 =	vbroadcast v37, $0x1  }
0xaa: {  	v58 =	vld [tilespmem:s10+$0xC750];
	v1 =	vbroadcast v37, $0x3;
	v41 =	vadd.f32 v50, v41;
	v63 =	vbroadcast v37, $0x2  }
0xab: {  	v50 =	vld [tilespmem:s10+$0xC770];
	v57 =	vmul.f32 v57, v62;
	v49 =	vmul.f32 v49, v61  }
0xac: {  	v59 =	vld [tilespmem:s4+$0xC740];
	v38 =	vmul.f32 v51, v38;
	v51 =	vbroadcast v34, $0x5;
	v39 =	vadd.f32 v41, v39  }
0xad: {  	v0 =	vld [tilespmem:s4+$0xC7A0];
	v57 =	vadd.f32 v57, v49;
	v49 =	vbroadcast v34, $0x6;
	v34 =	vbroadcast v34, $0x7  }
0xae: {  	v41 =	vld [tilespmem:s4+$0xC780];
	v46 =	vmul.f32 v46, v51;
	v60 =	vmul.f32 v60, v44  }
0xaf: {  	s11 =	sshll.u32 s8, $0x6;
	v44 =	vld [tilespmem:s18+$0xC740];
	v56 =	vadd.f32 v39, v56;
	v47 =	vmul.f32 v47, v49;
	v48 =	vmul.f32 v48, v34  }
0xb0: {  	s11 =	sand.u32 $0x3FFFFFC0, s11;
	v58 =	vmul.f32 v58, v63;
	v39 =	vld [tilespmem:s16+$0xC790];
	v50 =	vmul.f32 v50, v1  }
0xb1: {  	v2 =	vadd.f32 v46, v2;
	[tilespmem:s11+$0x16710] =	vst v56;
	v56 =	vld [tilespmem:s10+$0xC790];
	v48 =	vadd.f32 v48, v47  }
0xb2: {  	v50 =	vadd.f32 v50, v58;
	v58 =	vld [tilespmem:s6+$0xC720]  }
0xb3: {  	v42 =	vmul.f32 v59, v42;
	v59 =	vld [tilespmem:s6+$0xC740];
	v2 =	vadd.f32 v48, v2  }
0xb4: {  	v43 =	vld [tilespmem:s6+$0xC780];
	v41 =	vmul.f32 v41, v45;
	v50 =	vadd.f32 v50, v57  }
0xb5: {  	s14 =	sshll.u32 s14, $0x5;
	v38 =	vadd.f32 v42, v38;
	v57 =	vld [tilespmem:s6+$0xC760];
	v2 =	vadd.f32 v2, v39  }
0xb6: {  	s14 =	sand.u32 $0x3FFFFFE0, s14;
	v41 =	vadd.f32 v41, v60;
	v56 =	vadd.f32 v50, v56;
	v50 =	vld [tilespmem:s6+$0xC7A0]  }
0xb7: {  	s6 =	sshll.u32 s7, $0x6;
	[tilespmem:s14+$0x16710] =	vst v2;
	v2 =	vld [tilespmem:$0x1FFF0]  }
0xb8: {  	v42 =	vld [tilespmem:s18+$0xC760];
	v38 =	vadd.f32 v41, v38;
	s6 =	sand.u32 $0x3FFFFFC0, s6  }
0xb9: {  	v41 =	vld [tilespmem:s18+$0xC7A0];
	v52 =	vmul.f32 v58, v52;
	[tilespmem:s6+$0x16710] =	vst v56;
	v56 =	vmul.f32 v59, v53  }
0xba: {  	v43 =	vmul.f32 v43, v55;
	v0 =	vadd.f32 v38, v0;
	v45 =	vld [tilespmem:s10+$0xC720];
	v59 =	vmul.f32 v57, v54  }
0xbb: {  	v46 =	vld [tilespmem:s10+$0xC740];
	v39 =	vadd.f32 v56, v52  }
0xbc: {  	v58 =	vld [tilespmem:s10+$0xC760];
	v0 =	vadd.f32 v2, v0;
	v2 =	vadd.f32 v43, v59  }
0xbd: {  	s4 =	sshllo.u32 s5, $0x1;
	v57 =	vld [tilespmem:$0x1FFF0]  }
0xbe: {  	s5 =	smul.u32 $0x280, s4;
	v60 =	vld [tilespmem:s10+$0xC780];
	[tilespmem:s9+$0x16720] =	vst v0;
	v0 =	vadd.f32 v2, v39  }
0xbf: {  	v55 =	vld [tilespmem:$0x1FFD0]  }
0xc0: {  	v52 =	vld [tilespmem:s18+$0xC780];
	s18 =	sshra.s32 s5, $0x2;
	v0 =	vadd.f32 v0, v50  }
0xc1: {  	v5 =	vmul.f32 v11, v5;
	v48 =	vld [tilespmem:s18+$0xC710]  }
0xc2: {  	v53 =	vld [tilespmem:s10+$0xC7A0];
	v62 =	vmul.f32 v46, v62;
	v63 =	vmul.f32 v58, v63;
	v0 =	vadd.f32 v57, v0  }
0xc3: {  	v38 =	vld [tilespmem:s16+$0xC720];
	v1 =	vmul.f32 v60, v1;
	v2 =	vmul.f32 v45, v61  }
0xc4: {  	v4 =	vmul.f32 v12, v4;
	v54 =	vld [tilespmem:s18+$0xC730];
	[tilespmem:s11+$0x16720] =	vst v0;
	v0 =	vbroadcast v36, $0x4  }
0xc5: {  	v3 =	vmul.f32 v18, v3;
	v1 =	vadd.f32 v1, v63;
	s9 =	sshllo.u32 s8, $0x1;
	v56 =	vld [tilespmem:s18+$0xC750];
	v2 =	vadd.f32 v62, v2  }
0xc6: {  	v16 =	vmul.f32 v16, v55;
	s10 =	smul.u32 $0x280, s9;
	v62 =	vmul.f32 v48, v0;
	v48 =	vld [tilespmem:$0x1FFF0]  }
0xc7: {  	v58 =	vld [tilespmem:s18+$0xC770];
	v1 =	vadd.f32 v1, v2  }
0xc8: {  	v4 =	vadd.f32 v4, v5;
	v11 =	vbroadcast v36, $0x7;
	v43 =	vld [tilespmem:s16+$0xC740];
	s5 =	sshra.s32 s10, $0x2;
	v2 =	vadd.f32 v3, v16  }
0xc9: {  	v59 =	vmul.f32 v31, v9;
	v16 =	vbroadcast v36, $0x5;
	v1 =	vadd.f32 v1, v53;
	v60 =	vld [tilespmem:s5+$0xC710]  }
0xca: {  	s8 =	sshllo.u32 s7, $0x1;
	v3 =	vmul.f32 v17, v8;
	v2 =	vadd.f32 v2, v4;
	v4 =	vbroadcast v36, $0x6;
	v61 =	vld [tilespmem:s5+$0xC730]  }
0xcb: {  	s7 =	smul.u32 $0x280, s8;
	v8 =	vbroadcast v40, $0x6;
	v12 =	vmul.f32 v54, v16;
	v63 =	vld [tilespmem:s5+$0xC750];
	v1 =	vadd.f32 v48, v1  }
0xcc: {  	v5 =	vmul.f32 v58, v11;
	v53 =	vld [tilespmem:s5+$0xC770];
	v50 =	vmul.f32 v56, v4  }
0xcd: {  	s7 =	sshra.s32 s7, $0x2;
	v54 =	vmul.f32 v29, v7;
	v36 =	vbroadcast v40, $0x7;
	v2 =	vadd.f32 v2, v10;
	v56 =	vld [tilespmem:s18+$0xC790];
	[tilespmem:s6+$0x16720] =	vst v1  }
0xce: {  	v10 =	vbroadcast v40, $0x4;
	v55 =	vadd.f32 v12, v62;
	v5 =	vadd.f32 v5, v50;
	v57 =	vld [tilespmem:s7+$0xC710]  }
0xcf: {  	v3 =	vadd.f32 v59, v3;
	v1 =	vmul.f32 v27, v6;
	v27 =	vbroadcast v40, $0x5;
	v58 =	vld [tilespmem:s7+$0xC730]  }
0xd0: {  	v5 =	vadd.f32 v5, v55;
	v59 =	vmul.f32 v60, v10;
	v62 =	vmul.f32 v63, v8;
	v63 =	vld [tilespmem:s7+$0xC770]  }
0xd1: {  	v18 =	vmul.f32 v53, v36;
	v60 =	vmul.f32 v61, v27;
	v61 =	vld [tilespmem:s7+$0xC750]  }
0xd2: {  	v23 =	vmul.f32 v32, v23;
	s4 =	sshll.u32 s4, $0x5;
	v9 =	vld [tilespmem:s16+$0xC760];
	v5 =	vadd.f32 v5, v56;
	v1 =	vadd.f32 v54, v1  }
0xd3: {  	v32 =	vbroadcast v37, $0x5;
	s11 =	sand.u32 $0x3FFFFFE0, s4;
	v48 =	vld [tilespmem:s5+$0xC790];
	v6 =	vadd.f32 v18, v62;
	v18 =	vbroadcast v37, $0x4  }
0xd4: {  	[tilespmem:s11+$0x16710] =	vst v5;
	v5 =	vbroadcast v37, $0x7;
	v56 =	vld [tilespmem:s7+$0xC790];
	v1 =	vadd.f32 v1, v3;
	v3 =	vbroadcast v37, $0x6  }
0xd5: {  	v53 =	vld [tilespmem:s18+$0xC720];
	v7 =	vadd.f32 v60, v59;
	v29 =	vmul.f32 v57, v18;
	v54 =	vmul.f32 v58, v32  }
0xd6: {  	v55 =	vld [tilespmem:s18+$0xC740];
	v39 =	vmul.f32 v63, v5;
	v31 =	vmul.f32 v61, v3  }
0xd7: {  	v59 =	vld [tilespmem:s18+$0xC760];
	v6 =	vadd.f32 v6, v7  }
0xd8: {  	v60 =	vld [tilespmem:s18+$0xC780];
	v57 =	vadd.f32 v54, v29;
	v58 =	vadd.f32 v39, v31  }
0xd9: {  	v45 =	vld [tilespmem:s16+$0xC7A0]  }
0xda: {  	v50 =	vld [tilespmem:s16+$0xC780];
	s16 =	sshll.u32 s9, $0x5;
	v6 =	vadd.f32 v6, v48;
	v62 =	vadd.f32 v58, v57  }
0xdb: {  	v15 =	vmul.f32 v28, v15;
	v28 =	vmul.f32 v42, v21;
	s4 =	sand.u32 $0x3FFFFFE0, s16  }
0xdc: {  	v61 =	vld [tilespmem:s18+$0xC7A0];
	s18 =	sshll.u32 s8, $0x5;
	v0 =	vmul.f32 v53, v0;
	v42 =	vmul.f32 v55, v16;
	[tilespmem:s4+$0x16710] =	vst v6;
	v6 =	vadd.f32 v62, v56  }
0xdd: {  	s6 =	sand.u32 $0x3FFFFFE0, s18;
	v4 =	vmul.f32 v59, v4;
	v11 =	vmul.f32 v60, v11  }
0xde: {  	[tilespmem:s6+$0x16710] =	vst v6  }
0xdf: {  	v0 =	vadd.f32 v42, v0;
	v4 =	vadd.f32 v11, v4;
	v46 =	vld [tilespmem:s7+$0xC720]  }
0xe0: {  	v48 =	vld [tilespmem:s7+$0xC740]  }
0xe1: {  	v9 =	vmul.f32 v9, v49;
	v0 =	vadd.f32 v4, v0;
	v49 =	vld [tilespmem:s7+$0xC760]  }
0xe2: {  	v37 =	vmul.f32 v38, v35;
	v38 =	vmul.f32 v43, v51;
	v51 =	vld [tilespmem:s7+$0xC780]  }
0xe3: {  	v0 =	vadd.f32 v0, v61;
	v61 =	vld [tilespmem:$0x1FFF0];
	_ =	sdelay $0x1  }
0xe4: {  	v19 =	vmul.f32 v33, v19  }
0xe5: {  	v1 =	vadd.f32 v1, v25;
	v55 =	vmul.f32 v46, v18;
	v56 =	vmul.f32 v48, v32  }
0xe6: {  	v3 =	vmul.f32 v49, v3;
	v5 =	vmul.f32 v51, v5  }
0xe7: {  	v20 =	vmul.f32 v44, v20;
	v31 =	vmul.f32 v52, v22;
	v1 =	vadd.f32 v61, v1  }
0xe8: {  	v13 =	vmul.f32 v26, v13;
	v59 =	vadd.f32 v56, v55;
	v3 =	vadd.f32 v5, v3  }
0xe9: {  	v14 =	vmul.f32 v30, v14;
	v63 =	vadd.f32 v20, v19;
	v19 =	vadd.f32 v31, v28  }
0xea: {  	v13 =	vadd.f32 v13, v23;
	[tilespmem:s1+$0x16720] =	vst v1;
	v1 =	vadd.f32 v3, v59;
	v3 =	vld [tilespmem:$0x1FFF0]  }
0xeb: {  	v14 =	vadd.f32 v14, v15;
	v44 =	vadd.f32 v19, v63  }
0xec: {  	v33 =	vld [tilespmem:s5+$0xC720]  }
0xed: {  	v13 =	vadd.f32 v14, v13;
	v39 =	vld [tilespmem:s5+$0xC740];
	v14 =	vadd.f32 v44, v41  }
0xee: {  	v17 =	vmul.f32 v50, v34;
	v40 =	vld [tilespmem:s5+$0xC760]  }
0xef: {  	v43 =	vld [tilespmem:s5+$0xC780];
	v3 =	vadd.f32 v3, v14  }
0xf0: {  	v9 =	vadd.f32 v17, v9;
	v47 =	vadd.f32 v38, v37;
	v60 =	vld [tilespmem:$0x1FFF0]  }
0xf1: {  	[tilespmem:s15+$0x16720] =	vst v3;
	v3 =	vld [tilespmem:$0x1FFF0]  }
0xf2: {  	v9 =	vadd.f32 v9, v47  }
0xf3: {  	v57 =	vld [tilespmem:s5+$0xC7A0];
	v53 =	vmul.f32 v33, v10;
	v54 =	vmul.f32 v39, v27  }
0xf4: {  	v52 =	vadd.f32 v9, v45;
	v62 =	vld [tilespmem:$0x1FFF0];
	v8 =	vmul.f32 v40, v8;
	v6 =	vmul.f32 v43, v36  }
0xf5: {  	v63 =	vld [tilespmem:$0x1FFF0];
	v2 =	vadd.f32 v60, v2;
	v9 =	vadd.f32 v54, v53  }
0xf6: {  	v58 =	vld [tilespmem:s7+$0xC7A0];
	v6 =	vadd.f32 v6, v8;
	v0 =	vadd.f32 v3, v0  }
0xf7: {  	[tilespmem:s31+$0x16720] =	vst v2;
	v3 =	vld [tilespmem:$0x1FFF0]  }
0xf8: {  	v2 =	vadd.f32 v6, v9;
	[tilespmem:s11+$0x16720] =	vst v0;
	v0 =	vld [tilespmem:$0x1FFF0]  }
0xf9: {  	v50 =	vadd.f32 v13, v24  }
0xfa: {  	p0 =	slt.u32 s30, $0x38;
	v4 =	vadd.f32 v63, v52;
	v2 =	vadd.f32 v2, v57  }
.Ltmp0:
0xfb: {  	v5 =	vadd.f32 v62, v50;
	v1 =	vadd.f32 v1, v58;
	(pc) =	sbr.rel @p0 .LBB2_3-.Ltmp0, $4  }
0xfc: {  	[tilespmem:s14+$0x16720] =	vst v4;
	v2 =	vadd.f32 v3, v2  }
0xfd: {  	[tilespmem:s0+$0x16720] =	vst v5;
	v0 =	vadd.f32 v0, v1  }
0xfe: {  	s31 =	sadd.s32 $0x8, s30;
	[tilespmem:s4+$0x16720] =	vst v2  }
0xff: {  	s30 =	smov.u32 s31;
	v1 =	vld [tilespmem:$0x1FFF0];
	[tilespmem:s6+$0x16720] =	vst v0  }
0x100: {  	s0 =	sshrl.u32 s29, $0x2  }
0x101: {  	p0 =	seq.s32 s25, $0x13;
	s0 =	sadd.s32 $0x6300, s0  }
0x102: {  	[spmem:s3] =	stream.indirect.scatter.add.f32 [tilespmem:s21], [sflag:$0x2], $0x20, s0, s17, $0xb8;
	[tilespmem:$0x18710] =	vst v63  }
0x103: {  	s31 =	sshll.u32 s28, $0x9;
	p1 =	seq.s32 @!p0 s25, $0x0;
	_ =	swait.ge [sflag:s19], $0x5000  }
0x104: {  	s1 =	simm.s32 @!p0 $0x80;
	s0 =	sshrl.u32 @!p0 s29, $0x2;
	[sflag:s19] =	ssyncset.done $0x0  }
0x105: {  	s4 =	simm.s32 @!p0 $0xC710;
	s0 =	sadd.s32 @!p0 $0x5000, s0;
	[sflag:s19] =	ssyncadd.s32 $0xFFFFB000  }
0x106: {  	[tilespmem:s4], [sflag:$0x1] =	stream.indirect.gather @!p0 [hbm4b:s2+s1], $0xA0, s0, s1, $0xb8;
	[tilespmem:$0x18710] =	vst v63  }
0x107: {  	p0 =	por p0, !p1;
	s0 =	sand.u32 $0x3FFFFE00, s31  }
0x108: {  	_ =	swait.ge @p0 [sflag:s23], $0x1000;
	s0 =	sadd.s32 $0x7700, s0  }
0x109: {  	[sflag:s23] =	ssyncset.done @p0 $0x0;
	v0 =	vmov s0  }
0x10a: {  	s28 =	simm.s32 $0x0;
	[sflag:s23] =	ssyncadd.s32 @p0 $0xFFFFF000;
	[tilespmem:$0x1FFC0] =	vst v0  }
.LBB2_5:
0x10b: {  	v50 =	vld [tilespmem:$0x1FFC0];
	_ =	sdelay $0x3  }
0x10c: {  	s1 =	smul.u32 $0x500, s28;
	_ =	sdelay $0x1  }
0x10d: {  	s0 =	sshll.u32 s28, $0x3;
	s16 =	sshra.s32 s1, $0x2  }
0x10e: {  	s0 =	sand.u32 $0x3FFFFFF8, s0;
	v2 =	vld [tilespmem:s16+$0x11710]  }
0x10f: {  	v0 =	vld.idx.msk [tilespmem:v50+s0+$0x0 ss:$0x1], $0xffff  }
0x110: {  	v3 =	vld [tilespmem:s16+$0x11730]  }
0x111: {  	v4 =	vld [tilespmem:s16+$0x11750]  }
0x112: {  	v5 =	vld [tilespmem:s16+$0x11770];
	_ =	sdelay $0x1  }
0x113: {  	s18 =	sor.u32 $0x1, s28;
	v6 =	vbroadcast v0, $0x0;
	v7 =	vbroadcast v0, $0x1  }
0x114: {  	s5 =	smul.u32 $0x500, s18;
	v8 =	vbroadcast v0, $0x2;
	v9 =	vbroadcast v0, $0x3  }
0x115: {  	v2 =	vmul.f32 v2, v6;
	v3 =	vmul.f32 v3, v7  }
0x116: {  	s4 =	sshll.u32 s18, $0x3;
	v10 =	vld [tilespmem:s16+$0x11790];
	s5 =	sshra.s32 s5, $0x2;
	v4 =	vmul.f32 v4, v8;
	v5 =	vmul.f32 v5, v9  }
0x117: {  	s4 =	sand.u32 $0x3FFFFFF8, s4;
	v36 =	vld [tilespmem:s5+$0x11730]  }
0x118: {  	v11 =	vld.idx.msk [tilespmem:v50+s4+$0x0 ss:$0x1], $0xffff;
	v2 =	vadd.f32 v3, v2;
	v3 =	vadd.f32 v5, v4  }
0x119: {  	v37 =	vld [tilespmem:s5+$0x11750]  }
0x11a: {  	v38 =	vld [tilespmem:s5+$0x11770];
	v2 =	vadd.f32 v3, v2  }
0x11b: {  	v3 =	vld [tilespmem:s5+$0x11710]  }
0x11c: {  	s29 =	sshll.u32 s28, $0x6;
	v2 =	vadd.f32 v2, v10  }
0x11d: {  	s6 =	sand.u32 $0x3FFFFFC0, s29;
	v13 =	vbroadcast v11, $0x1;
	v15 =	vbroadcast v11, $0x2  }
0x11e: {  	v19 =	vld [tilespmem:s5+$0x11790];
	v12 =	vbroadcast v11, $0x0;
	v16 =	vbroadcast v11, $0x3;
	[tilespmem:s6+$0x17710] =	vst v2  }
0x11f: {  	v4 =	vmul.f32 v36, v13;
	v5 =	vmul.f32 v37, v15;
	v2 =	vld [tilespmem:s16+$0x11720]  }
0x120: {  	v10 =	vmul.f32 v38, v16;
	v14 =	vld [tilespmem:s16+$0x11740];
	v3 =	vmul.f32 v3, v12  }
0x121: {  	v17 =	vld [tilespmem:s16+$0x11760]  }
0x122: {  	v39 =	vadd.f32 v10, v5;
	v18 =	vld [tilespmem:s16+$0x11780];
	v3 =	vadd.f32 v4, v3  }
0x123: {  	s0 =	sor.u32 $0x2, s28  }
0x124: {  	s14 =	smul.u32 $0x500, s0;
	v3 =	vadd.f32 v39, v3;
	_ =	sdelay $0x1  }
0x125: {  	s30 =	sshll.u32 s18, $0x6;
	s8 =	sshra.s32 s14, $0x2;
	v2 =	vmul.f32 v2, v6;
	v40 =	vmul.f32 v14, v7;
	v3 =	vadd.f32 v3, v19  }
0x126: {  	s9 =	sand.u32 $0x3FFFFFC0, s30;
	v57 =	vld [tilespmem:s8+$0x11710];
	v41 =	vmul.f32 v17, v8;
	v42 =	vmul.f32 v18, v9  }
0x127: {  	v43 =	vld [tilespmem:s16+$0x117A0];
	[tilespmem:s9+$0x17710] =	vst v3  }
0x128: {  	v2 =	vadd.f32 v40, v2;
	v44 =	vadd.f32 v42, v41;
	v3 =	vld [tilespmem:s5+$0x11720]  }
0x129: {  	v46 =	vld [tilespmem:s5+$0x11760]  }
0x12a: {  	v2 =	vadd.f32 v44, v2;
	v47 =	vld [tilespmem:s5+$0x11780]  }
0x12b: {  	v45 =	vld [tilespmem:s5+$0x11740]  }
0x12c: {  	v59 =	vld [tilespmem:s8+$0x11730];
	v2 =	vadd.f32 v2, v43  }
0x12d: {  	s31 =	sshllo.u32 s28, $0x1;
	v60 =	vld [tilespmem:s8+$0x11770]  }
0x12e: {  	s10 =	smul.u32 $0x280, s31;
	s11 =	sshll.u32 s0, $0x3;
	v34 =	vld [tilespmem:s8+$0x11790];
	v2 =	vadd.f32 v1, v2  }
0x12f: {  	v52 =	vld [tilespmem:s5+$0x117A0];
	s5 =	sand.u32 $0x3FFFFFF8, s11;
	v49 =	vmul.f32 v46, v15;
	v51 =	vmul.f32 v47, v16  }
0x130: {  	s1 =	sshllo.u32 s18, $0x1;
	s7 =	sshra.s32 s10, $0x2;
	v14 =	vld.idx.msk [tilespmem:v50+s5+$0x0 ss:$0x1], $0xffff;
	[tilespmem:s6+$0x17720] =	vst v2;
	v2 =	vmul.f32 v3, v12;
	v3 =	vmul.f32 v45, v13  }
0x131: {  	s15 =	smul.u32 $0x280, s1;
	v48 =	vld [tilespmem:s7+$0x11710]  }
0x132: {  	v53 =	vld [tilespmem:s7+$0x11730];
	v2 =	vadd.f32 v3, v2;
	v3 =	vadd.f32 v51, v49  }
0x133: {  	s14 =	sshra.s32 s15, $0x2;
	s15 =	sor.u32 $0x4, s28;
	s16 =	sor.u32 $0x3, s28;
	v54 =	vld [tilespmem:s7+$0x11750]  }
0x134: {  	s10 =	smul.u32 $0x500, s15;
	s18 =	sshll.u32 s16, $0x3;
	v55 =	vld [tilespmem:s7+$0x11770];
	v2 =	vadd.f32 v3, v2  }
0x135: {  	s6 =	sand.u32 $0x3FFFFFF8, s18;
	v56 =	vld [tilespmem:s7+$0x11790]  }
0x136: {  	s10 =	sshra.s32 s10, $0x2;
	v22 =	vld.idx.msk [tilespmem:v50+s6+$0x0 ss:$0x1], $0xffff;
	v2 =	vadd.f32 v2, v52  }
0x137: {  	v5 =	vbroadcast v0, $0x4;
	v4 =	vbroadcast v0, $0x5;
	v49 =	vld [tilespmem:s10+$0x11730]  }
0x138: {  	v3 =	vbroadcast v0, $0x7;
	v58 =	vadd.f32 v1, v2;
	v2 =	vbroadcast v0, $0x6;
	v0 =	vld [tilespmem:s8+$0x11750]  }
0x139: {  	v63 =	vbroadcast v14, $0x0;
	v7 =	vmul.f32 v48, v5;
	v48 =	vld [tilespmem:s10+$0x11710]  }
0x13a: {  	v20 =	vbroadcast v14, $0x1;
	v21 =	vbroadcast v14, $0x2;
	v52 =	vld [tilespmem:s10+$0x11750]  }
0x13b: {  	v23 =	vbroadcast v14, $0x3;
	v8 =	vmul.f32 v53, v4;
	v53 =	vld [tilespmem:s10+$0x11770];
	[tilespmem:s9+$0x17720] =	vst v58  }
0x13c: {  	v6 =	vmul.f32 v57, v63;
	v33 =	vmul.f32 v59, v20;
	v61 =	vld [tilespmem:s14+$0x11710]  }
0x13d: {  	s29 =	smul.u32 $0x500, s16;
	v13 =	vmul.f32 v60, v23;
	v62 =	vld [tilespmem:s14+$0x11730];
	v0 =	vmul.f32 v0, v21  }
0x13e: {  	v30 =	vld [tilespmem:s14+$0x11750]  }
0x13f: {  	v24 =	vadd.f32 v33, v6;
	s9 =	sshra.s32 s29, $0x2;
	v32 =	vld [tilespmem:s14+$0x11770];
	v0 =	vadd.f32 v13, v0  }
0x140: {  	v10 =	vmul.f32 v55, v3;
	v9 =	vmul.f32 v54, v2;
	v35 =	vld [tilespmem:s9+$0x11710]  }
0x141: {  	v25 =	vld [tilespmem:s9+$0x11730];
	v0 =	vadd.f32 v0, v24  }
0x142: {  	v7 =	vadd.f32 v8, v7;
	v36 =	vld [tilespmem:s9+$0x11750];
	v31 =	vadd.f32 v10, v9  }
0x143: {  	s30 =	sshll.u32 s0, $0x6;
	v6 =	vbroadcast v11, $0x6;
	v37 =	vbroadcast v22, $0x0;
	v26 =	vld [tilespmem:s9+$0x11770];
	v0 =	vadd.f32 v0, v34  }
0x144: {  	s4 =	sshll.u32 s31, $0x5;
	s31 =	sand.u32 $0x3FFFFFC0, s30;
	v27 =	vbroadcast v22, $0x1;
	v28 =	vbroadcast v22, $0x3;
	v38 =	vld [tilespmem:s14+$0x11790];
	v7 =	vadd.f32 v31, v7  }
0x145: {  	v8 =	vbroadcast v11, $0x4;
	v18 =	vmul.f32 v30, v6;
	v30 =	vld [tilespmem:s9+$0x11790];
	[tilespmem:s31+$0x17710] =	vst v0  }
0x146: {  	v9 =	vbroadcast v11, $0x5;
	v12 =	vadd.f32 v7, v56;
	v7 =	vbroadcast v11, $0x7;
	v29 =	vld [tilespmem:s8+$0x11720]  }
0x147: {  	v16 =	vmul.f32 v61, v8;
	v0 =	vbroadcast v22, $0x2;
	v40 =	vld [tilespmem:s8+$0x11740]  }
0x148: {  	v13 =	vmul.f32 v35, v37;
	v39 =	vmul.f32 v25, v27;
	v31 =	vld [tilespmem:s8+$0x11760]  }
0x149: {  	s18 =	sshll.u32 s15, $0x3;
	v26 =	vmul.f32 v26, v28;
	v42 =	vld [tilespmem:s8+$0x11780];
	v24 =	vmul.f32 v36, v0  }
0x14a: {  	v17 =	vmul.f32 v62, v9;
	v10 =	vmul.f32 v32, v7;
	v43 =	vld [tilespmem:s8+$0x117A0];
	s8 =	sand.u32 $0x3FFFFFF8, s18  }
0x14b: {  	s29 =	sand.u32 $0x3FFFFFE0, s4;
	v13 =	vadd.f32 v39, v13;
	v34 =	vld.idx.msk [tilespmem:v50+s8+$0x0 ss:$0x1], $0xffff;
	v41 =	vadd.f32 v26, v24  }
0x14c: {  	[tilespmem:s29+$0x17710] =	vst v12;
	v16 =	vadd.f32 v17, v16;
	v32 =	vld [tilespmem:s10+$0x11790];
	v10 =	vadd.f32 v10, v18  }
0x14d: {  	v11 =	vld [tilespmem:s7+$0x11720];
	v13 =	vadd.f32 v41, v13  }
0x14e: {  	v12 =	vld [tilespmem:s7+$0x11740];
	v10 =	vadd.f32 v10, v16;
	v19 =	vmul.f32 v29, v63  }
0x14f: {  	s11 =	sshll.u32 s16, $0x6;
	v18 =	vld [tilespmem:s7+$0x11780];
	v20 =	vmul.f32 v40, v20;
	v21 =	vmul.f32 v31, v21;
	v13 =	vadd.f32 v13, v30  }
0x150: {  	s4 =	sand.u32 $0x3FFFFFC0, s11;
	v16 =	vld [tilespmem:s7+$0x11760];
	v23 =	vmul.f32 v42, v23;
	v55 =	vbroadcast v34, $0x0  }
0x151: {  	v17 =	vadd.f32 v10, v38;
	v10 =	vld [tilespmem:s7+$0x117A0];
	v56 =	vbroadcast v34, $0x1;
	v33 =	vbroadcast v34, $0x2;
	[tilespmem:s4+$0x17710] =	vst v13  }
0x152: {  	v35 =	vbroadcast v34, $0x3;
	v19 =	vadd.f32 v20, v19;
	v44 =	vadd.f32 v23, v21;
	v13 =	vld [tilespmem:s9+$0x11720]  }
0x153: {  	s1 =	sshll.u32 s1, $0x5;
	v59 =	vmul.f32 v48, v55;
	v60 =	vmul.f32 v49, v56;
	v45 =	vld [tilespmem:s9+$0x11740]  }
0x154: {  	s1 =	sand.u32 $0x3FFFFFE0, s1;
	v21 =	vmul.f32 v52, v33;
	v23 =	vmul.f32 v53, v35;
	v19 =	vadd.f32 v44, v19;
	v46 =	vld [tilespmem:s9+$0x11760]  }
0x155: {  	[tilespmem:s1+$0x17710] =	vst v17;
	v47 =	vld [tilespmem:s9+$0x11780];
	v24 =	vadd.f32 v60, v59  }
0x156: {  	v17 =	vld [tilespmem:s14+$0x11720];
	v21 =	vadd.f32 v23, v21;
	v19 =	vadd.f32 v19, v43  }
0x157: {  	s0 =	sshllo.u32 s0, $0x1;
	v31 =	vld [tilespmem:s14+$0x11740]  }
0x158: {  	s30 =	smul.u32 $0x280, s0;
	v29 =	vld [tilespmem:s14+$0x11780];
	v21 =	vadd.f32 v21, v24;
	v19 =	vadd.f32 v1, v19  }
0x159: {  	v54 =	vld [tilespmem:s9+$0x117A0];
	v13 =	vmul.f32 v13, v37;
	v51 =	vmul.f32 v45, v27  }
0x15a: {  	s8 =	sshra.s32 s30, $0x2;
	s9 =	sshll.u32 s15, $0x6;
	v21 =	vadd.f32 v21, v32;
	v0 =	vmul.f32 v46, v0;
	v20 =	vmul.f32 v47, v28;
	[tilespmem:s31+$0x17720] =	vst v19;
	v27 =	vld [tilespmem:s14+$0x11760]  }
0x15b: {  	s11 =	sand.u32 $0x3FFFFFC0, s9;
	v19 =	vld [tilespmem:s8+$0x11710]  }
0x15c: {  	v57 =	vld [tilespmem:s8+$0x11730];
	[tilespmem:s11+$0x17710] =	vst v21;
	v13 =	vadd.f32 v51, v13;
	v0 =	vadd.f32 v20, v0  }
0x15d: {  	v37 =	vld [tilespmem:s10+$0x11720]  }
0x15e: {  	v38 =	vld [tilespmem:s10+$0x11740];
	v0 =	vadd.f32 v0, v13  }
0x15f: {  	v39 =	vld [tilespmem:s10+$0x11760]  }
0x160: {  	v45 =	vld [tilespmem:s10+$0x11780];
	v0 =	vadd.f32 v0, v54  }
0x161: {  	s31 =	sshllo.u32 s16, $0x1;
	v58 =	vld [tilespmem:s8+$0x11750]  }
0x162: {  	v61 =	vld [tilespmem:s8+$0x11770];
	s5 =	smul.u32 $0x280, s31;
	v0 =	vadd.f32 v1, v0  }
0x163: {  	v15 =	vbroadcast v14, $0x6;
	v23 =	vbroadcast v14, $0x4;
	v62 =	vld [tilespmem:s8+$0x11790]  }
0x164: {  	v48 =	vld [tilespmem:s10+$0x117A0];
	s18 =	sshra.s32 s5, $0x2;
	v37 =	vmul.f32 v37, v55;
	v30 =	vmul.f32 v38, v56;
	[tilespmem:s4+$0x17720] =	vst v0  }
0x165: {  	v33 =	vmul.f32 v39, v33;
	v24 =	vmul.f32 v45, v35;
	v63 =	vld [tilespmem:s18+$0x11710]  }
0x166: {  	v13 =	vbroadcast v14, $0x5;
	v14 =	vbroadcast v14, $0x7;
	v36 =	vld [tilespmem:s18+$0x11750]  }
0x167: {  	v37 =	vadd.f32 v30, v37;
	v24 =	vadd.f32 v24, v33;
	v44 =	vld [tilespmem:s18+$0x11730]  }
0x168: {  	s5 =	sor.u32 $0x5, s28;
	v25 =	vmul.f32 v61, v14;
	v0 =	vmul.f32 v58, v15;
	v40 =	vld [tilespmem:s18+$0x11770]  }
0x169: {  	v21 =	vbroadcast v22, $0x6;
	s16 =	sshll.u32 s5, $0x3;
	s30 =	smul.u32 $0x500, s5;
	v49 =	vld [tilespmem:s18+$0x11790];
	v24 =	vadd.f32 v24, v37  }
0x16a: {  	v19 =	vmul.f32 v19, v23;
	v20 =	vmul.f32 v57, v13;
	s4 =	sand.u32 $0x3FFFFFF8, s16;
	v0 =	vadd.f32 v25, v0;
	v25 =	vld [tilespmem:s14+$0x117A0]  }
0x16b: {  	v24 =	vadd.f32 v24, v48;
	v46 =	vmul.f32 v36, v21;
	v36 =	vld.idx.msk [tilespmem:v50+s4+$0x0 ss:$0x1], $0xffff;
	s4 =	sshra.s32 s30, $0x2  }
0x16c: {  	v19 =	vadd.f32 v20, v19;
	s14 =	sshllo.u32 s15, $0x1;
	v52 =	vld [tilespmem:s4+$0x11710]  }
0x16d: {  	s6 =	sshll.u32 s31, $0x5;
	v20 =	vbroadcast v22, $0x5;
	s31 =	smul.u32 $0x280, s14;
	v55 =	vadd.f32 v1, v24;
	v53 =	vld [tilespmem:s4+$0x11730]  }
0x16e: {  	v0 =	vadd.f32 v0, v19;
	v19 =	vbroadcast v22, $0x4;
	v22 =	vbroadcast v22, $0x7;
	v54 =	vld [tilespmem:s4+$0x11750]  }
0x16f: {  	s16 =	sshra.s32 s31, $0x2;
	v56 =	vld [tilespmem:s4+$0x11770];
	[tilespmem:s11+$0x17720] =	vst v55  }
0x170: {  	s0 =	sshll.u32 s0, $0x5;
	v0 =	vadd.f32 v0, v62;
	v47 =	vmul.f32 v40, v22;
	v42 =	vld [tilespmem:s16+$0x11710]  }
0x171: {  	s0 =	sand.u32 $0x3FFFFFE0, s0;
	v45 =	vld [tilespmem:s16+$0x11730]  }
0x172: {  	[tilespmem:s0+$0x17710] =	vst v0;
	v51 =	vadd.f32 v47, v46;
	v46 =	vld [tilespmem:s16+$0x11750]  }
0x173: {  	v41 =	vmul.f32 v44, v20;
	v0 =	vmul.f32 v63, v19;
	v32 =	vld [tilespmem:s8+$0x11720]  }
0x174: {  	v26 =	vld [tilespmem:s8+$0x11740]  }
0x175: {  	v28 =	vld [tilespmem:s8+$0x11760];
	v0 =	vadd.f32 v41, v0  }
0x176: {  	v30 =	vld [tilespmem:s8+$0x11780]  }
0x177: {  	v24 =	vld [tilespmem:s8+$0x117A0];
	s8 =	sor.u32 $0x6, s28;
	v0 =	vadd.f32 v51, v0  }
0x178: {  	v47 =	vld [tilespmem:s4+$0x11790];
	s7 =	sshll.u32 s8, $0x3;
	s9 =	smul.u32 $0x500, s8  }
0x179: {  	s15 =	sand.u32 $0x3FFFFFE0, s6;
	v48 =	vld [tilespmem:s16+$0x11770];
	s6 =	sand.u32 $0x3FFFFFF8, s7;
	v0 =	vadd.f32 v0, v49  }
0x17a: {  	v41 =	vbroadcast v36, $0x1;
	v43 =	vbroadcast v36, $0x2;
	v40 =	vld.idx.msk [tilespmem:v50+s6+$0x0 ss:$0x1], $0xffff;
	s6 =	sshra.s32 s9, $0x2  }
0x17b: {  	v44 =	vbroadcast v36, $0x3;
	v59 =	vld [tilespmem:s6+$0x11710];
	[tilespmem:s15+$0x17710] =	vst v0;
	v0 =	vbroadcast v36, $0x0  }
0x17c: {  	v37 =	vmul.f32 v53, v41;
	v38 =	vmul.f32 v54, v43;
	v60 =	vld [tilespmem:s6+$0x11730]  }
0x17d: {  	v57 =	vmul.f32 v56, v44;
	v61 =	vld [tilespmem:s6+$0x11750];
	v35 =	vmul.f32 v52, v0  }
0x17e: {  	s7 =	sor.u32 $0x7, s28;
	v49 =	vld [tilespmem:s6+$0x11770]  }
0x17f: {  	s10 =	sshll.u32 s5, $0x6;
	s11 =	sshll.u32 s7, $0x3;
	s30 =	smul.u32 $0x500, s7;
	v55 =	vld [tilespmem:s6+$0x11790];
	v58 =	vadd.f32 v57, v38;
	v35 =	vadd.f32 v37, v35  }
0x180: {  	s9 =	sand.u32 $0x3FFFFFC0, s10;
	s10 =	sand.u32 $0x3FFFFFF8, s11;
	v33 =	vld [tilespmem:s18+$0x11720]  }
0x181: {  	v53 =	vbroadcast v40, $0x2;
	v54 =	vbroadcast v40, $0x3;
	v37 =	vld.idx.msk [tilespmem:v50+s10+$0x0 ss:$0x1], $0xffff;
	s10 =	sshra.s32 s30, $0x2;
	v35 =	vadd.f32 v58, v35  }
0x182: {  	v51 =	vbroadcast v40, $0x0;
	v52 =	vbroadcast v40, $0x1;
	v39 =	vld [tilespmem:s10+$0x11710]  }
0x183: {  	v49 =	vmul.f32 v49, v54;
	v56 =	vld [tilespmem:s10+$0x11730];
	v35 =	vadd.f32 v35, v47;
	v47 =	vmul.f32 v61, v53  }
0x184: {  	v62 =	vmul.f32 v59, v51;
	v63 =	vmul.f32 v60, v52;
	v57 =	vld [tilespmem:s10+$0x11750]  }
0x185: {  	[tilespmem:s9+$0x17710] =	vst v35;
	v47 =	vadd.f32 v49, v47;
	v49 =	vld [tilespmem:s10+$0x11770]  }
0x186: {  	v38 =	vadd.f32 v63, v62;
	v50 =	vld [tilespmem:s4+$0x11720]  }
0x187: {  	v58 =	vld [tilespmem:s4+$0x11740]  }
0x188: {  	v59 =	vld [tilespmem:s4+$0x11760];
	v38 =	vadd.f32 v47, v38  }
0x189: {  	v61 =	vld [tilespmem:s4+$0x11780];
	v47 =	vbroadcast v37, $0x0  }
0x18a: {  	[tilespmem:$0x1FFB0] =	vst v2;
	s31 =	sshll.u32 s8, $0x6;
	v62 =	vbroadcast v37, $0x2;
	v63 =	vbroadcast v37, $0x3;
	v2 =	vld [tilespmem:s4+$0x117A0];
	v38 =	vadd.f32 v38, v55  }
0x18b: {  	s11 =	sand.u32 $0x3FFFFFC0, s31;
	v60 =	vbroadcast v37, $0x1;
	v55 =	vmul.f32 v39, v47;
	v39 =	vld [tilespmem:s16+$0x11790]  }
0x18c: {  	v57 =	vmul.f32 v57, v62;
	v49 =	vmul.f32 v49, v63;
	[tilespmem:s11+$0x17710] =	vst v38;
	v38 =	vld [tilespmem:s10+$0x11790]  }
0x18d: {  	v35 =	vbroadcast v34, $0x4;
	v59 =	vmul.f32 v59, v43;
	v43 =	vld [tilespmem:s18+$0x11740]  }
0x18e: {  	v56 =	vmul.f32 v56, v60;
	v1 =	vmul.f32 v50, v0;
	v49 =	vadd.f32 v49, v57;
	v57 =	vld [tilespmem:s6+$0x11720]  }
0x18f: {  	v50 =	vbroadcast v34, $0x5;
	v41 =	vmul.f32 v58, v41;
	v58 =	vld [tilespmem:s6+$0x11740]  }
0x190: {  	v42 =	vmul.f32 v42, v35;
	v56 =	vadd.f32 v56, v55;
	v55 =	vbroadcast v34, $0x6;
	v0 =	vld [tilespmem:s6+$0x11780]  }
0x191: {  	v34 =	vbroadcast v34, $0x7;
	v45 =	vmul.f32 v45, v50;
	v1 =	vadd.f32 v41, v1;
	v41 =	vld [tilespmem:s18+$0x117A0]  }
0x192: {  	v49 =	vadd.f32 v49, v56;
	v56 =	vld [tilespmem:s6+$0x11760]  }
0x193: {  	v46 =	vmul.f32 v46, v55;
	v48 =	vmul.f32 v48, v34;
	v45 =	vadd.f32 v45, v42;
	v42 =	vld [tilespmem:s18+$0x11760]  }
0x194: {  	v44 =	vmul.f32 v61, v44;
	v38 =	vadd.f32 v49, v38;
	v49 =	vld [tilespmem:s6+$0x117A0];
	s6 =	sshll.u32 s7, $0x6  }
0x195: {  	v46 =	vadd.f32 v48, v46;
	s6 =	sand.u32 $0x3FFFFFC0, s6;
	v61 =	vmul.f32 v57, v51;
	v51 =	vld [tilespmem:s18+$0x11780]  }
0x196: {  	v48 =	vadd.f32 v44, v59;
	v0 =	vmul.f32 v0, v54;
	v54 =	vld [tilespmem:$0x1FFB0];
	[tilespmem:s6+$0x17710] =	vst v38  }
0x197: {  	v59 =	vadd.f32 v46, v45;
	v44 =	vld [tilespmem:s10+$0x11720]  }
0x198: {  	v1 =	vadd.f32 v48, v1;
	v45 =	vld [tilespmem:s10+$0x11740]  }
0x199: {  	s14 =	sshll.u32 s14, $0x5;
	v38 =	vadd.f32 v59, v39;
	v57 =	vld [tilespmem:s10+$0x11760]  }
0x19a: {  	s14 =	sand.u32 $0x3FFFFFE0, s14;
	v52 =	vmul.f32 v58, v52;
	v1 =	vadd.f32 v1, v2;
	v2 =	vmul.f32 v56, v53;
	v59 =	vld [tilespmem:$0x1FFF0]  }
0x19b: {  	v58 =	vld [tilespmem:s10+$0x11780];
	[tilespmem:s14+$0x17710] =	vst v38  }
0x19c: {  	v39 =	vadd.f32 v52, v61;
	v0 =	vadd.f32 v0, v2;
	v2 =	vld [tilespmem:s16+$0x11720]  }
0x19d: {  	v4 =	vmul.f32 v12, v4;
	v12 =	vld [tilespmem:s16+$0x11760]  }
0x19e: {  	s4 =	sshllo.u32 s5, $0x1;
	v0 =	vadd.f32 v0, v39;
	v39 =	vld [tilespmem:s16+$0x11740]  }
0x19f: {  	s5 =	smul.u32 $0x280, s4;
	v1 =	vadd.f32 v59, v1;
	v62 =	vmul.f32 v57, v62;
	v57 =	vld [tilespmem:$0x1FFF0]  }
0x1a0: {  	v61 =	vmul.f32 v45, v60;
	v45 =	vld [tilespmem:s16+$0x117A0]  }
0x1a1: {  	v5 =	vmul.f32 v11, v5;
	s18 =	sshra.s32 s5, $0x2;
	v0 =	vadd.f32 v0, v49;
	v49 =	vld [tilespmem:s10+$0x117A0];
	[tilespmem:s9+$0x17720] =	vst v1  }
0x1a2: {  	v3 =	vmul.f32 v18, v3;
	v8 =	vmul.f32 v17, v8;
	v48 =	vld [tilespmem:s18+$0x11710]  }
0x1a3: {  	v4 =	vadd.f32 v4, v5;
	s30 =	sshllo.u32 s8, $0x1;
	v63 =	vmul.f32 v58, v63;
	v1 =	vmul.f32 v44, v47;
	v53 =	vld [tilespmem:s18+$0x11730]  }
0x1a4: {  	v9 =	vmul.f32 v31, v9;
	s31 =	smul.u32 $0x280, s30;
	v16 =	vmul.f32 v16, v54;
	v58 =	vld [tilespmem:s18+$0x11770];
	v0 =	vadd.f32 v57, v0  }
0x1a5: {  	v52 =	vadd.f32 v63, v62;
	v56 =	vld [tilespmem:s18+$0x11750];
	v1 =	vadd.f32 v61, v1  }
0x1a6: {  	v8 =	vadd.f32 v9, v8;
	v11 =	vbroadcast v36, $0x7;
	s5 =	sshra.s32 s31, $0x2;
	v3 =	vadd.f32 v3, v16;
	v63 =	vld [tilespmem:$0x1FFF0];
	[tilespmem:s11+$0x17720] =	vst v0  }
0x1a7: {  	v9 =	vbroadcast v40, $0x6;
	v16 =	vbroadcast v36, $0x5;
	v1 =	vadd.f32 v52, v1;
	v59 =	vld [tilespmem:s5+$0x11710]  }
0x1a8: {  	v3 =	vadd.f32 v3, v4;
	v4 =	vbroadcast v36, $0x6;
	v0 =	vbroadcast v36, $0x4;
	v60 =	vld [tilespmem:s5+$0x11730]  }
0x1a9: {  	v1 =	vadd.f32 v1, v49;
	v38 =	vmul.f32 v53, v16;
	v62 =	vld [tilespmem:s5+$0x11750];
	v5 =	vmul.f32 v58, v11  }
0x1aa: {  	s8 =	sshllo.u32 s7, $0x1;
	v3 =	vadd.f32 v3, v10;
	v49 =	vld [tilespmem:s5+$0x11770];
	v61 =	vmul.f32 v48, v0;
	v48 =	vmul.f32 v56, v4  }
0x1ab: {  	s7 =	smul.u32 $0x280, s8;
	v54 =	vld [tilespmem:s18+$0x11790];
	v10 =	vbroadcast v40, $0x4;
	v52 =	vmul.f32 v29, v7;
	v1 =	vadd.f32 v63, v1  }
0x1ac: {  	v29 =	vbroadcast v40, $0x5;
	v63 =	vld [tilespmem:s5+$0x11790];
	v53 =	vadd.f32 v38, v61;
	v5 =	vadd.f32 v5, v48  }
0x1ad: {  	s7 =	sshra.s32 s7, $0x2;
	v38 =	vbroadcast v40, $0x7;
	[tilespmem:s6+$0x17720] =	vst v1;
	v1 =	vmul.f32 v27, v6;
	v27 =	vld [tilespmem:s16+$0x11780]  }
0x1ae: {  	v56 =	vld [tilespmem:s7+$0x11710];
	v5 =	vadd.f32 v5, v53;
	v58 =	vmul.f32 v59, v10;
	v59 =	vmul.f32 v60, v29  }
0x1af: {  	v57 =	vld [tilespmem:s7+$0x11730];
	v61 =	vmul.f32 v62, v9;
	v18 =	vmul.f32 v49, v38  }
0x1b0: {  	s4 =	sshll.u32 s4, $0x5;
	v60 =	vld [tilespmem:s7+$0x11750];
	v5 =	vadd.f32 v5, v54  }
0x1b1: {  	v23 =	vmul.f32 v32, v23;
	s11 =	sand.u32 $0x3FFFFFE0, s4;
	v62 =	vld [tilespmem:s7+$0x11770];
	v7 =	vadd.f32 v59, v58;
	v6 =	vadd.f32 v18, v61  }
0x1b2: {  	v13 =	vmul.f32 v26, v13;
	v15 =	vmul.f32 v28, v15;
	v1 =	vadd.f32 v52, v1;
	v54 =	vld [tilespmem:s7+$0x11790];
	[tilespmem:s11+$0x17710] =	vst v5  }
0x1b3: {  	v32 =	vbroadcast v37, $0x5;
	v18 =	vbroadcast v37, $0x4;
	v6 =	vadd.f32 v6, v7;
	v48 =	vld [tilespmem:s18+$0x11720]  }
0x1b4: {  	v1 =	vadd.f32 v1, v8;
	v8 =	vbroadcast v37, $0x7;
	v5 =	vbroadcast v37, $0x6;
	v52 =	vld [tilespmem:s18+$0x11740]  }
0x1b5: {  	s16 =	sshll.u32 s30, $0x5;
	v36 =	vmul.f32 v56, v18;
	v49 =	vmul.f32 v57, v32;
	v58 =	vld [tilespmem:s18+$0x11760];
	v6 =	vadd.f32 v6, v63  }
0x1b6: {  	s4 =	sand.u32 $0x3FFFFFE0, s16;
	v53 =	vmul.f32 v62, v8;
	v59 =	vld [tilespmem:s18+$0x11780];
	v31 =	vmul.f32 v60, v5  }
0x1b7: {  	v14 =	vmul.f32 v30, v14;
	v19 =	vmul.f32 v33, v19;
	v60 =	vld [tilespmem:s18+$0x117A0];
	[tilespmem:s4+$0x17710] =	vst v6  }
0x1b8: {  	v20 =	vmul.f32 v43, v20;
	v56 =	vadd.f32 v49, v36;
	v57 =	vadd.f32 v53, v31;
	v28 =	vld [tilespmem:s5+$0x11720]  }
0x1b9: {  	v13 =	vadd.f32 v13, v23;
	v26 =	vmul.f32 v51, v22;
	v2 =	vmul.f32 v2, v35;
	v35 =	vld [tilespmem:s5+$0x11740]  }
0x1ba: {  	v12 =	vmul.f32 v12, v55;
	v63 =	vmul.f32 v42, v21;
	v37 =	vld [tilespmem:s5+$0x11760];
	v61 =	vadd.f32 v57, v56  }
0x1bb: {  	v33 =	vmul.f32 v39, v50;
	v62 =	vadd.f32 v20, v19;
	v36 =	vmul.f32 v27, v34;
	v40 =	vld [tilespmem:s5+$0x11780]  }
0x1bc: {  	s30 =	sshll.u32 s8, $0x5;
	v19 =	vadd.f32 v26, v63;
	v4 =	vmul.f32 v58, v4;
	v58 =	vld [tilespmem:$0x1FFF0];
	v6 =	vadd.f32 v61, v54  }
0x1bd: {  	v14 =	vadd.f32 v14, v15;
	v2 =	vadd.f32 v33, v2;
	s6 =	sand.u32 $0x3FFFFFE0, s30;
	v11 =	vmul.f32 v59, v11;
	v59 =	vld [tilespmem:$0x1FFF0]  }
0x1be: {  	v12 =	vadd.f32 v36, v12;
	v42 =	vadd.f32 v19, v62;
	v62 =	vld [tilespmem:$0x1FFF0];
	[tilespmem:s6+$0x17710] =	vst v6  }
0x1bf: {  	v0 =	vmul.f32 v48, v0;
	v39 =	vmul.f32 v52, v16;
	v43 =	vld [tilespmem:s7+$0x11720]  }
0x1c0: {  	v13 =	vadd.f32 v14, v13;
	v2 =	vadd.f32 v12, v2;
	v44 =	vld [tilespmem:s7+$0x11740]  }
0x1c1: {  	v0 =	vadd.f32 v39, v0;
	v4 =	vadd.f32 v11, v4;
	v46 =	vld [tilespmem:s7+$0x11760]  }
0x1c2: {  	v1 =	vadd.f32 v1, v25;
	v2 =	vadd.f32 v2, v45;
	v50 =	vmul.f32 v28, v10;
	v48 =	vld [tilespmem:s7+$0x11780]  }
0x1c3: {  	v63 =	vld [tilespmem:$0x1FFF0];
	v0 =	vadd.f32 v4, v0;
	v51 =	vmul.f32 v35, v29;
	v9 =	vmul.f32 v37, v9  }
0x1c4: {  	v6 =	vmul.f32 v40, v38;
	v3 =	vadd.f32 v58, v3;
	v2 =	vadd.f32 v62, v2  }
0x1c5: {  	v54 =	vld [tilespmem:s5+$0x117A0];
	v0 =	vadd.f32 v0, v60;
	v4 =	vadd.f32 v51, v50  }
0x1c6: {  	v56 =	vld [tilespmem:s7+$0x117A0];
	v6 =	vadd.f32 v6, v9;
	v52 =	vmul.f32 v43, v18;
	v53 =	vmul.f32 v44, v32  }
0x1c7: {  	v1 =	vadd.f32 v59, v1;
	v60 =	vld [tilespmem:$0x1FFF0];
	[tilespmem:s29+$0x17720] =	vst v3;
	v5 =	vmul.f32 v46, v5;
	v55 =	vmul.f32 v48, v8  }
0x1c8: {  	[tilespmem:s14+$0x17720] =	vst v2;
	v2 =	vld [tilespmem:$0x1FFF0];
	v3 =	vadd.f32 v6, v4;
	v0 =	vadd.f32 v63, v0  }
0x1c9: {  	v61 =	vld [tilespmem:$0x1FFF0];
	v57 =	vadd.f32 v53, v52;
	v5 =	vadd.f32 v55, v5  }
0x1ca: {  	v47 =	vadd.f32 v13, v24;
	[tilespmem:s11+$0x17720] =	vst v0;
	v0 =	vld [tilespmem:$0x1FFF0]  }
0x1cb: {  	[tilespmem:s1+$0x17720] =	vst v1;
	v3 =	vadd.f32 v3, v54;
	v1 =	vadd.f32 v5, v57  }
0x1cc: {  	p0 =	slt.u32 s28, $0x38;
	v49 =	vadd.f32 v42, v41;
	v4 =	vadd.f32 v60, v47  }
.Ltmp1:
0x1cd: {  	v2 =	vadd.f32 v2, v3;
	v1 =	vadd.f32 v1, v56;
	(pc) =	sbr.rel @p0 .LBB2_5-.Ltmp1, $4  }
0x1ce: {  	[tilespmem:s0+$0x17720] =	vst v4;
	v5 =	vadd.f32 v61, v49  }
0x1cf: {  	[tilespmem:s4+$0x17720] =	vst v2;
	v0 =	vadd.f32 v0, v1  }
0x1d0: {  	s31 =	sadd.s32 $0x8, s28;
	[tilespmem:s15+$0x17720] =	vst v5  }
0x1d1: {  	s28 =	smov.u32 s31;
	v1 =	vld [tilespmem:$0x1FFF0];
	[tilespmem:s6+$0x17720] =	vst v0  }
0x1d2: {  	s25 =	sadd.s32 $0x1, s25  }
0x1d3: {  	p0 =	sne.s32 s25, $0x14  }
.Ltmp2:
0x1d4: {  	_ = 	snop;
	(pc) =	sbr.rel @p0 .LBB2_2-.Ltmp2, $3  }
0x1d5: {  	_ =	sdelay $0x1  }
0x1d6: {  	s0 =	sadd.s32 $0x6300, s26  }
0x1d7: {  	[spmem:s3] =	stream.indirect.scatter.add.f32 [tilespmem:s22], [sflag:$0x2], $0x20, s0, s17, $0xb8;
	[tilespmem:$0x18710] =	vst v63  }
0x1d8: {  	_ =	swait.ge [sflag:s23], $0x1000  }
0x1d9: {  	[sflag:s23] =	ssyncset.done $0x0  }
0x1da: {  	[sflag:s23] =	ssyncadd.s32 $0xFFFFF000  }
0x1db: {  	_ =	swait.ge [sflag:s23], $0x1000  }
0x1dc: {  	[sflag:s23] =	ssyncset.done $0x0  }
0x1dd: {  	[sflag:s23] =	ssyncadd.s32 $0xFFFFF000  }
0x1de: {  	[bflag:$0x0] =	sbarrier.arrive $0xFFFF  }
0x1df: {  	s0 =	rddreg [dreg:$0x8]  }
0x1e0: {  	s1 =	rddreg [dreg:$0xa]  }
0x1e1: {  	[hbm:s0], [sflag:s12] =	dma.local [spmem:s1], $0x9E0  }
0x1e2: {  	_ =	swait.ge [sflag:s13], $0x9E0  }
0x1e3: {  	s24 =	sadd.s32 $0x1, s24;
	s31 =	rddreg [dreg:$0x9]  }
0x1e4: {  	p0 =	sne.s32 s24, s31  }
.Ltmp3:
0x1e5: {  	_ = 	snop;
	(pc) =	sbr.rel @p0 .LBB2_1-.Ltmp3, $3  }
0x1e6: {  	_ =	sdelay $0x1  }
0x1e7: {  	[sflag:s13] =	ssyncset.done $0x0  }
0x1e8: {  	s9 =	smov.u32 s12;
	[sflag:s13] =	ssyncadd.s32 $0xFFFFF620  }
0x1e9: {  	_ =	sfence.sel $0x180000  }
0x1ea: {  	[bflag:$0x0] =	sbarrier.arrive $0xFFFF  }
0x1eb: {  	_ =	strace $0x9000004D  }
0x1ec: {  	s0 =	stileid.u32;
	[bflag:$0x2] =	sbarrier.arrive $0xFFFF  }
0x1ed: {  	p0 =	sne.s32 s0, $0x0;
	s0 =	rddreg [dreg:$0x3]  }
0x1ee: {  	s0 =	sadd.s32 @!p0 $0x100000, s0  }
0x1ef: {  	[sflag:s0] =	ssyncadd.tile.s32 @!p0 $0x1;
	_ =	shalt  }
.Lfunc_end2:
_tile_overlayer_lowered:
.L_overlay_start_2:
0x1f0: {  	(tag) =	ssettag $0x2  }
0x1f1: {  	s0 =	rddreg [dreg:$0x0];
	s2 =	stileid.u32  }
0x1f2: {  	s1 =	rddreg [dreg:$0x1];
	p0 =	sne.s32 s2, $0x0  }
0x1f3: {  	s3 =	rddreg [dreg:$0x2];
	[bflag:$0x3] =	sbarrier.arrive $0xFFFF;
	s2 =	simm.s32 @!p0 $0x1C03  }
0x1f4: {  	[timem:s3], [sflag:s2] =	dma.local @!p0 [hbm:s0], s1  }
0x1f5: {  	s0 =	simm.s32 @!p0 $0x3  }
0x1f6: {  	_ =	swait.ge @!p0 [sflag:s0], s1  }
0x1f7: {  	s1 =	ssub.s32 @!p0 $0x0, s1;
	[sflag:s0] =	ssyncset.done @!p0 $0x0  }
0x1f8: {  	[sflag:s0] =	ssyncadd.s32 @!p0 s1  }
0x1f9: {  	[bflag:$0x3] =	sbarrier.arrive $0xFFFF  }
0x1fa: {  	_ =	shalt  }

// kernel: kernel.5.cloned.1.call-start
scs
__scs_entry_jumppad:
0x0: {  	(pc) =	sbr.rel $0x88, $3  }
0x1: {  	(tag) =	ssettag $0x0;
	lr =	simm.s32 $0x1  }
0x2: {  	[smem:$0x3F8B] =	sst lr;
	_ =	strace $0xD0000000  }
0x3: {  	_ = 	snop  }
0x4: {  	_ = 	snop  }
0x5: {  	_ = 	snop  }
0x6: {  	_ = 	snop  }
0x7: {  	_ = 	snop  }
__scs_overlays_trampoline_lowered:
0x8: {  	[smem:$0x3F9A] =	sst s0  }
0x9: {  	[smem:$0x3F9B] =	sst s1  }
0xa: {  	[smem:$0x3F9C] =	sst s2  }
0xb: {  	[smem:$0x3F9D] =	sst s3  }
0xc: {  	[smem:$0x3F9E] =	sst s4  }
0xd: {  	[smem:$0x3F9F] =	sst s5  }
0xe: {  	[smem:$0x3FA0] =	sst s6  }
0xf: {  	[smem:$0x3FA1] =	sst s7  }
0x10: {  	[smem:$0x3FA2] =	sst s8  }
0x11: {  	[smem:$0x3FA3] =	sst s9;
	s0 =	simm.s32 @!p0 $0x0  }
0x12: {  	s1 =	sld [smem:$0x3F89];
	s0 =	simm.s32 @p0 $0x1  }
0x13: {  	[smem:$0x3FA4] =	sst s0;
	s0 =	simm.s32 @!p1 $0x0  }
0x14: {  	s2 =	sld [smem:$0x3F88];
	s0 =	simm.s32 @p1 $0x1  }
0x15: {  	[smem:$0x3FA5] =	sst s0;
	s0 =	simm.s32 @!p2 $0x0  }
0x16: {  	s3 =	sld [smem:$0x3FDB];
	s0 =	simm.s32 @p2 $0x1  }
0x17: {  	s4 =	simm.s32 $0x1BF5;
	[smem:$0x3FA7] =	sst s0  }
0x18: {  	s0 =	sld [smem:$0x3F8A];
	_ =	swait.ge [sflag:s4], $0x0  }
0x19: {  	s7 =	sld [smem:$0x3F8B]  }
0x1a: {  	s8 =	sadd.s32 $0xFFFFE003, lr  }
0x1b: {  	s9 =	sadd.s32 $0xFFFFFEF7, lr;
	s5 =	simm.s32 $0xFFFFFFFF;
	p2 =	slt.u32 s8, $0xFFFFF086  }
0x1c: {  	p1 =	slt.u32 s9, $0xF7A;
	s5 =	simm.s32 @!p2 $0x0  }
0x1d: {  	s5 =	simm.s32 @p1 $0x1;
	p0 =	seq.s32 s7, s2  }
0x1e: {  	s7 =	smul.u32 @!p0 $0xF7A, s2;
	p2 =	seq.s32 @!p0 s5, $0x0  }
0x1f: {  	s9 =	smul.u32 $0xF7A, s1;
	s8 =	simm.s32 @!p0 $0x1BF5;
	p2 =	por !p2, p0  }
0x20: {  	[sflag:s8] =	ssyncset.s32 @!p0 $0xFFFFF086;
	s6 =	sadd.s32 @!p0 s3, s7;
	s7 =	simm.s32 @!p0 $0x108  }
0x21: {  	s3 =	sadd.s32 s3, s9;
	s6 =	sadd.s32 @!p0 $0x88, s6;
	s7 =	simm.s32 @p2 $0x1082  }
0x22: {  	[simem:s7], [sflag:s8] =	dma.local @!p0 [hbm:s6], $0xF7A  }
0x23: {  	s9 =	sor.u32 $0xD0000000, s2;
	s6 =	simm.s32 $0x108;
	_ =	swait.ge @!p0 [sflag:s8], $0x0  }
0x24: {  	s3 =	sadd.s32 $0x88, s3;
	s6 =	simm.s32 @!p1 $0x1082;
	[sflag:s4] =	ssyncset.s32 $0xFFFFF086  }
0x25: {  	[simem:s6], [sflag:s4] =	dma.local [hbm:s3], $0xF7A  }
0x26: {  	[smem:$0x3F8B] =	sst s1;
	(tag) =	ssettag s2;
	_ =	strace s9  }
0x27: {  	s1 =	sld [smem:$0x3F9B]  }
0x28: {  	s2 =	sld [smem:$0x3F9C]  }
0x29: {  	s4 =	sld [smem:$0x3F9E]  }
0x2a: {  	p0 =	seq.s32 s5, $0x0;
	s5 =	sld [smem:$0x3F9F]  }
0x2b: {  	s6 =	sld [smem:$0x3FA0]  }
0x2c: {  	s7 =	sld [smem:$0x3FA1]  }
0x2d: {  	s3 =	simm.s32 $0x108;
	s8 =	sld [smem:$0x3FA2]  }
0x2e: {  	s3 =	simm.s32 @!p0 $0x1082;
	s9 =	sld [smem:$0x3FA3]  }
0x2f: {  	lr =	sadd.s32 s0, s3;
	s0 =	sld [smem:$0x3F9A]  }
0x30: {  	s3 =	sld [smem:$0x3F9D]  }
0x31: {  	[smem:$0x3FA6] =	sst s10  }
0x32: {  	s10 =	sld [smem:$0x3FA4];
	_ =	sdelay $0x3  }
0x33: {  	p0 =	seq.s32 s10, $0x1;
	s10 =	sld [smem:$0x3FA6];
	_ =	sdelay $0x3  }
0x34: {  	[smem:$0x3FA6] =	sst s10  }
0x35: {  	s10 =	sld [smem:$0x3FA5];
	_ =	sdelay $0x3  }
0x36: {  	p1 =	seq.s32 s10, $0x1;
	s10 =	sld [smem:$0x3FA6];
	_ =	sdelay $0x3  }
0x37: {  	[smem:$0x3FA6] =	sst s10  }
0x38: {  	s10 =	sld [smem:$0x3FA7]  }
0x39: {  	_ = 	snop;
	(pc) =	sbr.ind lr, $3  }
0x3a: {  	_ = 	snop  }
0x3b: {  	_ = 	snop  }
0x3c: {  	p2 =	seq.s32 s10, $0x1;
	s10 =	sld [smem:$0x3FA6]  }
0x3d: {  	_ =	shalt  }
0x3e: {  	_ =	shalt  }
0x3f: {  	_ =	shalt  }
0x40: {  	_ =	shalt  }
0x41: {  	_ =	shalt  }
0x42: {  	_ =	shalt  }
0x43: {  	_ =	shalt  }
0x44: {  	_ =	shalt  }
0x45: {  	_ =	shalt  }
0x46: {  	_ =	shalt  }
0x47: {  	_ =	shalt  }
0x48: {  	_ =	shalt  }
0x49: {  	_ =	shalt  }
0x4a: {  	_ =	shalt  }
0x4b: {  	_ =	shalt  }
0x4c: {  	_ =	shalt  }
0x4d: {  	_ =	shalt  }
0x4e: {  	_ =	shalt  }
0x4f: {  	_ =	shalt  }
0x50: {  	_ =	shalt  }
0x51: {  	_ =	shalt  }
0x52: {  	_ =	shalt  }
0x53: {  	_ =	shalt  }
0x54: {  	_ =	shalt  }
0x55: {  	_ =	shalt  }
0x56: {  	_ =	shalt  }
0x57: {  	_ =	shalt  }
0x58: {  	_ =	shalt  }
0x59: {  	_ =	shalt  }
0x5a: {  	_ =	shalt  }
0x5b: {  	_ =	shalt  }
0x5c: {  	_ =	shalt  }
0x5d: {  	_ =	shalt  }
0x5e: {  	_ =	shalt  }
0x5f: {  	_ =	shalt  }
0x60: {  	_ =	shalt  }
0x61: {  	_ =	shalt  }
0x62: {  	_ =	shalt  }
0x63: {  	_ =	shalt  }
0x64: {  	_ =	shalt  }
0x65: {  	_ =	shalt  }
0x66: {  	_ =	shalt  }
0x67: {  	_ =	shalt  }
0x68: {  	_ =	shalt  }
0x69: {  	_ =	shalt  }
0x6a: {  	_ =	shalt  }
0x6b: {  	_ =	shalt  }
0x6c: {  	_ =	shalt  }
0x6d: {  	_ =	shalt  }
0x6e: {  	_ =	shalt  }
0x6f: {  	_ =	shalt  }
0x70: {  	_ =	shalt  }
0x71: {  	_ =	shalt  }
0x72: {  	_ =	shalt  }
0x73: {  	_ =	shalt  }
0x74: {  	_ =	shalt  }
0x75: {  	_ =	shalt  }
0x76: {  	_ =	shalt  }
0x77: {  	_ =	shalt  }
0x78: {  	_ =	shalt  }
0x79: {  	_ =	shalt  }
0x7a: {  	_ =	shalt  }
0x7b: {  	_ =	shalt  }
0x7c: {  	_ =	shalt  }
0x7d: {  	_ =	shalt  }
0x7e: {  	_ =	shalt  }
0x7f: {  	_ =	shalt  }
0x80: {  	_ =	shalt  }
0x81: {  	_ =	shalt  }
0x82: {  	_ =	shalt  }
0x83: {  	_ =	shalt  }
0x84: {  	_ =	shalt  }
0x85: {  	_ =	shalt  }
0x86: {  	_ =	shalt  }
0x87: {  	_ =	shalt  }
.Lfunc_end0:
.L_simem_size_0:
called_computation.1_lowered:
.L_overlay_start_0:
0x88: {  	s2 =	sld [smem:$0x3FD9]  }
0x89: {  	s3 =	sld [smem:$0x3FFE];
	_ =	sdelay $0x1  }
0x8a: {  	s1 =	srdreg.scid  }
0x8b: {  	s0 =	sand.u32 $0x1, s1  }
0x8c: {  	s14 =	sshll.u32 s0, $0xA;
	s2 =	sadd.s32 s3, s2  }
0x8d: {  	s2 =	sadd.s32 s2, s14  }
0x8e: {  	[smem:$0x3FB2] =	sst s2  }
0x8f: {  	_ = 	snop  }
0x90: {  	s2 =	sld [smem:$0x3FD0];
	_ =	sdelay $0x2  }
0x91: {  	s15 =	simm.s32 $0xA;
	s4 =	simm.s32 $0x10  }
0x92: {  	[smem:s4], [sflag:s15] =	dma.local [hbm:s2], $0x1  }
0x93: {  	_ =	swait.eq [sflag:s15], $0x1  }
0x94: {  	[sflag:s15] =	ssyncset.done $0x0  }
0x95: {  	[sflag:s15] =	ssyncadd.s32 $0xFFFFFFFF  }
0x96: {  	s16 =	sld [smem:$0x11];
	(tm) =	ssettm $0x1  }
0x97: {  	s17 =	sld [smem:$0x3FFB];
	_ =	sdelay $0x3  }
0x98: {  	_ =	strace s17  }
0x99: {  	s3 =	sld [smem:$0x3FFC];
	_ =	sdelay $0x3  }
0x9a: {  	_ =	strace s3  }
0x9b: {  	s3 =	sld [smem:$0x3FFD];
	_ =	sdelay $0x3  }
0x9c: {  	_ =	strace s3  }
0x9d: {  	_ =	strace $0x8FFFFFFF  }
0x9e: {  	s18 =	sld [smem:$0x3FDB];
	_ =	sdelay $0x1  }
0x9f: {  	s19 =	simm.s32 $_scs_section_size  }
0xa0: {  	s5 =	simm.s32 $_size__tile_overlayer_lowered;
	s6 =	simm.s32 $_tile_overlayer_lowered  }
0xa1: {  	s22 =	simm.s32 $0x1BFF;
	s21 =	sshll.u32 s6, $0x1;
	s3 =	sadd.s32 s19, s18  }
0xa2: {  	s7 =	simm.s32 $0x0;
	s20 =	sshll.u32 s5, $0x1;
	s5 =	sadd.s32 s21, s3  }
0xa3: {  	[timem:s7], [sflag:s22] =	dma.local [hbm:s5], s20  }
0xa4: {  	_ =	swait.ge [sflag:s22], s20  }
0xa5: {  	s4 =	ssub.s32 $0x0, s20;
	[sflag:s22] =	ssyncset.done $0x0  }
0xa6: {  	[sflag:s22] =	ssyncadd.s32 s4;
	_ =	sdelay $0x1  }
0xa7: {  	s23 =	simm.s32 $0x1B8B  }
0xa8: {  	_ =	swait.ge [sflag:s23], $0x1  }
0xa9: {  	[sflag:s23] =	ssyncset.done $0x0  }
0xaa: {  	s25 =	simm.s32 $0x1B8E;
	s24 =	sld [smem:$0x3FFE];
	[sflag:s23] =	ssyncadd.s32 $0xFFFFFFFF  }
0xab: {  	s26 =	simm.s32 $execute0_lowered;
	[smem:$0x3FD2] =	sst s25  }
0xac: {  	s5 =	sshll.u32 s26, $0x1;
	_ =	strace $0x80000046;
	[dreg:$0x1] =	wrdreg $0xFFFFFFFF  }
0xad: {  	s28 =	simm.s32 $_size_execute0_lowered;
	s3 =	sadd.s32 s3, s5;
	[dreg:$0x0] =	wrdreg $0x0  }
0xae: {  	s5 =	sshll.u32 s28, $0x1;
	[dreg:$0x2] =	wrdreg s3  }
0xaf: {  	[dreg:$0x3] =	wrdreg s5  }
0xb0: {  	[dreg:$0x4] =	wrdreg $0xC0  }
0xb1: {  	_ =	task [dreg:s7], $0x5FFFF  }
0xb2: {  	[dreg:$0x1] =	wrdreg $0xFFFFFFFF  }
0xb3: {  	[dreg:$0x0] =	wrdreg $0x60  }
0xb4: {  	[dreg:$0x2] =	wrdreg s24  }
0xb5: {  	[dreg:$0x3] =	wrdreg s16  }
0xb6: {  	[dreg:$0x4] =	wrdreg $0x0  }
0xb7: {  	[dreg:$0x5] =	wrdreg $0x9  }
0xb8: {  	_ =	task.clear_ibuf [dreg:s7], $0x6FFFF;
	_ =	strace $0x90000046  }
0xb9: {  	s29 =	simm.s32 $0x9;
	_ =	strace $0x80000048  }
0xba: {  	_ =	swait.ge [sflag:s29], $0x1  }
0xbb: {  	[sflag:s29] =	ssyncadd.s32 $0xFFFFFFFF  }
0xbc: {  	_ =	strace $0x90000048  }
0xbd: {  	_ =	sfence  }
0xbe: {  	s30 =	sld [smem:$0x0];
	_ =	sdelay $0x2  }
0xbf: {  	s31 =	sshll.u32 s1, $0xD;
	s1 =	sshrl.u32 s1, $0x2  }
0xc0: {  	s3 =	sand.u32 $0x4000, s31;
	s1 =	sadd.s32 s1, s30  }
0xc1: {  	s0 =	sor.u32 s3, s0;
	s1 =	sshll.u32 s1, $0x11  }
0xc2: {  	s0 =	sor.u32 s1, s0  }
0xc3: {  	s0 =	sadd.s32 $0x8F2B, s0  }
0xc4: {  	[sflag:s0] =	ssyncadd.remote.s32 $0x1  }
0xc5: {  	_ =	sfence.sel $0xFFFF  }
0xc6: {  	[dreg:$0x0] =	wrdreg $0xFFFFFFFF;
	(pc) =	sbr.abs _section_cstart, $3  }
0xc7: {  	[dreg:$0x1] =	wrdreg $0xFFFFFFFF  }
0xc8: {  	_ =	task.clear_ibuf [dreg:s7], $0x2FFFF;
	_ =	strace $0x9FFFFFFF  }
0xc9: {  	(tm) =	ssettm $0x7FFFFFFF  }
tec
execute0_lowered:
.L_overlay_start_1:
0x0: {  	(tag) =	ssettag $0x1  }
0x1: {  	s2 =	rddreg [dreg:$0x0]  }
0x2: {  	s0 =	srdreg.scid;
	s4 =	rddreg [dreg:$0x1]  }
0x3: {  	s10 =	stileid.u32;
	s3 =	rddreg [dreg:$0x2];
	s7 =	simm.s32 $0x0  }
0x4: {  	s13 =	simm.s32 $0x3;
	s17 =	simm.s32 $0x80;
	s19 =	simm.s32 $0x1  }
0x5: {  	s20 =	simm.s32 $0x11710;
	s21 =	simm.s32 $0x16710;
	s22 =	simm.s32 $0x17710  }
0x6: {  	s23 =	simm.s32 $0x2;
	s0 =	sand.u32 $0x1, s0;
	s1 =	sshll.u32 s10, $0x1  }
0x7: {  	s6 =	smul.u32 $0x4F00, s10;
	[smem:$0x7FF] =	sst s7;
	s9 =	sadd.s32 $0x4A800, s2  }
0x8: {  	s1 =	sor.u32 s0, s1;
	s28 =	smul.u32 $0x4F000, s0;
	_ =	strace $0x80000047  }
0x9: {  	[dreg:$0x4] =	wrdreg s9;
	s0 =	ssub.s32 $0x2, s0;
	s5 =	smul.u32 $0x280, s1  }
0xa: {  	s1 =	smul.u32 $0xA00, s1;
	s29 =	sshrl.u32 s0, $0x1;
	s7 =	sadd.s32 s6, s28  }
0xb: {  	s0 =	ssub.s32 s0, s29;
	s8 =	sadd.s32 s5, s2;
	s4 =	sadd.s32 s4, s5  }
0xc: {  	s1 =	sadd.s32 s1, s2;
	s0 =	smax.u32 s0, $0x1;
	[dreg:$0x5] =	wrdreg s4  }
0xd: {  	s7 =	sshrl.u32 s7, $0x3;
	s30 =	sadd.s32 $0x31600, s8;
	[dreg:$0x9] =	wrdreg s0  }
0xe: {  	s7 =	sadd.s32 s7, s2;
	s1 =	sadd.s32 $0x36600, s1;
	[dreg:$0x6] =	wrdreg s30  }
0xf: {  	v0 =	vimm.f32 $0.0e+00;
	vm0 =	vcmask $0x3B38;
	s6 =	sadd.s32 s6, s3;
	[dreg:$0x7] =	wrdreg s1;
	s31 =	sadd.s32 $0x4B200, s7  }
0x10: {  	s10 =	sshll.u32 s10, $0x6;
	v1 =	vsel vm0, $0x3F800000, v0;
	s1 =	sshrl.u32 s6, $0x3;
	[dreg:$0x8] =	wrdreg s31  }
0x11: {  	s24 =	simm.s32 $0x0;
	s9 =	sor.u32 $0x1C03, s10;
	[tilespmem:$0x1FFF0] =	vst v1;
	[dreg:$0xa] =	wrdreg s1  }
.LBB2_1:
0x12: {  	s0 =	rddreg [dreg:$0x4]  }
0x13: {  	[spmem:s1], [sflag:s9] =	dma.local [hbm:s0], $0x9E0  }
0x14: {  	_ =	swait.ge [sflag:s13], $0x9E0  }
0x15: {  	s25 =	simm.s32 $0x0;
	[sflag:s13] =	ssyncset.done $0x0  }
0x16: {  	s4 =	simm.s32 $0x4F00;
	s26 =	rddreg [dreg:$0x5];
	[sflag:s13] =	ssyncadd.s32 $0xFFFFF620  }
0x17: {  	[tilespmem:s4], [sflag:$0x3] =	stream.linear.gather [hbm4b:s26+s25], $0x1400, $0x38;
	[tilespmem:$0x18710] =	vst v63  }
0x18: {  	_ =	swait.ge [sflag:s13], $0x1400  }
0x19: {  	[sflag:s13] =	ssyncset.done $0x0  }
0x1a: {  	s5 =	simm.s32 $0x6300;
	s28 =	rddreg [dreg:$0x6];
	[sflag:s13] =	ssyncadd.s32 $0xFFFFEC00  }
0x1b: {  	[tilespmem:s5], [sflag:$0x3] =	stream.linear.gather [hbm4b:s28+s25], $0x1400, $0x38;
	[tilespmem:$0x18710] =	vst v63  }
0x1c: {  	_ =	swait.ge [sflag:s13], $0x1400  }
0x1d: {  	[sflag:s13] =	ssyncset.done $0x0  }
0x1e: {  	s30 =	simm.s32 $0x7700;
	s29 =	rddreg [dreg:$0x7];
	[sflag:s13] =	ssyncadd.s32 $0xFFFFEC00  }
0x1f: {  	[tilespmem:s30], [sflag:$0x3] =	stream.linear.gather [hbm4b:s29+s25], $0x5010, $0x38;
	[tilespmem:$0x18710] =	vst v63  }
0x20: {  	_ =	swait.ge [sflag:s13], $0x5010  }
0x21: {  	[sflag:s13] =	ssyncset.done $0x0  }
0x22: {  	s12 =	smov.u32 s9;
	[sflag:s13] =	ssyncadd.s32 $0xFFFFAFF0  }
0x23: {  	s31 =	simm.s32 $0xC710;
	s25 =	simm.s32 $0x0;
	[bflag:$0x0] =	sbarrier.arrive $0xFFFF  }
0x24: {  	[tilespmem:s31], [sflag:$0x1] =	stream.indirect.gather [hbm4b:s2+s17], $0xA0, s4, s17, $0xb8;
	[tilespmem:$0x18710] =	vst v63  }
.LBB2_2:
0x25: {  	_ =	swait.ge [sflag:s19], $0x5000;
	s28 =	sshllo.u32 s25, $0x1  }
0x26: {  	p0 =	seq.s32 s25, $0x0;
	[sflag:s19] =	ssyncset.done $0x0;
	s26 =	sshll.u32 s28, $0x7  }
0x27: {  	s29 =	sshll.u32 s25, $0xA;
	[sflag:s19] =	ssyncadd.s32 $0xFFFFB000;
	s0 =	sadd.s32 $0x4F00, s26  }
0x28: {  	[tilespmem:s20], [sflag:$0x1] =	stream.indirect.gather [hbm4b:s2+s17], $0xA0, s0, s17, $0xb8;
	[tilespmem:$0x18710] =	vst v63  }
0x29: {  	s1 =	sand.u32 $0x3FFFFC00, s29;
	s0 =	simm.s32 @!p0 $0x2  }
0x2a: {  	s1 =	sadd.s32 $0x7700, s1;
	_ =	swait.ge @!p0 [sflag:s0], $0x1000  }
0x2b: {  	v0 =	vmov s1;
	[sflag:s0] =	ssyncset.done @!p0 $0x0  }
0x2c: {  	s30 =	simm.s32 $0x0;
	[tilespmem:$0x1FFE0] =	vst v0;
	[sflag:s0] =	ssyncadd.s32 @!p0 $0xFFFFF000  }
.LBB2_3:
0x2d: {  	v0 =	vld [tilespmem:$0x1FFE0];
	_ =	sdelay $0x3  }
0x2e: {  	s1 =	smul.u32 $0x500, s30;
	_ =	sdelay $0x1  }
0x2f: {  	s0 =	sshll.u32 s30, $0x3;
	s11 =	sshra.s32 s1, $0x2  }
0x30: {  	s0 =	sand.u32 $0x3FFFFFF8, s0;
	v2 =	vld [tilespmem:s11+$0xC710]  }
0x31: {  	v3 =	vld.idx.msk [tilespmem:v0+s0+$0x0 ss:$0x1], $0xffff  }
0x32: {  	v4 =	vld [tilespmem:s11+$0xC730]  }
0x33: {  	v5 =	vld [tilespmem:s11+$0xC750]  }
0x34: {  	v6 =	vld [tilespmem:s11+$0xC770];
	_ =	sdelay $0x1  }
0x35: {  	s14 =	sor.u32 $0x1, s30;
	v7 =	vbroadcast v3, $0x0;
	v8 =	vbroadcast v3, $0x1  }
0x36: {  	s5 =	smul.u32 $0x500, s14;
	v9 =	vbroadcast v3, $0x2;
	v10 =	vbroadcast v3, $0x3  }
0x37: {  	v2 =	vmul.f32 v2, v7;
	v4 =	vmul.f32 v4, v8  }
0x38: {  	s4 =	sshll.u32 s14, $0x3;
	v11 =	vld [tilespmem:s11+$0xC790];
	s5 =	sshra.s32 s5, $0x2;
	v5 =	vmul.f32 v5, v9;
	v6 =	vmul.f32 v6, v10  }
0x39: {  	s4 =	sand.u32 $0x3FFFFFF8, s4;
	v62 =	vld [tilespmem:s5+$0xC710]  }
0x3a: {  	v12 =	vld.idx.msk [tilespmem:v0+s4+$0x0 ss:$0x1], $0xffff;
	v2 =	vadd.f32 v4, v2;
	v61 =	vadd.f32 v6, v5  }
0x3b: {  	v63 =	vld [tilespmem:s5+$0xC730]  }
0x3c: {  	v21 =	vld [tilespmem:s5+$0xC750];
	v2 =	vadd.f32 v61, v2  }
0x3d: {  	v22 =	vld [tilespmem:s5+$0xC770]  }
0x3e: {  	s15 =	sshll.u32 s30, $0x6;
	v2 =	vadd.f32 v2, v11  }
0x3f: {  	s6 =	sand.u32 $0x3FFFFFC0, s15;
	v13 =	vbroadcast v12, $0x0;
	v14 =	vbroadcast v12, $0x1  }
0x40: {  	v20 =	vld [tilespmem:s5+$0xC790];
	v16 =	vbroadcast v12, $0x2;
	v17 =	vbroadcast v12, $0x3;
	[tilespmem:s6+$0x16710] =	vst v2  }
0x41: {  	v4 =	vmul.f32 v62, v13;
	v5 =	vmul.f32 v63, v14;
	v2 =	vld [tilespmem:s11+$0xC720]  }
0x42: {  	v6 =	vmul.f32 v21, v16;
	v11 =	vmul.f32 v22, v17;
	v15 =	vld [tilespmem:s11+$0xC740]  }
0x43: {  	v18 =	vld [tilespmem:s11+$0xC760]  }
0x44: {  	v4 =	vadd.f32 v5, v4;
	v23 =	vadd.f32 v11, v6;
	v19 =	vld [tilespmem:s11+$0xC780];
	_ =	sdelay $0x1  }
0x45: {  	v4 =	vadd.f32 v23, v4;
	_ =	sdelay $0x1  }
0x46: {  	s16 =	sshll.u32 s14, $0x6;
	v4 =	vadd.f32 v4, v20;
	v2 =	vmul.f32 v2, v7;
	v24 =	vmul.f32 v15, v8  }
0x47: {  	s9 =	sand.u32 $0x3FFFFFC0, s16;
	v25 =	vmul.f32 v18, v9;
	v26 =	vmul.f32 v19, v10  }
0x48: {  	v27 =	vld [tilespmem:s11+$0xC7A0];
	[tilespmem:s9+$0x16710] =	vst v4  }
0x49: {  	v4 =	vld [tilespmem:s5+$0xC720];
	v2 =	vadd.f32 v24, v2;
	v28 =	vadd.f32 v26, v25  }
0x4a: {  	v29 =	vld [tilespmem:s5+$0xC740]  }
0x4b: {  	s0 =	sor.u32 $0x2, s30;
	v30 =	vld [tilespmem:s5+$0xC760];
	v2 =	vadd.f32 v28, v2  }
0x4c: {  	s8 =	smul.u32 $0x500, s0;
	v31 =	vld [tilespmem:s5+$0xC780]  }
0x4d: {  	v2 =	vadd.f32 v2, v27  }
0x4e: {  	s8 =	sshra.s32 s8, $0x2  }
0x4f: {  	s18 =	sshllo.u32 s30, $0x1;
	v42 =	vld [tilespmem:s8+$0xC710];
	v2 =	vadd.f32 v1, v2  }
0x50: {  	s31 =	smul.u32 $0x280, s18;
	v44 =	vld [tilespmem:s8+$0xC730];
	v32 =	vmul.f32 v29, v14;
	v34 =	vmul.f32 v30, v16  }
0x51: {  	v45 =	vld [tilespmem:s8+$0xC750];
	v35 =	vmul.f32 v31, v17;
	[tilespmem:s6+$0x16720] =	vst v2;
	v2 =	vmul.f32 v4, v13  }
0x52: {  	s7 =	sshra.s32 s31, $0x2;
	v36 =	vld [tilespmem:s5+$0xC7A0];
	s6 =	sshll.u32 s0, $0x3  }
0x53: {  	v38 =	vadd.f32 v35, v34;
	v33 =	vld [tilespmem:s7+$0xC710];
	s5 =	sand.u32 $0x3FFFFFF8, s6;
	v2 =	vadd.f32 v32, v2  }
0x54: {  	v14 =	vld.idx.msk [tilespmem:v0+s5+$0x0 ss:$0x1], $0xffff  }
0x55: {  	v46 =	vld [tilespmem:s8+$0xC770];
	v2 =	vadd.f32 v38, v2  }
0x56: {  	v54 =	vld [tilespmem:s8+$0xC790];
	v5 =	vbroadcast v3, $0x4  }
0x57: {  	v37 =	vld [tilespmem:s7+$0xC730];
	v2 =	vadd.f32 v2, v36  }
0x58: {  	s1 =	sshllo.u32 s14, $0x1;
	v4 =	vbroadcast v3, $0x5;
	v39 =	vld [tilespmem:s7+$0xC750];
	s5 =	sor.u32 $0x3, s30;
	v8 =	vmul.f32 v33, v5  }
0x59: {  	s10 =	smul.u32 $0x280, s1;
	v40 =	vld [tilespmem:s7+$0xC770];
	s11 =	sshll.u32 s5, $0x3;
	v49 =	vbroadcast v14, $0x0;
	v50 =	vbroadcast v14, $0x1;
	v43 =	vadd.f32 v1, v2  }
0x5a: {  	v41 =	vld [tilespmem:s7+$0xC790];
	s6 =	sand.u32 $0x3FFFFFF8, s11;
	v23 =	vbroadcast v14, $0x2;
	v24 =	vbroadcast v14, $0x3  }
0x5b: {  	s14 =	sshra.s32 s10, $0x2;
	v22 =	vld.idx.msk [tilespmem:v0+s6+$0x0 ss:$0x1], $0xffff;
	v2 =	vbroadcast v3, $0x6;
	v3 =	vbroadcast v3, $0x7;
	[tilespmem:s9+$0x16720] =	vst v43  }
0x5c: {  	s15 =	smul.u32 $0x500, s5;
	v7 =	vmul.f32 v42, v49;
	v52 =	vmul.f32 v44, v50;
	v47 =	vld [tilespmem:s14+$0xC710]  }
0x5d: {  	v53 =	vmul.f32 v45, v23;
	v13 =	vmul.f32 v46, v24;
	v48 =	vld [tilespmem:s14+$0xC730]  }
0x5e: {  	v9 =	vmul.f32 v37, v4;
	v6 =	vmul.f32 v39, v2;
	s9 =	sshra.s32 s15, $0x2;
	v21 =	vld [tilespmem:s14+$0xC750]  }
0x5f: {  	v10 =	vmul.f32 v40, v3;
	v25 =	vadd.f32 v52, v7;
	v13 =	vadd.f32 v13, v53;
	v55 =	vld [tilespmem:s9+$0xC710]  }
0x60: {  	v8 =	vadd.f32 v9, v8;
	v9 =	vbroadcast v12, $0x5;
	v26 =	vld [tilespmem:s9+$0xC730]  }
0x61: {  	v27 =	vbroadcast v22, $0x0;
	v57 =	vld [tilespmem:s9+$0xC750];
	v6 =	vadd.f32 v10, v6;
	v56 =	vadd.f32 v13, v25  }
0x62: {  	v28 =	vbroadcast v22, $0x1;
	v29 =	vbroadcast v22, $0x2;
	v58 =	vld [tilespmem:s9+$0xC770]  }
0x63: {  	s16 =	sshll.u32 s0, $0x6;
	v51 =	vld [tilespmem:s14+$0xC770];
	v6 =	vadd.f32 v6, v8;
	v8 =	vbroadcast v12, $0x4;
	v16 =	vadd.f32 v56, v54  }
0x64: {  	s4 =	sshll.u32 s18, $0x5;
	s18 =	sand.u32 $0x3FFFFFC0, s16;
	v30 =	vbroadcast v22, $0x3;
	v7 =	vbroadcast v12, $0x7;
	v59 =	vld [tilespmem:s14+$0xC790]  }
0x65: {  	v63 =	vld [tilespmem:s9+$0xC790];
	v11 =	vadd.f32 v6, v41;
	v6 =	vbroadcast v12, $0x6;
	v17 =	vmul.f32 v47, v8;
	[tilespmem:s18+$0x16710] =	vst v16  }
0x66: {  	v15 =	vmul.f32 v55, v27;
	v61 =	vmul.f32 v26, v28;
	v60 =	vld [tilespmem:s8+$0xC720]  }
0x67: {  	v13 =	vmul.f32 v57, v29;
	v25 =	vmul.f32 v58, v30;
	v62 =	vld [tilespmem:s8+$0xC740]  }
0x68: {  	v18 =	vmul.f32 v48, v9;
	v10 =	vmul.f32 v51, v7;
	v31 =	vld [tilespmem:s8+$0xC760]  }
0x69: {  	s31 =	sand.u32 $0x3FFFFFE0, s4;
	v21 =	vmul.f32 v21, v6;
	v15 =	vadd.f32 v61, v15;
	v13 =	vadd.f32 v25, v13;
	v36 =	vld [tilespmem:s8+$0xC780]  }
0x6a: {  	[tilespmem:s31+$0x16710] =	vst v11;
	v17 =	vadd.f32 v18, v17;
	v41 =	vld [tilespmem:s8+$0xC7A0]  }
0x6b: {  	v11 =	vld [tilespmem:s7+$0xC720];
	v10 =	vadd.f32 v10, v21;
	v13 =	vadd.f32 v13, v15  }
0x6c: {  	v12 =	vld [tilespmem:s7+$0xC740]  }
0x6d: {  	s10 =	sshll.u32 s5, $0x6;
	v16 =	vld [tilespmem:s7+$0xC760];
	v10 =	vadd.f32 v10, v17;
	v13 =	vadd.f32 v13, v63  }
0x6e: {  	s4 =	sand.u32 $0x3FFFFFC0, s10;
	v18 =	vld [tilespmem:s7+$0xC780]  }
0x6f: {  	v32 =	vadd.f32 v10, v59;
	v10 =	vld [tilespmem:s7+$0xC7A0];
	[tilespmem:s4+$0x16710] =	vst v13  }
0x70: {  	v13 =	vld [tilespmem:s9+$0xC720]  }
0x71: {  	v43 =	vld [tilespmem:s9+$0xC740]  }
0x72: {  	s1 =	sshll.u32 s1, $0x5;
	v37 =	vmul.f32 v60, v49;
	v38 =	vmul.f32 v62, v50;
	v44 =	vld [tilespmem:s9+$0xC760]  }
0x73: {  	s1 =	sand.u32 $0x3FFFFFE0, s1;
	v39 =	vmul.f32 v31, v23;
	v40 =	vmul.f32 v36, v24;
	s7 =	sor.u32 $0x4, s30;
	v45 =	vld [tilespmem:s9+$0xC780]  }
0x74: {  	s11 =	sshll.u32 s7, $0x3;
	s10 =	smul.u32 $0x500, s7;
	v50 =	vld [tilespmem:s9+$0xC7A0];
	[tilespmem:s1+$0x16710] =	vst v32  }
0x75: {  	v15 =	vadd.f32 v38, v37;
	v42 =	vadd.f32 v40, v39;
	s8 =	sand.u32 $0x3FFFFFF8, s11;
	v17 =	vld [tilespmem:s14+$0xC720]  }
0x76: {  	v34 =	vld.idx.msk [tilespmem:v0+s8+$0x0 ss:$0x1], $0xffff;
	s10 =	sshra.s32 s10, $0x2  }
0x77: {  	v15 =	vadd.f32 v42, v15;
	v46 =	vld [tilespmem:s10+$0xC710]  }
0x78: {  	v47 =	vld [tilespmem:s10+$0xC730]  }
0x79: {  	v48 =	vld [tilespmem:s10+$0xC750];
	v15 =	vadd.f32 v15, v41;
	v13 =	vmul.f32 v13, v27;
	v20 =	vmul.f32 v43, v28  }
0x7a: {  	s0 =	sshllo.u32 s0, $0x1;
	v49 =	vld [tilespmem:s10+$0xC770];
	v21 =	vmul.f32 v44, v29;
	v19 =	vmul.f32 v45, v30  }
0x7b: {  	s15 =	smul.u32 $0x280, s0;
	v31 =	vld [tilespmem:s14+$0xC740];
	v15 =	vadd.f32 v1, v15;
	v13 =	vadd.f32 v20, v13  }
0x7c: {  	v36 =	vld [tilespmem:s10+$0xC790];
	v19 =	vadd.f32 v19, v21;
	v52 =	vbroadcast v34, $0x0;
	v53 =	vbroadcast v34, $0x1  }
0x7d: {  	s8 =	sshra.s32 s15, $0x2;
	v27 =	vld [tilespmem:s14+$0xC760];
	v33 =	vbroadcast v34, $0x2;
	v35 =	vbroadcast v34, $0x3;
	[tilespmem:s18+$0x16720] =	vst v15  }
0x7e: {  	v51 =	vld [tilespmem:s8+$0xC710];
	v13 =	vadd.f32 v19, v13;
	v56 =	vmul.f32 v46, v52;
	v57 =	vmul.f32 v47, v53  }
0x7f: {  	v54 =	vld [tilespmem:s8+$0xC730];
	v25 =	vmul.f32 v48, v33;
	v26 =	vmul.f32 v49, v35  }
0x80: {  	v55 =	vld [tilespmem:s8+$0xC750];
	v15 =	vadd.f32 v13, v50  }
0x81: {  	s16 =	sshllo.u32 s5, $0x1;
	v58 =	vld [tilespmem:s8+$0xC770];
	v19 =	vadd.f32 v57, v56;
	v25 =	vadd.f32 v26, v25  }
0x82: {  	s5 =	smul.u32 $0x280, s16;
	v29 =	vld [tilespmem:s14+$0xC780];
	v59 =	vadd.f32 v1, v15  }
0x83: {  	v23 =	vbroadcast v14, $0x4;
	v60 =	vld [tilespmem:s8+$0xC790];
	v13 =	vbroadcast v14, $0x5;
	v19 =	vadd.f32 v25, v19  }
0x84: {  	s18 =	sshra.s32 s5, $0x2;
	v15 =	vbroadcast v14, $0x6;
	v14 =	vbroadcast v14, $0x7;
	v25 =	vld [tilespmem:s14+$0xC7A0];
	[tilespmem:s4+$0x16720] =	vst v59  }
0x85: {  	s9 =	sshll.u32 s7, $0x6;
	v20 =	vmul.f32 v51, v23;
	v21 =	vmul.f32 v54, v13;
	v19 =	vadd.f32 v19, v36;
	v62 =	vld [tilespmem:s18+$0xC710]  }
0x86: {  	s11 =	sand.u32 $0x3FFFFFC0, s9;
	v61 =	vmul.f32 v55, v15;
	v24 =	vmul.f32 v58, v14;
	v63 =	vld [tilespmem:s18+$0xC730]  }
0x87: {  	v45 =	vld [tilespmem:s18+$0xC750];
	[tilespmem:s11+$0x16710] =	vst v19  }
0x88: {  	v20 =	vadd.f32 v21, v20;
	v44 =	vadd.f32 v24, v61;
	v37 =	vld [tilespmem:s10+$0xC720]  }
0x89: {  	v38 =	vld [tilespmem:s10+$0xC740]  }
0x8a: {  	v39 =	vld [tilespmem:s10+$0xC760];
	v46 =	vadd.f32 v44, v20  }
0x8b: {  	v19 =	vbroadcast v22, $0x4;
	v40 =	vld [tilespmem:s10+$0xC780];
	v20 =	vbroadcast v22, $0x5  }
0x8c: {  	s0 =	sshll.u32 s0, $0x5;
	s5 =	sor.u32 $0x5, s30;
	v41 =	vld [tilespmem:s18+$0xC770];
	v21 =	vadd.f32 v46, v60  }
0x8d: {  	s0 =	sand.u32 $0x3FFFFFE0, s0;
	s14 =	sshll.u32 s5, $0x3;
	v49 =	vld [tilespmem:s18+$0xC790];
	v42 =	vmul.f32 v62, v19;
	v36 =	vmul.f32 v63, v20  }
0x8e: {  	s4 =	sand.u32 $0x3FFFFFF8, s14;
	v48 =	vld [tilespmem:s10+$0xC7A0];
	[tilespmem:s0+$0x16710] =	vst v21;
	v21 =	vbroadcast v22, $0x6;
	v22 =	vbroadcast v22, $0x7  }
0x8f: {  	v37 =	vmul.f32 v37, v52;
	v30 =	vmul.f32 v38, v53;
	v50 =	vadd.f32 v36, v42;
	v36 =	vld.idx.msk [tilespmem:v0+s4+$0x0 ss:$0x1], $0xffff  }
0x90: {  	s15 =	smul.u32 $0x500, s5;
	v33 =	vmul.f32 v39, v33;
	v35 =	vmul.f32 v40, v35;
	v32 =	vld [tilespmem:s8+$0xC720]  }
0x91: {  	v26 =	vld [tilespmem:s8+$0xC740];
	v24 =	vmul.f32 v45, v21;
	v47 =	vmul.f32 v41, v22  }
0x92: {  	s4 =	sshra.s32 s15, $0x2;
	v28 =	vld [tilespmem:s8+$0xC760];
	v37 =	vadd.f32 v30, v37;
	v33 =	vadd.f32 v35, v33  }
0x93: {  	v51 =	vld [tilespmem:s4+$0xC710];
	v24 =	vadd.f32 v47, v24  }
0x94: {  	v52 =	vld [tilespmem:s4+$0xC730];
	v33 =	vadd.f32 v33, v37  }
0x95: {  	v54 =	vld [tilespmem:s4+$0xC750];
	v24 =	vadd.f32 v24, v50  }
0x96: {  	v56 =	vld [tilespmem:s4+$0xC770];
	v33 =	vadd.f32 v33, v48  }
0x97: {  	s6 =	sshll.u32 s16, $0x5;
	s14 =	sshllo.u32 s7, $0x1;
	v58 =	vld [tilespmem:s4+$0xC790];
	v53 =	vadd.f32 v24, v49  }
0x98: {  	s16 =	smul.u32 $0x280, s14;
	s15 =	sand.u32 $0x3FFFFFE0, s6;
	v30 =	vld [tilespmem:s8+$0xC780];
	v55 =	vadd.f32 v1, v33  }
0x99: {  	v38 =	vbroadcast v36, $0x0;
	v42 =	vbroadcast v36, $0x1;
	v24 =	vld [tilespmem:s8+$0xC7A0];
	[tilespmem:s15+$0x16710] =	vst v53  }
0x9a: {  	s16 =	sshra.s32 s16, $0x2;
	v44 =	vbroadcast v36, $0x2;
	v45 =	vbroadcast v36, $0x3;
	[tilespmem:s11+$0x16720] =	vst v55;
	v33 =	vld [tilespmem:s18+$0xC720]  }
0x9b: {  	[tilespmem:$0x1FFD0] =	vst v2;
	v35 =	vmul.f32 v51, v38;
	v37 =	vmul.f32 v52, v42;
	v2 =	vld [tilespmem:s16+$0xC710]  }
0x9c: {  	v39 =	vmul.f32 v54, v44;
	v57 =	vmul.f32 v56, v45;
	s8 =	sor.u32 $0x6, s30;
	v46 =	vld [tilespmem:s16+$0xC730]  }
0x9d: {  	s7 =	sshll.u32 s8, $0x3;
	s9 =	smul.u32 $0x500, s8;
	v47 =	vld [tilespmem:s16+$0xC750]  }
0x9e: {  	v35 =	vadd.f32 v37, v35;
	v59 =	vadd.f32 v57, v39;
	s6 =	sand.u32 $0x3FFFFFF8, s7;
	v48 =	vld [tilespmem:s16+$0xC770]  }
0x9f: {  	v40 =	vld.idx.msk [tilespmem:v0+s6+$0x0 ss:$0x1], $0xffff;
	s6 =	sshra.s32 s9, $0x2  }
0xa0: {  	s10 =	sshll.u32 s5, $0x6;
	s7 =	sor.u32 $0x7, s30;
	v35 =	vadd.f32 v59, v35;
	v60 =	vld [tilespmem:s6+$0xC710]  }
0xa1: {  	s11 =	sshll.u32 s7, $0x3;
	s9 =	sand.u32 $0x3FFFFFC0, s10;
	v49 =	vld [tilespmem:s6+$0xC730]  }
0xa2: {  	v61 =	vld [tilespmem:s6+$0xC750];
	s10 =	sand.u32 $0x3FFFFFF8, s11;
	s11 =	smul.u32 $0x500, s7;
	v35 =	vadd.f32 v35, v58  }
0xa3: {  	v50 =	vld [tilespmem:s6+$0xC770]  }
0xa4: {  	v37 =	vld.idx.msk [tilespmem:v0+s10+$0x0 ss:$0x1], $0xffff;
	s10 =	sshra.s32 s11, $0x2;
	[tilespmem:s9+$0x16710] =	vst v35;
	v35 =	vbroadcast v34, $0x4;
	v53 =	vbroadcast v40, $0x1  }
0xa5: {  	v57 =	vld [tilespmem:s10+$0xC730];
	v52 =	vbroadcast v40, $0x0;
	v54 =	vbroadcast v40, $0x2  }
0xa6: {  	v55 =	vbroadcast v40, $0x3;
	v63 =	vmul.f32 v49, v53;
	v49 =	vld [tilespmem:s10+$0xC710]  }
0xa7: {  	v51 =	vld [tilespmem:s4+$0xC720];
	v2 =	vmul.f32 v2, v35;
	v62 =	vmul.f32 v60, v52  }
0xa8: {  	v56 =	vld [tilespmem:s6+$0xC790];
	v41 =	vmul.f32 v61, v54;
	v50 =	vmul.f32 v50, v55  }
0xa9: {  	v60 =	vld [tilespmem:s4+$0xC760];
	v61 =	vbroadcast v37, $0x0;
	v39 =	vadd.f32 v63, v62;
	v62 =	vbroadcast v37, $0x1  }
0xaa: {  	v58 =	vld [tilespmem:s10+$0xC750];
	v1 =	vbroadcast v37, $0x3;
	v41 =	vadd.f32 v50, v41;
	v63 =	vbroadcast v37, $0x2  }
0xab: {  	v50 =	vld [tilespmem:s10+$0xC770];
	v57 =	vmul.f32 v57, v62;
	v49 =	vmul.f32 v49, v61  }
0xac: {  	v59 =	vld [tilespmem:s4+$0xC740];
	v38 =	vmul.f32 v51, v38;
	v51 =	vbroadcast v34, $0x5;
	v39 =	vadd.f32 v41, v39  }
0xad: {  	v0 =	vld [tilespmem:s4+$0xC7A0];
	v57 =	vadd.f32 v57, v49;
	v49 =	vbroadcast v34, $0x6;
	v34 =	vbroadcast v34, $0x7  }
0xae: {  	v41 =	vld [tilespmem:s4+$0xC780];
	v46 =	vmul.f32 v46, v51;
	v60 =	vmul.f32 v60, v44  }
0xaf: {  	s11 =	sshll.u32 s8, $0x6;
	v44 =	vld [tilespmem:s18+$0xC740];
	v56 =	vadd.f32 v39, v56;
	v47 =	vmul.f32 v47, v49;
	v48 =	vmul.f32 v48, v34  }
0xb0: {  	s11 =	sand.u32 $0x3FFFFFC0, s11;
	v58 =	vmul.f32 v58, v63;
	v39 =	vld [tilespmem:s16+$0xC790];
	v50 =	vmul.f32 v50, v1  }
0xb1: {  	v2 =	vadd.f32 v46, v2;
	[tilespmem:s11+$0x16710] =	vst v56;
	v56 =	vld [tilespmem:s10+$0xC790];
	v48 =	vadd.f32 v48, v47  }
0xb2: {  	v50 =	vadd.f32 v50, v58;
	v58 =	vld [tilespmem:s6+$0xC720]  }
0xb3: {  	v42 =	vmul.f32 v59, v42;
	v59 =	vld [tilespmem:s6+$0xC740];
	v2 =	vadd.f32 v48, v2  }
0xb4: {  	v43 =	vld [tilespmem:s6+$0xC780];
	v41 =	vmul.f32 v41, v45;
	v50 =	vadd.f32 v50, v57  }
0xb5: {  	s14 =	sshll.u32 s14, $0x5;
	v38 =	vadd.f32 v42, v38;
	v57 =	vld [tilespmem:s6+$0xC760];
	v2 =	vadd.f32 v2, v39  }
0xb6: {  	s14 =	sand.u32 $0x3FFFFFE0, s14;
	v41 =	vadd.f32 v41, v60;
	v56 =	vadd.f32 v50, v56;
	v50 =	vld [tilespmem:s6+$0xC7A0]  }
0xb7: {  	s6 =	sshll.u32 s7, $0x6;
	[tilespmem:s14+$0x16710] =	vst v2;
	v2 =	vld [tilespmem:$0x1FFF0]  }
0xb8: {  	v42 =	vld [tilespmem:s18+$0xC760];
	v38 =	vadd.f32 v41, v38;
	s6 =	sand.u32 $0x3FFFFFC0, s6  }
0xb9: {  	v41 =	vld [tilespmem:s18+$0xC7A0];
	v52 =	vmul.f32 v58, v52;
	[tilespmem:s6+$0x16710] =	vst v56;
	v56 =	vmul.f32 v59, v53  }
0xba: {  	v43 =	vmul.f32 v43, v55;
	v0 =	vadd.f32 v38, v0;
	v45 =	vld [tilespmem:s10+$0xC720];
	v59 =	vmul.f32 v57, v54  }
0xbb: {  	v46 =	vld [tilespmem:s10+$0xC740];
	v39 =	vadd.f32 v56, v52  }
0xbc: {  	v58 =	vld [tilespmem:s10+$0xC760];
	v0 =	vadd.f32 v2, v0;
	v2 =	vadd.f32 v43, v59  }
0xbd: {  	s4 =	sshllo.u32 s5, $0x1;
	v57 =	vld [tilespmem:$0x1FFF0]  }
0xbe: {  	s5 =	smul.u32 $0x280, s4;
	v60 =	vld [tilespmem:s10+$0xC780];
	[tilespmem:s9+$0x16720] =	vst v0;
	v0 =	vadd.f32 v2, v39  }
0xbf: {  	v55 =	vld [tilespmem:$0x1FFD0]  }
0xc0: {  	v52 =	vld [tilespmem:s18+$0xC780];
	s18 =	sshra.s32 s5, $0x2;
	v0 =	vadd.f32 v0, v50  }
0xc1: {  	v5 =	vmul.f32 v11, v5;
	v48 =	vld [tilespmem:s18+$0xC710]  }
0xc2: {  	v53 =	vld [tilespmem:s10+$0xC7A0];
	v62 =	vmul.f32 v46, v62;
	v63 =	vmul.f32 v58, v63;
	v0 =	vadd.f32 v57, v0  }
0xc3: {  	v38 =	vld [tilespmem:s16+$0xC720];
	v1 =	vmul.f32 v60, v1;
	v2 =	vmul.f32 v45, v61  }
0xc4: {  	v4 =	vmul.f32 v12, v4;
	v54 =	vld [tilespmem:s18+$0xC730];
	[tilespmem:s11+$0x16720] =	vst v0;
	v0 =	vbroadcast v36, $0x4  }
0xc5: {  	v3 =	vmul.f32 v18, v3;
	v1 =	vadd.f32 v1, v63;
	s9 =	sshllo.u32 s8, $0x1;
	v56 =	vld [tilespmem:s18+$0xC750];
	v2 =	vadd.f32 v62, v2  }
0xc6: {  	v16 =	vmul.f32 v16, v55;
	s10 =	smul.u32 $0x280, s9;
	v62 =	vmul.f32 v48, v0;
	v48 =	vld [tilespmem:$0x1FFF0]  }
0xc7: {  	v58 =	vld [tilespmem:s18+$0xC770];
	v1 =	vadd.f32 v1, v2  }
0xc8: {  	v4 =	vadd.f32 v4, v5;
	v11 =	vbroadcast v36, $0x7;
	v43 =	vld [tilespmem:s16+$0xC740];
	s5 =	sshra.s32 s10, $0x2;
	v2 =	vadd.f32 v3, v16  }
0xc9: {  	v59 =	vmul.f32 v31, v9;
	v16 =	vbroadcast v36, $0x5;
	v1 =	vadd.f32 v1, v53;
	v60 =	vld [tilespmem:s5+$0xC710]  }
0xca: {  	s8 =	sshllo.u32 s7, $0x1;
	v3 =	vmul.f32 v17, v8;
	v2 =	vadd.f32 v2, v4;
	v4 =	vbroadcast v36, $0x6;
	v61 =	vld [tilespmem:s5+$0xC730]  }
0xcb: {  	s7 =	smul.u32 $0x280, s8;
	v8 =	vbroadcast v40, $0x6;
	v12 =	vmul.f32 v54, v16;
	v63 =	vld [tilespmem:s5+$0xC750];
	v1 =	vadd.f32 v48, v1  }
0xcc: {  	v5 =	vmul.f32 v58, v11;
	v53 =	vld [tilespmem:s5+$0xC770];
	v50 =	vmul.f32 v56, v4  }
0xcd: {  	s7 =	sshra.s32 s7, $0x2;
	v54 =	vmul.f32 v29, v7;
	v36 =	vbroadcast v40, $0x7;
	v2 =	vadd.f32 v2, v10;
	v56 =	vld [tilespmem:s18+$0xC790];
	[tilespmem:s6+$0x16720] =	vst v1  }
0xce: {  	v10 =	vbroadcast v40, $0x4;
	v55 =	vadd.f32 v12, v62;
	v5 =	vadd.f32 v5, v50;
	v57 =	vld [tilespmem:s7+$0xC710]  }
0xcf: {  	v3 =	vadd.f32 v59, v3;
	v1 =	vmul.f32 v27, v6;
	v27 =	vbroadcast v40, $0x5;
	v58 =	vld [tilespmem:s7+$0xC730]  }
0xd0: {  	v5 =	vadd.f32 v5, v55;
	v59 =	vmul.f32 v60, v10;
	v62 =	vmul.f32 v63, v8;
	v63 =	vld [tilespmem:s7+$0xC770]  }
0xd1: {  	v18 =	vmul.f32 v53, v36;
	v60 =	vmul.f32 v61, v27;
	v61 =	vld [tilespmem:s7+$0xC750]  }
0xd2: {  	v23 =	vmul.f32 v32, v23;
	s4 =	sshll.u32 s4, $0x5;
	v9 =	vld [tilespmem:s16+$0xC760];
	v5 =	vadd.f32 v5, v56;
	v1 =	vadd.f32 v54, v1  }
0xd3: {  	v32 =	vbroadcast v37, $0x5;
	s11 =	sand.u32 $0x3FFFFFE0, s4;
	v48 =	vld [tilespmem:s5+$0xC790];
	v6 =	vadd.f32 v18, v62;
	v18 =	vbroadcast v37, $0x4  }
0xd4: {  	[tilespmem:s11+$0x16710] =	vst v5;
	v5 =	vbroadcast v37, $0x7;
	v56 =	vld [tilespmem:s7+$0xC790];
	v1 =	vadd.f32 v1, v3;
	v3 =	vbroadcast v37, $0x6  }
0xd5: {  	v53 =	vld [tilespmem:s18+$0xC720];
	v7 =	vadd.f32 v60, v59;
	v29 =	vmul.f32 v57, v18;
	v54 =	vmul.f32 v58, v32  }
0xd6: {  	v55 =	vld [tilespmem:s18+$0xC740];
	v39 =	vmul.f32 v63, v5;
	v31 =	vmul.f32 v61, v3  }
0xd7: {  	v59 =	vld [tilespmem:s18+$0xC760];
	v6 =	vadd.f32 v6, v7  }
0xd8: {  	v60 =	vld [tilespmem:s18+$0xC780];
	v57 =	vadd.f32 v54, v29;
	v58 =	vadd.f32 v39, v31  }
0xd9: {  	v45 =	vld [tilespmem:s16+$0xC7A0]  }
0xda: {  	v50 =	vld [tilespmem:s16+$0xC780];
	s16 =	sshll.u32 s9, $0x5;
	v6 =	vadd.f32 v6, v48;
	v62 =	vadd.f32 v58, v57  }
0xdb: {  	v15 =	vmul.f32 v28, v15;
	v28 =	vmul.f32 v42, v21;
	s4 =	sand.u32 $0x3FFFFFE0, s16  }
0xdc: {  	v61 =	vld [tilespmem:s18+$0xC7A0];
	s18 =	sshll.u32 s8, $0x5;
	v0 =	vmul.f32 v53, v0;
	v42 =	vmul.f32 v55, v16;
	[tilespmem:s4+$0x16710] =	vst v6;
	v6 =	vadd.f32 v62, v56  }
0xdd: {  	s6 =	sand.u32 $0x3FFFFFE0, s18;
	v4 =	vmul.f32 v59, v4;
	v11 =	vmul.f32 v60, v11  }
0xde: {  	[tilespmem:s6+$0x16710] =	vst v6  }
0xdf: {  	v0 =	vadd.f32 v42, v0;
	v4 =	vadd.f32 v11, v4;
	v46 =	vld [tilespmem:s7+$0xC720]  }
0xe0: {  	v48 =	vld [tilespmem:s7+$0xC740]  }
0xe1: {  	v9 =	vmul.f32 v9, v49;
	v0 =	vadd.f32 v4, v0;
	v49 =	vld [tilespmem:s7+$0xC760]  }
0xe2: {  	v37 =	vmul.f32 v38, v35;
	v38 =	vmul.f32 v43, v51;
	v51 =	vld [tilespmem:s7+$0xC780]  }
0xe3: {  	v0 =	vadd.f32 v0, v61;
	v61 =	vld [tilespmem:$0x1FFF0];
	_ =	sdelay $0x1  }
0xe4: {  	v19 =	vmul.f32 v33, v19  }
0xe5: {  	v1 =	vadd.f32 v1, v25;
	v55 =	vmul.f32 v46, v18;
	v56 =	vmul.f32 v48, v32  }
0xe6: {  	v3 =	vmul.f32 v49, v3;
	v5 =	vmul.f32 v51, v5  }
0xe7: {  	v20 =	vmul.f32 v44, v20;
	v31 =	vmul.f32 v52, v22;
	v1 =	vadd.f32 v61, v1  }
0xe8: {  	v13 =	vmul.f32 v26, v13;
	v59 =	vadd.f32 v56, v55;
	v3 =	vadd.f32 v5, v3  }
0xe9: {  	v14 =	vmul.f32 v30, v14;
	v63 =	vadd.f32 v20, v19;
	v19 =	vadd.f32 v31, v28  }
0xea: {  	v13 =	vadd.f32 v13, v23;
	[tilespmem:s1+$0x16720] =	vst v1;
	v1 =	vadd.f32 v3, v59;
	v3 =	vld [tilespmem:$0x1FFF0]  }
0xeb: {  	v14 =	vadd.f32 v14, v15;
	v44 =	vadd.f32 v19, v63  }
0xec: {  	v33 =	vld [tilespmem:s5+$0xC720]  }
0xed: {  	v13 =	vadd.f32 v14, v13;
	v39 =	vld [tilespmem:s5+$0xC740];
	v14 =	vadd.f32 v44, v41  }
0xee: {  	v17 =	vmul.f32 v50, v34;
	v40 =	vld [tilespmem:s5+$0xC760]  }
0xef: {  	v43 =	vld [tilespmem:s5+$0xC780];
	v3 =	vadd.f32 v3, v14  }
0xf0: {  	v9 =	vadd.f32 v17, v9;
	v47 =	vadd.f32 v38, v37;
	v60 =	vld [tilespmem:$0x1FFF0]  }
0xf1: {  	[tilespmem:s15+$0x16720] =	vst v3;
	v3 =	vld [tilespmem:$0x1FFF0]  }
0xf2: {  	v9 =	vadd.f32 v9, v47  }
0xf3: {  	v57 =	vld [tilespmem:s5+$0xC7A0];
	v53 =	vmul.f32 v33, v10;
	v54 =	vmul.f32 v39, v27  }
0xf4: {  	v52 =	vadd.f32 v9, v45;
	v62 =	vld [tilespmem:$0x1FFF0];
	v8 =	vmul.f32 v40, v8;
	v6 =	vmul.f32 v43, v36  }
0xf5: {  	v63 =	vld [tilespmem:$0x1FFF0];
	v2 =	vadd.f32 v60, v2;
	v9 =	vadd.f32 v54, v53  }
0xf6: {  	v58 =	vld [tilespmem:s7+$0xC7A0];
	v6 =	vadd.f32 v6, v8;
	v0 =	vadd.f32 v3, v0  }
0xf7: {  	[tilespmem:s31+$0x16720] =	vst v2;
	v3 =	vld [tilespmem:$0x1FFF0]  }
0xf8: {  	v2 =	vadd.f32 v6, v9;
	[tilespmem:s11+$0x16720] =	vst v0;
	v0 =	vld [tilespmem:$0x1FFF0]  }
0xf9: {  	v50 =	vadd.f32 v13, v24  }
0xfa: {  	p0 =	slt.u32 s30, $0x38;
	v4 =	vadd.f32 v63, v52;
	v2 =	vadd.f32 v2, v57  }
.Ltmp0:
0xfb: {  	v5 =	vadd.f32 v62, v50;
	v1 =	vadd.f32 v1, v58;
	(pc) =	sbr.rel @p0 .LBB2_3-.Ltmp0, $4  }
0xfc: {  	[tilespmem:s14+$0x16720] =	vst v4;
	v2 =	vadd.f32 v3, v2  }
0xfd: {  	[tilespmem:s0+$0x16720] =	vst v5;
	v0 =	vadd.f32 v0, v1  }
0xfe: {  	s31 =	sadd.s32 $0x8, s30;
	[tilespmem:s4+$0x16720] =	vst v2  }
0xff: {  	s30 =	smov.u32 s31;
	v1 =	vld [tilespmem:$0x1FFF0];
	[tilespmem:s6+$0x16720] =	vst v0  }
0x100: {  	s0 =	sshrl.u32 s29, $0x2  }
0x101: {  	p0 =	seq.s32 s25, $0x13;
	s0 =	sadd.s32 $0x6300, s0  }
0x102: {  	[spmem:s3] =	stream.indirect.scatter.add.f32 [tilespmem:s21], [sflag:$0x2], $0x20, s0, s17, $0xb8;
	[tilespmem:$0x18710] =	vst v63  }
0x103: {  	s31 =	sshll.u32 s28, $0x9;
	p1 =	seq.s32 @!p0 s25, $0x0;
	_ =	swait.ge [sflag:s19], $0x5000  }
0x104: {  	s1 =	simm.s32 @!p0 $0x80;
	s0 =	sshrl.u32 @!p0 s29, $0x2;
	[sflag:s19] =	ssyncset.done $0x0  }
0x105: {  	s4 =	simm.s32 @!p0 $0xC710;
	s0 =	sadd.s32 @!p0 $0x5000, s0;
	[sflag:s19] =	ssyncadd.s32 $0xFFFFB000  }
0x106: {  	[tilespmem:s4], [sflag:$0x1] =	stream.indirect.gather @!p0 [hbm4b:s2+s1], $0xA0, s0, s1, $0xb8;
	[tilespmem:$0x18710] =	vst v63  }
0x107: {  	p0 =	por p0, !p1;
	s0 =	sand.u32 $0x3FFFFE00, s31  }
0x108: {  	_ =	swait.ge @p0 [sflag:s23], $0x1000;
	s0 =	sadd.s32 $0x7700, s0  }
0x109: {  	[sflag:s23] =	ssyncset.done @p0 $0x0;
	v0 =	vmov s0  }
0x10a: {  	s28 =	simm.s32 $0x0;
	[sflag:s23] =	ssyncadd.s32 @p0 $0xFFFFF000;
	[tilespmem:$0x1FFC0] =	vst v0  }
.LBB2_5:
0x10b: {  	v50 =	vld [tilespmem:$0x1FFC0];
	_ =	sdelay $0x3  }
0x10c: {  	s1 =	smul.u32 $0x500, s28;
	_ =	sdelay $0x1  }
0x10d: {  	s0 =	sshll.u32 s28, $0x3;
	s16 =	sshra.s32 s1, $0x2  }
0x10e: {  	s0 =	sand.u32 $0x3FFFFFF8, s0;
	v2 =	vld [tilespmem:s16+$0x11710]  }
0x10f: {  	v0 =	vld.idx.msk [tilespmem:v50+s0+$0x0 ss:$0x1], $0xffff  }
0x110: {  	v3 =	vld [tilespmem:s16+$0x11730]  }
0x111: {  	v4 =	vld [tilespmem:s16+$0x11750]  }
0x112: {  	v5 =	vld [tilespmem:s16+$0x11770];
	_ =	sdelay $0x1  }
0x113: {  	s18 =	sor.u32 $0x1, s28;
	v6 =	vbroadcast v0, $0x0;
	v7 =	vbroadcast v0, $0x1  }
0x114: {  	s5 =	smul.u32 $0x500, s18;
	v8 =	vbroadcast v0, $0x2;
	v9 =	vbroadcast v0, $0x3  }
0x115: {  	v2 =	vmul.f32 v2, v6;
	v3 =	vmul.f32 v3, v7  }
0x116: {  	s4 =	sshll.u32 s18, $0x3;
	v10 =	vld [tilespmem:s16+$0x11790];
	s5 =	sshra.s32 s5, $0x2;
	v4 =	vmul.f32 v4, v8;
	v5 =	vmul.f32 v5, v9  }
0x117: {  	s4 =	sand.u32 $0x3FFFFFF8, s4;
	v36 =	vld [tilespmem:s5+$0x11730]  }
0x118: {  	v11 =	vld.idx.msk [tilespmem:v50+s4+$0x0 ss:$0x1], $0xffff;
	v2 =	vadd.f32 v3, v2;
	v3 =	vadd.f32 v5, v4  }
0x119: {  	v37 =	vld [tilespmem:s5+$0x11750]  }
0x11a: {  	v38 =	vld [tilespmem:s5+$0x11770];
	v2 =	vadd.f32 v3, v2  }
0x11b: {  	v3 =	vld [tilespmem:s5+$0x11710]  }
0x11c: {  	s29 =	sshll.u32 s28, $0x6;
	v2 =	vadd.f32 v2, v10  }
0x11d: {  	s6 =	sand.u32 $0x3FFFFFC0, s29;
	v13 =	vbroadcast v11, $0x1;
	v15 =	vbroadcast v11, $0x2  }
0x11e: {  	v19 =	vld [tilespmem:s5+$0x11790];
	v12 =	vbroadcast v11, $0x0;
	v16 =	vbroadcast v11, $0x3;
	[tilespmem:s6+$0x17710] =	vst v2  }
0x11f: {  	v4 =	vmul.f32 v36, v13;
	v5 =	vmul.f32 v37, v15;
	v2 =	vld [tilespmem:s16+$0x11720]  }
0x120: {  	v10 =	vmul.f32 v38, v16;
	v14 =	vld [tilespmem:s16+$0x11740];
	v3 =	vmul.f32 v3, v12  }
0x121: {  	v17 =	vld [tilespmem:s16+$0x11760]  }
0x122: {  	v39 =	vadd.f32 v10, v5;
	v18 =	vld [tilespmem:s16+$0x11780];
	v3 =	vadd.f32 v4, v3  }
0x123: {  	s0 =	sor.u32 $0x2, s28  }
0x124: {  	s14 =	smul.u32 $0x500, s0;
	v3 =	vadd.f32 v39, v3;
	_ =	sdelay $0x1  }
0x125: {  	s30 =	sshll.u32 s18, $0x6;
	s8 =	sshra.s32 s14, $0x2;
	v2 =	vmul.f32 v2, v6;
	v40 =	vmul.f32 v14, v7;
	v3 =	vadd.f32 v3, v19  }
0x126: {  	s9 =	sand.u32 $0x3FFFFFC0, s30;
	v57 =	vld [tilespmem:s8+$0x11710];
	v41 =	vmul.f32 v17, v8;
	v42 =	vmul.f32 v18, v9  }
0x127: {  	v43 =	vld [tilespmem:s16+$0x117A0];
	[tilespmem:s9+$0x17710] =	vst v3  }
0x128: {  	v2 =	vadd.f32 v40, v2;
	v44 =	vadd.f32 v42, v41;
	v3 =	vld [tilespmem:s5+$0x11720]  }
0x129: {  	v46 =	vld [tilespmem:s5+$0x11760]  }
0x12a: {  	v2 =	vadd.f32 v44, v2;
	v47 =	vld [tilespmem:s5+$0x11780]  }
0x12b: {  	v45 =	vld [tilespmem:s5+$0x11740]  }
0x12c: {  	v59 =	vld [tilespmem:s8+$0x11730];
	v2 =	vadd.f32 v2, v43  }
0x12d: {  	s31 =	sshllo.u32 s28, $0x1;
	v60 =	vld [tilespmem:s8+$0x11770]  }
0x12e: {  	s10 =	smul.u32 $0x280, s31;
	s11 =	sshll.u32 s0, $0x3;
	v34 =	vld [tilespmem:s8+$0x11790];
	v2 =	vadd.f32 v1, v2  }
0x12f: {  	v52 =	vld [tilespmem:s5+$0x117A0];
	s5 =	sand.u32 $0x3FFFFFF8, s11;
	v49 =	vmul.f32 v46, v15;
	v51 =	vmul.f32 v47, v16  }
0x130: {  	s1 =	sshllo.u32 s18, $0x1;
	s7 =	sshra.s32 s10, $0x2;
	v14 =	vld.idx.msk [tilespmem:v50+s5+$0x0 ss:$0x1], $0xffff;
	[tilespmem:s6+$0x17720] =	vst v2;
	v2 =	vmul.f32 v3, v12;
	v3 =	vmul.f32 v45, v13  }
0x131: {  	s15 =	smul.u32 $0x280, s1;
	v48 =	vld [tilespmem:s7+$0x11710]  }
0x132: {  	v53 =	vld [tilespmem:s7+$0x11730];
	v2 =	vadd.f32 v3, v2;
	v3 =	vadd.f32 v51, v49  }
0x133: {  	s14 =	sshra.s32 s15, $0x2;
	s15 =	sor.u32 $0x4, s28;
	s16 =	sor.u32 $0x3, s28;
	v54 =	vld [tilespmem:s7+$0x11750]  }
0x134: {  	s10 =	smul.u32 $0x500, s15;
	s18 =	sshll.u32 s16, $0x3;
	v55 =	vld [tilespmem:s7+$0x11770];
	v2 =	vadd.f32 v3, v2  }
0x135: {  	s6 =	sand.u32 $0x3FFFFFF8, s18;
	v56 =	vld [tilespmem:s7+$0x11790]  }
0x136: {  	s10 =	sshra.s32 s10, $0x2;
	v22 =	vld.idx.msk [tilespmem:v50+s6+$0x0 ss:$0x1], $0xffff;
	v2 =	vadd.f32 v2, v52  }
0x137: {  	v5 =	vbroadcast v0, $0x4;
	v4 =	vbroadcast v0, $0x5;
	v49 =	vld [tilespmem:s10+$0x11730]  }
0x138: {  	v3 =	vbroadcast v0, $0x7;
	v58 =	vadd.f32 v1, v2;
	v2 =	vbroadcast v0, $0x6;
	v0 =	vld [tilespmem:s8+$0x11750]  }
0x139: {  	v63 =	vbroadcast v14, $0x0;
	v7 =	vmul.f32 v48, v5;
	v48 =	vld [tilespmem:s10+$0x11710]  }
0x13a: {  	v20 =	vbroadcast v14, $0x1;
	v21 =	vbroadcast v14, $0x2;
	v52 =	vld [tilespmem:s10+$0x11750]  }
0x13b: {  	v23 =	vbroadcast v14, $0x3;
	v8 =	vmul.f32 v53, v4;
	v53 =	vld [tilespmem:s10+$0x11770];
	[tilespmem:s9+$0x17720] =	vst v58  }
0x13c: {  	v6 =	vmul.f32 v57, v63;
	v33 =	vmul.f32 v59, v20;
	v61 =	vld [tilespmem:s14+$0x11710]  }
0x13d: {  	s29 =	smul.u32 $0x500, s16;
	v13 =	vmul.f32 v60, v23;
	v62 =	vld [tilespmem:s14+$0x11730];
	v0 =	vmul.f32 v0, v21  }
0x13e: {  	v30 =	vld [tilespmem:s14+$0x11750]  }
0x13f: {  	v24 =	vadd.f32 v33, v6;
	s9 =	sshra.s32 s29, $0x2;
	v32 =	vld [tilespmem:s14+$0x11770];
	v0 =	vadd.f32 v13, v0  }
0x140: {  	v10 =	vmul.f32 v55, v3;
	v9 =	vmul.f32 v54, v2;
	v35 =	vld [tilespmem:s9+$0x11710]  }
0x141: {  	v25 =	vld [tilespmem:s9+$0x11730];
	v0 =	vadd.f32 v0, v24  }
0x142: {  	v7 =	vadd.f32 v8, v7;
	v36 =	vld [tilespmem:s9+$0x11750];
	v31 =	vadd.f32 v10, v9  }
0x143: {  	s30 =	sshll.u32 s0, $0x6;
	v6 =	vbroadcast v11, $0x6;
	v37 =	vbroadcast v22, $0x0;
	v26 =	vld [tilespmem:s9+$0x11770];
	v0 =	vadd.f32 v0, v34  }
0x144: {  	s4 =	sshll.u32 s31, $0x5;
	s31 =	sand.u32 $0x3FFFFFC0, s30;
	v27 =	vbroadcast v22, $0x1;
	v28 =	vbroadcast v22, $0x3;
	v38 =	vld [tilespmem:s14+$0x11790];
	v7 =	vadd.f32 v31, v7  }
0x145: {  	v8 =	vbroadcast v11, $0x4;
	v18 =	vmul.f32 v30, v6;
	v30 =	vld [tilespmem:s9+$0x11790];
	[tilespmem:s31+$0x17710] =	vst v0  }
0x146: {  	v9 =	vbroadcast v11, $0x5;
	v12 =	vadd.f32 v7, v56;
	v7 =	vbroadcast v11, $0x7;
	v29 =	vld [tilespmem:s8+$0x11720]  }
0x147: {  	v16 =	vmul.f32 v61, v8;
	v0 =	vbroadcast v22, $0x2;
	v40 =	vld [tilespmem:s8+$0x11740]  }
0x148: {  	v13 =	vmul.f32 v35, v37;
	v39 =	vmul.f32 v25, v27;
	v31 =	vld [tilespmem:s8+$0x11760]  }
0x149: {  	s18 =	sshll.u32 s15, $0x3;
	v26 =	vmul.f32 v26, v28;
	v42 =	vld [tilespmem:s8+$0x11780];
	v24 =	vmul.f32 v36, v0  }
0x14a: {  	v17 =	vmul.f32 v62, v9;
	v10 =	vmul.f32 v32, v7;
	v43 =	vld [tilespmem:s8+$0x117A0];
	s8 =	sand.u32 $0x3FFFFFF8, s18  }
0x14b: {  	s29 =	sand.u32 $0x3FFFFFE0, s4;
	v13 =	vadd.f32 v39, v13;
	v34 =	vld.idx.msk [tilespmem:v50+s8+$0x0 ss:$0x1], $0xffff;
	v41 =	vadd.f32 v26, v24  }
0x14c: {  	[tilespmem:s29+$0x17710] =	vst v12;
	v16 =	vadd.f32 v17, v16;
	v32 =	vld [tilespmem:s10+$0x11790];
	v10 =	vadd.f32 v10, v18  }
0x14d: {  	v11 =	vld [tilespmem:s7+$0x11720];
	v13 =	vadd.f32 v41, v13  }
0x14e: {  	v12 =	vld [tilespmem:s7+$0x11740];
	v10 =	vadd.f32 v10, v16;
	v19 =	vmul.f32 v29, v63  }
0x14f: {  	s11 =	sshll.u32 s16, $0x6;
	v18 =	vld [tilespmem:s7+$0x11780];
	v20 =	vmul.f32 v40, v20;
	v21 =	vmul.f32 v31, v21;
	v13 =	vadd.f32 v13, v30  }
0x150: {  	s4 =	sand.u32 $0x3FFFFFC0, s11;
	v16 =	vld [tilespmem:s7+$0x11760];
	v23 =	vmul.f32 v42, v23;
	v55 =	vbroadcast v34, $0x0  }
0x151: {  	v17 =	vadd.f32 v10, v38;
	v10 =	vld [tilespmem:s7+$0x117A0];
	v56 =	vbroadcast v34, $0x1;
	v33 =	vbroadcast v34, $0x2;
	[tilespmem:s4+$0x17710] =	vst v13  }
0x152: {  	v35 =	vbroadcast v34, $0x3;
	v19 =	vadd.f32 v20, v19;
	v44 =	vadd.f32 v23, v21;
	v13 =	vld [tilespmem:s9+$0x11720]  }
0x153: {  	s1 =	sshll.u32 s1, $0x5;
	v59 =	vmul.f32 v48, v55;
	v60 =	vmul.f32 v49, v56;
	v45 =	vld [tilespmem:s9+$0x11740]  }
0x154: {  	s1 =	sand.u32 $0x3FFFFFE0, s1;
	v21 =	vmul.f32 v52, v33;
	v23 =	vmul.f32 v53, v35;
	v19 =	vadd.f32 v44, v19;
	v46 =	vld [tilespmem:s9+$0x11760]  }
0x155: {  	[tilespmem:s1+$0x17710] =	vst v17;
	v47 =	vld [tilespmem:s9+$0x11780];
	v24 =	vadd.f32 v60, v59  }
0x156: {  	v17 =	vld [tilespmem:s14+$0x11720];
	v21 =	vadd.f32 v23, v21;
	v19 =	vadd.f32 v19, v43  }
0x157: {  	s0 =	sshllo.u32 s0, $0x1;
	v31 =	vld [tilespmem:s14+$0x11740]  }
0x158: {  	s30 =	smul.u32 $0x280, s0;
	v29 =	vld [tilespmem:s14+$0x11780];
	v21 =	vadd.f32 v21, v24;
	v19 =	vadd.f32 v1, v19  }
0x159: {  	v54 =	vld [tilespmem:s9+$0x117A0];
	v13 =	vmul.f32 v13, v37;
	v51 =	vmul.f32 v45, v27  }
0x15a: {  	s8 =	sshra.s32 s30, $0x2;
	s9 =	sshll.u32 s15, $0x6;
	v21 =	vadd.f32 v21, v32;
	v0 =	vmul.f32 v46, v0;
	v20 =	vmul.f32 v47, v28;
	[tilespmem:s31+$0x17720] =	vst v19;
	v27 =	vld [tilespmem:s14+$0x11760]  }
0x15b: {  	s11 =	sand.u32 $0x3FFFFFC0, s9;
	v19 =	vld [tilespmem:s8+$0x11710]  }
0x15c: {  	v57 =	vld [tilespmem:s8+$0x11730];
	[tilespmem:s11+$0x17710] =	vst v21;
	v13 =	vadd.f32 v51, v13;
	v0 =	vadd.f32 v20, v0  }
0x15d: {  	v37 =	vld [tilespmem:s10+$0x11720]  }
0x15e: {  	v38 =	vld [tilespmem:s10+$0x11740];
	v0 =	vadd.f32 v0, v13  }
0x15f: {  	v39 =	vld [tilespmem:s10+$0x11760]  }
0x160: {  	v45 =	vld [tilespmem:s10+$0x11780];
	v0 =	vadd.f32 v0, v54  }
0x161: {  	s31 =	sshllo.u32 s16, $0x1;
	v58 =	vld [tilespmem:s8+$0x11750]  }
0x162: {  	v61 =	vld [tilespmem:s8+$0x11770];
	s5 =	smul.u32 $0x280, s31;
	v0 =	vadd.f32 v1, v0  }
0x163: {  	v15 =	vbroadcast v14, $0x6;
	v23 =	vbroadcast v14, $0x4;
	v62 =	vld [tilespmem:s8+$0x11790]  }
0x164: {  	v48 =	vld [tilespmem:s10+$0x117A0];
	s18 =	sshra.s32 s5, $0x2;
	v37 =	vmul.f32 v37, v55;
	v30 =	vmul.f32 v38, v56;
	[tilespmem:s4+$0x17720] =	vst v0  }
0x165: {  	v33 =	vmul.f32 v39, v33;
	v24 =	vmul.f32 v45, v35;
	v63 =	vld [tilespmem:s18+$0x11710]  }
0x166: {  	v13 =	vbroadcast v14, $0x5;
	v14 =	vbroadcast v14, $0x7;
	v36 =	vld [tilespmem:s18+$0x11750]  }
0x167: {  	v37 =	vadd.f32 v30, v37;
	v24 =	vadd.f32 v24, v33;
	v44 =	vld [tilespmem:s18+$0x11730]  }
0x168: {  	s5 =	sor.u32 $0x5, s28;
	v25 =	vmul.f32 v61, v14;
	v0 =	vmul.f32 v58, v15;
	v40 =	vld [tilespmem:s18+$0x11770]  }
0x169: {  	v21 =	vbroadcast v22, $0x6;
	s16 =	sshll.u32 s5, $0x3;
	s30 =	smul.u32 $0x500, s5;
	v49 =	vld [tilespmem:s18+$0x11790];
	v24 =	vadd.f32 v24, v37  }
0x16a: {  	v19 =	vmul.f32 v19, v23;
	v20 =	vmul.f32 v57, v13;
	s4 =	sand.u32 $0x3FFFFFF8, s16;
	v0 =	vadd.f32 v25, v0;
	v25 =	vld [tilespmem:s14+$0x117A0]  }
0x16b: {  	v24 =	vadd.f32 v24, v48;
	v46 =	vmul.f32 v36, v21;
	v36 =	vld.idx.msk [tilespmem:v50+s4+$0x0 ss:$0x1], $0xffff;
	s4 =	sshra.s32 s30, $0x2  }
0x16c: {  	v19 =	vadd.f32 v20, v19;
	s14 =	sshllo.u32 s15, $0x1;
	v52 =	vld [tilespmem:s4+$0x11710]  }
0x16d: {  	s6 =	sshll.u32 s31, $0x5;
	v20 =	vbroadcast v22, $0x5;
	s31 =	smul.u32 $0x280, s14;
	v55 =	vadd.f32 v1, v24;
	v53 =	vld [tilespmem:s4+$0x11730]  }
0x16e: {  	v0 =	vadd.f32 v0, v19;
	v19 =	vbroadcast v22, $0x4;
	v22 =	vbroadcast v22, $0x7;
	v54 =	vld [tilespmem:s4+$0x11750]  }
0x16f: {  	s16 =	sshra.s32 s31, $0x2;
	v56 =	vld [tilespmem:s4+$0x11770];
	[tilespmem:s11+$0x17720] =	vst v55  }
0x170: {  	s0 =	sshll.u32 s0, $0x5;
	v0 =	vadd.f32 v0, v62;
	v47 =	vmul.f32 v40, v22;
	v42 =	vld [tilespmem:s16+$0x11710]  }
0x171: {  	s0 =	sand.u32 $0x3FFFFFE0, s0;
	v45 =	vld [tilespmem:s16+$0x11730]  }
0x172: {  	[tilespmem:s0+$0x17710] =	vst v0;
	v51 =	vadd.f32 v47, v46;
	v46 =	vld [tilespmem:s16+$0x11750]  }
0x173: {  	v41 =	vmul.f32 v44, v20;
	v0 =	vmul.f32 v63, v19;
	v32 =	vld [tilespmem:s8+$0x11720]  }
0x174: {  	v26 =	vld [tilespmem:s8+$0x11740]  }
0x175: {  	v28 =	vld [tilespmem:s8+$0x11760];
	v0 =	vadd.f32 v41, v0  }
0x176: {  	v30 =	vld [tilespmem:s8+$0x11780]  }
0x177: {  	v24 =	vld [tilespmem:s8+$0x117A0];
	s8 =	sor.u32 $0x6, s28;
	v0 =	vadd.f32 v51, v0  }
0x178: {  	v47 =	vld [tilespmem:s4+$0x11790];
	s7 =	sshll.u32 s8, $0x3;
	s9 =	smul.u32 $0x500, s8  }
0x179: {  	s15 =	sand.u32 $0x3FFFFFE0, s6;
	v48 =	vld [tilespmem:s16+$0x11770];
	s6 =	sand.u32 $0x3FFFFFF8, s7;
	v0 =	vadd.f32 v0, v49  }
0x17a: {  	v41 =	vbroadcast v36, $0x1;
	v43 =	vbroadcast v36, $0x2;
	v40 =	vld.idx.msk [tilespmem:v50+s6+$0x0 ss:$0x1], $0xffff;
	s6 =	sshra.s32 s9, $0x2  }
0x17b: {  	v44 =	vbroadcast v36, $0x3;
	v59 =	vld [tilespmem:s6+$0x11710];
	[tilespmem:s15+$0x17710] =	vst v0;
	v0 =	vbroadcast v36, $0x0  }
0x17c: {  	v37 =	vmul.f32 v53, v41;
	v38 =	vmul.f32 v54, v43;
	v60 =	vld [tilespmem:s6+$0x11730]  }
0x17d: {  	v57 =	vmul.f32 v56, v44;
	v61 =	vld [tilespmem:s6+$0x11750];
	v35 =	vmul.f32 v52, v0  }
0x17e: {  	s7 =	sor.u32 $0x7, s28;
	v49 =	vld [tilespmem:s6+$0x11770]  }
0x17f: {  	s10 =	sshll.u32 s5, $0x6;
	s11 =	sshll.u32 s7, $0x3;
	s30 =	smul.u32 $0x500, s7;
	v55 =	vld [tilespmem:s6+$0x11790];
	v58 =	vadd.f32 v57, v38;
	v35 =	vadd.f32 v37, v35  }
0x180: {  	s9 =	sand.u32 $0x3FFFFFC0, s10;
	s10 =	sand.u32 $0x3FFFFFF8, s11;
	v33 =	vld [tilespmem:s18+$0x11720]  }
0x181: {  	v53 =	vbroadcast v40, $0x2;
	v54 =	vbroadcast v40, $0x3;
	v37 =	vld.idx.msk [tilespmem:v50+s10+$0x0 ss:$0x1], $0xffff;
	s10 =	sshra.s32 s30, $0x2;
	v35 =	vadd.f32 v58, v35  }
0x182: {  	v51 =	vbroadcast v40, $0x0;
	v52 =	vbroadcast v40, $0x1;
	v39 =	vld [tilespmem:s10+$0x11710]  }
0x183: {  	v49 =	vmul.f32 v49, v54;
	v56 =	vld [tilespmem:s10+$0x11730];
	v35 =	vadd.f32 v35, v47;
	v47 =	vmul.f32 v61, v53  }
0x184: {  	v62 =	vmul.f32 v59, v51;
	v63 =	vmul.f32 v60, v52;
	v57 =	vld [tilespmem:s10+$0x11750]  }
0x185: {  	[tilespmem:s9+$0x17710] =	vst v35;
	v47 =	vadd.f32 v49, v47;
	v49 =	vld [tilespmem:s10+$0x11770]  }
0x186: {  	v38 =	vadd.f32 v63, v62;
	v50 =	vld [tilespmem:s4+$0x11720]  }
0x187: {  	v58 =	vld [tilespmem:s4+$0x11740]  }
0x188: {  	v59 =	vld [tilespmem:s4+$0x11760];
	v38 =	vadd.f32 v47, v38  }
0x189: {  	v61 =	vld [tilespmem:s4+$0x11780];
	v47 =	vbroadcast v37, $0x0  }
0x18a: {  	[tilespmem:$0x1FFB0] =	vst v2;
	s31 =	sshll.u32 s8, $0x6;
	v62 =	vbroadcast v37, $0x2;
	v63 =	vbroadcast v37, $0x3;
	v2 =	vld [tilespmem:s4+$0x117A0];
	v38 =	vadd.f32 v38, v55  }
0x18b: {  	s11 =	sand.u32 $0x3FFFFFC0, s31;
	v60 =	vbroadcast v37, $0x1;
	v55 =	vmul.f32 v39, v47;
	v39 =	vld [tilespmem:s16+$0x11790]  }
0x18c: {  	v57 =	vmul.f32 v57, v62;
	v49 =	vmul.f32 v49, v63;
	[tilespmem:s11+$0x17710] =	vst v38;
	v38 =	vld [tilespmem:s10+$0x11790]  }
0x18d: {  	v35 =	vbroadcast v34, $0x4;
	v59 =	vmul.f32 v59, v43;
	v43 =	vld [tilespmem:s18+$0x11740]  }
0x18e: {  	v56 =	vmul.f32 v56, v60;
	v1 =	vmul.f32 v50, v0;
	v49 =	vadd.f32 v49, v57;
	v57 =	vld [tilespmem:s6+$0x11720]  }
0x18f: {  	v50 =	vbroadcast v34, $0x5;
	v41 =	vmul.f32 v58, v41;
	v58 =	vld [tilespmem:s6+$0x11740]  }
0x190: {  	v42 =	vmul.f32 v42, v35;
	v56 =	vadd.f32 v56, v55;
	v55 =	vbroadcast v34, $0x6;
	v0 =	vld [tilespmem:s6+$0x11780]  }
0x191: {  	v34 =	vbroadcast v34, $0x7;
	v45 =	vmul.f32 v45, v50;
	v1 =	vadd.f32 v41, v1;
	v41 =	vld [tilespmem:s18+$0x117A0]  }
0x192: {  	v49 =	vadd.f32 v49, v56;
	v56 =	vld [tilespmem:s6+$0x11760]  }
0x193: {  	v46 =	vmul.f32 v46, v55;
	v48 =	vmul.f32 v48, v34;
	v45 =	vadd.f32 v45, v42;
	v42 =	vld [tilespmem:s18+$0x11760]  }
0x194: {  	v44 =	vmul.f32 v61, v44;
	v38 =	vadd.f32 v49, v38;
	v49 =	vld [tilespmem:s6+$0x117A0];
	s6 =	sshll.u32 s7, $0x6  }
0x195: {  	v46 =	vadd.f32 v48, v46;
	s6 =	sand.u32 $0x3FFFFFC0, s6;
	v61 =	vmul.f32 v57, v51;
	v51 =	vld [tilespmem:s18+$0x11780]  }
0x196: {  	v48 =	vadd.f32 v44, v59;
	v0 =	vmul.f32 v0, v54;
	v54 =	vld [tilespmem:$0x1FFB0];
	[tilespmem:s6+$0x17710] =	vst v38  }
0x197: {  	v59 =	vadd.f32 v46, v45;
	v44 =	vld [tilespmem:s10+$0x11720]  }
0x198: {  	v1 =	vadd.f32 v48, v1;
	v45 =	vld [tilespmem:s10+$0x11740]  }
0x199: {  	s14 =	sshll.u32 s14, $0x5;
	v38 =	vadd.f32 v59, v39;
	v57 =	vld [tilespmem:s10+$0x11760]  }
0x19a: {  	s14 =	sand.u32 $0x3FFFFFE0, s14;
	v52 =	vmul.f32 v58, v52;
	v1 =	vadd.f32 v1, v2;
	v2 =	vmul.f32 v56, v53;
	v59 =	vld [tilespmem:$0x1FFF0]  }
0x19b: {  	v58 =	vld [tilespmem:s10+$0x11780];
	[tilespmem:s14+$0x17710] =	vst v38  }
0x19c: {  	v39 =	vadd.f32 v52, v61;
	v0 =	vadd.f32 v0, v2;
	v2 =	vld [tilespmem:s16+$0x11720]  }
0x19d: {  	v4 =	vmul.f32 v12, v4;
	v12 =	vld [tilespmem:s16+$0x11760]  }
0x19e: {  	s4 =	sshllo.u32 s5, $0x1;
	v0 =	vadd.f32 v0, v39;
	v39 =	vld [tilespmem:s16+$0x11740]  }
0x19f: {  	s5 =	smul.u32 $0x280, s4;
	v1 =	vadd.f32 v59, v1;
	v62 =	vmul.f32 v57, v62;
	v57 =	vld [tilespmem:$0x1FFF0]  }
0x1a0: {  	v61 =	vmul.f32 v45, v60;
	v45 =	vld [tilespmem:s16+$0x117A0]  }
0x1a1: {  	v5 =	vmul.f32 v11, v5;
	s18 =	sshra.s32 s5, $0x2;
	v0 =	vadd.f32 v0, v49;
	v49 =	vld [tilespmem:s10+$0x117A0];
	[tilespmem:s9+$0x17720] =	vst v1  }
0x1a2: {  	v3 =	vmul.f32 v18, v3;
	v8 =	vmul.f32 v17, v8;
	v48 =	vld [tilespmem:s18+$0x11710]  }
0x1a3: {  	v4 =	vadd.f32 v4, v5;
	s30 =	sshllo.u32 s8, $0x1;
	v63 =	vmul.f32 v58, v63;
	v1 =	vmul.f32 v44, v47;
	v53 =	vld [tilespmem:s18+$0x11730]  }
0x1a4: {  	v9 =	vmul.f32 v31, v9;
	s31 =	smul.u32 $0x280, s30;
	v16 =	vmul.f32 v16, v54;
	v58 =	vld [tilespmem:s18+$0x11770];
	v0 =	vadd.f32 v57, v0  }
0x1a5: {  	v52 =	vadd.f32 v63, v62;
	v56 =	vld [tilespmem:s18+$0x11750];
	v1 =	vadd.f32 v61, v1  }
0x1a6: {  	v8 =	vadd.f32 v9, v8;
	v11 =	vbroadcast v36, $0x7;
	s5 =	sshra.s32 s31, $0x2;
	v3 =	vadd.f32 v3, v16;
	v63 =	vld [tilespmem:$0x1FFF0];
	[tilespmem:s11+$0x17720] =	vst v0  }
0x1a7: {  	v9 =	vbroadcast v40, $0x6;
	v16 =	vbroadcast v36, $0x5;
	v1 =	vadd.f32 v52, v1;
	v59 =	vld [tilespmem:s5+$0x11710]  }
0x1a8: {  	v3 =	vadd.f32 v3, v4;
	v4 =	vbroadcast v36, $0x6;
	v0 =	vbroadcast v36, $0x4;
	v60 =	vld [tilespmem:s5+$0x11730]  }
0x1a9: {  	v1 =	vadd.f32 v1, v49;
	v38 =	vmul.f32 v53, v16;
	v62 =	vld [tilespmem:s5+$0x11750];
	v5 =	vmul.f32 v58, v11  }
0x1aa: {  	s8 =	sshllo.u32 s7, $0x1;
	v3 =	vadd.f32 v3, v10;
	v49 =	vld [tilespmem:s5+$0x11770];
	v61 =	vmul.f32 v48, v0;
	v48 =	vmul.f32 v56, v4  }
0x1ab: {  	s7 =	smul.u32 $0x280, s8;
	v54 =	vld [tilespmem:s18+$0x11790];
	v10 =	vbroadcast v40, $0x4;
	v52 =	vmul.f32 v29, v7;
	v1 =	vadd.f32 v63, v1  }
0x1ac: {  	v29 =	vbroadcast v40, $0x5;
	v63 =	vld [tilespmem:s5+$0x11790];
	v53 =	vadd.f32 v38, v61;
	v5 =	vadd.f32 v5, v48  }
0x1ad: {  	s7 =	sshra.s32 s7, $0x2;
	v38 =	vbroadcast v40, $0x7;
	[tilespmem:s6+$0x17720] =	vst v1;
	v1 =	vmul.f32 v27, v6;
	v27 =	vld [tilespmem:s16+$0x11780]  }
0x1ae: {  	v56 =	vld [tilespmem:s7+$0x11710];
	v5 =	vadd.f32 v5, v53;
	v58 =	vmul.f32 v59, v10;
	v59 =	vmul.f32 v60, v29  }
0x1af: {  	v57 =	vld [tilespmem:s7+$0x11730];
	v61 =	vmul.f32 v62, v9;
	v18 =	vmul.f32 v49, v38  }
0x1b0: {  	s4 =	sshll.u32 s4, $0x5;
	v60 =	vld [tilespmem:s7+$0x11750];
	v5 =	vadd.f32 v5, v54  }
0x1b1: {  	v23 =	vmul.f32 v32, v23;
	s11 =	sand.u32 $0x3FFFFFE0, s4;
	v62 =	vld [tilespmem:s7+$0x11770];
	v7 =	vadd.f32 v59, v58;
	v6 =	vadd.f32 v18, v61  }
0x1b2: {  	v13 =	vmul.f32 v26, v13;
	v15 =	vmul.f32 v28, v15;
	v1 =	vadd.f32 v52, v1;
	v54 =	vld [tilespmem:s7+$0x11790];
	[tilespmem:s11+$0x17710] =	vst v5  }
0x1b3: {  	v32 =	vbroadcast v37, $0x5;
	v18 =	vbroadcast v37, $0x4;
	v6 =	vadd.f32 v6, v7;
	v48 =	vld [tilespmem:s18+$0x11720]  }
0x1b4: {  	v1 =	vadd.f32 v1, v8;
	v8 =	vbroadcast v37, $0x7;
	v5 =	vbroadcast v37, $0x6;
	v52 =	vld [tilespmem:s18+$0x11740]  }
0x1b5: {  	s16 =	sshll.u32 s30, $0x5;
	v36 =	vmul.f32 v56, v18;
	v49 =	vmul.f32 v57, v32;
	v58 =	vld [tilespmem:s18+$0x11760];
	v6 =	vadd.f32 v6, v63  }
0x1b6: {  	s4 =	sand.u32 $0x3FFFFFE0, s16;
	v53 =	vmul.f32 v62, v8;
	v59 =	vld [tilespmem:s18+$0x11780];
	v31 =	vmul.f32 v60, v5  }
0x1b7: {  	v14 =	vmul.f32 v30, v14;
	v19 =	vmul.f32 v33, v19;
	v60 =	vld [tilespmem:s18+$0x117A0];
	[tilespmem:s4+$0x17710] =	vst v6  }
0x1b8: {  	v20 =	vmul.f32 v43, v20;
	v56 =	vadd.f32 v49, v36;
	v57 =	vadd.f32 v53, v31;
	v28 =	vld [tilespmem:s5+$0x11720]  }
0x1b9: {  	v13 =	vadd.f32 v13, v23;
	v26 =	vmul.f32 v51, v22;
	v2 =	vmul.f32 v2, v35;
	v35 =	vld [tilespmem:s5+$0x11740]  }
0x1ba: {  	v12 =	vmul.f32 v12, v55;
	v63 =	vmul.f32 v42, v21;
	v37 =	vld [tilespmem:s5+$0x11760];
	v61 =	vadd.f32 v57, v56  }
0x1bb: {  	v33 =	vmul.f32 v39, v50;
	v62 =	vadd.f32 v20, v19;
	v36 =	vmul.f32 v27, v34;
	v40 =	vld [tilespmem:s5+$0x11780]  }
0x1bc: {  	s30 =	sshll.u32 s8, $0x5;
	v19 =	vadd.f32 v26, v63;
	v4 =	vmul.f32 v58, v4;
	v58 =	vld [tilespmem:$0x1FFF0];
	v6 =	vadd.f32 v61, v54  }
0x1bd: {  	v14 =	vadd.f32 v14, v15;
	v2 =	vadd.f32 v33, v2;
	s6 =	sand.u32 $0x3FFFFFE0, s30;
	v11 =	vmul.f32 v59, v11;
	v59 =	vld [tilespmem:$0x1FFF0]  }
0x1be: {  	v12 =	vadd.f32 v36, v12;
	v42 =	vadd.f32 v19, v62;
	v62 =	vld [tilespmem:$0x1FFF0];
	[tilespmem:s6+$0x17710] =	vst v6  }
0x1bf: {  	v0 =	vmul.f32 v48, v0;
	v39 =	vmul.f32 v52, v16;
	v43 =	vld [tilespmem:s7+$0x11720]  }
0x1c0: {  	v13 =	vadd.f32 v14, v13;
	v2 =	vadd.f32 v12, v2;
	v44 =	vld [tilespmem:s7+$0x11740]  }
0x1c1: {  	v0 =	vadd.f32 v39, v0;
	v4 =	vadd.f32 v11, v4;
	v46 =	vld [tilespmem:s7+$0x11760]  }
0x1c2: {  	v1 =	vadd.f32 v1, v25;
	v2 =	vadd.f32 v2, v45;
	v50 =	vmul.f32 v28, v10;
	v48 =	vld [tilespmem:s7+$0x11780]  }
0x1c3: {  	v63 =	vld [tilespmem:$0x1FFF0];
	v0 =	vadd.f32 v4, v0;
	v51 =	vmul.f32 v35, v29;
	v9 =	vmul.f32 v37, v9  }
0x1c4: {  	v6 =	vmul.f32 v40, v38;
	v3 =	vadd.f32 v58, v3;
	v2 =	vadd.f32 v62, v2  }
0x1c5: {  	v54 =	vld [tilespmem:s5+$0x117A0];
	v0 =	vadd.f32 v0, v60;
	v4 =	vadd.f32 v51, v50  }
0x1c6: {  	v56 =	vld [tilespmem:s7+$0x117A0];
	v6 =	vadd.f32 v6, v9;
	v52 =	vmul.f32 v43, v18;
	v53 =	vmul.f32 v44, v32  }
0x1c7: {  	v1 =	vadd.f32 v59, v1;
	v60 =	vld [tilespmem:$0x1FFF0];
	[tilespmem:s29+$0x17720] =	vst v3;
	v5 =	vmul.f32 v46, v5;
	v55 =	vmul.f32 v48, v8  }
0x1c8: {  	[tilespmem:s14+$0x17720] =	vst v2;
	v2 =	vld [tilespmem:$0x1FFF0];
	v3 =	vadd.f32 v6, v4;
	v0 =	vadd.f32 v63, v0  }
0x1c9: {  	v61 =	vld [tilespmem:$0x1FFF0];
	v57 =	vadd.f32 v53, v52;
	v5 =	vadd.f32 v55, v5  }
0x1ca: {  	v47 =	vadd.f32 v13, v24;
	[tilespmem:s11+$0x17720] =	vst v0;
	v0 =	vld [tilespmem:$0x1FFF0]  }
0x1cb: {  	[tilespmem:s1+$0x17720] =	vst v1;
	v3 =	vadd.f32 v3, v54;
	v1 =	vadd.f32 v5, v57  }
0x1cc: {  	p0 =	slt.u32 s28, $0x38;
	v49 =	vadd.f32 v42, v41;
	v4 =	vadd.f32 v60, v47  }
.Ltmp1:
0x1cd: {  	v2 =	vadd.f32 v2, v3;
	v1 =	vadd.f32 v1, v56;
	(pc) =	sbr.rel @p0 .LBB2_5-.Ltmp1, $4  }
0x1ce: {  	[tilespmem:s0+$0x17720] =	vst v4;
	v5 =	vadd.f32 v61, v49  }
0x1cf: {  	[tilespmem:s4+$0x17720] =	vst v2;
	v0 =	vadd.f32 v0, v1  }
0x1d0: {  	s31 =	sadd.s32 $0x8, s28;
	[tilespmem:s15+$0x17720] =	vst v5  }
0x1d1: {  	s28 =	smov.u32 s31;
	v1 =	vld [tilespmem:$0x1FFF0];
	[tilespmem:s6+$0x17720] =	vst v0  }
0x1d2: {  	s25 =	sadd.s32 $0x1, s25  }
0x1d3: {  	p0 =	sne.s32 s25, $0x14  }
.Ltmp2:
0x1d4: {  	_ = 	snop;
	(pc) =	sbr.rel @p0 .LBB2_2-.Ltmp2, $3  }
0x1d5: {  	_ =	sdelay $0x1  }
0x1d6: {  	s0 =	sadd.s32 $0x6300, s26  }
0x1d7: {  	[spmem:s3] =	stream.indirect.scatter.add.f32 [tilespmem:s22], [sflag:$0x2], $0x20, s0, s17, $0xb8;
	[tilespmem:$0x18710] =	vst v63  }
0x1d8: {  	_ =	swait.ge [sflag:s23], $0x1000  }
0x1d9: {  	[sflag:s23] =	ssyncset.done $0x0  }
0x1da: {  	[sflag:s23] =	ssyncadd.s32 $0xFFFFF000  }
0x1db: {  	_ =	swait.ge [sflag:s23], $0x1000  }
0x1dc: {  	[sflag:s23] =	ssyncset.done $0x0  }
0x1dd: {  	[sflag:s23] =	ssyncadd.s32 $0xFFFFF000  }
0x1de: {  	[bflag:$0x0] =	sbarrier.arrive $0xFFFF  }
0x1df: {  	s0 =	rddreg [dreg:$0x8]  }
0x1e0: {  	s1 =	rddreg [dreg:$0xa]  }
0x1e1: {  	[hbm:s0], [sflag:s12] =	dma.local [spmem:s1], $0x9E0  }
0x1e2: {  	_ =	swait.ge [sflag:s13], $0x9E0  }
0x1e3: {  	s24 =	sadd.s32 $0x1, s24;
	s31 =	rddreg [dreg:$0x9]  }
0x1e4: {  	p0 =	sne.s32 s24, s31  }
.Ltmp3:
0x1e5: {  	_ = 	snop;
	(pc) =	sbr.rel @p0 .LBB2_1-.Ltmp3, $3  }
0x1e6: {  	_ =	sdelay $0x1  }
0x1e7: {  	[sflag:s13] =	ssyncset.done $0x0  }
0x1e8: {  	s9 =	smov.u32 s12;
	[sflag:s13] =	ssyncadd.s32 $0xFFFFF620  }
0x1e9: {  	_ =	sfence.sel $0x180000  }
0x1ea: {  	[bflag:$0x0] =	sbarrier.arrive $0xFFFF  }
0x1eb: {  	_ =	strace $0x90000047  }
0x1ec: {  	s0 =	stileid.u32;
	[bflag:$0x2] =	sbarrier.arrive $0xFFFF  }
0x1ed: {  	p0 =	sne.s32 s0, $0x0;
	s0 =	rddreg [dreg:$0x3]  }
0x1ee: {  	s0 =	sadd.s32 @!p0 $0x100000, s0  }
0x1ef: {  	[sflag:s0] =	ssyncadd.tile.s32 @!p0 $0x1;
	_ =	shalt  }
.Lfunc_end2:
_tile_overlayer_lowered:
.L_overlay_start_2:
0x1f0: {  	(tag) =	ssettag $0x2  }
0x1f1: {  	s0 =	rddreg [dreg:$0x0];
	s2 =	stileid.u32  }
0x1f2: {  	s1 =	rddreg [dreg:$0x1];
	p0 =	sne.s32 s2, $0x0  }
0x1f3: {  	s3 =	rddreg [dreg:$0x2];
	[bflag:$0x3] =	sbarrier.arrive $0xFFFF;
	s2 =	simm.s32 @!p0 $0x1C03  }
0x1f4: {  	[timem:s3], [sflag:s2] =	dma.local @!p0 [hbm:s0], s1  }
0x1f5: {  	s0 =	simm.s32 @!p0 $0x3  }
0x1f6: {  	_ =	swait.ge @!p0 [sflag:s0], s1  }
0x1f7: {  	s1 =	ssub.s32 @!p0 $0x0, s1;
	[sflag:s0] =	ssyncset.done @!p0 $0x0  }
0x1f8: {  	[sflag:s0] =	ssyncadd.s32 @!p0 s1  }
0x1f9: {  	[bflag:$0x3] =	sbarrier.arrive $0xFFFF  }
0x1fa: {  	_ =	shalt  }

// kernel: kernel.8.cloned.1.call-start
scs
__scs_entry_jumppad:
0x0: {  	(pc) =	sbr.rel $0x88, $3  }
0x1: {  	(tag) =	ssettag $0x0;
	lr =	simm.s32 $0x1  }
0x2: {  	[smem:$0x3F8B] =	sst lr;
	_ =	strace $0xD0000000  }
0x3: {  	_ = 	snop  }
0x4: {  	_ = 	snop  }
0x5: {  	_ = 	snop  }
0x6: {  	_ = 	snop  }
0x7: {  	_ = 	snop  }
__scs_overlays_trampoline_lowered:
0x8: {  	[smem:$0x3F9A] =	sst s0  }
0x9: {  	[smem:$0x3F9B] =	sst s1  }
0xa: {  	[smem:$0x3F9C] =	sst s2  }
0xb: {  	[smem:$0x3F9D] =	sst s3  }
0xc: {  	[smem:$0x3F9E] =	sst s4  }
0xd: {  	[smem:$0x3F9F] =	sst s5  }
0xe: {  	[smem:$0x3FA0] =	sst s6  }
0xf: {  	[smem:$0x3FA1] =	sst s7  }
0x10: {  	[smem:$0x3FA2] =	sst s8  }
0x11: {  	[smem:$0x3FA3] =	sst s9;
	s0 =	simm.s32 @!p0 $0x0  }
0x12: {  	s1 =	sld [smem:$0x3F89];
	s0 =	simm.s32 @p0 $0x1  }
0x13: {  	[smem:$0x3FA4] =	sst s0;
	s0 =	simm.s32 @!p1 $0x0  }
0x14: {  	s2 =	sld [smem:$0x3F88];
	s0 =	simm.s32 @p1 $0x1  }
0x15: {  	[smem:$0x3FA5] =	sst s0;
	s0 =	simm.s32 @!p2 $0x0  }
0x16: {  	s3 =	sld [smem:$0x3FDB];
	s0 =	simm.s32 @p2 $0x1  }
0x17: {  	s4 =	simm.s32 $0x1BF5;
	[smem:$0x3FA7] =	sst s0  }
0x18: {  	s0 =	sld [smem:$0x3F8A];
	_ =	swait.ge [sflag:s4], $0x0  }
0x19: {  	s7 =	sld [smem:$0x3F8B]  }
0x1a: {  	s8 =	sadd.s32 $0xFFFFE003, lr  }
0x1b: {  	s9 =	sadd.s32 $0xFFFFFEF7, lr;
	s5 =	simm.s32 $0xFFFFFFFF;
	p2 =	slt.u32 s8, $0xFFFFF086  }
0x1c: {  	p1 =	slt.u32 s9, $0xF7A;
	s5 =	simm.s32 @!p2 $0x0  }
0x1d: {  	s5 =	simm.s32 @p1 $0x1;
	p0 =	seq.s32 s7, s2  }
0x1e: {  	s7 =	smul.u32 @!p0 $0xF7A, s2;
	p2 =	seq.s32 @!p0 s5, $0x0  }
0x1f: {  	s9 =	smul.u32 $0xF7A, s1;
	s8 =	simm.s32 @!p0 $0x1BF5;
	p2 =	por !p2, p0  }
0x20: {  	[sflag:s8] =	ssyncset.s32 @!p0 $0xFFFFF086;
	s6 =	sadd.s32 @!p0 s3, s7;
	s7 =	simm.s32 @!p0 $0x108  }
0x21: {  	s3 =	sadd.s32 s3, s9;
	s6 =	sadd.s32 @!p0 $0x88, s6;
	s7 =	simm.s32 @p2 $0x1082  }
0x22: {  	[simem:s7], [sflag:s8] =	dma.local @!p0 [hbm:s6], $0xF7A  }
0x23: {  	s9 =	sor.u32 $0xD0000000, s2;
	s6 =	simm.s32 $0x108;
	_ =	swait.ge @!p0 [sflag:s8], $0x0  }
0x24: {  	s3 =	sadd.s32 $0x88, s3;
	s6 =	simm.s32 @!p1 $0x1082;
	[sflag:s4] =	ssyncset.s32 $0xFFFFF086  }
0x25: {  	[simem:s6], [sflag:s4] =	dma.local [hbm:s3], $0xF7A  }
0x26: {  	[smem:$0x3F8B] =	sst s1;
	(tag) =	ssettag s2;
	_ =	strace s9  }
0x27: {  	s1 =	sld [smem:$0x3F9B]  }
0x28: {  	s2 =	sld [smem:$0x3F9C]  }
0x29: {  	s4 =	sld [smem:$0x3F9E]  }
0x2a: {  	p0 =	seq.s32 s5, $0x0;
	s5 =	sld [smem:$0x3F9F]  }
0x2b: {  	s6 =	sld [smem:$0x3FA0]  }
0x2c: {  	s7 =	sld [smem:$0x3FA1]  }
0x2d: {  	s3 =	simm.s32 $0x108;
	s8 =	sld [smem:$0x3FA2]  }
0x2e: {  	s3 =	simm.s32 @!p0 $0x1082;
	s9 =	sld [smem:$0x3FA3]  }
0x2f: {  	lr =	sadd.s32 s0, s3;
	s0 =	sld [smem:$0x3F9A]  }
0x30: {  	s3 =	sld [smem:$0x3F9D]  }
0x31: {  	[smem:$0x3FA6] =	sst s10  }
0x32: {  	s10 =	sld [smem:$0x3FA4];
	_ =	sdelay $0x3  }
0x33: {  	p0 =	seq.s32 s10, $0x1;
	s10 =	sld [smem:$0x3FA6];
	_ =	sdelay $0x3  }
0x34: {  	[smem:$0x3FA6] =	sst s10  }
0x35: {  	s10 =	sld [smem:$0x3FA5];
	_ =	sdelay $0x3  }
0x36: {  	p1 =	seq.s32 s10, $0x1;
	s10 =	sld [smem:$0x3FA6];
	_ =	sdelay $0x3  }
0x37: {  	[smem:$0x3FA6] =	sst s10  }
0x38: {  	s10 =	sld [smem:$0x3FA7]  }
0x39: {  	_ = 	snop;
	(pc) =	sbr.ind lr, $3  }
0x3a: {  	_ = 	snop  }
0x3b: {  	_ = 	snop  }
0x3c: {  	p2 =	seq.s32 s10, $0x1;
	s10 =	sld [smem:$0x3FA6]  }
0x3d: {  	_ =	shalt  }
0x3e: {  	_ =	shalt  }
0x3f: {  	_ =	shalt  }
0x40: {  	_ =	shalt  }
0x41: {  	_ =	shalt  }
0x42: {  	_ =	shalt  }
0x43: {  	_ =	shalt  }
0x44: {  	_ =	shalt  }
0x45: {  	_ =	shalt  }
0x46: {  	_ =	shalt  }
0x47: {  	_ =	shalt  }
0x48: {  	_ =	shalt  }
0x49: {  	_ =	shalt  }
0x4a: {  	_ =	shalt  }
0x4b: {  	_ =	shalt  }
0x4c: {  	_ =	shalt  }
0x4d: {  	_ =	shalt  }
0x4e: {  	_ =	shalt  }
0x4f: {  	_ =	shalt  }
0x50: {  	_ =	shalt  }
0x51: {  	_ =	shalt  }
0x52: {  	_ =	shalt  }
0x53: {  	_ =	shalt  }
0x54: {  	_ =	shalt  }
0x55: {  	_ =	shalt  }
0x56: {  	_ =	shalt  }
0x57: {  	_ =	shalt  }
0x58: {  	_ =	shalt  }
0x59: {  	_ =	shalt  }
0x5a: {  	_ =	shalt  }
0x5b: {  	_ =	shalt  }
0x5c: {  	_ =	shalt  }
0x5d: {  	_ =	shalt  }
0x5e: {  	_ =	shalt  }
0x5f: {  	_ =	shalt  }
0x60: {  	_ =	shalt  }
0x61: {  	_ =	shalt  }
0x62: {  	_ =	shalt  }
0x63: {  	_ =	shalt  }
0x64: {  	_ =	shalt  }
0x65: {  	_ =	shalt  }
0x66: {  	_ =	shalt  }
0x67: {  	_ =	shalt  }
0x68: {  	_ =	shalt  }
0x69: {  	_ =	shalt  }
0x6a: {  	_ =	shalt  }
0x6b: {  	_ =	shalt  }
0x6c: {  	_ =	shalt  }
0x6d: {  	_ =	shalt  }
0x6e: {  	_ =	shalt  }
0x6f: {  	_ =	shalt  }
0x70: {  	_ =	shalt  }
0x71: {  	_ =	shalt  }
0x72: {  	_ =	shalt  }
0x73: {  	_ =	shalt  }
0x74: {  	_ =	shalt  }
0x75: {  	_ =	shalt  }
0x76: {  	_ =	shalt  }
0x77: {  	_ =	shalt  }
0x78: {  	_ =	shalt  }
0x79: {  	_ =	shalt  }
0x7a: {  	_ =	shalt  }
0x7b: {  	_ =	shalt  }
0x7c: {  	_ =	shalt  }
0x7d: {  	_ =	shalt  }
0x7e: {  	_ =	shalt  }
0x7f: {  	_ =	shalt  }
0x80: {  	_ =	shalt  }
0x81: {  	_ =	shalt  }
0x82: {  	_ =	shalt  }
0x83: {  	_ =	shalt  }
0x84: {  	_ =	shalt  }
0x85: {  	_ =	shalt  }
0x86: {  	_ =	shalt  }
0x87: {  	_ =	shalt  }
.Lfunc_end0:
.L_simem_size_0:
called_computation.2_lowered:
.L_overlay_start_0:
0x88: {  	s2 =	sld [smem:$0x3FD9]  }
0x89: {  	s3 =	sld [smem:$0x3FFE];
	_ =	sdelay $0x1  }
0x8a: {  	s1 =	srdreg.scid  }
0x8b: {  	s0 =	sand.u32 $0x1, s1  }
0x8c: {  	s14 =	sshll.u32 s0, $0xA;
	s2 =	sadd.s32 s3, s2  }
0x8d: {  	s2 =	sadd.s32 s2, s14  }
0x8e: {  	[smem:$0x3FB2] =	sst s2  }
0x8f: {  	_ = 	snop  }
0x90: {  	s2 =	sld [smem:$0x3FD0];
	_ =	sdelay $0x2  }
0x91: {  	s15 =	simm.s32 $0xA;
	s4 =	simm.s32 $0x10  }
0x92: {  	[smem:s4], [sflag:s15] =	dma.local [hbm:s2], $0x1  }
0x93: {  	_ =	swait.eq [sflag:s15], $0x1  }
0x94: {  	[sflag:s15] =	ssyncset.done $0x0  }
0x95: {  	[sflag:s15] =	ssyncadd.s32 $0xFFFFFFFF  }
0x96: {  	s16 =	sld [smem:$0x11];
	(tm) =	ssettm $0x1  }
0x97: {  	s17 =	sld [smem:$0x3FFB];
	_ =	sdelay $0x3  }
0x98: {  	_ =	strace s17  }
0x99: {  	s3 =	sld [smem:$0x3FFC];
	_ =	sdelay $0x3  }
0x9a: {  	_ =	strace s3  }
0x9b: {  	s3 =	sld [smem:$0x3FFD];
	_ =	sdelay $0x3  }
0x9c: {  	_ =	strace s3  }
0x9d: {  	_ =	strace $0x8FFFFFFF  }
0x9e: {  	s18 =	sld [smem:$0x3FDB];
	_ =	sdelay $0x1  }
0x9f: {  	s19 =	simm.s32 $_scs_section_size  }
0xa0: {  	s5 =	simm.s32 $_size__tile_overlayer_lowered;
	s6 =	simm.s32 $_tile_overlayer_lowered  }
0xa1: {  	s22 =	simm.s32 $0x1BFF;
	s21 =	sshll.u32 s6, $0x1;
	s3 =	sadd.s32 s19, s18  }
0xa2: {  	s7 =	simm.s32 $0x0;
	s20 =	sshll.u32 s5, $0x1;
	s5 =	sadd.s32 s21, s3  }
0xa3: {  	[timem:s7], [sflag:s22] =	dma.local [hbm:s5], s20  }
0xa4: {  	_ =	swait.ge [sflag:s22], s20  }
0xa5: {  	s4 =	ssub.s32 $0x0, s20;
	[sflag:s22] =	ssyncset.done $0x0  }
0xa6: {  	[sflag:s22] =	ssyncadd.s32 s4;
	_ =	sdelay $0x1  }
0xa7: {  	s23 =	simm.s32 $0x1B8B  }
0xa8: {  	_ =	swait.ge [sflag:s23], $0x1  }
0xa9: {  	[sflag:s23] =	ssyncset.done $0x0  }
0xaa: {  	s25 =	simm.s32 $0x1B8E;
	s24 =	sld [smem:$0x3FFE];
	[sflag:s23] =	ssyncadd.s32 $0xFFFFFFFF  }
0xab: {  	s26 =	simm.s32 $execute0_lowered;
	[smem:$0x3FD2] =	sst s25  }
0xac: {  	s5 =	sshll.u32 s26, $0x1;
	_ =	strace $0x80000049;
	[dreg:$0x1] =	wrdreg $0xFFFFFFFF  }
0xad: {  	s28 =	simm.s32 $_size_execute0_lowered;
	s3 =	sadd.s32 s3, s5;
	[dreg:$0x0] =	wrdreg $0x0  }
0xae: {  	s5 =	sshll.u32 s28, $0x1;
	[dreg:$0x2] =	wrdreg s3  }
0xaf: {  	[dreg:$0x3] =	wrdreg s5  }
0xb0: {  	[dreg:$0x4] =	wrdreg $0xC0  }
0xb1: {  	_ =	task [dreg:s7], $0x5FFFF  }
0xb2: {  	[dreg:$0x1] =	wrdreg $0xFFFFFFFF  }
0xb3: {  	[dreg:$0x0] =	wrdreg $0x60  }
0xb4: {  	[dreg:$0x2] =	wrdreg s24  }
0xb5: {  	[dreg:$0x3] =	wrdreg s16  }
0xb6: {  	[dreg:$0x4] =	wrdreg $0x0  }
0xb7: {  	[dreg:$0x5] =	wrdreg $0x9  }
0xb8: {  	_ =	task.clear_ibuf [dreg:s7], $0x6FFFF;
	_ =	strace $0x90000049  }
0xb9: {  	s29 =	simm.s32 $0x9;
	_ =	strace $0x8000004B  }
0xba: {  	_ =	swait.ge [sflag:s29], $0x1  }
0xbb: {  	[sflag:s29] =	ssyncadd.s32 $0xFFFFFFFF  }
0xbc: {  	_ =	strace $0x9000004B  }
0xbd: {  	_ =	sfence  }
0xbe: {  	s30 =	sld [smem:$0x0];
	_ =	sdelay $0x2  }
0xbf: {  	s31 =	sshll.u32 s1, $0xD;
	s1 =	sshrl.u32 s1, $0x2  }
0xc0: {  	s3 =	sand.u32 $0x4000, s31;
	s1 =	sadd.s32 s1, s30  }
0xc1: {  	s0 =	sor.u32 s3, s0;
	s1 =	sshll.u32 s1, $0x11  }
0xc2: {  	s0 =	sor.u32 s1, s0  }
0xc3: {  	s0 =	sadd.s32 $0x8F2B, s0  }
0xc4: {  	[sflag:s0] =	ssyncadd.remote.s32 $0x1  }
0xc5: {  	_ =	sfence.sel $0xFFFF  }
0xc6: {  	[dreg:$0x0] =	wrdreg $0xFFFFFFFF;
	(pc) =	sbr.abs _section_cstart, $3  }
0xc7: {  	[dreg:$0x1] =	wrdreg $0xFFFFFFFF  }
0xc8: {  	_ =	task.clear_ibuf [dreg:s7], $0x2FFFF;
	_ =	strace $0x9FFFFFFF  }
0xc9: {  	(tm) =	ssettm $0x7FFFFFFF  }
tec
execute0_lowered:
.L_overlay_start_1:
0x0: {  	(tag) =	ssettag $0x1  }
0x1: {  	s0 =	srdreg.scid;
	s3 =	rddreg [dreg:$0x0]  }
0x2: {  	s10 =	stileid.u32;
	s5 =	rddreg [dreg:$0x1]  }
0x3: {  	s2 =	rddreg [dreg:$0x2];
	s4 =	simm.s32 $0x0;
	s13 =	simm.s32 $0x3  }
0x4: {  	s17 =	simm.s32 $0x80;
	s19 =	simm.s32 $0x1;
	s20 =	simm.s32 $0x11710  }
0x5: {  	s21 =	simm.s32 $0x16710;
	s22 =	simm.s32 $0x17710;
	s23 =	simm.s32 $0x2  }
0x6: {  	s0 =	sand.u32 $0x1, s0;
	s1 =	sshll.u32 s10, $0x1;
	s7 =	smul.u32 $0x4F00, s10  }
0x7: {  	[smem:$0x7FF] =	sst s4;
	s4 =	sadd.s32 $0x4B200, s3;
	s11 =	sadd.s32 $0x4A800, s3  }
0x8: {  	s1 =	sor.u32 s0, s1;
	s8 =	smul.u32 $0x4F000, s0;
	_ =	strace $0x8000004A  }
0x9: {  	[dreg:$0x4] =	wrdreg s11;
	s0 =	ssub.s32 $0x2, s0;
	s6 =	smul.u32 $0x280, s1  }
0xa: {  	s1 =	smul.u32 $0xA00, s1;
	s29 =	sshrl.u32 s0, $0x1;
	s8 =	sadd.s32 s7, s8  }
0xb: {  	s0 =	ssub.s32 s0, s29;
	s9 =	sadd.s32 s6, s3;
	s5 =	sadd.s32 s5, s6  }
0xc: {  	s1 =	sadd.s32 s1, s3;
	s0 =	smax.u32 s0, $0x1;
	[dreg:$0x5] =	wrdreg s5  }
0xd: {  	s8 =	sshrl.u32 s8, $0x3;
	s30 =	sadd.s32 $0x31600, s9;
	[dreg:$0x9] =	wrdreg s0  }
0xe: {  	s3 =	sadd.s32 s8, s3;
	s1 =	sadd.s32 $0x36600, s1;
	[dreg:$0x6] =	wrdreg s30  }
0xf: {  	v0 =	vimm.f32 $0.0e+00;
	vm0 =	vcmask $0x3B38;
	s7 =	sadd.s32 s7, s2;
	[dreg:$0x7] =	wrdreg s1;
	s31 =	sadd.s32 $0x7C800, s3  }
0x10: {  	s10 =	sshll.u32 s10, $0x6;
	v1 =	vsel vm0, $0x3F800000, v0;
	s1 =	sshrl.u32 s7, $0x3;
	[dreg:$0x8] =	wrdreg s31  }
0x11: {  	s24 =	simm.s32 $0x0;
	[tilespmem:$0x1FFF0] =	vst v1;
	s8 =	sor.u32 $0x1C03, s10;
	[dreg:$0xa] =	wrdreg s1  }
.LBB2_1:
0x12: {  	s0 =	rddreg [dreg:$0x4]  }
0x13: {  	[spmem:s1], [sflag:s8] =	dma.local [hbm:s0], $0x9E0  }
0x14: {  	_ =	swait.ge [sflag:s13], $0x9E0  }
0x15: {  	s25 =	simm.s32 $0x0;
	[sflag:s13] =	ssyncset.done $0x0  }
0x16: {  	s3 =	simm.s32 $0x4F00;
	s26 =	rddreg [dreg:$0x5];
	[sflag:s13] =	ssyncadd.s32 $0xFFFFF620  }
0x17: {  	[tilespmem:s3], [sflag:$0x3] =	stream.linear.gather [hbm4b:s26+s25], $0x1400, $0x38;
	[tilespmem:$0x18710] =	vst v63  }
0x18: {  	_ =	swait.ge [sflag:s13], $0x1400  }
0x19: {  	[sflag:s13] =	ssyncset.done $0x0  }
0x1a: {  	s5 =	simm.s32 $0x6300;
	s28 =	rddreg [dreg:$0x6];
	[sflag:s13] =	ssyncadd.s32 $0xFFFFEC00  }
0x1b: {  	[tilespmem:s5], [sflag:$0x3] =	stream.linear.gather [hbm4b:s28+s25], $0x1400, $0x38;
	[tilespmem:$0x18710] =	vst v63  }
0x1c: {  	_ =	swait.ge [sflag:s13], $0x1400  }
0x1d: {  	[sflag:s13] =	ssyncset.done $0x0  }
0x1e: {  	s30 =	simm.s32 $0x7700;
	s29 =	rddreg [dreg:$0x7];
	[sflag:s13] =	ssyncadd.s32 $0xFFFFEC00  }
0x1f: {  	[tilespmem:s30], [sflag:$0x3] =	stream.linear.gather [hbm4b:s29+s25], $0x5010, $0x38;
	[tilespmem:$0x18710] =	vst v63  }
0x20: {  	_ =	swait.ge [sflag:s13], $0x5010  }
0x21: {  	[sflag:s13] =	ssyncset.done $0x0  }
0x22: {  	s12 =	smov.u32 s8;
	[sflag:s13] =	ssyncadd.s32 $0xFFFFAFF0  }
0x23: {  	s31 =	simm.s32 $0xC710;
	s25 =	simm.s32 $0x0;
	[bflag:$0x0] =	sbarrier.arrive $0xFFFF  }
0x24: {  	[tilespmem:s31], [sflag:$0x1] =	stream.indirect.gather [hbm4b:s4+s17], $0xA0, s3, s17, $0xb8;
	[tilespmem:$0x18710] =	vst v63  }
.LBB2_2:
0x25: {  	_ =	swait.ge [sflag:s19], $0x5000;
	s28 =	sshllo.u32 s25, $0x1  }
0x26: {  	p0 =	seq.s32 s25, $0x0;
	[sflag:s19] =	ssyncset.done $0x0;
	s26 =	sshll.u32 s28, $0x7  }
0x27: {  	s29 =	sshll.u32 s25, $0xA;
	[sflag:s19] =	ssyncadd.s32 $0xFFFFB000;
	s0 =	sadd.s32 $0x4F00, s26  }
0x28: {  	[tilespmem:s20], [sflag:$0x1] =	stream.indirect.gather [hbm4b:s4+s17], $0xA0, s0, s17, $0xb8;
	[tilespmem:$0x18710] =	vst v63  }
0x29: {  	s1 =	sand.u32 $0x3FFFFC00, s29;
	s0 =	simm.s32 @!p0 $0x2  }
0x2a: {  	s1 =	sadd.s32 $0x7700, s1;
	_ =	swait.ge @!p0 [sflag:s0], $0x1000  }
0x2b: {  	v0 =	vmov s1;
	[sflag:s0] =	ssyncset.done @!p0 $0x0  }
0x2c: {  	s30 =	simm.s32 $0x0;
	[tilespmem:$0x1FFE0] =	vst v0;
	[sflag:s0] =	ssyncadd.s32 @!p0 $0xFFFFF000  }
.LBB2_3:
0x2d: {  	v0 =	vld [tilespmem:$0x1FFE0];
	_ =	sdelay $0x3  }
0x2e: {  	s1 =	smul.u32 $0x500, s30;
	_ =	sdelay $0x1  }
0x2f: {  	s0 =	sshll.u32 s30, $0x3;
	s11 =	sshra.s32 s1, $0x2  }
0x30: {  	s0 =	sand.u32 $0x3FFFFFF8, s0;
	v2 =	vld [tilespmem:s11+$0xC710]  }
0x31: {  	v3 =	vld.idx.msk [tilespmem:v0+s0+$0x0 ss:$0x1], $0xffff  }
0x32: {  	v4 =	vld [tilespmem:s11+$0xC730]  }
0x33: {  	v5 =	vld [tilespmem:s11+$0xC750]  }
0x34: {  	v6 =	vld [tilespmem:s11+$0xC770];
	_ =	sdelay $0x1  }
0x35: {  	s14 =	sor.u32 $0x1, s30;
	v7 =	vbroadcast v3, $0x0;
	v8 =	vbroadcast v3, $0x1  }
0x36: {  	s5 =	smul.u32 $0x500, s14;
	v9 =	vbroadcast v3, $0x2;
	v10 =	vbroadcast v3, $0x3  }
0x37: {  	v2 =	vmul.f32 v2, v7;
	v4 =	vmul.f32 v4, v8  }
0x38: {  	s3 =	sshll.u32 s14, $0x3;
	v11 =	vld [tilespmem:s11+$0xC790];
	s5 =	sshra.s32 s5, $0x2;
	v5 =	vmul.f32 v5, v9;
	v6 =	vmul.f32 v6, v10  }
0x39: {  	s3 =	sand.u32 $0x3FFFFFF8, s3;
	v62 =	vld [tilespmem:s5+$0xC710]  }
0x3a: {  	v12 =	vld.idx.msk [tilespmem:v0+s3+$0x0 ss:$0x1], $0xffff;
	v2 =	vadd.f32 v4, v2;
	v61 =	vadd.f32 v6, v5  }
0x3b: {  	v63 =	vld [tilespmem:s5+$0xC730]  }
0x3c: {  	v21 =	vld [tilespmem:s5+$0xC750];
	v2 =	vadd.f32 v61, v2  }
0x3d: {  	v22 =	vld [tilespmem:s5+$0xC770]  }
0x3e: {  	s15 =	sshll.u32 s30, $0x6;
	v2 =	vadd.f32 v2, v11  }
0x3f: {  	s6 =	sand.u32 $0x3FFFFFC0, s15;
	v13 =	vbroadcast v12, $0x0;
	v14 =	vbroadcast v12, $0x1  }
0x40: {  	v20 =	vld [tilespmem:s5+$0xC790];
	v16 =	vbroadcast v12, $0x2;
	v17 =	vbroadcast v12, $0x3;
	[tilespmem:s6+$0x16710] =	vst v2  }
0x41: {  	v4 =	vmul.f32 v62, v13;
	v5 =	vmul.f32 v63, v14;
	v2 =	vld [tilespmem:s11+$0xC720]  }
0x42: {  	v6 =	vmul.f32 v21, v16;
	v11 =	vmul.f32 v22, v17;
	v15 =	vld [tilespmem:s11+$0xC740]  }
0x43: {  	v18 =	vld [tilespmem:s11+$0xC760]  }
0x44: {  	v4 =	vadd.f32 v5, v4;
	v23 =	vadd.f32 v11, v6;
	v19 =	vld [tilespmem:s11+$0xC780];
	_ =	sdelay $0x1  }
0x45: {  	v4 =	vadd.f32 v23, v4;
	_ =	sdelay $0x1  }
0x46: {  	s16 =	sshll.u32 s14, $0x6;
	v4 =	vadd.f32 v4, v20;
	v2 =	vmul.f32 v2, v7;
	v24 =	vmul.f32 v15, v8  }
0x47: {  	s9 =	sand.u32 $0x3FFFFFC0, s16;
	v25 =	vmul.f32 v18, v9;
	v26 =	vmul.f32 v19, v10  }
0x48: {  	v27 =	vld [tilespmem:s11+$0xC7A0];
	[tilespmem:s9+$0x16710] =	vst v4  }
0x49: {  	v4 =	vld [tilespmem:s5+$0xC720];
	v2 =	vadd.f32 v24, v2;
	v28 =	vadd.f32 v26, v25  }
0x4a: {  	v29 =	vld [tilespmem:s5+$0xC740]  }
0x4b: {  	s0 =	sor.u32 $0x2, s30;
	v30 =	vld [tilespmem:s5+$0xC760];
	v2 =	vadd.f32 v28, v2  }
0x4c: {  	s8 =	smul.u32 $0x500, s0;
	v31 =	vld [tilespmem:s5+$0xC780]  }
0x4d: {  	v2 =	vadd.f32 v2, v27  }
0x4e: {  	s8 =	sshra.s32 s8, $0x2  }
0x4f: {  	s18 =	sshllo.u32 s30, $0x1;
	v42 =	vld [tilespmem:s8+$0xC710];
	v2 =	vadd.f32 v1, v2  }
0x50: {  	s31 =	smul.u32 $0x280, s18;
	v44 =	vld [tilespmem:s8+$0xC730];
	v32 =	vmul.f32 v29, v14;
	v34 =	vmul.f32 v30, v16  }
0x51: {  	v45 =	vld [tilespmem:s8+$0xC750];
	v35 =	vmul.f32 v31, v17;
	[tilespmem:s6+$0x16720] =	vst v2;
	v2 =	vmul.f32 v4, v13  }
0x52: {  	s7 =	sshra.s32 s31, $0x2;
	v36 =	vld [tilespmem:s5+$0xC7A0];
	s6 =	sshll.u32 s0, $0x3  }
0x53: {  	v38 =	vadd.f32 v35, v34;
	v33 =	vld [tilespmem:s7+$0xC710];
	s5 =	sand.u32 $0x3FFFFFF8, s6;
	v2 =	vadd.f32 v32, v2  }
0x54: {  	v14 =	vld.idx.msk [tilespmem:v0+s5+$0x0 ss:$0x1], $0xffff  }
0x55: {  	v46 =	vld [tilespmem:s8+$0xC770];
	v2 =	vadd.f32 v38, v2  }
0x56: {  	v54 =	vld [tilespmem:s8+$0xC790];
	v5 =	vbroadcast v3, $0x4  }
0x57: {  	v37 =	vld [tilespmem:s7+$0xC730];
	v2 =	vadd.f32 v2, v36  }
0x58: {  	s1 =	sshllo.u32 s14, $0x1;
	v4 =	vbroadcast v3, $0x5;
	v39 =	vld [tilespmem:s7+$0xC750];
	s5 =	sor.u32 $0x3, s30;
	v8 =	vmul.f32 v33, v5  }
0x59: {  	s10 =	smul.u32 $0x280, s1;
	v40 =	vld [tilespmem:s7+$0xC770];
	s11 =	sshll.u32 s5, $0x3;
	v49 =	vbroadcast v14, $0x0;
	v50 =	vbroadcast v14, $0x1;
	v43 =	vadd.f32 v1, v2  }
0x5a: {  	v41 =	vld [tilespmem:s7+$0xC790];
	s6 =	sand.u32 $0x3FFFFFF8, s11;
	v23 =	vbroadcast v14, $0x2;
	v24 =	vbroadcast v14, $0x3  }
0x5b: {  	s14 =	sshra.s32 s10, $0x2;
	v22 =	vld.idx.msk [tilespmem:v0+s6+$0x0 ss:$0x1], $0xffff;
	v2 =	vbroadcast v3, $0x6;
	v3 =	vbroadcast v3, $0x7;
	[tilespmem:s9+$0x16720] =	vst v43  }
0x5c: {  	s15 =	smul.u32 $0x500, s5;
	v7 =	vmul.f32 v42, v49;
	v52 =	vmul.f32 v44, v50;
	v47 =	vld [tilespmem:s14+$0xC710]  }
0x5d: {  	v53 =	vmul.f32 v45, v23;
	v13 =	vmul.f32 v46, v24;
	v48 =	vld [tilespmem:s14+$0xC730]  }
0x5e: {  	v9 =	vmul.f32 v37, v4;
	v6 =	vmul.f32 v39, v2;
	s9 =	sshra.s32 s15, $0x2;
	v21 =	vld [tilespmem:s14+$0xC750]  }
0x5f: {  	v10 =	vmul.f32 v40, v3;
	v25 =	vadd.f32 v52, v7;
	v13 =	vadd.f32 v13, v53;
	v55 =	vld [tilespmem:s9+$0xC710]  }
0x60: {  	v8 =	vadd.f32 v9, v8;
	v9 =	vbroadcast v12, $0x5;
	v26 =	vld [tilespmem:s9+$0xC730]  }
0x61: {  	v27 =	vbroadcast v22, $0x0;
	v57 =	vld [tilespmem:s9+$0xC750];
	v6 =	vadd.f32 v10, v6;
	v56 =	vadd.f32 v13, v25  }
0x62: {  	v28 =	vbroadcast v22, $0x1;
	v29 =	vbroadcast v22, $0x2;
	v58 =	vld [tilespmem:s9+$0xC770]  }
0x63: {  	s16 =	sshll.u32 s0, $0x6;
	v51 =	vld [tilespmem:s14+$0xC770];
	v6 =	vadd.f32 v6, v8;
	v8 =	vbroadcast v12, $0x4;
	v16 =	vadd.f32 v56, v54  }
0x64: {  	s3 =	sshll.u32 s18, $0x5;
	s18 =	sand.u32 $0x3FFFFFC0, s16;
	v30 =	vbroadcast v22, $0x3;
	v7 =	vbroadcast v12, $0x7;
	v59 =	vld [tilespmem:s14+$0xC790]  }
0x65: {  	v63 =	vld [tilespmem:s9+$0xC790];
	v11 =	vadd.f32 v6, v41;
	v6 =	vbroadcast v12, $0x6;
	v17 =	vmul.f32 v47, v8;
	[tilespmem:s18+$0x16710] =	vst v16  }
0x66: {  	v15 =	vmul.f32 v55, v27;
	v61 =	vmul.f32 v26, v28;
	v60 =	vld [tilespmem:s8+$0xC720]  }
0x67: {  	v13 =	vmul.f32 v57, v29;
	v25 =	vmul.f32 v58, v30;
	v62 =	vld [tilespmem:s8+$0xC740]  }
0x68: {  	v18 =	vmul.f32 v48, v9;
	v10 =	vmul.f32 v51, v7;
	v31 =	vld [tilespmem:s8+$0xC760]  }
0x69: {  	s31 =	sand.u32 $0x3FFFFFE0, s3;
	v21 =	vmul.f32 v21, v6;
	v15 =	vadd.f32 v61, v15;
	v13 =	vadd.f32 v25, v13;
	v36 =	vld [tilespmem:s8+$0xC780]  }
0x6a: {  	[tilespmem:s31+$0x16710] =	vst v11;
	v17 =	vadd.f32 v18, v17;
	v41 =	vld [tilespmem:s8+$0xC7A0]  }
0x6b: {  	v11 =	vld [tilespmem:s7+$0xC720];
	v10 =	vadd.f32 v10, v21;
	v13 =	vadd.f32 v13, v15  }
0x6c: {  	v12 =	vld [tilespmem:s7+$0xC740]  }
0x6d: {  	s10 =	sshll.u32 s5, $0x6;
	v16 =	vld [tilespmem:s7+$0xC760];
	v10 =	vadd.f32 v10, v17;
	v13 =	vadd.f32 v13, v63  }
0x6e: {  	s3 =	sand.u32 $0x3FFFFFC0, s10;
	v18 =	vld [tilespmem:s7+$0xC780]  }
0x6f: {  	v32 =	vadd.f32 v10, v59;
	v10 =	vld [tilespmem:s7+$0xC7A0];
	[tilespmem:s3+$0x16710] =	vst v13  }
0x70: {  	v13 =	vld [tilespmem:s9+$0xC720]  }
0x71: {  	v43 =	vld [tilespmem:s9+$0xC740]  }
0x72: {  	s1 =	sshll.u32 s1, $0x5;
	v37 =	vmul.f32 v60, v49;
	v38 =	vmul.f32 v62, v50;
	v44 =	vld [tilespmem:s9+$0xC760]  }
0x73: {  	s1 =	sand.u32 $0x3FFFFFE0, s1;
	v39 =	vmul.f32 v31, v23;
	v40 =	vmul.f32 v36, v24;
	s7 =	sor.u32 $0x4, s30;
	v45 =	vld [tilespmem:s9+$0xC780]  }
0x74: {  	s11 =	sshll.u32 s7, $0x3;
	s10 =	smul.u32 $0x500, s7;
	v50 =	vld [tilespmem:s9+$0xC7A0];
	[tilespmem:s1+$0x16710] =	vst v32  }
0x75: {  	v15 =	vadd.f32 v38, v37;
	v42 =	vadd.f32 v40, v39;
	s8 =	sand.u32 $0x3FFFFFF8, s11;
	v17 =	vld [tilespmem:s14+$0xC720]  }
0x76: {  	v34 =	vld.idx.msk [tilespmem:v0+s8+$0x0 ss:$0x1], $0xffff;
	s10 =	sshra.s32 s10, $0x2  }
0x77: {  	v15 =	vadd.f32 v42, v15;
	v46 =	vld [tilespmem:s10+$0xC710]  }
0x78: {  	v47 =	vld [tilespmem:s10+$0xC730]  }
0x79: {  	v48 =	vld [tilespmem:s10+$0xC750];
	v15 =	vadd.f32 v15, v41;
	v13 =	vmul.f32 v13, v27;
	v20 =	vmul.f32 v43, v28  }
0x7a: {  	s0 =	sshllo.u32 s0, $0x1;
	v49 =	vld [tilespmem:s10+$0xC770];
	v21 =	vmul.f32 v44, v29;
	v19 =	vmul.f32 v45, v30  }
0x7b: {  	s15 =	smul.u32 $0x280, s0;
	v31 =	vld [tilespmem:s14+$0xC740];
	v15 =	vadd.f32 v1, v15;
	v13 =	vadd.f32 v20, v13  }
0x7c: {  	v36 =	vld [tilespmem:s10+$0xC790];
	v19 =	vadd.f32 v19, v21;
	v52 =	vbroadcast v34, $0x0;
	v53 =	vbroadcast v34, $0x1  }
0x7d: {  	s8 =	sshra.s32 s15, $0x2;
	v27 =	vld [tilespmem:s14+$0xC760];
	v33 =	vbroadcast v34, $0x2;
	v35 =	vbroadcast v34, $0x3;
	[tilespmem:s18+$0x16720] =	vst v15  }
0x7e: {  	v51 =	vld [tilespmem:s8+$0xC710];
	v13 =	vadd.f32 v19, v13;
	v56 =	vmul.f32 v46, v52;
	v57 =	vmul.f32 v47, v53  }
0x7f: {  	v54 =	vld [tilespmem:s8+$0xC730];
	v25 =	vmul.f32 v48, v33;
	v26 =	vmul.f32 v49, v35  }
0x80: {  	v55 =	vld [tilespmem:s8+$0xC750];
	v15 =	vadd.f32 v13, v50  }
0x81: {  	s16 =	sshllo.u32 s5, $0x1;
	v58 =	vld [tilespmem:s8+$0xC770];
	v19 =	vadd.f32 v57, v56;
	v25 =	vadd.f32 v26, v25  }
0x82: {  	s5 =	smul.u32 $0x280, s16;
	v29 =	vld [tilespmem:s14+$0xC780];
	v59 =	vadd.f32 v1, v15  }
0x83: {  	v23 =	vbroadcast v14, $0x4;
	v60 =	vld [tilespmem:s8+$0xC790];
	v13 =	vbroadcast v14, $0x5;
	v19 =	vadd.f32 v25, v19  }
0x84: {  	s18 =	sshra.s32 s5, $0x2;
	v15 =	vbroadcast v14, $0x6;
	v14 =	vbroadcast v14, $0x7;
	v25 =	vld [tilespmem:s14+$0xC7A0];
	[tilespmem:s3+$0x16720] =	vst v59  }
0x85: {  	s9 =	sshll.u32 s7, $0x6;
	v20 =	vmul.f32 v51, v23;
	v21 =	vmul.f32 v54, v13;
	v19 =	vadd.f32 v19, v36;
	v62 =	vld [tilespmem:s18+$0xC710]  }
0x86: {  	s11 =	sand.u32 $0x3FFFFFC0, s9;
	v61 =	vmul.f32 v55, v15;
	v24 =	vmul.f32 v58, v14;
	v63 =	vld [tilespmem:s18+$0xC730]  }
0x87: {  	v45 =	vld [tilespmem:s18+$0xC750];
	[tilespmem:s11+$0x16710] =	vst v19  }
0x88: {  	v20 =	vadd.f32 v21, v20;
	v44 =	vadd.f32 v24, v61;
	v37 =	vld [tilespmem:s10+$0xC720]  }
0x89: {  	v38 =	vld [tilespmem:s10+$0xC740]  }
0x8a: {  	v39 =	vld [tilespmem:s10+$0xC760];
	v46 =	vadd.f32 v44, v20  }
0x8b: {  	v19 =	vbroadcast v22, $0x4;
	v40 =	vld [tilespmem:s10+$0xC780];
	v20 =	vbroadcast v22, $0x5  }
0x8c: {  	s0 =	sshll.u32 s0, $0x5;
	s5 =	sor.u32 $0x5, s30;
	v41 =	vld [tilespmem:s18+$0xC770];
	v21 =	vadd.f32 v46, v60  }
0x8d: {  	s0 =	sand.u32 $0x3FFFFFE0, s0;
	s14 =	sshll.u32 s5, $0x3;
	v49 =	vld [tilespmem:s18+$0xC790];
	v42 =	vmul.f32 v62, v19;
	v36 =	vmul.f32 v63, v20  }
0x8e: {  	s3 =	sand.u32 $0x3FFFFFF8, s14;
	v48 =	vld [tilespmem:s10+$0xC7A0];
	[tilespmem:s0+$0x16710] =	vst v21;
	v21 =	vbroadcast v22, $0x6;
	v22 =	vbroadcast v22, $0x7  }
0x8f: {  	v37 =	vmul.f32 v37, v52;
	v30 =	vmul.f32 v38, v53;
	v50 =	vadd.f32 v36, v42;
	v36 =	vld.idx.msk [tilespmem:v0+s3+$0x0 ss:$0x1], $0xffff  }
0x90: {  	s15 =	smul.u32 $0x500, s5;
	v33 =	vmul.f32 v39, v33;
	v35 =	vmul.f32 v40, v35;
	v32 =	vld [tilespmem:s8+$0xC720]  }
0x91: {  	v26 =	vld [tilespmem:s8+$0xC740];
	v24 =	vmul.f32 v45, v21;
	v47 =	vmul.f32 v41, v22  }
0x92: {  	s3 =	sshra.s32 s15, $0x2;
	v28 =	vld [tilespmem:s8+$0xC760];
	v37 =	vadd.f32 v30, v37;
	v33 =	vadd.f32 v35, v33  }
0x93: {  	v51 =	vld [tilespmem:s3+$0xC710];
	v24 =	vadd.f32 v47, v24  }
0x94: {  	v52 =	vld [tilespmem:s3+$0xC730];
	v33 =	vadd.f32 v33, v37  }
0x95: {  	v54 =	vld [tilespmem:s3+$0xC750];
	v24 =	vadd.f32 v24, v50  }
0x96: {  	v56 =	vld [tilespmem:s3+$0xC770];
	v33 =	vadd.f32 v33, v48  }
0x97: {  	s6 =	sshll.u32 s16, $0x5;
	s14 =	sshllo.u32 s7, $0x1;
	v58 =	vld [tilespmem:s3+$0xC790];
	v53 =	vadd.f32 v24, v49  }
0x98: {  	s16 =	smul.u32 $0x280, s14;
	s15 =	sand.u32 $0x3FFFFFE0, s6;
	v30 =	vld [tilespmem:s8+$0xC780];
	v55 =	vadd.f32 v1, v33  }
0x99: {  	v38 =	vbroadcast v36, $0x0;
	v42 =	vbroadcast v36, $0x1;
	v24 =	vld [tilespmem:s8+$0xC7A0];
	[tilespmem:s15+$0x16710] =	vst v53  }
0x9a: {  	s16 =	sshra.s32 s16, $0x2;
	v44 =	vbroadcast v36, $0x2;
	v45 =	vbroadcast v36, $0x3;
	[tilespmem:s11+$0x16720] =	vst v55;
	v33 =	vld [tilespmem:s18+$0xC720]  }
0x9b: {  	[tilespmem:$0x1FFD0] =	vst v2;
	v35 =	vmul.f32 v51, v38;
	v37 =	vmul.f32 v52, v42;
	v2 =	vld [tilespmem:s16+$0xC710]  }
0x9c: {  	v39 =	vmul.f32 v54, v44;
	v57 =	vmul.f32 v56, v45;
	s8 =	sor.u32 $0x6, s30;
	v46 =	vld [tilespmem:s16+$0xC730]  }
0x9d: {  	s7 =	sshll.u32 s8, $0x3;
	s9 =	smul.u32 $0x500, s8;
	v47 =	vld [tilespmem:s16+$0xC750]  }
0x9e: {  	v35 =	vadd.f32 v37, v35;
	v59 =	vadd.f32 v57, v39;
	s6 =	sand.u32 $0x3FFFFFF8, s7;
	v48 =	vld [tilespmem:s16+$0xC770]  }
0x9f: {  	v40 =	vld.idx.msk [tilespmem:v0+s6+$0x0 ss:$0x1], $0xffff;
	s6 =	sshra.s32 s9, $0x2  }
0xa0: {  	s10 =	sshll.u32 s5, $0x6;
	s7 =	sor.u32 $0x7, s30;
	v35 =	vadd.f32 v59, v35;
	v60 =	vld [tilespmem:s6+$0xC710]  }
0xa1: {  	s11 =	sshll.u32 s7, $0x3;
	s9 =	sand.u32 $0x3FFFFFC0, s10;
	v49 =	vld [tilespmem:s6+$0xC730]  }
0xa2: {  	v61 =	vld [tilespmem:s6+$0xC750];
	s10 =	sand.u32 $0x3FFFFFF8, s11;
	s11 =	smul.u32 $0x500, s7;
	v35 =	vadd.f32 v35, v58  }
0xa3: {  	v50 =	vld [tilespmem:s6+$0xC770]  }
0xa4: {  	v37 =	vld.idx.msk [tilespmem:v0+s10+$0x0 ss:$0x1], $0xffff;
	s10 =	sshra.s32 s11, $0x2;
	[tilespmem:s9+$0x16710] =	vst v35;
	v35 =	vbroadcast v34, $0x4;
	v53 =	vbroadcast v40, $0x1  }
0xa5: {  	v57 =	vld [tilespmem:s10+$0xC730];
	v52 =	vbroadcast v40, $0x0;
	v54 =	vbroadcast v40, $0x2  }
0xa6: {  	v55 =	vbroadcast v40, $0x3;
	v63 =	vmul.f32 v49, v53;
	v49 =	vld [tilespmem:s10+$0xC710]  }
0xa7: {  	v51 =	vld [tilespmem:s3+$0xC720];
	v2 =	vmul.f32 v2, v35;
	v62 =	vmul.f32 v60, v52  }
0xa8: {  	v56 =	vld [tilespmem:s6+$0xC790];
	v41 =	vmul.f32 v61, v54;
	v50 =	vmul.f32 v50, v55  }
0xa9: {  	v60 =	vld [tilespmem:s3+$0xC760];
	v61 =	vbroadcast v37, $0x0;
	v39 =	vadd.f32 v63, v62;
	v62 =	vbroadcast v37, $0x1  }
0xaa: {  	v58 =	vld [tilespmem:s10+$0xC750];
	v1 =	vbroadcast v37, $0x3;
	v41 =	vadd.f32 v50, v41;
	v63 =	vbroadcast v37, $0x2  }
0xab: {  	v50 =	vld [tilespmem:s10+$0xC770];
	v57 =	vmul.f32 v57, v62;
	v49 =	vmul.f32 v49, v61  }
0xac: {  	v59 =	vld [tilespmem:s3+$0xC740];
	v38 =	vmul.f32 v51, v38;
	v51 =	vbroadcast v34, $0x5;
	v39 =	vadd.f32 v41, v39  }
0xad: {  	v0 =	vld [tilespmem:s3+$0xC7A0];
	v57 =	vadd.f32 v57, v49;
	v49 =	vbroadcast v34, $0x6;
	v34 =	vbroadcast v34, $0x7  }
0xae: {  	v41 =	vld [tilespmem:s3+$0xC780];
	v46 =	vmul.f32 v46, v51;
	v60 =	vmul.f32 v60, v44  }
0xaf: {  	s11 =	sshll.u32 s8, $0x6;
	v44 =	vld [tilespmem:s18+$0xC740];
	v56 =	vadd.f32 v39, v56;
	v47 =	vmul.f32 v47, v49;
	v48 =	vmul.f32 v48, v34  }
0xb0: {  	s11 =	sand.u32 $0x3FFFFFC0, s11;
	v58 =	vmul.f32 v58, v63;
	v39 =	vld [tilespmem:s16+$0xC790];
	v50 =	vmul.f32 v50, v1  }
0xb1: {  	v2 =	vadd.f32 v46, v2;
	[tilespmem:s11+$0x16710] =	vst v56;
	v56 =	vld [tilespmem:s10+$0xC790];
	v48 =	vadd.f32 v48, v47  }
0xb2: {  	v50 =	vadd.f32 v50, v58;
	v58 =	vld [tilespmem:s6+$0xC720]  }
0xb3: {  	v42 =	vmul.f32 v59, v42;
	v59 =	vld [tilespmem:s6+$0xC740];
	v2 =	vadd.f32 v48, v2  }
0xb4: {  	v43 =	vld [tilespmem:s6+$0xC780];
	v41 =	vmul.f32 v41, v45;
	v50 =	vadd.f32 v50, v57  }
0xb5: {  	s14 =	sshll.u32 s14, $0x5;
	v38 =	vadd.f32 v42, v38;
	v57 =	vld [tilespmem:s6+$0xC760];
	v2 =	vadd.f32 v2, v39  }
0xb6: {  	s14 =	sand.u32 $0x3FFFFFE0, s14;
	v41 =	vadd.f32 v41, v60;
	v56 =	vadd.f32 v50, v56;
	v50 =	vld [tilespmem:s6+$0xC7A0]  }
0xb7: {  	s6 =	sshll.u32 s7, $0x6;
	[tilespmem:s14+$0x16710] =	vst v2;
	v2 =	vld [tilespmem:$0x1FFF0]  }
0xb8: {  	v42 =	vld [tilespmem:s18+$0xC760];
	v38 =	vadd.f32 v41, v38;
	s6 =	sand.u32 $0x3FFFFFC0, s6  }
0xb9: {  	v41 =	vld [tilespmem:s18+$0xC7A0];
	v52 =	vmul.f32 v58, v52;
	[tilespmem:s6+$0x16710] =	vst v56;
	v56 =	vmul.f32 v59, v53  }
0xba: {  	v43 =	vmul.f32 v43, v55;
	v0 =	vadd.f32 v38, v0;
	v45 =	vld [tilespmem:s10+$0xC720];
	v59 =	vmul.f32 v57, v54  }
0xbb: {  	v46 =	vld [tilespmem:s10+$0xC740];
	v39 =	vadd.f32 v56, v52  }
0xbc: {  	v58 =	vld [tilespmem:s10+$0xC760];
	v0 =	vadd.f32 v2, v0;
	v2 =	vadd.f32 v43, v59  }
0xbd: {  	s3 =	sshllo.u32 s5, $0x1;
	v57 =	vld [tilespmem:$0x1FFF0]  }
0xbe: {  	s5 =	smul.u32 $0x280, s3;
	v60 =	vld [tilespmem:s10+$0xC780];
	[tilespmem:s9+$0x16720] =	vst v0;
	v0 =	vadd.f32 v2, v39  }
0xbf: {  	v55 =	vld [tilespmem:$0x1FFD0]  }
0xc0: {  	v52 =	vld [tilespmem:s18+$0xC780];
	s18 =	sshra.s32 s5, $0x2;
	v0 =	vadd.f32 v0, v50  }
0xc1: {  	v5 =	vmul.f32 v11, v5;
	v48 =	vld [tilespmem:s18+$0xC710]  }
0xc2: {  	v53 =	vld [tilespmem:s10+$0xC7A0];
	v62 =	vmul.f32 v46, v62;
	v63 =	vmul.f32 v58, v63;
	v0 =	vadd.f32 v57, v0  }
0xc3: {  	v38 =	vld [tilespmem:s16+$0xC720];
	v1 =	vmul.f32 v60, v1;
	v2 =	vmul.f32 v45, v61  }
0xc4: {  	v4 =	vmul.f32 v12, v4;
	v54 =	vld [tilespmem:s18+$0xC730];
	[tilespmem:s11+$0x16720] =	vst v0;
	v0 =	vbroadcast v36, $0x4  }
0xc5: {  	v3 =	vmul.f32 v18, v3;
	v1 =	vadd.f32 v1, v63;
	s9 =	sshllo.u32 s8, $0x1;
	v56 =	vld [tilespmem:s18+$0xC750];
	v2 =	vadd.f32 v62, v2  }
0xc6: {  	v16 =	vmul.f32 v16, v55;
	s10 =	smul.u32 $0x280, s9;
	v62 =	vmul.f32 v48, v0;
	v48 =	vld [tilespmem:$0x1FFF0]  }
0xc7: {  	v58 =	vld [tilespmem:s18+$0xC770];
	v1 =	vadd.f32 v1, v2  }
0xc8: {  	v4 =	vadd.f32 v4, v5;
	v11 =	vbroadcast v36, $0x7;
	v43 =	vld [tilespmem:s16+$0xC740];
	s5 =	sshra.s32 s10, $0x2;
	v2 =	vadd.f32 v3, v16  }
0xc9: {  	v59 =	vmul.f32 v31, v9;
	v16 =	vbroadcast v36, $0x5;
	v1 =	vadd.f32 v1, v53;
	v60 =	vld [tilespmem:s5+$0xC710]  }
0xca: {  	s8 =	sshllo.u32 s7, $0x1;
	v3 =	vmul.f32 v17, v8;
	v2 =	vadd.f32 v2, v4;
	v4 =	vbroadcast v36, $0x6;
	v61 =	vld [tilespmem:s5+$0xC730]  }
0xcb: {  	s7 =	smul.u32 $0x280, s8;
	v8 =	vbroadcast v40, $0x6;
	v12 =	vmul.f32 v54, v16;
	v63 =	vld [tilespmem:s5+$0xC750];
	v1 =	vadd.f32 v48, v1  }
0xcc: {  	v5 =	vmul.f32 v58, v11;
	v53 =	vld [tilespmem:s5+$0xC770];
	v50 =	vmul.f32 v56, v4  }
0xcd: {  	s7 =	sshra.s32 s7, $0x2;
	v54 =	vmul.f32 v29, v7;
	v36 =	vbroadcast v40, $0x7;
	v2 =	vadd.f32 v2, v10;
	v56 =	vld [tilespmem:s18+$0xC790];
	[tilespmem:s6+$0x16720] =	vst v1  }
0xce: {  	v10 =	vbroadcast v40, $0x4;
	v55 =	vadd.f32 v12, v62;
	v5 =	vadd.f32 v5, v50;
	v57 =	vld [tilespmem:s7+$0xC710]  }
0xcf: {  	v3 =	vadd.f32 v59, v3;
	v1 =	vmul.f32 v27, v6;
	v27 =	vbroadcast v40, $0x5;
	v58 =	vld [tilespmem:s7+$0xC730]  }
0xd0: {  	v5 =	vadd.f32 v5, v55;
	v59 =	vmul.f32 v60, v10;
	v62 =	vmul.f32 v63, v8;
	v63 =	vld [tilespmem:s7+$0xC770]  }
0xd1: {  	v18 =	vmul.f32 v53, v36;
	v60 =	vmul.f32 v61, v27;
	v61 =	vld [tilespmem:s7+$0xC750]  }
0xd2: {  	v23 =	vmul.f32 v32, v23;
	s3 =	sshll.u32 s3, $0x5;
	v9 =	vld [tilespmem:s16+$0xC760];
	v5 =	vadd.f32 v5, v56;
	v1 =	vadd.f32 v54, v1  }
0xd3: {  	v32 =	vbroadcast v37, $0x5;
	s11 =	sand.u32 $0x3FFFFFE0, s3;
	v48 =	vld [tilespmem:s5+$0xC790];
	v6 =	vadd.f32 v18, v62;
	v18 =	vbroadcast v37, $0x4  }
0xd4: {  	[tilespmem:s11+$0x16710] =	vst v5;
	v5 =	vbroadcast v37, $0x7;
	v56 =	vld [tilespmem:s7+$0xC790];
	v1 =	vadd.f32 v1, v3;
	v3 =	vbroadcast v37, $0x6  }
0xd5: {  	v53 =	vld [tilespmem:s18+$0xC720];
	v7 =	vadd.f32 v60, v59;
	v29 =	vmul.f32 v57, v18;
	v54 =	vmul.f32 v58, v32  }
0xd6: {  	v55 =	vld [tilespmem:s18+$0xC740];
	v39 =	vmul.f32 v63, v5;
	v31 =	vmul.f32 v61, v3  }
0xd7: {  	v59 =	vld [tilespmem:s18+$0xC760];
	v6 =	vadd.f32 v6, v7  }
0xd8: {  	v60 =	vld [tilespmem:s18+$0xC780];
	v57 =	vadd.f32 v54, v29;
	v58 =	vadd.f32 v39, v31  }
0xd9: {  	v45 =	vld [tilespmem:s16+$0xC7A0]  }
0xda: {  	v50 =	vld [tilespmem:s16+$0xC780];
	s16 =	sshll.u32 s9, $0x5;
	v6 =	vadd.f32 v6, v48;
	v62 =	vadd.f32 v58, v57  }
0xdb: {  	v15 =	vmul.f32 v28, v15;
	v28 =	vmul.f32 v42, v21;
	s3 =	sand.u32 $0x3FFFFFE0, s16  }
0xdc: {  	v61 =	vld [tilespmem:s18+$0xC7A0];
	s18 =	sshll.u32 s8, $0x5;
	v0 =	vmul.f32 v53, v0;
	v42 =	vmul.f32 v55, v16;
	[tilespmem:s3+$0x16710] =	vst v6;
	v6 =	vadd.f32 v62, v56  }
0xdd: {  	s6 =	sand.u32 $0x3FFFFFE0, s18;
	v4 =	vmul.f32 v59, v4;
	v11 =	vmul.f32 v60, v11  }
0xde: {  	[tilespmem:s6+$0x16710] =	vst v6  }
0xdf: {  	v0 =	vadd.f32 v42, v0;
	v4 =	vadd.f32 v11, v4;
	v46 =	vld [tilespmem:s7+$0xC720]  }
0xe0: {  	v48 =	vld [tilespmem:s7+$0xC740]  }
0xe1: {  	v9 =	vmul.f32 v9, v49;
	v0 =	vadd.f32 v4, v0;
	v49 =	vld [tilespmem:s7+$0xC760]  }
0xe2: {  	v37 =	vmul.f32 v38, v35;
	v38 =	vmul.f32 v43, v51;
	v51 =	vld [tilespmem:s7+$0xC780]  }
0xe3: {  	v0 =	vadd.f32 v0, v61;
	v61 =	vld [tilespmem:$0x1FFF0];
	_ =	sdelay $0x1  }
0xe4: {  	v19 =	vmul.f32 v33, v19  }
0xe5: {  	v1 =	vadd.f32 v1, v25;
	v55 =	vmul.f32 v46, v18;
	v56 =	vmul.f32 v48, v32  }
0xe6: {  	v3 =	vmul.f32 v49, v3;
	v5 =	vmul.f32 v51, v5  }
0xe7: {  	v20 =	vmul.f32 v44, v20;
	v31 =	vmul.f32 v52, v22;
	v1 =	vadd.f32 v61, v1  }
0xe8: {  	v13 =	vmul.f32 v26, v13;
	v59 =	vadd.f32 v56, v55;
	v3 =	vadd.f32 v5, v3  }
0xe9: {  	v14 =	vmul.f32 v30, v14;
	v63 =	vadd.f32 v20, v19;
	v19 =	vadd.f32 v31, v28  }
0xea: {  	v13 =	vadd.f32 v13, v23;
	[tilespmem:s1+$0x16720] =	vst v1;
	v1 =	vadd.f32 v3, v59;
	v3 =	vld [tilespmem:$0x1FFF0]  }
0xeb: {  	v14 =	vadd.f32 v14, v15;
	v44 =	vadd.f32 v19, v63  }
0xec: {  	v33 =	vld [tilespmem:s5+$0xC720]  }
0xed: {  	v13 =	vadd.f32 v14, v13;
	v39 =	vld [tilespmem:s5+$0xC740];
	v14 =	vadd.f32 v44, v41  }
0xee: {  	v17 =	vmul.f32 v50, v34;
	v40 =	vld [tilespmem:s5+$0xC760]  }
0xef: {  	v43 =	vld [tilespmem:s5+$0xC780];
	v3 =	vadd.f32 v3, v14  }
0xf0: {  	v9 =	vadd.f32 v17, v9;
	v47 =	vadd.f32 v38, v37;
	v60 =	vld [tilespmem:$0x1FFF0]  }
0xf1: {  	[tilespmem:s15+$0x16720] =	vst v3;
	v3 =	vld [tilespmem:$0x1FFF0]  }
0xf2: {  	v9 =	vadd.f32 v9, v47  }
0xf3: {  	v57 =	vld [tilespmem:s5+$0xC7A0];
	v53 =	vmul.f32 v33, v10;
	v54 =	vmul.f32 v39, v27  }
0xf4: {  	v52 =	vadd.f32 v9, v45;
	v62 =	vld [tilespmem:$0x1FFF0];
	v8 =	vmul.f32 v40, v8;
	v6 =	vmul.f32 v43, v36  }
0xf5: {  	v63 =	vld [tilespmem:$0x1FFF0];
	v2 =	vadd.f32 v60, v2;
	v9 =	vadd.f32 v54, v53  }
0xf6: {  	v58 =	vld [tilespmem:s7+$0xC7A0];
	v6 =	vadd.f32 v6, v8;
	v0 =	vadd.f32 v3, v0  }
0xf7: {  	[tilespmem:s31+$0x16720] =	vst v2;
	v3 =	vld [tilespmem:$0x1FFF0]  }
0xf8: {  	v2 =	vadd.f32 v6, v9;
	[tilespmem:s11+$0x16720] =	vst v0;
	v0 =	vld [tilespmem:$0x1FFF0]  }
0xf9: {  	v50 =	vadd.f32 v13, v24  }
0xfa: {  	p0 =	slt.u32 s30, $0x38;
	v4 =	vadd.f32 v63, v52;
	v2 =	vadd.f32 v2, v57  }
.Ltmp0:
0xfb: {  	v5 =	vadd.f32 v62, v50;
	v1 =	vadd.f32 v1, v58;
	(pc) =	sbr.rel @p0 .LBB2_3-.Ltmp0, $4  }
0xfc: {  	[tilespmem:s14+$0x16720] =	vst v4;
	v2 =	vadd.f32 v3, v2  }
0xfd: {  	[tilespmem:s0+$0x16720] =	vst v5;
	v0 =	vadd.f32 v0, v1  }
0xfe: {  	s31 =	sadd.s32 $0x8, s30;
	[tilespmem:s3+$0x16720] =	vst v2  }
0xff: {  	s30 =	smov.u32 s31;
	v1 =	vld [tilespmem:$0x1FFF0];
	[tilespmem:s6+$0x16720] =	vst v0  }
0x100: {  	s0 =	sshrl.u32 s29, $0x2  }
0x101: {  	p0 =	seq.s32 s25, $0x13;
	s0 =	sadd.s32 $0x6300, s0  }
0x102: {  	[spmem:s2] =	stream.indirect.scatter.add.f32 [tilespmem:s21], [sflag:$0x2], $0x20, s0, s17, $0xb8;
	[tilespmem:$0x18710] =	vst v63  }
0x103: {  	s31 =	sshll.u32 s28, $0x9;
	p1 =	seq.s32 @!p0 s25, $0x0;
	_ =	swait.ge [sflag:s19], $0x5000  }
0x104: {  	s1 =	simm.s32 @!p0 $0x80;
	s0 =	sshrl.u32 @!p0 s29, $0x2;
	[sflag:s19] =	ssyncset.done $0x0  }
0x105: {  	s3 =	simm.s32 @!p0 $0xC710;
	s0 =	sadd.s32 @!p0 $0x5000, s0;
	[sflag:s19] =	ssyncadd.s32 $0xFFFFB000  }
0x106: {  	[tilespmem:s3], [sflag:$0x1] =	stream.indirect.gather @!p0 [hbm4b:s4+s1], $0xA0, s0, s1, $0xb8;
	[tilespmem:$0x18710] =	vst v63  }
0x107: {  	p0 =	por p0, !p1;
	s0 =	sand.u32 $0x3FFFFE00, s31  }
0x108: {  	_ =	swait.ge @p0 [sflag:s23], $0x1000;
	s0 =	sadd.s32 $0x7700, s0  }
0x109: {  	[sflag:s23] =	ssyncset.done @p0 $0x0;
	v0 =	vmov s0  }
0x10a: {  	s28 =	simm.s32 $0x0;
	[sflag:s23] =	ssyncadd.s32 @p0 $0xFFFFF000;
	[tilespmem:$0x1FFC0] =	vst v0  }
.LBB2_5:
0x10b: {  	v50 =	vld [tilespmem:$0x1FFC0];
	_ =	sdelay $0x3  }
0x10c: {  	s1 =	smul.u32 $0x500, s28;
	_ =	sdelay $0x1  }
0x10d: {  	s0 =	sshll.u32 s28, $0x3;
	s16 =	sshra.s32 s1, $0x2  }
0x10e: {  	s0 =	sand.u32 $0x3FFFFFF8, s0;
	v2 =	vld [tilespmem:s16+$0x11710]  }
0x10f: {  	v0 =	vld.idx.msk [tilespmem:v50+s0+$0x0 ss:$0x1], $0xffff  }
0x110: {  	v3 =	vld [tilespmem:s16+$0x11730]  }
0x111: {  	v4 =	vld [tilespmem:s16+$0x11750]  }
0x112: {  	v5 =	vld [tilespmem:s16+$0x11770];
	_ =	sdelay $0x1  }
0x113: {  	s18 =	sor.u32 $0x1, s28;
	v6 =	vbroadcast v0, $0x0;
	v7 =	vbroadcast v0, $0x1  }
0x114: {  	s5 =	smul.u32 $0x500, s18;
	v8 =	vbroadcast v0, $0x2;
	v9 =	vbroadcast v0, $0x3  }
0x115: {  	v2 =	vmul.f32 v2, v6;
	v3 =	vmul.f32 v3, v7  }
0x116: {  	s3 =	sshll.u32 s18, $0x3;
	v10 =	vld [tilespmem:s16+$0x11790];
	s5 =	sshra.s32 s5, $0x2;
	v4 =	vmul.f32 v4, v8;
	v5 =	vmul.f32 v5, v9  }
0x117: {  	s3 =	sand.u32 $0x3FFFFFF8, s3;
	v36 =	vld [tilespmem:s5+$0x11730]  }
0x118: {  	v11 =	vld.idx.msk [tilespmem:v50+s3+$0x0 ss:$0x1], $0xffff;
	v2 =	vadd.f32 v3, v2;
	v3 =	vadd.f32 v5, v4  }
0x119: {  	v37 =	vld [tilespmem:s5+$0x11750]  }
0x11a: {  	v38 =	vld [tilespmem:s5+$0x11770];
	v2 =	vadd.f32 v3, v2  }
0x11b: {  	v3 =	vld [tilespmem:s5+$0x11710]  }
0x11c: {  	s29 =	sshll.u32 s28, $0x6;
	v2 =	vadd.f32 v2, v10  }
0x11d: {  	s6 =	sand.u32 $0x3FFFFFC0, s29;
	v13 =	vbroadcast v11, $0x1;
	v15 =	vbroadcast v11, $0x2  }
0x11e: {  	v19 =	vld [tilespmem:s5+$0x11790];
	v12 =	vbroadcast v11, $0x0;
	v16 =	vbroadcast v11, $0x3;
	[tilespmem:s6+$0x17710] =	vst v2  }
0x11f: {  	v4 =	vmul.f32 v36, v13;
	v5 =	vmul.f32 v37, v15;
	v2 =	vld [tilespmem:s16+$0x11720]  }
0x120: {  	v10 =	vmul.f32 v38, v16;
	v14 =	vld [tilespmem:s16+$0x11740];
	v3 =	vmul.f32 v3, v12  }
0x121: {  	v17 =	vld [tilespmem:s16+$0x11760]  }
0x122: {  	v39 =	vadd.f32 v10, v5;
	v18 =	vld [tilespmem:s16+$0x11780];
	v3 =	vadd.f32 v4, v3  }
0x123: {  	s0 =	sor.u32 $0x2, s28  }
0x124: {  	s14 =	smul.u32 $0x500, s0;
	v3 =	vadd.f32 v39, v3;
	_ =	sdelay $0x1  }
0x125: {  	s30 =	sshll.u32 s18, $0x6;
	s8 =	sshra.s32 s14, $0x2;
	v2 =	vmul.f32 v2, v6;
	v40 =	vmul.f32 v14, v7;
	v3 =	vadd.f32 v3, v19  }
0x126: {  	s9 =	sand.u32 $0x3FFFFFC0, s30;
	v57 =	vld [tilespmem:s8+$0x11710];
	v41 =	vmul.f32 v17, v8;
	v42 =	vmul.f32 v18, v9  }
0x127: {  	v43 =	vld [tilespmem:s16+$0x117A0];
	[tilespmem:s9+$0x17710] =	vst v3  }
0x128: {  	v2 =	vadd.f32 v40, v2;
	v44 =	vadd.f32 v42, v41;
	v3 =	vld [tilespmem:s5+$0x11720]  }
0x129: {  	v46 =	vld [tilespmem:s5+$0x11760]  }
0x12a: {  	v2 =	vadd.f32 v44, v2;
	v47 =	vld [tilespmem:s5+$0x11780]  }
0x12b: {  	v45 =	vld [tilespmem:s5+$0x11740]  }
0x12c: {  	v59 =	vld [tilespmem:s8+$0x11730];
	v2 =	vadd.f32 v2, v43  }
0x12d: {  	s31 =	sshllo.u32 s28, $0x1;
	v60 =	vld [tilespmem:s8+$0x11770]  }
0x12e: {  	s10 =	smul.u32 $0x280, s31;
	s11 =	sshll.u32 s0, $0x3;
	v34 =	vld [tilespmem:s8+$0x11790];
	v2 =	vadd.f32 v1, v2  }
0x12f: {  	v52 =	vld [tilespmem:s5+$0x117A0];
	s5 =	sand.u32 $0x3FFFFFF8, s11;
	v49 =	vmul.f32 v46, v15;
	v51 =	vmul.f32 v47, v16  }
0x130: {  	s1 =	sshllo.u32 s18, $0x1;
	s7 =	sshra.s32 s10, $0x2;
	v14 =	vld.idx.msk [tilespmem:v50+s5+$0x0 ss:$0x1], $0xffff;
	[tilespmem:s6+$0x17720] =	vst v2;
	v2 =	vmul.f32 v3, v12;
	v3 =	vmul.f32 v45, v13  }
0x131: {  	s15 =	smul.u32 $0x280, s1;
	v48 =	vld [tilespmem:s7+$0x11710]  }
0x132: {  	v53 =	vld [tilespmem:s7+$0x11730];
	v2 =	vadd.f32 v3, v2;
	v3 =	vadd.f32 v51, v49  }
0x133: {  	s14 =	sshra.s32 s15, $0x2;
	s15 =	sor.u32 $0x4, s28;
	s16 =	sor.u32 $0x3, s28;
	v54 =	vld [tilespmem:s7+$0x11750]  }
0x134: {  	s10 =	smul.u32 $0x500, s15;
	s18 =	sshll.u32 s16, $0x3;
	v55 =	vld [tilespmem:s7+$0x11770];
	v2 =	vadd.f32 v3, v2  }
0x135: {  	s6 =	sand.u32 $0x3FFFFFF8, s18;
	v56 =	vld [tilespmem:s7+$0x11790]  }
0x136: {  	s10 =	sshra.s32 s10, $0x2;
	v22 =	vld.idx.msk [tilespmem:v50+s6+$0x0 ss:$0x1], $0xffff;
	v2 =	vadd.f32 v2, v52  }
0x137: {  	v5 =	vbroadcast v0, $0x4;
	v4 =	vbroadcast v0, $0x5;
	v49 =	vld [tilespmem:s10+$0x11730]  }
0x138: {  	v3 =	vbroadcast v0, $0x7;
	v58 =	vadd.f32 v1, v2;
	v2 =	vbroadcast v0, $0x6;
	v0 =	vld [tilespmem:s8+$0x11750]  }
0x139: {  	v63 =	vbroadcast v14, $0x0;
	v7 =	vmul.f32 v48, v5;
	v48 =	vld [tilespmem:s10+$0x11710]  }
0x13a: {  	v20 =	vbroadcast v14, $0x1;
	v21 =	vbroadcast v14, $0x2;
	v52 =	vld [tilespmem:s10+$0x11750]  }
0x13b: {  	v23 =	vbroadcast v14, $0x3;
	v8 =	vmul.f32 v53, v4;
	v53 =	vld [tilespmem:s10+$0x11770];
	[tilespmem:s9+$0x17720] =	vst v58  }
0x13c: {  	v6 =	vmul.f32 v57, v63;
	v33 =	vmul.f32 v59, v20;
	v61 =	vld [tilespmem:s14+$0x11710]  }
0x13d: {  	s29 =	smul.u32 $0x500, s16;
	v13 =	vmul.f32 v60, v23;
	v62 =	vld [tilespmem:s14+$0x11730];
	v0 =	vmul.f32 v0, v21  }
0x13e: {  	v30 =	vld [tilespmem:s14+$0x11750]  }
0x13f: {  	v24 =	vadd.f32 v33, v6;
	s9 =	sshra.s32 s29, $0x2;
	v32 =	vld [tilespmem:s14+$0x11770];
	v0 =	vadd.f32 v13, v0  }
0x140: {  	v10 =	vmul.f32 v55, v3;
	v9 =	vmul.f32 v54, v2;
	v35 =	vld [tilespmem:s9+$0x11710]  }
0x141: {  	v25 =	vld [tilespmem:s9+$0x11730];
	v0 =	vadd.f32 v0, v24  }
0x142: {  	v7 =	vadd.f32 v8, v7;
	v36 =	vld [tilespmem:s9+$0x11750];
	v31 =	vadd.f32 v10, v9  }
0x143: {  	s30 =	sshll.u32 s0, $0x6;
	v6 =	vbroadcast v11, $0x6;
	v37 =	vbroadcast v22, $0x0;
	v26 =	vld [tilespmem:s9+$0x11770];
	v0 =	vadd.f32 v0, v34  }
0x144: {  	s3 =	sshll.u32 s31, $0x5;
	s31 =	sand.u32 $0x3FFFFFC0, s30;
	v27 =	vbroadcast v22, $0x1;
	v28 =	vbroadcast v22, $0x3;
	v38 =	vld [tilespmem:s14+$0x11790];
	v7 =	vadd.f32 v31, v7  }
0x145: {  	v8 =	vbroadcast v11, $0x4;
	v18 =	vmul.f32 v30, v6;
	v30 =	vld [tilespmem:s9+$0x11790];
	[tilespmem:s31+$0x17710] =	vst v0  }
0x146: {  	v9 =	vbroadcast v11, $0x5;
	v12 =	vadd.f32 v7, v56;
	v7 =	vbroadcast v11, $0x7;
	v29 =	vld [tilespmem:s8+$0x11720]  }
0x147: {  	v16 =	vmul.f32 v61, v8;
	v0 =	vbroadcast v22, $0x2;
	v40 =	vld [tilespmem:s8+$0x11740]  }
0x148: {  	v13 =	vmul.f32 v35, v37;
	v39 =	vmul.f32 v25, v27;
	v31 =	vld [tilespmem:s8+$0x11760]  }
0x149: {  	s18 =	sshll.u32 s15, $0x3;
	v26 =	vmul.f32 v26, v28;
	v42 =	vld [tilespmem:s8+$0x11780];
	v24 =	vmul.f32 v36, v0  }
0x14a: {  	v17 =	vmul.f32 v62, v9;
	v10 =	vmul.f32 v32, v7;
	v43 =	vld [tilespmem:s8+$0x117A0];
	s8 =	sand.u32 $0x3FFFFFF8, s18  }
0x14b: {  	s29 =	sand.u32 $0x3FFFFFE0, s3;
	v13 =	vadd.f32 v39, v13;
	v34 =	vld.idx.msk [tilespmem:v50+s8+$0x0 ss:$0x1], $0xffff;
	v41 =	vadd.f32 v26, v24  }
0x14c: {  	[tilespmem:s29+$0x17710] =	vst v12;
	v16 =	vadd.f32 v17, v16;
	v32 =	vld [tilespmem:s10+$0x11790];
	v10 =	vadd.f32 v10, v18  }
0x14d: {  	v11 =	vld [tilespmem:s7+$0x11720];
	v13 =	vadd.f32 v41, v13  }
0x14e: {  	v12 =	vld [tilespmem:s7+$0x11740];
	v10 =	vadd.f32 v10, v16;
	v19 =	vmul.f32 v29, v63  }
0x14f: {  	s11 =	sshll.u32 s16, $0x6;
	v18 =	vld [tilespmem:s7+$0x11780];
	v20 =	vmul.f32 v40, v20;
	v21 =	vmul.f32 v31, v21;
	v13 =	vadd.f32 v13, v30  }
0x150: {  	s3 =	sand.u32 $0x3FFFFFC0, s11;
	v16 =	vld [tilespmem:s7+$0x11760];
	v23 =	vmul.f32 v42, v23;
	v55 =	vbroadcast v34, $0x0  }
0x151: {  	v17 =	vadd.f32 v10, v38;
	v10 =	vld [tilespmem:s7+$0x117A0];
	v56 =	vbroadcast v34, $0x1;
	v33 =	vbroadcast v34, $0x2;
	[tilespmem:s3+$0x17710] =	vst v13  }
0x152: {  	v35 =	vbroadcast v34, $0x3;
	v19 =	vadd.f32 v20, v19;
	v44 =	vadd.f32 v23, v21;
	v13 =	vld [tilespmem:s9+$0x11720]  }
0x153: {  	s1 =	sshll.u32 s1, $0x5;
	v59 =	vmul.f32 v48, v55;
	v60 =	vmul.f32 v49, v56;
	v45 =	vld [tilespmem:s9+$0x11740]  }
0x154: {  	s1 =	sand.u32 $0x3FFFFFE0, s1;
	v21 =	vmul.f32 v52, v33;
	v23 =	vmul.f32 v53, v35;
	v19 =	vadd.f32 v44, v19;
	v46 =	vld [tilespmem:s9+$0x11760]  }
0x155: {  	[tilespmem:s1+$0x17710] =	vst v17;
	v47 =	vld [tilespmem:s9+$0x11780];
	v24 =	vadd.f32 v60, v59  }
0x156: {  	v17 =	vld [tilespmem:s14+$0x11720];
	v21 =	vadd.f32 v23, v21;
	v19 =	vadd.f32 v19, v43  }
0x157: {  	s0 =	sshllo.u32 s0, $0x1;
	v31 =	vld [tilespmem:s14+$0x11740]  }
0x158: {  	s30 =	smul.u32 $0x280, s0;
	v29 =	vld [tilespmem:s14+$0x11780];
	v21 =	vadd.f32 v21, v24;
	v19 =	vadd.f32 v1, v19  }
0x159: {  	v54 =	vld [tilespmem:s9+$0x117A0];
	v13 =	vmul.f32 v13, v37;
	v51 =	vmul.f32 v45, v27  }
0x15a: {  	s8 =	sshra.s32 s30, $0x2;
	s9 =	sshll.u32 s15, $0x6;
	v21 =	vadd.f32 v21, v32;
	v0 =	vmul.f32 v46, v0;
	v20 =	vmul.f32 v47, v28;
	[tilespmem:s31+$0x17720] =	vst v19;
	v27 =	vld [tilespmem:s14+$0x11760]  }
0x15b: {  	s11 =	sand.u32 $0x3FFFFFC0, s9;
	v19 =	vld [tilespmem:s8+$0x11710]  }
0x15c: {  	v57 =	vld [tilespmem:s8+$0x11730];
	[tilespmem:s11+$0x17710] =	vst v21;
	v13 =	vadd.f32 v51, v13;
	v0 =	vadd.f32 v20, v0  }
0x15d: {  	v37 =	vld [tilespmem:s10+$0x11720]  }
0x15e: {  	v38 =	vld [tilespmem:s10+$0x11740];
	v0 =	vadd.f32 v0, v13  }
0x15f: {  	v39 =	vld [tilespmem:s10+$0x11760]  }
0x160: {  	v45 =	vld [tilespmem:s10+$0x11780];
	v0 =	vadd.f32 v0, v54  }
0x161: {  	s31 =	sshllo.u32 s16, $0x1;
	v58 =	vld [tilespmem:s8+$0x11750]  }
0x162: {  	v61 =	vld [tilespmem:s8+$0x11770];
	s5 =	smul.u32 $0x280, s31;
	v0 =	vadd.f32 v1, v0  }
0x163: {  	v15 =	vbroadcast v14, $0x6;
	v23 =	vbroadcast v14, $0x4;
	v62 =	vld [tilespmem:s8+$0x11790]  }
0x164: {  	v48 =	vld [tilespmem:s10+$0x117A0];
	s18 =	sshra.s32 s5, $0x2;
	v37 =	vmul.f32 v37, v55;
	v30 =	vmul.f32 v38, v56;
	[tilespmem:s3+$0x17720] =	vst v0  }
0x165: {  	v33 =	vmul.f32 v39, v33;
	v24 =	vmul.f32 v45, v35;
	v63 =	vld [tilespmem:s18+$0x11710]  }
0x166: {  	v13 =	vbroadcast v14, $0x5;
	v14 =	vbroadcast v14, $0x7;
	v36 =	vld [tilespmem:s18+$0x11750]  }
0x167: {  	v37 =	vadd.f32 v30, v37;
	v24 =	vadd.f32 v24, v33;
	v44 =	vld [tilespmem:s18+$0x11730]  }
0x168: {  	s5 =	sor.u32 $0x5, s28;
	v25 =	vmul.f32 v61, v14;
	v0 =	vmul.f32 v58, v15;
	v40 =	vld [tilespmem:s18+$0x11770]  }
0x169: {  	v21 =	vbroadcast v22, $0x6;
	s16 =	sshll.u32 s5, $0x3;
	s30 =	smul.u32 $0x500, s5;
	v49 =	vld [tilespmem:s18+$0x11790];
	v24 =	vadd.f32 v24, v37  }
0x16a: {  	v19 =	vmul.f32 v19, v23;
	v20 =	vmul.f32 v57, v13;
	s3 =	sand.u32 $0x3FFFFFF8, s16;
	v0 =	vadd.f32 v25, v0;
	v25 =	vld [tilespmem:s14+$0x117A0]  }
0x16b: {  	v24 =	vadd.f32 v24, v48;
	v46 =	vmul.f32 v36, v21;
	v36 =	vld.idx.msk [tilespmem:v50+s3+$0x0 ss:$0x1], $0xffff;
	s3 =	sshra.s32 s30, $0x2  }
0x16c: {  	v19 =	vadd.f32 v20, v19;
	s14 =	sshllo.u32 s15, $0x1;
	v52 =	vld [tilespmem:s3+$0x11710]  }
0x16d: {  	s6 =	sshll.u32 s31, $0x5;
	v20 =	vbroadcast v22, $0x5;
	s31 =	smul.u32 $0x280, s14;
	v55 =	vadd.f32 v1, v24;
	v53 =	vld [tilespmem:s3+$0x11730]  }
0x16e: {  	v0 =	vadd.f32 v0, v19;
	v19 =	vbroadcast v22, $0x4;
	v22 =	vbroadcast v22, $0x7;
	v54 =	vld [tilespmem:s3+$0x11750]  }
0x16f: {  	s16 =	sshra.s32 s31, $0x2;
	v56 =	vld [tilespmem:s3+$0x11770];
	[tilespmem:s11+$0x17720] =	vst v55  }
0x170: {  	s0 =	sshll.u32 s0, $0x5;
	v0 =	vadd.f32 v0, v62;
	v47 =	vmul.f32 v40, v22;
	v42 =	vld [tilespmem:s16+$0x11710]  }
0x171: {  	s0 =	sand.u32 $0x3FFFFFE0, s0;
	v45 =	vld [tilespmem:s16+$0x11730]  }
0x172: {  	[tilespmem:s0+$0x17710] =	vst v0;
	v51 =	vadd.f32 v47, v46;
	v46 =	vld [tilespmem:s16+$0x11750]  }
0x173: {  	v41 =	vmul.f32 v44, v20;
	v0 =	vmul.f32 v63, v19;
	v32 =	vld [tilespmem:s8+$0x11720]  }
0x174: {  	v26 =	vld [tilespmem:s8+$0x11740]  }
0x175: {  	v28 =	vld [tilespmem:s8+$0x11760];
	v0 =	vadd.f32 v41, v0  }
0x176: {  	v30 =	vld [tilespmem:s8+$0x11780]  }
0x177: {  	v24 =	vld [tilespmem:s8+$0x117A0];
	s8 =	sor.u32 $0x6, s28;
	v0 =	vadd.f32 v51, v0  }
0x178: {  	v47 =	vld [tilespmem:s3+$0x11790];
	s7 =	sshll.u32 s8, $0x3;
	s9 =	smul.u32 $0x500, s8  }
0x179: {  	s15 =	sand.u32 $0x3FFFFFE0, s6;
	v48 =	vld [tilespmem:s16+$0x11770];
	s6 =	sand.u32 $0x3FFFFFF8, s7;
	v0 =	vadd.f32 v0, v49  }
0x17a: {  	v41 =	vbroadcast v36, $0x1;
	v43 =	vbroadcast v36, $0x2;
	v40 =	vld.idx.msk [tilespmem:v50+s6+$0x0 ss:$0x1], $0xffff;
	s6 =	sshra.s32 s9, $0x2  }
0x17b: {  	v44 =	vbroadcast v36, $0x3;
	v59 =	vld [tilespmem:s6+$0x11710];
	[tilespmem:s15+$0x17710] =	vst v0;
	v0 =	vbroadcast v36, $0x0  }
0x17c: {  	v37 =	vmul.f32 v53, v41;
	v38 =	vmul.f32 v54, v43;
	v60 =	vld [tilespmem:s6+$0x11730]  }
0x17d: {  	v57 =	vmul.f32 v56, v44;
	v61 =	vld [tilespmem:s6+$0x11750];
	v35 =	vmul.f32 v52, v0  }
0x17e: {  	s7 =	sor.u32 $0x7, s28;
	v49 =	vld [tilespmem:s6+$0x11770]  }
0x17f: {  	s10 =	sshll.u32 s5, $0x6;
	s11 =	sshll.u32 s7, $0x3;
	s30 =	smul.u32 $0x500, s7;
	v55 =	vld [tilespmem:s6+$0x11790];
	v58 =	vadd.f32 v57, v38;
	v35 =	vadd.f32 v37, v35  }
0x180: {  	s9 =	sand.u32 $0x3FFFFFC0, s10;
	s10 =	sand.u32 $0x3FFFFFF8, s11;
	v33 =	vld [tilespmem:s18+$0x11720]  }
0x181: {  	v53 =	vbroadcast v40, $0x2;
	v54 =	vbroadcast v40, $0x3;
	v37 =	vld.idx.msk [tilespmem:v50+s10+$0x0 ss:$0x1], $0xffff;
	s10 =	sshra.s32 s30, $0x2;
	v35 =	vadd.f32 v58, v35  }
0x182: {  	v51 =	vbroadcast v40, $0x0;
	v52 =	vbroadcast v40, $0x1;
	v39 =	vld [tilespmem:s10+$0x11710]  }
0x183: {  	v49 =	vmul.f32 v49, v54;
	v56 =	vld [tilespmem:s10+$0x11730];
	v35 =	vadd.f32 v35, v47;
	v47 =	vmul.f32 v61, v53  }
0x184: {  	v62 =	vmul.f32 v59, v51;
	v63 =	vmul.f32 v60, v52;
	v57 =	vld [tilespmem:s10+$0x11750]  }
0x185: {  	[tilespmem:s9+$0x17710] =	vst v35;
	v47 =	vadd.f32 v49, v47;
	v49 =	vld [tilespmem:s10+$0x11770]  }
0x186: {  	v38 =	vadd.f32 v63, v62;
	v50 =	vld [tilespmem:s3+$0x11720]  }
0x187: {  	v58 =	vld [tilespmem:s3+$0x11740]  }
0x188: {  	v59 =	vld [tilespmem:s3+$0x11760];
	v38 =	vadd.f32 v47, v38  }
0x189: {  	v61 =	vld [tilespmem:s3+$0x11780];
	v47 =	vbroadcast v37, $0x0  }
0x18a: {  	[tilespmem:$0x1FFB0] =	vst v2;
	s31 =	sshll.u32 s8, $0x6;
	v62 =	vbroadcast v37, $0x2;
	v63 =	vbroadcast v37, $0x3;
	v2 =	vld [tilespmem:s3+$0x117A0];
	v38 =	vadd.f32 v38, v55  }
0x18b: {  	s11 =	sand.u32 $0x3FFFFFC0, s31;
	v60 =	vbroadcast v37, $0x1;
	v55 =	vmul.f32 v39, v47;
	v39 =	vld [tilespmem:s16+$0x11790]  }
0x18c: {  	v57 =	vmul.f32 v57, v62;
	v49 =	vmul.f32 v49, v63;
	[tilespmem:s11+$0x17710] =	vst v38;
	v38 =	vld [tilespmem:s10+$0x11790]  }
0x18d: {  	v35 =	vbroadcast v34, $0x4;
	v59 =	vmul.f32 v59, v43;
	v43 =	vld [tilespmem:s18+$0x11740]  }
0x18e: {  	v56 =	vmul.f32 v56, v60;
	v1 =	vmul.f32 v50, v0;
	v49 =	vadd.f32 v49, v57;
	v57 =	vld [tilespmem:s6+$0x11720]  }
0x18f: {  	v50 =	vbroadcast v34, $0x5;
	v41 =	vmul.f32 v58, v41;
	v58 =	vld [tilespmem:s6+$0x11740]  }
0x190: {  	v42 =	vmul.f32 v42, v35;
	v56 =	vadd.f32 v56, v55;
	v55 =	vbroadcast v34, $0x6;
	v0 =	vld [tilespmem:s6+$0x11780]  }
0x191: {  	v34 =	vbroadcast v34, $0x7;
	v45 =	vmul.f32 v45, v50;
	v1 =	vadd.f32 v41, v1;
	v41 =	vld [tilespmem:s18+$0x117A0]  }
0x192: {  	v49 =	vadd.f32 v49, v56;
	v56 =	vld [tilespmem:s6+$0x11760]  }
0x193: {  	v46 =	vmul.f32 v46, v55;
	v48 =	vmul.f32 v48, v34;
	v45 =	vadd.f32 v45, v42;
	v42 =	vld [tilespmem:s18+$0x11760]  }
0x194: {  	v44 =	vmul.f32 v61, v44;
	v38 =	vadd.f32 v49, v38;
	v49 =	vld [tilespmem:s6+$0x117A0];
	s6 =	sshll.u32 s7, $0x6  }
0x195: {  	v46 =	vadd.f32 v48, v46;
	s6 =	sand.u32 $0x3FFFFFC0, s6;
	v61 =	vmul.f32 v57, v51;
	v51 =	vld [tilespmem:s18+$0x11780]  }
0x196: {  	v48 =	vadd.f32 v44, v59;
	v0 =	vmul.f32 v0, v54;
	v54 =	vld [tilespmem:$0x1FFB0];
	[tilespmem:s6+$0x17710] =	vst v38  }
0x197: {  	v59 =	vadd.f32 v46, v45;
	v44 =	vld [tilespmem:s10+$0x11720]  }
0x198: {  	v1 =	vadd.f32 v48, v1;
	v45 =	vld [tilespmem:s10+$0x11740]  }
0x199: {  	s14 =	sshll.u32 s14, $0x5;
	v38 =	vadd.f32 v59, v39;
	v57 =	vld [tilespmem:s10+$0x11760]  }
0x19a: {  	s14 =	sand.u32 $0x3FFFFFE0, s14;
	v52 =	vmul.f32 v58, v52;
	v1 =	vadd.f32 v1, v2;
	v2 =	vmul.f32 v56, v53;
	v59 =	vld [tilespmem:$0x1FFF0]  }
0x19b: {  	v58 =	vld [tilespmem:s10+$0x11780];
	[tilespmem:s14+$0x17710] =	vst v38  }
0x19c: {  	v39 =	vadd.f32 v52, v61;
	v0 =	vadd.f32 v0, v2;
	v2 =	vld [tilespmem:s16+$0x11720]  }
0x19d: {  	v4 =	vmul.f32 v12, v4;
	v12 =	vld [tilespmem:s16+$0x11760]  }
0x19e: {  	s3 =	sshllo.u32 s5, $0x1;
	v0 =	vadd.f32 v0, v39;
	v39 =	vld [tilespmem:s16+$0x11740]  }
0x19f: {  	s5 =	smul.u32 $0x280, s3;
	v1 =	vadd.f32 v59, v1;
	v62 =	vmul.f32 v57, v62;
	v57 =	vld [tilespmem:$0x1FFF0]  }
0x1a0: {  	v61 =	vmul.f32 v45, v60;
	v45 =	vld [tilespmem:s16+$0x117A0]  }
0x1a1: {  	v5 =	vmul.f32 v11, v5;
	s18 =	sshra.s32 s5, $0x2;
	v0 =	vadd.f32 v0, v49;
	v49 =	vld [tilespmem:s10+$0x117A0];
	[tilespmem:s9+$0x17720] =	vst v1  }
0x1a2: {  	v3 =	vmul.f32 v18, v3;
	v8 =	vmul.f32 v17, v8;
	v48 =	vld [tilespmem:s18+$0x11710]  }
0x1a3: {  	v4 =	vadd.f32 v4, v5;
	s30 =	sshllo.u32 s8, $0x1;
	v63 =	vmul.f32 v58, v63;
	v1 =	vmul.f32 v44, v47;
	v53 =	vld [tilespmem:s18+$0x11730]  }
0x1a4: {  	v9 =	vmul.f32 v31, v9;
	s31 =	smul.u32 $0x280, s30;
	v16 =	vmul.f32 v16, v54;
	v58 =	vld [tilespmem:s18+$0x11770];
	v0 =	vadd.f32 v57, v0  }
0x1a5: {  	v52 =	vadd.f32 v63, v62;
	v56 =	vld [tilespmem:s18+$0x11750];
	v1 =	vadd.f32 v61, v1  }
0x1a6: {  	v8 =	vadd.f32 v9, v8;
	v11 =	vbroadcast v36, $0x7;
	s5 =	sshra.s32 s31, $0x2;
	v3 =	vadd.f32 v3, v16;
	v63 =	vld [tilespmem:$0x1FFF0];
	[tilespmem:s11+$0x17720] =	vst v0  }
0x1a7: {  	v9 =	vbroadcast v40, $0x6;
	v16 =	vbroadcast v36, $0x5;
	v1 =	vadd.f32 v52, v1;
	v59 =	vld [tilespmem:s5+$0x11710]  }
0x1a8: {  	v3 =	vadd.f32 v3, v4;
	v4 =	vbroadcast v36, $0x6;
	v0 =	vbroadcast v36, $0x4;
	v60 =	vld [tilespmem:s5+$0x11730]  }
0x1a9: {  	v1 =	vadd.f32 v1, v49;
	v38 =	vmul.f32 v53, v16;
	v62 =	vld [tilespmem:s5+$0x11750];
	v5 =	vmul.f32 v58, v11  }
0x1aa: {  	s8 =	sshllo.u32 s7, $0x1;
	v3 =	vadd.f32 v3, v10;
	v49 =	vld [tilespmem:s5+$0x11770];
	v61 =	vmul.f32 v48, v0;
	v48 =	vmul.f32 v56, v4  }
0x1ab: {  	s7 =	smul.u32 $0x280, s8;
	v54 =	vld [tilespmem:s18+$0x11790];
	v10 =	vbroadcast v40, $0x4;
	v52 =	vmul.f32 v29, v7;
	v1 =	vadd.f32 v63, v1  }
0x1ac: {  	v29 =	vbroadcast v40, $0x5;
	v63 =	vld [tilespmem:s5+$0x11790];
	v53 =	vadd.f32 v38, v61;
	v5 =	vadd.f32 v5, v48  }
0x1ad: {  	s7 =	sshra.s32 s7, $0x2;
	v38 =	vbroadcast v40, $0x7;
	[tilespmem:s6+$0x17720] =	vst v1;
	v1 =	vmul.f32 v27, v6;
	v27 =	vld [tilespmem:s16+$0x11780]  }
0x1ae: {  	v56 =	vld [tilespmem:s7+$0x11710];
	v5 =	vadd.f32 v5, v53;
	v58 =	vmul.f32 v59, v10;
	v59 =	vmul.f32 v60, v29  }
0x1af: {  	v57 =	vld [tilespmem:s7+$0x11730];
	v61 =	vmul.f32 v62, v9;
	v18 =	vmul.f32 v49, v38  }
0x1b0: {  	s3 =	sshll.u32 s3, $0x5;
	v60 =	vld [tilespmem:s7+$0x11750];
	v5 =	vadd.f32 v5, v54  }
0x1b1: {  	v23 =	vmul.f32 v32, v23;
	s11 =	sand.u32 $0x3FFFFFE0, s3;
	v62 =	vld [tilespmem:s7+$0x11770];
	v7 =	vadd.f32 v59, v58;
	v6 =	vadd.f32 v18, v61  }
0x1b2: {  	v13 =	vmul.f32 v26, v13;
	v15 =	vmul.f32 v28, v15;
	v1 =	vadd.f32 v52, v1;
	v54 =	vld [tilespmem:s7+$0x11790];
	[tilespmem:s11+$0x17710] =	vst v5  }
0x1b3: {  	v32 =	vbroadcast v37, $0x5;
	v18 =	vbroadcast v37, $0x4;
	v6 =	vadd.f32 v6, v7;
	v48 =	vld [tilespmem:s18+$0x11720]  }
0x1b4: {  	v1 =	vadd.f32 v1, v8;
	v8 =	vbroadcast v37, $0x7;
	v5 =	vbroadcast v37, $0x6;
	v52 =	vld [tilespmem:s18+$0x11740]  }
0x1b5: {  	s16 =	sshll.u32 s30, $0x5;
	v36 =	vmul.f32 v56, v18;
	v49 =	vmul.f32 v57, v32;
	v58 =	vld [tilespmem:s18+$0x11760];
	v6 =	vadd.f32 v6, v63  }
0x1b6: {  	s3 =	sand.u32 $0x3FFFFFE0, s16;
	v53 =	vmul.f32 v62, v8;
	v59 =	vld [tilespmem:s18+$0x11780];
	v31 =	vmul.f32 v60, v5  }
0x1b7: {  	v14 =	vmul.f32 v30, v14;
	v19 =	vmul.f32 v33, v19;
	v60 =	vld [tilespmem:s18+$0x117A0];
	[tilespmem:s3+$0x17710] =	vst v6  }
0x1b8: {  	v20 =	vmul.f32 v43, v20;
	v56 =	vadd.f32 v49, v36;
	v57 =	vadd.f32 v53, v31;
	v28 =	vld [tilespmem:s5+$0x11720]  }
0x1b9: {  	v13 =	vadd.f32 v13, v23;
	v26 =	vmul.f32 v51, v22;
	v2 =	vmul.f32 v2, v35;
	v35 =	vld [tilespmem:s5+$0x11740]  }
0x1ba: {  	v12 =	vmul.f32 v12, v55;
	v63 =	vmul.f32 v42, v21;
	v37 =	vld [tilespmem:s5+$0x11760];
	v61 =	vadd.f32 v57, v56  }
0x1bb: {  	v33 =	vmul.f32 v39, v50;
	v62 =	vadd.f32 v20, v19;
	v36 =	vmul.f32 v27, v34;
	v40 =	vld [tilespmem:s5+$0x11780]  }
0x1bc: {  	s30 =	sshll.u32 s8, $0x5;
	v19 =	vadd.f32 v26, v63;
	v4 =	vmul.f32 v58, v4;
	v58 =	vld [tilespmem:$0x1FFF0];
	v6 =	vadd.f32 v61, v54  }
0x1bd: {  	v14 =	vadd.f32 v14, v15;
	v2 =	vadd.f32 v33, v2;
	s6 =	sand.u32 $0x3FFFFFE0, s30;
	v11 =	vmul.f32 v59, v11;
	v59 =	vld [tilespmem:$0x1FFF0]  }
0x1be: {  	v12 =	vadd.f32 v36, v12;
	v42 =	vadd.f32 v19, v62;
	v62 =	vld [tilespmem:$0x1FFF0];
	[tilespmem:s6+$0x17710] =	vst v6  }
0x1bf: {  	v0 =	vmul.f32 v48, v0;
	v39 =	vmul.f32 v52, v16;
	v43 =	vld [tilespmem:s7+$0x11720]  }
0x1c0: {  	v13 =	vadd.f32 v14, v13;
	v2 =	vadd.f32 v12, v2;
	v44 =	vld [tilespmem:s7+$0x11740]  }
0x1c1: {  	v0 =	vadd.f32 v39, v0;
	v4 =	vadd.f32 v11, v4;
	v46 =	vld [tilespmem:s7+$0x11760]  }
0x1c2: {  	v1 =	vadd.f32 v1, v25;
	v2 =	vadd.f32 v2, v45;
	v50 =	vmul.f32 v28, v10;
	v48 =	vld [tilespmem:s7+$0x11780]  }
0x1c3: {  	v63 =	vld [tilespmem:$0x1FFF0];
	v0 =	vadd.f32 v4, v0;
	v51 =	vmul.f32 v35, v29;
	v9 =	vmul.f32 v37, v9  }
0x1c4: {  	v6 =	vmul.f32 v40, v38;
	v3 =	vadd.f32 v58, v3;
	v2 =	vadd.f32 v62, v2  }
0x1c5: {  	v54 =	vld [tilespmem:s5+$0x117A0];
	v0 =	vadd.f32 v0, v60;
	v4 =	vadd.f32 v51, v50  }
0x1c6: {  	v56 =	vld [tilespmem:s7+$0x117A0];
	v6 =	vadd.f32 v6, v9;
	v52 =	vmul.f32 v43, v18;
	v53 =	vmul.f32 v44, v32  }
0x1c7: {  	v1 =	vadd.f32 v59, v1;
	v60 =	vld [tilespmem:$0x1FFF0];
	[tilespmem:s29+$0x17720] =	vst v3;
	v5 =	vmul.f32 v46, v5;
	v55 =	vmul.f32 v48, v8  }
0x1c8: {  	[tilespmem:s14+$0x17720] =	vst v2;
	v2 =	vld [tilespmem:$0x1FFF0];
	v3 =	vadd.f32 v6, v4;
	v0 =	vadd.f32 v63, v0  }
0x1c9: {  	v61 =	vld [tilespmem:$0x1FFF0];
	v57 =	vadd.f32 v53, v52;
	v5 =	vadd.f32 v55, v5  }
0x1ca: {  	v47 =	vadd.f32 v13, v24;
	[tilespmem:s11+$0x17720] =	vst v0;
	v0 =	vld [tilespmem:$0x1FFF0]  }
0x1cb: {  	[tilespmem:s1+$0x17720] =	vst v1;
	v3 =	vadd.f32 v3, v54;
	v1 =	vadd.f32 v5, v57  }
0x1cc: {  	p0 =	slt.u32 s28, $0x38;
	v49 =	vadd.f32 v42, v41;
	v4 =	vadd.f32 v60, v47  }
.Ltmp1:
0x1cd: {  	v2 =	vadd.f32 v2, v3;
	v1 =	vadd.f32 v1, v56;
	(pc) =	sbr.rel @p0 .LBB2_5-.Ltmp1, $4  }
0x1ce: {  	[tilespmem:s0+$0x17720] =	vst v4;
	v5 =	vadd.f32 v61, v49  }
0x1cf: {  	[tilespmem:s3+$0x17720] =	vst v2;
	v0 =	vadd.f32 v0, v1  }
0x1d0: {  	s31 =	sadd.s32 $0x8, s28;
	[tilespmem:s15+$0x17720] =	vst v5  }
0x1d1: {  	s28 =	smov.u32 s31;
	v1 =	vld [tilespmem:$0x1FFF0];
	[tilespmem:s6+$0x17720] =	vst v0  }
0x1d2: {  	s25 =	sadd.s32 $0x1, s25  }
0x1d3: {  	p0 =	sne.s32 s25, $0x14  }
.Ltmp2:
0x1d4: {  	_ = 	snop;
	(pc) =	sbr.rel @p0 .LBB2_2-.Ltmp2, $3  }
0x1d5: {  	_ =	sdelay $0x1  }
0x1d6: {  	s0 =	sadd.s32 $0x6300, s26  }
0x1d7: {  	[spmem:s2] =	stream.indirect.scatter.add.f32 [tilespmem:s22], [sflag:$0x2], $0x20, s0, s17, $0xb8;
	[tilespmem:$0x18710] =	vst v63  }
0x1d8: {  	_ =	swait.ge [sflag:s23], $0x1000  }
0x1d9: {  	[sflag:s23] =	ssyncset.done $0x0  }
0x1da: {  	[sflag:s23] =	ssyncadd.s32 $0xFFFFF000  }
0x1db: {  	_ =	swait.ge [sflag:s23], $0x1000  }
0x1dc: {  	[sflag:s23] =	ssyncset.done $0x0  }
0x1dd: {  	[sflag:s23] =	ssyncadd.s32 $0xFFFFF000  }
0x1de: {  	[bflag:$0x0] =	sbarrier.arrive $0xFFFF  }
0x1df: {  	s0 =	rddreg [dreg:$0x8]  }
0x1e0: {  	s1 =	rddreg [dreg:$0xa]  }
0x1e1: {  	[hbm:s0], [sflag:s12] =	dma.local [spmem:s1], $0x9E0  }
0x1e2: {  	_ =	swait.ge [sflag:s13], $0x9E0  }
0x1e3: {  	s24 =	sadd.s32 $0x1, s24;
	s31 =	rddreg [dreg:$0x9]  }
0x1e4: {  	p0 =	sne.s32 s24, s31  }
.Ltmp3:
0x1e5: {  	_ = 	snop;
	(pc) =	sbr.rel @p0 .LBB2_1-.Ltmp3, $3  }
0x1e6: {  	_ =	sdelay $0x1  }
0x1e7: {  	[sflag:s13] =	ssyncset.done $0x0  }
0x1e8: {  	s8 =	smov.u32 s12;
	[sflag:s13] =	ssyncadd.s32 $0xFFFFF620  }
0x1e9: {  	_ =	sfence.sel $0x180000  }
0x1ea: {  	[bflag:$0x0] =	sbarrier.arrive $0xFFFF  }
0x1eb: {  	_ =	strace $0x9000004A  }
0x1ec: {  	s0 =	stileid.u32;
	[bflag:$0x2] =	sbarrier.arrive $0xFFFF  }
0x1ed: {  	p0 =	sne.s32 s0, $0x0;
	s0 =	rddreg [dreg:$0x3]  }
0x1ee: {  	s0 =	sadd.s32 @!p0 $0x100000, s0  }
0x1ef: {  	[sflag:s0] =	ssyncadd.tile.s32 @!p0 $0x1;
	_ =	shalt  }
.Lfunc_end2:
_tile_overlayer_lowered:
.L_overlay_start_2:
0x1f0: {  	(tag) =	ssettag $0x2  }
0x1f1: {  	s0 =	rddreg [dreg:$0x0];
	s2 =	stileid.u32  }
0x1f2: {  	s1 =	rddreg [dreg:$0x1];
	p0 =	sne.s32 s2, $0x0  }
0x1f3: {  	s3 =	rddreg [dreg:$0x2];
	[bflag:$0x3] =	sbarrier.arrive $0xFFFF;
	s2 =	simm.s32 @!p0 $0x1C03  }
0x1f4: {  	[timem:s3], [sflag:s2] =	dma.local @!p0 [hbm:s0], s1  }
0x1f5: {  	s0 =	simm.s32 @!p0 $0x3  }
0x1f6: {  	_ =	swait.ge @!p0 [sflag:s0], s1  }
0x1f7: {  	s1 =	ssub.s32 @!p0 $0x0, s1;
	[sflag:s0] =	ssyncset.done @!p0 $0x0  }
0x1f8: {  	[sflag:s0] =	ssyncadd.s32 @!p0 s1  }
0x1f9: {  	[bflag:$0x3] =	sbarrier.arrive $0xFFFF  }
0x1fa: {  	_ =	shalt  }

// kernel: scatter_offload_async_start
scs
__scs_entry_jumppad:
0x0: {  	(pc) =	sbr.rel $0x88, $3  }
0x1: {  	(tag) =	ssettag $0x0;
	lr =	simm.s32 $0x1  }
0x2: {  	[smem:$0x3F8B] =	sst lr;
	_ =	strace $0xD0000000  }
0x3: {  	_ = 	snop  }
0x4: {  	_ = 	snop  }
0x5: {  	_ = 	snop  }
0x6: {  	_ = 	snop  }
0x7: {  	_ = 	snop  }
__scs_overlays_trampoline_lowered:
0x8: {  	[smem:$0x3F9A] =	sst s0  }
0x9: {  	[smem:$0x3F9B] =	sst s1  }
0xa: {  	[smem:$0x3F9C] =	sst s2  }
0xb: {  	[smem:$0x3F9D] =	sst s3  }
0xc: {  	[smem:$0x3F9E] =	sst s4  }
0xd: {  	[smem:$0x3F9F] =	sst s5  }
0xe: {  	[smem:$0x3FA0] =	sst s6  }
0xf: {  	[smem:$0x3FA1] =	sst s7  }
0x10: {  	[smem:$0x3FA2] =	sst s8  }
0x11: {  	[smem:$0x3FA3] =	sst s9;
	s0 =	simm.s32 @!p0 $0x0  }
0x12: {  	s1 =	sld [smem:$0x3F89];
	s0 =	simm.s32 @p0 $0x1  }
0x13: {  	[smem:$0x3FA4] =	sst s0;
	s0 =	simm.s32 @!p1 $0x0  }
0x14: {  	s2 =	sld [smem:$0x3F88];
	s0 =	simm.s32 @p1 $0x1  }
0x15: {  	[smem:$0x3FA5] =	sst s0;
	s0 =	simm.s32 @!p2 $0x0  }
0x16: {  	s3 =	sld [smem:$0x3FDB];
	s0 =	simm.s32 @p2 $0x1  }
0x17: {  	s4 =	simm.s32 $0x1BF5;
	[smem:$0x3FA7] =	sst s0  }
0x18: {  	s0 =	sld [smem:$0x3F8A];
	_ =	swait.ge [sflag:s4], $0x0  }
0x19: {  	s7 =	sld [smem:$0x3F8B]  }
0x1a: {  	s8 =	sadd.s32 $0xFFFFE003, lr  }
0x1b: {  	s9 =	sadd.s32 $0xFFFFFEF7, lr;
	s5 =	simm.s32 $0xFFFFFFFF;
	p2 =	slt.u32 s8, $0xFFFFF086  }
0x1c: {  	p1 =	slt.u32 s9, $0xF7A;
	s5 =	simm.s32 @!p2 $0x0  }
0x1d: {  	s5 =	simm.s32 @p1 $0x1;
	p0 =	seq.s32 s7, s2  }
0x1e: {  	s7 =	smul.u32 @!p0 $0xF7A, s2;
	p2 =	seq.s32 @!p0 s5, $0x0  }
0x1f: {  	s9 =	smul.u32 $0xF7A, s1;
	s8 =	simm.s32 @!p0 $0x1BF5;
	p2 =	por !p2, p0  }
0x20: {  	[sflag:s8] =	ssyncset.s32 @!p0 $0xFFFFF086;
	s6 =	sadd.s32 @!p0 s3, s7;
	s7 =	simm.s32 @!p0 $0x108  }
0x21: {  	s3 =	sadd.s32 s3, s9;
	s6 =	sadd.s32 @!p0 $0x88, s6;
	s7 =	simm.s32 @p2 $0x1082  }
0x22: {  	[simem:s7], [sflag:s8] =	dma.local @!p0 [hbm:s6], $0xF7A  }
0x23: {  	s9 =	sor.u32 $0xD0000000, s2;
	s6 =	simm.s32 $0x108;
	_ =	swait.ge @!p0 [sflag:s8], $0x0  }
0x24: {  	s3 =	sadd.s32 $0x88, s3;
	s6 =	simm.s32 @!p1 $0x1082;
	[sflag:s4] =	ssyncset.s32 $0xFFFFF086  }
0x25: {  	[simem:s6], [sflag:s4] =	dma.local [hbm:s3], $0xF7A  }
0x26: {  	[smem:$0x3F8B] =	sst s1;
	(tag) =	ssettag s2;
	_ =	strace s9  }
0x27: {  	s1 =	sld [smem:$0x3F9B]  }
0x28: {  	s2 =	sld [smem:$0x3F9C]  }
0x29: {  	s4 =	sld [smem:$0x3F9E]  }
0x2a: {  	p0 =	seq.s32 s5, $0x0;
	s5 =	sld [smem:$0x3F9F]  }
0x2b: {  	s6 =	sld [smem:$0x3FA0]  }
0x2c: {  	s7 =	sld [smem:$0x3FA1]  }
0x2d: {  	s3 =	simm.s32 $0x108;
	s8 =	sld [smem:$0x3FA2]  }
0x2e: {  	s3 =	simm.s32 @!p0 $0x1082;
	s9 =	sld [smem:$0x3FA3]  }
0x2f: {  	lr =	sadd.s32 s0, s3;
	s0 =	sld [smem:$0x3F9A]  }
0x30: {  	s3 =	sld [smem:$0x3F9D]  }
0x31: {  	[smem:$0x3FA6] =	sst s10  }
0x32: {  	s10 =	sld [smem:$0x3FA4];
	_ =	sdelay $0x3  }
0x33: {  	p0 =	seq.s32 s10, $0x1;
	s10 =	sld [smem:$0x3FA6];
	_ =	sdelay $0x3  }
0x34: {  	[smem:$0x3FA6] =	sst s10  }
0x35: {  	s10 =	sld [smem:$0x3FA5];
	_ =	sdelay $0x3  }
0x36: {  	p1 =	seq.s32 s10, $0x1;
	s10 =	sld [smem:$0x3FA6];
	_ =	sdelay $0x3  }
0x37: {  	[smem:$0x3FA6] =	sst s10  }
0x38: {  	s10 =	sld [smem:$0x3FA7]  }
0x39: {  	_ = 	snop;
	(pc) =	sbr.ind lr, $3  }
0x3a: {  	_ = 	snop  }
0x3b: {  	_ = 	snop  }
0x3c: {  	p2 =	seq.s32 s10, $0x1;
	s10 =	sld [smem:$0x3FA6]  }
0x3d: {  	_ =	shalt  }
0x3e: {  	_ =	shalt  }
0x3f: {  	_ =	shalt  }
0x40: {  	_ =	shalt  }
0x41: {  	_ =	shalt  }
0x42: {  	_ =	shalt  }
0x43: {  	_ =	shalt  }
0x44: {  	_ =	shalt  }
0x45: {  	_ =	shalt  }
0x46: {  	_ =	shalt  }
0x47: {  	_ =	shalt  }
0x48: {  	_ =	shalt  }
0x49: {  	_ =	shalt  }
0x4a: {  	_ =	shalt  }
0x4b: {  	_ =	shalt  }
0x4c: {  	_ =	shalt  }
0x4d: {  	_ =	shalt  }
0x4e: {  	_ =	shalt  }
0x4f: {  	_ =	shalt  }
0x50: {  	_ =	shalt  }
0x51: {  	_ =	shalt  }
0x52: {  	_ =	shalt  }
0x53: {  	_ =	shalt  }
0x54: {  	_ =	shalt  }
0x55: {  	_ =	shalt  }
0x56: {  	_ =	shalt  }
0x57: {  	_ =	shalt  }
0x58: {  	_ =	shalt  }
0x59: {  	_ =	shalt  }
0x5a: {  	_ =	shalt  }
0x5b: {  	_ =	shalt  }
0x5c: {  	_ =	shalt  }
0x5d: {  	_ =	shalt  }
0x5e: {  	_ =	shalt  }
0x5f: {  	_ =	shalt  }
0x60: {  	_ =	shalt  }
0x61: {  	_ =	shalt  }
0x62: {  	_ =	shalt  }
0x63: {  	_ =	shalt  }
0x64: {  	_ =	shalt  }
0x65: {  	_ =	shalt  }
0x66: {  	_ =	shalt  }
0x67: {  	_ =	shalt  }
0x68: {  	_ =	shalt  }
0x69: {  	_ =	shalt  }
0x6a: {  	_ =	shalt  }
0x6b: {  	_ =	shalt  }
0x6c: {  	_ =	shalt  }
0x6d: {  	_ =	shalt  }
0x6e: {  	_ =	shalt  }
0x6f: {  	_ =	shalt  }
0x70: {  	_ =	shalt  }
0x71: {  	_ =	shalt  }
0x72: {  	_ =	shalt  }
0x73: {  	_ =	shalt  }
0x74: {  	_ =	shalt  }
0x75: {  	_ =	shalt  }
0x76: {  	_ =	shalt  }
0x77: {  	_ =	shalt  }
0x78: {  	_ =	shalt  }
0x79: {  	_ =	shalt  }
0x7a: {  	_ =	shalt  }
0x7b: {  	_ =	shalt  }
0x7c: {  	_ =	shalt  }
0x7d: {  	_ =	shalt  }
0x7e: {  	_ =	shalt  }
0x7f: {  	_ =	shalt  }
0x80: {  	_ =	shalt  }
0x81: {  	_ =	shalt  }
0x82: {  	_ =	shalt  }
0x83: {  	_ =	shalt  }
0x84: {  	_ =	shalt  }
0x85: {  	_ =	shalt  }
0x86: {  	_ =	shalt  }
0x87: {  	_ =	shalt  }
.Lfunc_end0:
.L_simem_size_0:
called_computation_lowered:
.L_overlay_start_0:
0x88: {  	s0 =	sld [smem:$0x3FD9]  }
0x89: {  	s1 =	sld [smem:$0x3FFE];
	_ =	sdelay $0x3  }
0x8a: {  	s0 =	sadd.s32 s1, s0  }
0x8b: {  	[smem:$0x3FB2] =	sst s0  }
0x8c: {  	_ = 	snop  }
0x8d: {  	s0 =	sld [smem:$0x3FC6];
	(tm) =	ssettm $0x1  }
0x8e: {  	s16 =	sld [smem:$0x3FFB];
	_ =	sdelay $0x3  }
0x8f: {  	_ =	strace s16  }
0x90: {  	s1 =	sld [smem:$0x3FFC];
	_ =	sdelay $0x3  }
0x91: {  	_ =	strace s1  }
0x92: {  	s1 =	sld [smem:$0x3FFD];
	_ =	sdelay $0x3  }
0x93: {  	_ =	strace s1  }
0x94: {  	_ =	strace $0x8FFFFFFF  }
0x95: {  	s17 =	sld [smem:$0x3FDB];
	_ =	sdelay $0x1  }
0x96: {  	s2 =	simm.s32 $_scs_section_size  }
0x97: {  	s3 =	simm.s32 $_size__tile_overlayer_lowered;
	s4 =	simm.s32 $_tile_overlayer_lowered  }
0x98: {  	s20 =	simm.s32 $0x1BFF;
	s19 =	sshll.u32 s4, $0x1;
	s1 =	sadd.s32 s2, s17  }
0x99: {  	s5 =	simm.s32 $0x0;
	s18 =	sshll.u32 s3, $0x1;
	s3 =	sadd.s32 s19, s1  }
0x9a: {  	[timem:s5], [sflag:s20] =	dma.local [hbm:s3], s18  }
0x9b: {  	_ =	swait.ge [sflag:s20], s18  }
0x9c: {  	s2 =	ssub.s32 $0x0, s18;
	[sflag:s20] =	ssyncset.done $0x0  }
0x9d: {  	[sflag:s20] =	ssyncadd.s32 s2;
	_ =	sdelay $0x1  }
0x9e: {  	s21 =	simm.s32 $0x1B8B  }
0x9f: {  	_ =	swait.ge [sflag:s21], $0x1  }
0xa0: {  	[sflag:s21] =	ssyncset.done $0x0  }
0xa1: {  	s23 =	simm.s32 $0x1B8E;
	s22 =	sld [smem:$0x3FFE];
	[sflag:s21] =	ssyncadd.s32 $0xFFFFFFFF  }
0xa2: {  	s24 =	simm.s32 $execute0_lowered;
	[smem:$0x3FD2] =	sst s23  }
0xa3: {  	s3 =	sshll.u32 s24, $0x1;
	_ =	strace $0x8000004F;
	[dreg:$0x1] =	wrdreg $0xFFFFFFFF  }
0xa4: {  	s25 =	simm.s32 $_size_execute0_lowered;
	s1 =	sadd.s32 s1, s3;
	[dreg:$0x0] =	wrdreg $0x0  }
0xa5: {  	s3 =	sshll.u32 s25, $0x1;
	[dreg:$0x2] =	wrdreg s1  }
0xa6: {  	[dreg:$0x3] =	wrdreg s3  }
0xa7: {  	[dreg:$0x4] =	wrdreg $0xC0  }
0xa8: {  	_ =	task [dreg:s5], $0x5FFFF  }
0xa9: {  	[dreg:$0x1] =	wrdreg $0xFFFFFFFF  }
0xaa: {  	[dreg:$0x0] =	wrdreg $0x60  }
0xab: {  	[dreg:$0x2] =	wrdreg s22  }
0xac: {  	[dreg:$0x3] =	wrdreg s0  }
0xad: {  	[dreg:$0x4] =	wrdreg $0x9  }
0xae: {  	_ =	task.clear_ibuf [dreg:s5], $0x5FFFF;
	_ =	strace $0x9000004F  }
0xaf: {  	s26 =	simm.s32 $0x9;
	_ =	strace $0x80000051  }
0xb0: {  	_ =	swait.ge [sflag:s26], $0x1  }
0xb1: {  	[sflag:s26] =	ssyncadd.s32 $0xFFFFFFFF  }
0xb2: {  	_ =	strace $0x90000051  }
0xb3: {  	_ =	sfence  }
0xb4: {  	s28 =	sld [smem:$0x0];
	_ =	sdelay $0x1  }
0xb5: {  	s29 =	srdreg.scid  }
0xb6: {  	s30 =	sshll.u32 s29, $0xD;
	s31 =	sshrl.u32 s29, $0x2  }
0xb7: {  	s2 =	sand.u32 $0x4000, s30;
	s1 =	sand.u32 $0x1, s29;
	s0 =	sadd.s32 s31, s28  }
0xb8: {  	s1 =	sor.u32 s2, s1;
	s0 =	sshll.u32 s0, $0x11  }
0xb9: {  	s0 =	sor.u32 s0, s1  }
0xba: {  	s0 =	sadd.s32 $0x8F2B, s0  }
0xbb: {  	[sflag:s0] =	ssyncadd.remote.s32 $0x1  }
0xbc: {  	_ =	sfence.sel $0xFFFF  }
0xbd: {  	[dreg:$0x0] =	wrdreg $0xFFFFFFFF;
	(pc) =	sbr.abs _section_cstart, $3  }
0xbe: {  	[dreg:$0x1] =	wrdreg $0xFFFFFFFF  }
0xbf: {  	_ =	task.clear_ibuf [dreg:s5], $0x2FFFF;
	_ =	strace $0x9FFFFFFF  }
0xc0: {  	(tm) =	ssettm $0x7FFFFFFF  }
0xc1: {  	_ =	shalt  }
tec
execute0_lowered:
.L_overlay_start_1:
0x0: {  	(tag) =	ssettag $0x1  }
0x1: {  	s1 =	rddreg [dreg:$0x0]  }
0x2: {  	s2 =	rddreg [dreg:$0x1];
	_ =	strace $0x80000050;
	s3 =	simm.s32 $0x1  }
0x3: {  	v0 =	vimm.s32 $0x0;
	[sflag:s3] =	ssyncpa.u1 $0x0  }
0x4: {  	[tilespmem:$0x48] =	vst v0  }
0x5: {  	[tilespmem:$0x58] =	vst v0  }
0x6: {  	[tilespmem:$0x68] =	vst v0  }
0x7: {  	[tilespmem:$0x78] =	vst v0  }
0x8: {  	[tilespmem:$0x88] =	vst v0  }
0x9: {  	[tilespmem:$0x98] =	vst v0  }
0xa: {  	[tilespmem:$0xA8] =	vst v0  }
0xb: {  	[tilespmem:$0xB8] =	vst v0  }
0xc: {  	[tilespmem:$0xC8] =	vst v0  }
0xd: {  	[tilespmem:$0xD8] =	vst v0  }
0xe: {  	[tilespmem:$0xE8] =	vst v0  }
0xf: {  	[tilespmem:$0xF8] =	vst v0  }
0x10: {  	[tilespmem:$0x108] =	vst v0  }
0x11: {  	[tilespmem:$0x118] =	vst v0  }
0x12: {  	[tilespmem:$0x128] =	vst v0  }
0x13: {  	[tilespmem:$0x138] =	vst v0  }
0x14: {  	[tilespmem:$0x148] =	vst v0  }
0x15: {  	[tilespmem:$0x158] =	vst v0  }
0x16: {  	[tilespmem:$0x168] =	vst v0  }
0x17: {  	[tilespmem:$0x178] =	vst v0  }
0x18: {  	[tilespmem:$0x188] =	vst v0  }
0x19: {  	[tilespmem:$0x198] =	vst v0  }
0x1a: {  	[tilespmem:$0x1A8] =	vst v0  }
0x1b: {  	[tilespmem:$0x1B8] =	vst v0  }
0x1c: {  	[tilespmem:$0x1C8] =	vst v0  }
0x1d: {  	[tilespmem:$0x1D8] =	vst v0  }
0x1e: {  	[tilespmem:$0x1E8] =	vst v0  }
0x1f: {  	[tilespmem:$0x1F8] =	vst v0  }
0x20: {  	[tilespmem:$0x208] =	vst v0  }
0x21: {  	[tilespmem:$0x218] =	vst v0  }
0x22: {  	[tilespmem:$0x228] =	vst v0  }
0x23: {  	[tilespmem:$0x238] =	vst v0  }
0x24: {  	[tilespmem:$0x248] =	vst v0  }
0x25: {  	[tilespmem:$0x258] =	vst v0  }
0x26: {  	[tilespmem:$0x268] =	vst v0  }
0x27: {  	[tilespmem:$0x278] =	vst v0  }
0x28: {  	[tilespmem:$0x288] =	vst v0  }
0x29: {  	[tilespmem:$0x298] =	vst v0  }
0x2a: {  	[tilespmem:$0x2A8] =	vst v0  }
0x2b: {  	[tilespmem:$0x2B8] =	vst v0  }
0x2c: {  	[tilespmem:$0x2C8] =	vst v0  }
0x2d: {  	[tilespmem:$0x2D8] =	vst v0  }
0x2e: {  	[tilespmem:$0x2E8] =	vst v0  }
0x2f: {  	[tilespmem:$0x2F8] =	vst v0  }
0x30: {  	[tilespmem:$0x308] =	vst v0  }
0x31: {  	[tilespmem:$0x318] =	vst v0  }
0x32: {  	[tilespmem:$0x328] =	vst v0  }
0x33: {  	[tilespmem:$0x338] =	vst v0  }
0x34: {  	[tilespmem:$0x348] =	vst v0  }
0x35: {  	[tilespmem:$0x358] =	vst v0  }
0x36: {  	[tilespmem:$0x368] =	vst v0  }
0x37: {  	[tilespmem:$0x378] =	vst v0  }
0x38: {  	[tilespmem:$0x388] =	vst v0  }
0x39: {  	[tilespmem:$0x398] =	vst v0  }
0x3a: {  	[tilespmem:$0x3A8] =	vst v0  }
0x3b: {  	[tilespmem:$0x3B8] =	vst v0  }
0x3c: {  	[tilespmem:$0x3C8] =	vst v0  }
0x3d: {  	[tilespmem:$0x3D8] =	vst v0  }
0x3e: {  	[tilespmem:$0x3E8] =	vst v0  }
0x3f: {  	[tilespmem:$0x3F8] =	vst v0  }
0x40: {  	[tilespmem:$0x408] =	vst v0  }
0x41: {  	[tilespmem:$0x418] =	vst v0  }
0x42: {  	[tilespmem:$0x428] =	vst v0  }
0x43: {  	[tilespmem:$0x438] =	vst v0  }
0x44: {  	[tilespmem:$0x448] =	vst v0  }
0x45: {  	[tilespmem:$0x458] =	vst v0  }
0x46: {  	[tilespmem:$0x468] =	vst v0  }
0x47: {  	[tilespmem:$0x478] =	vst v0  }
0x48: {  	[tilespmem:$0x488] =	vst v0  }
0x49: {  	[tilespmem:$0x498] =	vst v0  }
0x4a: {  	[tilespmem:$0x4A8] =	vst v0  }
0x4b: {  	[tilespmem:$0x4B8] =	vst v0  }
0x4c: {  	[tilespmem:$0x4C8] =	vst v0  }
0x4d: {  	[tilespmem:$0x4D8] =	vst v0  }
0x4e: {  	[tilespmem:$0x4E8] =	vst v0  }
0x4f: {  	[tilespmem:$0x4F8] =	vst v0  }
0x50: {  	[tilespmem:$0x508] =	vst v0  }
0x51: {  	[tilespmem:$0x518] =	vst v0  }
0x52: {  	[tilespmem:$0x528] =	vst v0  }
0x53: {  	[tilespmem:$0x538] =	vst v0  }
0x54: {  	[tilespmem:$0x548] =	vst v0  }
0x55: {  	[tilespmem:$0x558] =	vst v0  }
0x56: {  	[tilespmem:$0x568] =	vst v0  }
0x57: {  	[tilespmem:$0x578] =	vst v0  }
0x58: {  	[tilespmem:$0x588] =	vst v0  }
0x59: {  	[tilespmem:$0x598] =	vst v0  }
0x5a: {  	[tilespmem:$0x5A8] =	vst v0  }
0x5b: {  	[tilespmem:$0x5B8] =	vst v0  }
0x5c: {  	[tilespmem:$0x5C8] =	vst v0  }
0x5d: {  	[tilespmem:$0x5D8] =	vst v0  }
0x5e: {  	[tilespmem:$0x5E8] =	vst v0  }
0x5f: {  	[tilespmem:$0x5F8] =	vst v0  }
0x60: {  	[tilespmem:$0x608] =	vst v0  }
0x61: {  	[tilespmem:$0x618] =	vst v0  }
0x62: {  	[tilespmem:$0x628] =	vst v0  }
0x63: {  	[tilespmem:$0x638] =	vst v0  }
0x64: {  	[tilespmem:$0x648] =	vst v0  }
0x65: {  	[tilespmem:$0x658] =	vst v0  }
0x66: {  	[tilespmem:$0x668] =	vst v0  }
0x67: {  	[tilespmem:$0x678] =	vst v0  }
0x68: {  	[tilespmem:$0x688] =	vst v0  }
0x69: {  	[tilespmem:$0x698] =	vst v0  }
0x6a: {  	[tilespmem:$0x6A8] =	vst v0  }
0x6b: {  	[tilespmem:$0x6B8] =	vst v0  }
0x6c: {  	[tilespmem:$0x6C8] =	vst v0  }
0x6d: {  	[tilespmem:$0x6D8] =	vst v0  }
0x6e: {  	[tilespmem:$0x6E8] =	vst v0  }
0x6f: {  	[tilespmem:$0x6F8] =	vst v0  }
0x70: {  	[tilespmem:$0x708] =	vst v0  }
0x71: {  	[tilespmem:$0x718] =	vst v0  }
0x72: {  	[tilespmem:$0x728] =	vst v0  }
0x73: {  	[tilespmem:$0x738] =	vst v0  }
0x74: {  	[tilespmem:$0x748] =	vst v0  }
0x75: {  	[tilespmem:$0x758] =	vst v0  }
0x76: {  	[tilespmem:$0x768] =	vst v0  }
0x77: {  	[tilespmem:$0x778] =	vst v0  }
0x78: {  	[tilespmem:$0x788] =	vst v0  }
0x79: {  	[tilespmem:$0x798] =	vst v0  }
0x7a: {  	[tilespmem:$0x7A8] =	vst v0  }
0x7b: {  	[tilespmem:$0x7B8] =	vst v0  }
0x7c: {  	[tilespmem:$0x7C8] =	vst v0  }
0x7d: {  	[tilespmem:$0x7D8] =	vst v0  }
0x7e: {  	[tilespmem:$0x7E8] =	vst v0  }
0x7f: {  	[tilespmem:$0x7F8] =	vst v0  }
0x80: {  	[tilespmem:$0x808] =	vst v0  }
0x81: {  	[tilespmem:$0x818] =	vst v0  }
0x82: {  	[tilespmem:$0x828] =	vst v0  }
0x83: {  	[tilespmem:$0x838] =	vst v0  }
0x84: {  	[tilespmem:$0x848] =	vst v0  }
0x85: {  	[tilespmem:$0x858] =	vst v0  }
0x86: {  	[tilespmem:$0x868] =	vst v0  }
0x87: {  	[tilespmem:$0x878] =	vst v0  }
0x88: {  	[tilespmem:$0x888] =	vst v0  }
0x89: {  	[tilespmem:$0x898] =	vst v0  }
0x8a: {  	[tilespmem:$0x8A8] =	vst v0  }
0x8b: {  	[tilespmem:$0x8B8] =	vst v0  }
0x8c: {  	[tilespmem:$0x8C8] =	vst v0  }
0x8d: {  	[tilespmem:$0x8D8] =	vst v0  }
0x8e: {  	[tilespmem:$0x8E8] =	vst v0  }
0x8f: {  	[tilespmem:$0x8F8] =	vst v0  }
0x90: {  	[tilespmem:$0x908] =	vst v0  }
0x91: {  	[tilespmem:$0x918] =	vst v0  }
0x92: {  	[tilespmem:$0x928] =	vst v0  }
0x93: {  	[tilespmem:$0x938] =	vst v0  }
0x94: {  	[tilespmem:$0x948] =	vst v0  }
0x95: {  	[tilespmem:$0x958] =	vst v0  }
0x96: {  	[tilespmem:$0x968] =	vst v0  }
0x97: {  	[tilespmem:$0x978] =	vst v0  }
0x98: {  	[tilespmem:$0x988] =	vst v0  }
0x99: {  	[tilespmem:$0x998] =	vst v0  }
0x9a: {  	[tilespmem:$0x9A8] =	vst v0  }
0x9b: {  	[tilespmem:$0x9B8] =	vst v0  }
0x9c: {  	[tilespmem:$0x9C8] =	vst v0  }
0x9d: {  	[tilespmem:$0x9D8] =	vst v0  }
0x9e: {  	[tilespmem:$0x9E8] =	vst v0  }
0x9f: {  	[tilespmem:$0x9F8] =	vst v0  }
0xa0: {  	[tilespmem:$0xA08] =	vst v0  }
0xa1: {  	[tilespmem:$0xA18] =	vst v0  }
0xa2: {  	[tilespmem:$0xA28] =	vst v0  }
0xa3: {  	[tilespmem:$0xA38] =	vst v0  }
0xa4: {  	[tilespmem:$0xA48] =	vst v0  }
0xa5: {  	[tilespmem:$0xA58] =	vst v0  }
0xa6: {  	[tilespmem:$0xA68] =	vst v0  }
0xa7: {  	[tilespmem:$0xA78] =	vst v0  }
0xa8: {  	[tilespmem:$0xA88] =	vst v0  }
0xa9: {  	[tilespmem:$0xA98] =	vst v0  }
0xaa: {  	[tilespmem:$0xAA8] =	vst v0  }
0xab: {  	[tilespmem:$0xAB8] =	vst v0  }
0xac: {  	[tilespmem:$0xAC8] =	vst v0  }
0xad: {  	[tilespmem:$0xAD8] =	vst v0  }
0xae: {  	[tilespmem:$0xAE8] =	vst v0  }
0xaf: {  	[tilespmem:$0xAF8] =	vst v0  }
0xb0: {  	[tilespmem:$0xB08] =	vst v0  }
0xb1: {  	[tilespmem:$0xB18] =	vst v0  }
0xb2: {  	[tilespmem:$0xB28] =	vst v0  }
0xb3: {  	[tilespmem:$0xB38] =	vst v0  }
0xb4: {  	[tilespmem:$0xB48] =	vst v0  }
0xb5: {  	[tilespmem:$0xB58] =	vst v0  }
0xb6: {  	[tilespmem:$0xB68] =	vst v0  }
0xb7: {  	[tilespmem:$0xB78] =	vst v0  }
0xb8: {  	[tilespmem:$0xB88] =	vst v0  }
0xb9: {  	[tilespmem:$0xB98] =	vst v0  }
0xba: {  	[tilespmem:$0xBA8] =	vst v0  }
0xbb: {  	[tilespmem:$0xBB8] =	vst v0  }
0xbc: {  	[tilespmem:$0xBC8] =	vst v0  }
0xbd: {  	[tilespmem:$0xBD8] =	vst v0  }
0xbe: {  	[tilespmem:$0xBE8] =	vst v0  }
0xbf: {  	[tilespmem:$0xBF8] =	vst v0  }
0xc0: {  	[tilespmem:$0xC08] =	vst v0  }
0xc1: {  	[tilespmem:$0xC18] =	vst v0  }
0xc2: {  	[tilespmem:$0xC28] =	vst v0  }
0xc3: {  	[tilespmem:$0xC38] =	vst v0  }
0xc4: {  	[tilespmem:$0xC48] =	vst v0  }
0xc5: {  	[tilespmem:$0xC58] =	vst v0  }
0xc6: {  	[tilespmem:$0xC68] =	vst v0  }
0xc7: {  	[tilespmem:$0xC78] =	vst v0  }
0xc8: {  	[tilespmem:$0xC88] =	vst v0  }
0xc9: {  	[tilespmem:$0xC98] =	vst v0  }
0xca: {  	[tilespmem:$0xCA8] =	vst v0  }
0xcb: {  	[tilespmem:$0xCB8] =	vst v0  }
0xcc: {  	[tilespmem:$0xCC8] =	vst v0  }
0xcd: {  	[tilespmem:$0xCD8] =	vst v0  }
0xce: {  	[tilespmem:$0xCE8] =	vst v0  }
0xcf: {  	[tilespmem:$0xCF8] =	vst v0  }
0xd0: {  	[tilespmem:$0xD08] =	vst v0  }
0xd1: {  	[tilespmem:$0xD18] =	vst v0  }
0xd2: {  	[tilespmem:$0xD28] =	vst v0  }
0xd3: {  	[tilespmem:$0xD38] =	vst v0  }
0xd4: {  	[tilespmem:$0xD48] =	vst v0  }
0xd5: {  	[tilespmem:$0xD58] =	vst v0  }
0xd6: {  	[tilespmem:$0xD68] =	vst v0  }
0xd7: {  	[tilespmem:$0xD78] =	vst v0  }
0xd8: {  	[tilespmem:$0xD88] =	vst v0  }
0xd9: {  	[tilespmem:$0xD98] =	vst v0  }
0xda: {  	[tilespmem:$0xDA8] =	vst v0  }
0xdb: {  	[tilespmem:$0xDB8] =	vst v0  }
0xdc: {  	[tilespmem:$0xDC8] =	vst v0  }
0xdd: {  	[tilespmem:$0xDD8] =	vst v0  }
0xde: {  	[tilespmem:$0xDE8] =	vst v0  }
0xdf: {  	[tilespmem:$0xDF8] =	vst v0  }
0xe0: {  	[tilespmem:$0xE08] =	vst v0  }
0xe1: {  	[tilespmem:$0xE18] =	vst v0  }
0xe2: {  	[tilespmem:$0xE28] =	vst v0  }
0xe3: {  	[tilespmem:$0xE38] =	vst v0  }
0xe4: {  	[tilespmem:$0xE48] =	vst v0  }
0xe5: {  	[tilespmem:$0xE58] =	vst v0  }
0xe6: {  	[tilespmem:$0xE68] =	vst v0  }
0xe7: {  	[tilespmem:$0xE78] =	vst v0  }
0xe8: {  	[tilespmem:$0xE88] =	vst v0  }
0xe9: {  	[tilespmem:$0xE98] =	vst v0  }
0xea: {  	[tilespmem:$0xEA8] =	vst v0  }
0xeb: {  	[tilespmem:$0xEB8] =	vst v0  }
0xec: {  	[tilespmem:$0xEC8] =	vst v0  }
0xed: {  	[tilespmem:$0xED8] =	vst v0  }
0xee: {  	[tilespmem:$0xEE8] =	vst v0  }
0xef: {  	[tilespmem:$0xEF8] =	vst v0  }
0xf0: {  	[tilespmem:$0xF08] =	vst v0  }
0xf1: {  	[tilespmem:$0xF18] =	vst v0  }
0xf2: {  	[tilespmem:$0xF28] =	vst v0  }
0xf3: {  	[tilespmem:$0xF38] =	vst v0  }
0xf4: {  	[tilespmem:$0xF48] =	vst v0  }
0xf5: {  	[tilespmem:$0xF58] =	vst v0  }
0xf6: {  	[tilespmem:$0xF68] =	vst v0  }
0xf7: {  	[tilespmem:$0xF78] =	vst v0  }
0xf8: {  	[tilespmem:$0xF88] =	vst v0  }
0xf9: {  	[tilespmem:$0xF98] =	vst v0  }
0xfa: {  	[tilespmem:$0xFA8] =	vst v0  }
0xfb: {  	[tilespmem:$0xFB8] =	vst v0  }
0xfc: {  	[tilespmem:$0xFC8] =	vst v0  }
0xfd: {  	[tilespmem:$0xFD8] =	vst v0  }
0xfe: {  	[tilespmem:$0xFE8] =	vst v0  }
0xff: {  	[tilespmem:$0xFF8] =	vst v0  }
0x100: {  	[tilespmem:$0x1008] =	vst v0  }
0x101: {  	[tilespmem:$0x1018] =	vst v0  }
0x102: {  	[tilespmem:$0x1028] =	vst v0  }
0x103: {  	[tilespmem:$0x1038] =	vst v0  }
0x104: {  	[tilespmem:$0x1048] =	vst v0  }
0x105: {  	[tilespmem:$0x1058] =	vst v0  }
0x106: {  	[tilespmem:$0x1068] =	vst v0  }
0x107: {  	[tilespmem:$0x1078] =	vst v0  }
0x108: {  	[tilespmem:$0x1088] =	vst v0  }
0x109: {  	[tilespmem:$0x1098] =	vst v0  }
0x10a: {  	[tilespmem:$0x10A8] =	vst v0  }
0x10b: {  	[tilespmem:$0x10B8] =	vst v0  }
0x10c: {  	[tilespmem:$0x10C8] =	vst v0  }
0x10d: {  	[tilespmem:$0x10D8] =	vst v0  }
0x10e: {  	[tilespmem:$0x10E8] =	vst v0  }
0x10f: {  	[tilespmem:$0x10F8] =	vst v0  }
0x110: {  	[tilespmem:$0x1108] =	vst v0  }
0x111: {  	[tilespmem:$0x1118] =	vst v0  }
0x112: {  	[tilespmem:$0x1128] =	vst v0  }
0x113: {  	[tilespmem:$0x1138] =	vst v0  }
0x114: {  	[tilespmem:$0x1148] =	vst v0  }
0x115: {  	[tilespmem:$0x1158] =	vst v0  }
0x116: {  	[tilespmem:$0x1168] =	vst v0  }
0x117: {  	[tilespmem:$0x1178] =	vst v0  }
0x118: {  	[tilespmem:$0x1188] =	vst v0  }
0x119: {  	[tilespmem:$0x1198] =	vst v0  }
0x11a: {  	[tilespmem:$0x11A8] =	vst v0  }
0x11b: {  	[tilespmem:$0x11B8] =	vst v0  }
0x11c: {  	[tilespmem:$0x11C8] =	vst v0  }
0x11d: {  	[tilespmem:$0x11D8] =	vst v0  }
0x11e: {  	[tilespmem:$0x11E8] =	vst v0  }
0x11f: {  	[tilespmem:$0x11F8] =	vst v0  }
0x120: {  	[tilespmem:$0x1208] =	vst v0  }
0x121: {  	[tilespmem:$0x1218] =	vst v0  }
0x122: {  	[tilespmem:$0x1228] =	vst v0  }
0x123: {  	[tilespmem:$0x1238] =	vst v0  }
0x124: {  	[tilespmem:$0x1248] =	vst v0  }
0x125: {  	[tilespmem:$0x1258] =	vst v0  }
0x126: {  	[tilespmem:$0x1268] =	vst v0  }
0x127: {  	[tilespmem:$0x1278] =	vst v0  }
0x128: {  	[tilespmem:$0x1288] =	vst v0  }
0x129: {  	[tilespmem:$0x1298] =	vst v0  }
0x12a: {  	[tilespmem:$0x12A8] =	vst v0  }
0x12b: {  	[tilespmem:$0x12B8] =	vst v0  }
0x12c: {  	[tilespmem:$0x12C8] =	vst v0  }
0x12d: {  	[tilespmem:$0x12D8] =	vst v0  }
0x12e: {  	[tilespmem:$0x12E8] =	vst v0  }
0x12f: {  	[tilespmem:$0x12F8] =	vst v0  }
0x130: {  	[tilespmem:$0x1308] =	vst v0  }
0x131: {  	[tilespmem:$0x1318] =	vst v0  }
0x132: {  	[tilespmem:$0x1328] =	vst v0  }
0x133: {  	[tilespmem:$0x1338] =	vst v0  }
0x134: {  	[tilespmem:$0x1348] =	vst v0  }
0x135: {  	[tilespmem:$0x1358] =	vst v0  }
0x136: {  	[tilespmem:$0x1368] =	vst v0  }
0x137: {  	[tilespmem:$0x1378] =	vst v0  }
0x138: {  	[tilespmem:$0x1388] =	vst v0  }
0x139: {  	[tilespmem:$0x1398] =	vst v0  }
0x13a: {  	[tilespmem:$0x13A8] =	vst v0  }
0x13b: {  	[tilespmem:$0x13B8] =	vst v0  }
0x13c: {  	[tilespmem:$0x13C8] =	vst v0  }
0x13d: {  	[tilespmem:$0x13D8] =	vst v0  }
0x13e: {  	[tilespmem:$0x13E8] =	vst v0  }
0x13f: {  	[tilespmem:$0x13F8] =	vst v0  }
0x140: {  	[tilespmem:$0x1408] =	vst v0  }
0x141: {  	[tilespmem:$0x1418] =	vst v0  }
0x142: {  	[tilespmem:$0x1428] =	vst v0  }
0x143: {  	[tilespmem:$0x1438] =	vst v0  }
0x144: {  	[tilespmem:$0x1448] =	vst v0  }
0x145: {  	[tilespmem:$0x1458] =	vst v0  }
0x146: {  	[tilespmem:$0x1468] =	vst v0  }
0x147: {  	[tilespmem:$0x1478] =	vst v0  }
0x148: {  	[tilespmem:$0x1488] =	vst v0  }
0x149: {  	[tilespmem:$0x1498] =	vst v0  }
0x14a: {  	[tilespmem:$0x14A8] =	vst v0  }
0x14b: {  	[tilespmem:$0x14B8] =	vst v0  }
0x14c: {  	[tilespmem:$0x14C8] =	vst v0  }
0x14d: {  	[tilespmem:$0x14D8] =	vst v0  }
0x14e: {  	[tilespmem:$0x14E8] =	vst v0  }
0x14f: {  	[tilespmem:$0x14F8] =	vst v0  }
0x150: {  	[tilespmem:$0x1508] =	vst v0  }
0x151: {  	[tilespmem:$0x1518] =	vst v0  }
0x152: {  	[tilespmem:$0x1528] =	vst v0  }
0x153: {  	[tilespmem:$0x1538] =	vst v0  }
0x154: {  	[tilespmem:$0x1548] =	vst v0  }
0x155: {  	[tilespmem:$0x1558] =	vst v0  }
0x156: {  	[tilespmem:$0x1568] =	vst v0  }
0x157: {  	[tilespmem:$0x1578] =	vst v0  }
0x158: {  	[tilespmem:$0x1588] =	vst v0  }
0x159: {  	[tilespmem:$0x1598] =	vst v0  }
0x15a: {  	[tilespmem:$0x15A8] =	vst v0  }
0x15b: {  	[tilespmem:$0x15B8] =	vst v0  }
0x15c: {  	[tilespmem:$0x15C8] =	vst v0  }
0x15d: {  	[tilespmem:$0x15D8] =	vst v0  }
0x15e: {  	[tilespmem:$0x15E8] =	vst v0  }
0x15f: {  	[tilespmem:$0x15F8] =	vst v0  }
0x160: {  	[tilespmem:$0x1608] =	vst v0  }
0x161: {  	[tilespmem:$0x1618] =	vst v0  }
0x162: {  	[tilespmem:$0x1628] =	vst v0  }
0x163: {  	[tilespmem:$0x1638] =	vst v0  }
0x164: {  	[tilespmem:$0x1648] =	vst v0  }
0x165: {  	[tilespmem:$0x1658] =	vst v0  }
0x166: {  	[tilespmem:$0x1668] =	vst v0  }
0x167: {  	[tilespmem:$0x1678] =	vst v0  }
0x168: {  	[tilespmem:$0x1688] =	vst v0  }
0x169: {  	[tilespmem:$0x1698] =	vst v0  }
0x16a: {  	[tilespmem:$0x16A8] =	vst v0  }
0x16b: {  	[tilespmem:$0x16B8] =	vst v0  }
0x16c: {  	[tilespmem:$0x16C8] =	vst v0  }
0x16d: {  	[tilespmem:$0x16D8] =	vst v0  }
0x16e: {  	[tilespmem:$0x16E8] =	vst v0  }
0x16f: {  	[tilespmem:$0x16F8] =	vst v0  }
0x170: {  	[tilespmem:$0x1708] =	vst v0  }
0x171: {  	[tilespmem:$0x1718] =	vst v0  }
0x172: {  	[tilespmem:$0x1728] =	vst v0  }
0x173: {  	[tilespmem:$0x1738] =	vst v0  }
0x174: {  	[tilespmem:$0x1748] =	vst v0  }
0x175: {  	[tilespmem:$0x1758] =	vst v0  }
0x176: {  	[tilespmem:$0x1768] =	vst v0  }
0x177: {  	[tilespmem:$0x1778] =	vst v0  }
0x178: {  	[tilespmem:$0x1788] =	vst v0  }
0x179: {  	[tilespmem:$0x1798] =	vst v0  }
0x17a: {  	[tilespmem:$0x17A8] =	vst v0  }
0x17b: {  	[tilespmem:$0x17B8] =	vst v0  }
0x17c: {  	[tilespmem:$0x17C8] =	vst v0  }
0x17d: {  	[tilespmem:$0x17D8] =	vst v0  }
0x17e: {  	[tilespmem:$0x17E8] =	vst v0  }
0x17f: {  	[tilespmem:$0x17F8] =	vst v0  }
0x180: {  	[tilespmem:$0x1808] =	vst v0  }
0x181: {  	[tilespmem:$0x1818] =	vst v0  }
0x182: {  	[tilespmem:$0x1828] =	vst v0  }
0x183: {  	[tilespmem:$0x1838] =	vst v0  }
0x184: {  	[tilespmem:$0x1848] =	vst v0  }
0x185: {  	[tilespmem:$0x1858] =	vst v0  }
0x186: {  	[tilespmem:$0x1868] =	vst v0  }
0x187: {  	[tilespmem:$0x1878] =	vst v0  }
0x188: {  	[tilespmem:$0x1888] =	vst v0  }
0x189: {  	[tilespmem:$0x1898] =	vst v0  }
0x18a: {  	[tilespmem:$0x18A8] =	vst v0  }
0x18b: {  	[tilespmem:$0x18B8] =	vst v0  }
0x18c: {  	[tilespmem:$0x18C8] =	vst v0  }
0x18d: {  	[tilespmem:$0x18D8] =	vst v0  }
0x18e: {  	[tilespmem:$0x18E8] =	vst v0  }
0x18f: {  	[tilespmem:$0x18F8] =	vst v0  }
0x190: {  	[tilespmem:$0x1908] =	vst v0  }
0x191: {  	[tilespmem:$0x1918] =	vst v0  }
0x192: {  	[tilespmem:$0x1928] =	vst v0  }
0x193: {  	[tilespmem:$0x1938] =	vst v0  }
0x194: {  	[tilespmem:$0x1948] =	vst v0  }
0x195: {  	[tilespmem:$0x1958] =	vst v0  }
0x196: {  	[tilespmem:$0x1968] =	vst v0  }
0x197: {  	[tilespmem:$0x1978] =	vst v0  }
0x198: {  	[tilespmem:$0x1988] =	vst v0  }
0x199: {  	[tilespmem:$0x1998] =	vst v0  }
0x19a: {  	[tilespmem:$0x19A8] =	vst v0  }
0x19b: {  	[tilespmem:$0x19B8] =	vst v0  }
0x19c: {  	[tilespmem:$0x19C8] =	vst v0  }
0x19d: {  	[tilespmem:$0x19D8] =	vst v0  }
0x19e: {  	[tilespmem:$0x19E8] =	vst v0  }
0x19f: {  	[tilespmem:$0x19F8] =	vst v0  }
0x1a0: {  	[tilespmem:$0x1A08] =	vst v0  }
0x1a1: {  	[tilespmem:$0x1A18] =	vst v0  }
0x1a2: {  	[tilespmem:$0x1A28] =	vst v0  }
0x1a3: {  	[tilespmem:$0x1A38] =	vst v0  }
0x1a4: {  	[tilespmem:$0x1A48] =	vst v0  }
0x1a5: {  	[tilespmem:$0x1A58] =	vst v0  }
0x1a6: {  	[tilespmem:$0x1A68] =	vst v0  }
0x1a7: {  	[tilespmem:$0x1A78] =	vst v0  }
0x1a8: {  	[tilespmem:$0x1A88] =	vst v0  }
0x1a9: {  	[tilespmem:$0x1A98] =	vst v0  }
0x1aa: {  	[tilespmem:$0x1AA8] =	vst v0  }
0x1ab: {  	[tilespmem:$0x1AB8] =	vst v0  }
0x1ac: {  	[tilespmem:$0x1AC8] =	vst v0  }
0x1ad: {  	[tilespmem:$0x1AD8] =	vst v0  }
0x1ae: {  	[tilespmem:$0x1AE8] =	vst v0  }
0x1af: {  	[tilespmem:$0x1AF8] =	vst v0  }
0x1b0: {  	[tilespmem:$0x1B08] =	vst v0  }
0x1b1: {  	[tilespmem:$0x1B18] =	vst v0  }
0x1b2: {  	[tilespmem:$0x1B28] =	vst v0  }
0x1b3: {  	[tilespmem:$0x1B38] =	vst v0  }
0x1b4: {  	[tilespmem:$0x1B48] =	vst v0  }
0x1b5: {  	[tilespmem:$0x1B58] =	vst v0  }
0x1b6: {  	[tilespmem:$0x1B68] =	vst v0  }
0x1b7: {  	[tilespmem:$0x1B78] =	vst v0  }
0x1b8: {  	[tilespmem:$0x1B88] =	vst v0  }
0x1b9: {  	[tilespmem:$0x1B98] =	vst v0  }
0x1ba: {  	[tilespmem:$0x1BA8] =	vst v0  }
0x1bb: {  	[tilespmem:$0x1BB8] =	vst v0  }
0x1bc: {  	[tilespmem:$0x1BC8] =	vst v0  }
0x1bd: {  	[tilespmem:$0x1BD8] =	vst v0  }
0x1be: {  	[tilespmem:$0x1BE8] =	vst v0  }
0x1bf: {  	[tilespmem:$0x1BF8] =	vst v0  }
0x1c0: {  	[tilespmem:$0x1C08] =	vst v0  }
0x1c1: {  	[tilespmem:$0x1C18] =	vst v0  }
0x1c2: {  	[tilespmem:$0x1C28] =	vst v0  }
0x1c3: {  	[tilespmem:$0x1C38] =	vst v0  }
0x1c4: {  	[tilespmem:$0x1C48] =	vst v0  }
0x1c5: {  	[tilespmem:$0x1C58] =	vst v0  }
0x1c6: {  	[tilespmem:$0x1C68] =	vst v0  }
0x1c7: {  	[tilespmem:$0x1C78] =	vst v0  }
0x1c8: {  	[tilespmem:$0x1C88] =	vst v0  }
0x1c9: {  	[tilespmem:$0x1C98] =	vst v0  }
0x1ca: {  	[tilespmem:$0x1CA8] =	vst v0  }
0x1cb: {  	[tilespmem:$0x1CB8] =	vst v0  }
0x1cc: {  	[tilespmem:$0x1CC8] =	vst v0  }
0x1cd: {  	[tilespmem:$0x1CD8] =	vst v0  }
0x1ce: {  	[tilespmem:$0x1CE8] =	vst v0  }
0x1cf: {  	[tilespmem:$0x1CF8] =	vst v0  }
0x1d0: {  	[tilespmem:$0x1D08] =	vst v0  }
0x1d1: {  	[tilespmem:$0x1D18] =	vst v0  }
0x1d2: {  	[tilespmem:$0x1D28] =	vst v0  }
0x1d3: {  	[tilespmem:$0x1D38] =	vst v0  }
0x1d4: {  	[tilespmem:$0x1D48] =	vst v0  }
0x1d5: {  	[tilespmem:$0x1D58] =	vst v0  }
0x1d6: {  	[tilespmem:$0x1D68] =	vst v0  }
0x1d7: {  	[tilespmem:$0x1D78] =	vst v0  }
0x1d8: {  	[tilespmem:$0x1D88] =	vst v0  }
0x1d9: {  	[tilespmem:$0x1D98] =	vst v0  }
0x1da: {  	[tilespmem:$0x1DA8] =	vst v0  }
0x1db: {  	[tilespmem:$0x1DB8] =	vst v0  }
0x1dc: {  	[tilespmem:$0x1DC8] =	vst v0  }
0x1dd: {  	[tilespmem:$0x1DD8] =	vst v0  }
0x1de: {  	[tilespmem:$0x1DE8] =	vst v0  }
0x1df: {  	[tilespmem:$0x1DF8] =	vst v0  }
0x1e0: {  	[tilespmem:$0x1E08] =	vst v0  }
0x1e1: {  	[tilespmem:$0x1E18] =	vst v0  }
0x1e2: {  	[tilespmem:$0x1E28] =	vst v0  }
0x1e3: {  	[tilespmem:$0x1E38] =	vst v0  }
0x1e4: {  	[tilespmem:$0x1E48] =	vst v0  }
0x1e5: {  	[tilespmem:$0x1E58] =	vst v0  }
0x1e6: {  	[tilespmem:$0x1E68] =	vst v0  }
0x1e7: {  	[tilespmem:$0x1E78] =	vst v0  }
0x1e8: {  	[tilespmem:$0x1E88] =	vst v0  }
0x1e9: {  	[tilespmem:$0x1E98] =	vst v0  }
0x1ea: {  	[tilespmem:$0x1EA8] =	vst v0  }
0x1eb: {  	[tilespmem:$0x1EB8] =	vst v0  }
0x1ec: {  	[tilespmem:$0x1EC8] =	vst v0  }
0x1ed: {  	[tilespmem:$0x1ED8] =	vst v0  }
0x1ee: {  	[tilespmem:$0x1EE8] =	vst v0  }
0x1ef: {  	[tilespmem:$0x1EF8] =	vst v0  }
0x1f0: {  	[tilespmem:$0x1F08] =	vst v0  }
0x1f1: {  	[tilespmem:$0x1F18] =	vst v0  }
0x1f2: {  	[tilespmem:$0x1F28] =	vst v0  }
0x1f3: {  	[tilespmem:$0x1F38] =	vst v0  }
0x1f4: {  	[tilespmem:$0x1F48] =	vst v0  }
0x1f5: {  	[tilespmem:$0x1F58] =	vst v0  }
0x1f6: {  	[tilespmem:$0x1F68] =	vst v0  }
0x1f7: {  	[tilespmem:$0x1F78] =	vst v0  }
0x1f8: {  	[tilespmem:$0x1F88] =	vst v0  }
0x1f9: {  	[tilespmem:$0x1F98] =	vst v0  }
0x1fa: {  	[tilespmem:$0x1FA8] =	vst v0  }
0x1fb: {  	[tilespmem:$0x1FB8] =	vst v0  }
0x1fc: {  	[tilespmem:$0x1FC8] =	vst v0  }
0x1fd: {  	[tilespmem:$0x1FD8] =	vst v0  }
0x1fe: {  	[tilespmem:$0x1FE8] =	vst v0  }
0x1ff: {  	[tilespmem:$0x1FF8] =	vst v0  }
0x200: {  	[tilespmem:$0x2008] =	vst v0  }
0x201: {  	[tilespmem:$0x2018] =	vst v0  }
0x202: {  	[tilespmem:$0x2028] =	vst v0  }
0x203: {  	[tilespmem:$0x2038] =	vst v0  }
0x204: {  	[tilespmem:$0x2048] =	vst v0  }
0x205: {  	[tilespmem:$0x2058] =	vst v0  }
0x206: {  	[tilespmem:$0x2068] =	vst v0  }
0x207: {  	[tilespmem:$0x2078] =	vst v0  }
0x208: {  	[tilespmem:$0x2088] =	vst v0  }
0x209: {  	[tilespmem:$0x2098] =	vst v0  }
0x20a: {  	[tilespmem:$0x20A8] =	vst v0  }
0x20b: {  	[tilespmem:$0x20B8] =	vst v0  }
0x20c: {  	[tilespmem:$0x20C8] =	vst v0  }
0x20d: {  	[tilespmem:$0x20D8] =	vst v0  }
0x20e: {  	[tilespmem:$0x20E8] =	vst v0  }
0x20f: {  	[tilespmem:$0x20F8] =	vst v0  }
0x210: {  	[tilespmem:$0x2108] =	vst v0  }
0x211: {  	[tilespmem:$0x2118] =	vst v0  }
0x212: {  	[tilespmem:$0x2128] =	vst v0  }
0x213: {  	[tilespmem:$0x2138] =	vst v0  }
0x214: {  	[tilespmem:$0x2148] =	vst v0  }
0x215: {  	[tilespmem:$0x2158] =	vst v0  }
0x216: {  	[tilespmem:$0x2168] =	vst v0  }
0x217: {  	[tilespmem:$0x2178] =	vst v0  }
0x218: {  	[tilespmem:$0x2188] =	vst v0  }
0x219: {  	[tilespmem:$0x2198] =	vst v0  }
0x21a: {  	[tilespmem:$0x21A8] =	vst v0  }
0x21b: {  	[tilespmem:$0x21B8] =	vst v0  }
0x21c: {  	[tilespmem:$0x21C8] =	vst v0  }
0x21d: {  	[tilespmem:$0x21D8] =	vst v0  }
0x21e: {  	[tilespmem:$0x21E8] =	vst v0  }
0x21f: {  	[tilespmem:$0x21F8] =	vst v0  }
0x220: {  	[tilespmem:$0x2208] =	vst v0  }
0x221: {  	[tilespmem:$0x2218] =	vst v0  }
0x222: {  	[tilespmem:$0x2228] =	vst v0  }
0x223: {  	[tilespmem:$0x2238] =	vst v0  }
0x224: {  	[tilespmem:$0x2248] =	vst v0  }
0x225: {  	[tilespmem:$0x2258] =	vst v0  }
0x226: {  	[tilespmem:$0x2268] =	vst v0  }
0x227: {  	[tilespmem:$0x2278] =	vst v0  }
0x228: {  	[tilespmem:$0x2288] =	vst v0  }
0x229: {  	[tilespmem:$0x2298] =	vst v0  }
0x22a: {  	[tilespmem:$0x22A8] =	vst v0  }
0x22b: {  	[tilespmem:$0x22B8] =	vst v0  }
0x22c: {  	[tilespmem:$0x22C8] =	vst v0  }
0x22d: {  	[tilespmem:$0x22D8] =	vst v0  }
0x22e: {  	[tilespmem:$0x22E8] =	vst v0  }
0x22f: {  	[tilespmem:$0x22F8] =	vst v0  }
0x230: {  	[tilespmem:$0x2308] =	vst v0  }
0x231: {  	[tilespmem:$0x2318] =	vst v0  }
0x232: {  	[tilespmem:$0x2328] =	vst v0  }
0x233: {  	[tilespmem:$0x2338] =	vst v0  }
0x234: {  	[tilespmem:$0x2348] =	vst v0  }
0x235: {  	[tilespmem:$0x2358] =	vst v0  }
0x236: {  	[tilespmem:$0x2438] =	vst v0  }
0x237: {  	[tilespmem:$0x3258] =	vst v0  }
0x238: {  	[tilespmem:$0x3248] =	vst v0  }
0x239: {  	[tilespmem:$0x3238] =	vst v0  }
0x23a: {  	[tilespmem:$0x3228] =	vst v0  }
0x23b: {  	[tilespmem:$0x3218] =	vst v0  }
0x23c: {  	[tilespmem:$0x3208] =	vst v0  }
0x23d: {  	[tilespmem:$0x31F8] =	vst v0  }
0x23e: {  	[tilespmem:$0x31E8] =	vst v0  }
0x23f: {  	[tilespmem:$0x31D8] =	vst v0  }
0x240: {  	[tilespmem:$0x31C8] =	vst v0  }
0x241: {  	[tilespmem:$0x31B8] =	vst v0  }
0x242: {  	[tilespmem:$0x31A8] =	vst v0  }
0x243: {  	[tilespmem:$0x3198] =	vst v0  }
0x244: {  	[tilespmem:$0x3188] =	vst v0  }
0x245: {  	[tilespmem:$0x3178] =	vst v0  }
0x246: {  	[tilespmem:$0x3168] =	vst v0  }
0x247: {  	[tilespmem:$0x3158] =	vst v0  }
0x248: {  	[tilespmem:$0x3148] =	vst v0  }
0x249: {  	[tilespmem:$0x3138] =	vst v0  }
0x24a: {  	[tilespmem:$0x3128] =	vst v0  }
0x24b: {  	[tilespmem:$0x3118] =	vst v0  }
0x24c: {  	[tilespmem:$0x3108] =	vst v0  }
0x24d: {  	[tilespmem:$0x30F8] =	vst v0  }
0x24e: {  	[tilespmem:$0x30E8] =	vst v0  }
0x24f: {  	[tilespmem:$0x30D8] =	vst v0  }
0x250: {  	[tilespmem:$0x30C8] =	vst v0  }
0x251: {  	[tilespmem:$0x30B8] =	vst v0  }
0x252: {  	[tilespmem:$0x30A8] =	vst v0  }
0x253: {  	[tilespmem:$0x3098] =	vst v0  }
0x254: {  	[tilespmem:$0x3088] =	vst v0  }
0x255: {  	[tilespmem:$0x3078] =	vst v0  }
0x256: {  	[tilespmem:$0x3068] =	vst v0  }
0x257: {  	[tilespmem:$0x3058] =	vst v0  }
0x258: {  	[tilespmem:$0x3048] =	vst v0  }
0x259: {  	[tilespmem:$0x3038] =	vst v0  }
0x25a: {  	[tilespmem:$0x3028] =	vst v0  }
0x25b: {  	[tilespmem:$0x3018] =	vst v0  }
0x25c: {  	[tilespmem:$0x3008] =	vst v0  }
0x25d: {  	[tilespmem:$0x2FF8] =	vst v0  }
0x25e: {  	[tilespmem:$0x2FE8] =	vst v0  }
0x25f: {  	[tilespmem:$0x2FD8] =	vst v0  }
0x260: {  	[tilespmem:$0x2FC8] =	vst v0  }
0x261: {  	[tilespmem:$0x2FB8] =	vst v0  }
0x262: {  	[tilespmem:$0x2FA8] =	vst v0  }
0x263: {  	[tilespmem:$0x2F98] =	vst v0  }
0x264: {  	[tilespmem:$0x2F88] =	vst v0  }
0x265: {  	[tilespmem:$0x2F78] =	vst v0  }
0x266: {  	[tilespmem:$0x2F68] =	vst v0  }
0x267: {  	[tilespmem:$0x2F58] =	vst v0  }
0x268: {  	[tilespmem:$0x2F48] =	vst v0  }
0x269: {  	[tilespmem:$0x2F38] =	vst v0  }
0x26a: {  	[tilespmem:$0x2F28] =	vst v0  }
0x26b: {  	[tilespmem:$0x2F18] =	vst v0  }
0x26c: {  	[tilespmem:$0x2F08] =	vst v0  }
0x26d: {  	[tilespmem:$0x2EF8] =	vst v0  }
0x26e: {  	[tilespmem:$0x2EE8] =	vst v0  }
0x26f: {  	[tilespmem:$0x2ED8] =	vst v0  }
0x270: {  	[tilespmem:$0x2EC8] =	vst v0  }
0x271: {  	[tilespmem:$0x2EB8] =	vst v0  }
0x272: {  	[tilespmem:$0x2EA8] =	vst v0  }
0x273: {  	[tilespmem:$0x2E98] =	vst v0  }
0x274: {  	[tilespmem:$0x2E88] =	vst v0  }
0x275: {  	[tilespmem:$0x2E78] =	vst v0  }
0x276: {  	[tilespmem:$0x2E68] =	vst v0  }
0x277: {  	[tilespmem:$0x2E58] =	vst v0  }
0x278: {  	[tilespmem:$0x2E48] =	vst v0  }
0x279: {  	[tilespmem:$0x2E38] =	vst v0  }
0x27a: {  	[tilespmem:$0x2E28] =	vst v0  }
0x27b: {  	[tilespmem:$0x2E18] =	vst v0  }
0x27c: {  	[tilespmem:$0x2E08] =	vst v0  }
0x27d: {  	[tilespmem:$0x2DF8] =	vst v0  }
0x27e: {  	[tilespmem:$0x2DE8] =	vst v0  }
0x27f: {  	[tilespmem:$0x2DD8] =	vst v0  }
0x280: {  	[tilespmem:$0x2DC8] =	vst v0  }
0x281: {  	[tilespmem:$0x2DB8] =	vst v0  }
0x282: {  	[tilespmem:$0x2DA8] =	vst v0  }
0x283: {  	[tilespmem:$0x2D98] =	vst v0  }
0x284: {  	[tilespmem:$0x2D88] =	vst v0  }
0x285: {  	[tilespmem:$0x2D78] =	vst v0  }
0x286: {  	[tilespmem:$0x2D68] =	vst v0  }
0x287: {  	[tilespmem:$0x2D58] =	vst v0  }
0x288: {  	[tilespmem:$0x2D48] =	vst v0  }
0x289: {  	[tilespmem:$0x2D38] =	vst v0  }
0x28a: {  	[tilespmem:$0x2D28] =	vst v0  }
0x28b: {  	[tilespmem:$0x2D18] =	vst v0  }
0x28c: {  	[tilespmem:$0x2D08] =	vst v0  }
0x28d: {  	[tilespmem:$0x2CF8] =	vst v0  }
0x28e: {  	[tilespmem:$0x2CE8] =	vst v0  }
0x28f: {  	[tilespmem:$0x2CD8] =	vst v0  }
0x290: {  	[tilespmem:$0x2CC8] =	vst v0  }
0x291: {  	[tilespmem:$0x2CB8] =	vst v0  }
0x292: {  	[tilespmem:$0x2CA8] =	vst v0  }
0x293: {  	[tilespmem:$0x2C98] =	vst v0  }
0x294: {  	[tilespmem:$0x2C88] =	vst v0  }
0x295: {  	[tilespmem:$0x2C78] =	vst v0  }
0x296: {  	[tilespmem:$0x2C68] =	vst v0  }
0x297: {  	[tilespmem:$0x2C58] =	vst v0  }
0x298: {  	[tilespmem:$0x2C48] =	vst v0  }
0x299: {  	[tilespmem:$0x2C38] =	vst v0  }
0x29a: {  	[tilespmem:$0x2C28] =	vst v0  }
0x29b: {  	[tilespmem:$0x2C18] =	vst v0  }
0x29c: {  	[tilespmem:$0x2C08] =	vst v0  }
0x29d: {  	[tilespmem:$0x2BF8] =	vst v0  }
0x29e: {  	[tilespmem:$0x2BE8] =	vst v0  }
0x29f: {  	[tilespmem:$0x2BD8] =	vst v0  }
0x2a0: {  	[tilespmem:$0x2BC8] =	vst v0  }
0x2a1: {  	[tilespmem:$0x2BB8] =	vst v0  }
0x2a2: {  	[tilespmem:$0x2BA8] =	vst v0  }
0x2a3: {  	[tilespmem:$0x2B98] =	vst v0  }
0x2a4: {  	[tilespmem:$0x2B88] =	vst v0  }
0x2a5: {  	[tilespmem:$0x2B78] =	vst v0  }
0x2a6: {  	[tilespmem:$0x2B68] =	vst v0  }
0x2a7: {  	[tilespmem:$0x2B58] =	vst v0  }
0x2a8: {  	[tilespmem:$0x2B48] =	vst v0  }
0x2a9: {  	[tilespmem:$0x2B38] =	vst v0  }
0x2aa: {  	[tilespmem:$0x2B28] =	vst v0  }
0x2ab: {  	[tilespmem:$0x2B18] =	vst v0  }
0x2ac: {  	[tilespmem:$0x2B08] =	vst v0  }
0x2ad: {  	[tilespmem:$0x2AF8] =	vst v0  }
0x2ae: {  	[tilespmem:$0x2AE8] =	vst v0  }
0x2af: {  	[tilespmem:$0x2AD8] =	vst v0  }
0x2b0: {  	[tilespmem:$0x2AC8] =	vst v0  }
0x2b1: {  	[tilespmem:$0x2AB8] =	vst v0  }
0x2b2: {  	[tilespmem:$0x2AA8] =	vst v0  }
0x2b3: {  	[tilespmem:$0x2A98] =	vst v0  }
0x2b4: {  	[tilespmem:$0x2A88] =	vst v0  }
0x2b5: {  	[tilespmem:$0x2A78] =	vst v0  }
0x2b6: {  	[tilespmem:$0x2A68] =	vst v0  }
0x2b7: {  	[tilespmem:$0x2A58] =	vst v0  }
0x2b8: {  	[tilespmem:$0x2A48] =	vst v0  }
0x2b9: {  	[tilespmem:$0x2A38] =	vst v0  }
0x2ba: {  	[tilespmem:$0x2A28] =	vst v0  }
0x2bb: {  	[tilespmem:$0x2A18] =	vst v0  }
0x2bc: {  	[tilespmem:$0x2A08] =	vst v0  }
0x2bd: {  	[tilespmem:$0x29F8] =	vst v0  }
0x2be: {  	[tilespmem:$0x29E8] =	vst v0  }
0x2bf: {  	[tilespmem:$0x29D8] =	vst v0  }
0x2c0: {  	[tilespmem:$0x29C8] =	vst v0  }
0x2c1: {  	[tilespmem:$0x29B8] =	vst v0  }
0x2c2: {  	[tilespmem:$0x29A8] =	vst v0  }
0x2c3: {  	[tilespmem:$0x2998] =	vst v0  }
0x2c4: {  	[tilespmem:$0x2988] =	vst v0  }
0x2c5: {  	[tilespmem:$0x2978] =	vst v0  }
0x2c6: {  	[tilespmem:$0x2968] =	vst v0  }
0x2c7: {  	[tilespmem:$0x2958] =	vst v0  }
0x2c8: {  	[tilespmem:$0x2948] =	vst v0  }
0x2c9: {  	[tilespmem:$0x2938] =	vst v0  }
0x2ca: {  	[tilespmem:$0x2928] =	vst v0  }
0x2cb: {  	[tilespmem:$0x2918] =	vst v0  }
0x2cc: {  	[tilespmem:$0x2908] =	vst v0  }
0x2cd: {  	[tilespmem:$0x28F8] =	vst v0  }
0x2ce: {  	[tilespmem:$0x28E8] =	vst v0  }
0x2cf: {  	[tilespmem:$0x28D8] =	vst v0  }
0x2d0: {  	[tilespmem:$0x28C8] =	vst v0  }
0x2d1: {  	[tilespmem:$0x28B8] =	vst v0  }
0x2d2: {  	[tilespmem:$0x28A8] =	vst v0  }
0x2d3: {  	[tilespmem:$0x2898] =	vst v0  }
0x2d4: {  	[tilespmem:$0x2888] =	vst v0  }
0x2d5: {  	[tilespmem:$0x2878] =	vst v0  }
0x2d6: {  	[tilespmem:$0x2868] =	vst v0  }
0x2d7: {  	[tilespmem:$0x2858] =	vst v0  }
0x2d8: {  	[tilespmem:$0x2848] =	vst v0  }
0x2d9: {  	[tilespmem:$0x2838] =	vst v0  }
0x2da: {  	[tilespmem:$0x2828] =	vst v0  }
0x2db: {  	[tilespmem:$0x2818] =	vst v0  }
0x2dc: {  	[tilespmem:$0x2808] =	vst v0  }
0x2dd: {  	[tilespmem:$0x27F8] =	vst v0  }
0x2de: {  	[tilespmem:$0x27E8] =	vst v0  }
0x2df: {  	[tilespmem:$0x27D8] =	vst v0  }
0x2e0: {  	[tilespmem:$0x27C8] =	vst v0  }
0x2e1: {  	[tilespmem:$0x27B8] =	vst v0  }
0x2e2: {  	[tilespmem:$0x27A8] =	vst v0  }
0x2e3: {  	[tilespmem:$0x2798] =	vst v0  }
0x2e4: {  	[tilespmem:$0x2788] =	vst v0  }
0x2e5: {  	[tilespmem:$0x2778] =	vst v0  }
0x2e6: {  	[tilespmem:$0x2768] =	vst v0  }
0x2e7: {  	[tilespmem:$0x2758] =	vst v0  }
0x2e8: {  	[tilespmem:$0x2748] =	vst v0  }
0x2e9: {  	[tilespmem:$0x2738] =	vst v0  }
0x2ea: {  	[tilespmem:$0x2728] =	vst v0  }
0x2eb: {  	[tilespmem:$0x2718] =	vst v0  }
0x2ec: {  	[tilespmem:$0x2708] =	vst v0  }
0x2ed: {  	[tilespmem:$0x26F8] =	vst v0  }
0x2ee: {  	[tilespmem:$0x26E8] =	vst v0  }
0x2ef: {  	[tilespmem:$0x26D8] =	vst v0  }
0x2f0: {  	[tilespmem:$0x26C8] =	vst v0  }
0x2f1: {  	[tilespmem:$0x26B8] =	vst v0  }
0x2f2: {  	[tilespmem:$0x26A8] =	vst v0  }
0x2f3: {  	[tilespmem:$0x2698] =	vst v0  }
0x2f4: {  	[tilespmem:$0x2688] =	vst v0  }
0x2f5: {  	[tilespmem:$0x2678] =	vst v0  }
0x2f6: {  	[tilespmem:$0x2668] =	vst v0  }
0x2f7: {  	[tilespmem:$0x2658] =	vst v0  }
0x2f8: {  	[tilespmem:$0x2648] =	vst v0  }
0x2f9: {  	[tilespmem:$0x2638] =	vst v0  }
0x2fa: {  	[tilespmem:$0x2628] =	vst v0  }
0x2fb: {  	[tilespmem:$0x2618] =	vst v0  }
0x2fc: {  	[tilespmem:$0x2608] =	vst v0  }
0x2fd: {  	[tilespmem:$0x25F8] =	vst v0  }
0x2fe: {  	[tilespmem:$0x25E8] =	vst v0  }
0x2ff: {  	[tilespmem:$0x25D8] =	vst v0  }
0x300: {  	[tilespmem:$0x25C8] =	vst v0  }
0x301: {  	[tilespmem:$0x25B8] =	vst v0  }
0x302: {  	[tilespmem:$0x25A8] =	vst v0  }
0x303: {  	[tilespmem:$0x2598] =	vst v0  }
0x304: {  	[tilespmem:$0x2588] =	vst v0  }
0x305: {  	[tilespmem:$0x2578] =	vst v0  }
0x306: {  	[tilespmem:$0x2568] =	vst v0  }
0x307: {  	[tilespmem:$0x2558] =	vst v0  }
0x308: {  	[tilespmem:$0x2548] =	vst v0  }
0x309: {  	[tilespmem:$0x2538] =	vst v0  }
0x30a: {  	[tilespmem:$0x2528] =	vst v0  }
0x30b: {  	[tilespmem:$0x2518] =	vst v0  }
0x30c: {  	[tilespmem:$0x2508] =	vst v0  }
0x30d: {  	[tilespmem:$0x24F8] =	vst v0  }
0x30e: {  	[tilespmem:$0x24E8] =	vst v0  }
0x30f: {  	[tilespmem:$0x24D8] =	vst v0  }
0x310: {  	[tilespmem:$0x24C8] =	vst v0  }
0x311: {  	[tilespmem:$0x24B8] =	vst v0  }
0x312: {  	[tilespmem:$0x24A8] =	vst v0  }
0x313: {  	[tilespmem:$0x2498] =	vst v0  }
0x314: {  	s5 =	stileid.u32;
	[tilespmem:$0x2488] =	vst v0  }
0x315: {  	s4 =	smin.u32 s5, $0x9;
	[tilespmem:$0x2478] =	vst v0  }
0x316: {  	[tilespmem:$0x2468] =	vst v0;
	s4 =	sadd.s32 s5, s4  }
0x317: {  	s7 =	simm.s32 $0x320;
	p0 =	slt.u32 s5, $0x9;
	[tilespmem:$0x2458] =	vst v0;
	s6 =	smul.u32 $0x190, s4  }
0x318: {  	s7 =	simm.s32 @!p0 $0x190;
	[tilespmem:$0x2448] =	vst v0  }
0x319: {  	[tilespmem:$0x2428] =	vst v0;
	s4 =	sadd.s32 s7, s6  }
0x31a: {  	[tilespmem:$0x2398] =	vst v0;
	s7 =	smin.u32 s4, $0x2710  }
0x31b: {  	[tilespmem:$0x2418] =	vst v0;
	s10 =	ssub.s32 s7, s6  }
0x31c: {  	[tilespmem:$0x2408] =	vst v0;
	p0 =	sgt.s32 s10, $0x0  }
0x31d: {  	[tilespmem:$0x23F8] =	vst v0;
	s10 =	simm.s32 @!p0 $0x0  }
0x31e: {  	[tilespmem:$0x23E8] =	vst v0;
	s30 =	sand.u32 $0xFFF0, s10  }
0x31f: {  	[tilespmem:$0x23D8] =	vst v0;
	s4 =	sshrl.u32 s30, $0x4  }
0x320: {  	[tilespmem:$0x23C8] =	vst v0;
	s4 =	smul.u32 $0xA3E, s4  }
0x321: {  	[tilespmem:$0x23B8] =	vst v0  }
0x322: {  	[tilespmem:$0x23A8] =	vst v0;
	s11 =	sshrl.u32 s4, $0x10  }
0x323: {  	s8 =	simm.s32 $0x2;
	[tilespmem:$0x2378] =	vst v0;
	s12 =	smul.u32 $0x190, s11  }
.Ltmp0:
0x324: {  	s9 =	simm.s32 $0x7;
	s31 =	sshll.u32 s5, $0x6;
	[tilespmem:$0x2388] =	vst v0;
	(pc) =	sbr.rel .LBB2_1-.Ltmp0, $4  }
0x325: {  	s13 =	simm.s32 $0x0;
	[tilespmem:$0x2368] =	vst v0;
	[sflag:s8] =	ssyncpa.u1 $0x0;
	v0 =	vimm.s32 $0xFFFFFFFF;
	[dreg:$0x3] =	wrdreg s31  }
0x326: {  	[tilespmem:$0x6488] =	vst v0;
	[sflag:s9] =	ssyncpa.u1 $0x0;
	s4 =	sadd.s32 $0x27200, s1;
	p0 =	sne.s32 s10, s12  }
0x327: {  	s10 =	simm.s32 $0x8;
	s12 =	simm.s32 $0x0;
	s3 =	simm.s32 @!p0 $0x0  }
0x328: {  	v0 =	vlaneseq.u32;
	p0 =	por $0x0, $0x0;
	s3 =	sadd.s32 s11, s3;
	s11 =	smov.u32 s6  }
.LBB2_12:
0x329: {  	_ =	swait.ge [sflag:s8], $0x0  }
0x32a: {  	s14 =	simm.s32 $0x0;
	[sflag:s8] =	ssyncset.done $0x0  }
.LBB2_13:
0x32b: {  	_ =	swait.ge [sflag:s10], s14  }
0x32c: {  	s0 =	ssub.s32 $0x0, s14;
	v1 =	vmov s15;
	vm0 =	veq.s32 v0, $0x0;
	[sflag:s10] =	ssyncset.done $0x0  }
0x32d: {  	vm15 =	veq.s32 v0, $0x2;
	v1 =	vsel vm0, s20, v1;
	[sflag:s10] =	ssyncadd.s32 s0  }
0x32e: {  	v1 =	vsel vm15, s13, v1;
	[sflag:s10] =	ssyncpa.u1 $0x1  }
0x32f: {  	[tilespmem:$0x6488] =	vst v1  }
.LBB2_14:
0x330: {  	s0 =	sadd.s32 $0x190, s11  }
0x331: {  	s14 =	smov.u32 s6;
	p1 =	slt.s32 s0, s7  }
0x332: {  	s14 =	smov.u32 @p1 s0;
	p1 =	sne.s32 s12, s3  }
.Ltmp1:
0x333: {  	_ = 	snop;
	(pc) =	sbr.rel @!p1 .LBB2_15-.Ltmp1, $3  }
0x334: {  	_ =	sdelay $0x1  }
0x335: {  	s31 =	sadd.s32 $0x1, s12;
	s13 =	smov.u32 s11  }
0x336: {  	p0 =	por !p0, !p0;
	s12 =	smov.u32 s31;
	s11 =	smov.u32 s14  }
.LBB2_1:
0x337: {  	p1 =	sge.u32 s12, s3  }
0x338: {  	p2 =	sgt.s32 @!p1 s11, $0x2580  }
0x339: {  	s14 =	smov.u32 s11;
	s15 =	sshra.s32 @!p1 s11, $0x1F;
	p2 =	por !p2, p1  }
0x33a: {  	s15 =	sand.u32 @!p1 s15, s11;
	s14 =	simm.s32 @p2 $0x2580  }
0x33b: {  	s14 =	ssub.s32 @!p1 s14, s15  }
0x33c: {  	s15 =	sxor.u32 @!p1 $0xFFFFFFFF, s12;
	s14 =	sadd.s32 @!p1 $0xFFFFDA80, s14  }
0x33d: {  	s15 =	sand.u32 @!p1 $0x1, s15;
	s16 =	sshll.u32 @!p1 s14, $0x2  }
0x33e: {  	p2 =	sgt.s32 @!p1 s14, $0x18F;
	s14 =	ssub.s32 @!p1 $0x640, s16;
	s16 =	smul.u32 @!p1 $0x640, s15  }
0x33f: {  	s17 =	sshrl.u32 @!p1 s11, $0x3;
	s18 =	sand.u32 @!p1 $0x7, s11  }
0x340: {  	p2 =	por !p2, p1;
	s14 =	sshrl.u32 @!p1 s14, $0x2;
	s16 =	sshrl.u32 @!p1 s16, $0x2  }
0x341: {  	s17 =	sadd.s32 @!p1 s2, s17;
	s14 =	simm.s32 @!p2 $0x0;
	s16 =	sadd.s32 @!p1 $0x68B8, s16  }
0x342: {  	[tilespmem:s16], [sflag:$0x7] =	stream.linear.gather @!p1 [hbm4b:s17+s18], s14, $0x38;
	[tilespmem:$0x1FBD8] =	vst v63  }
0x343: {  	s14 =	ssub.s32 @!p1 $0x2710, s11  }
0x344: {  	p2 =	sgt.s32 @!p1 s14, $0x0  }
0x345: {  	s15 =	smul.u32 @!p1 $0x32000, s15;
	p2 =	por !p2, p1  }
0x346: {  	s14 =	simm.s32 @p2 $0x0  }
0x347: {  	s15 =	sshrl.u32 @!p1 s15, $0x2;
	s16 =	sshll.u32 @!p1 s11, $0x4;
	s14 =	smin.u32 @!p1 s14, $0x190  }
0x348: {  	s15 =	sadd.s32 @!p1 $0x6BD8, s15;
	s16 =	sadd.s32 @!p1 s1, s16;
	s14 =	sshll.u32 @!p1 s14, $0x7  }
0x349: {  	[tilespmem:s15], [sflag:$0x7] =	stream.linear.gather @!p1 [hbm:s16], s14, $0x38;
	[tilespmem:$0x1FBD8] =	vst v63  }
0x34a: {  	p1 =	seq.s32 s12, $0x0  }
.Ltmp2:
0x34b: {  	_ = 	snop;
	(pc) =	sbr.rel @p1 .LBB2_14-.Ltmp2, $1  }
0x34c: {  	_ =	sdelay $0x3  }
0x34d: {  	p1 =	sgt.s32 s13, $0x2580  }
0x34e: {  	s14 =	smov.u32 s13;
	s15 =	sshra.s32 s13, $0x1F;
	s19 =	ssub.s32 $0x2710, s13  }
0x34f: {  	s14 =	simm.s32 @!p1 $0x2580;
	s15 =	sand.u32 s15, s13;
	p1 =	sgt.s32 s19, $0x0  }
0x350: {  	s14 =	ssub.s32 s14, s15;
	s19 =	simm.s32 @!p1 $0x0  }
0x351: {  	s14 =	sadd.s32 $0xFFFFDA80, s14;
	s29 =	smin.u32 s19, $0x190  }
0x352: {  	s16 =	sshll.u32 s14, $0x2;
	s15 =	sshll.u32 s29, $0x7  }
0x353: {  	p1 =	sgt.s32 s14, $0x18F;
	s30 =	ssub.s32 $0x640, s16;
	_ =	swait.ge [sflag:s9], s15  }
0x354: {  	s15 =	ssub.s32 $0x0, s15;
	[sflag:s9] =	ssyncset.done $0x0;
	s14 =	sshrl.u32 s30, $0x2  }
0x355: {  	[sflag:s9] =	ssyncadd.s32 s15;
	s14 =	simm.s32 @p1 $0x0  }
0x356: {  	_ =	swait.ge [sflag:s9], s14  }
0x357: {  	s14 =	ssub.s32 $0x0, s14;
	[sflag:s9] =	ssyncset.done $0x0  }
0x358: {  	[sflag:s9] =	ssyncadd.s32 s14  }
0x359: {  	v1 =	vld [tilespmem:$0x6488];
	_ =	sdelay $0x4  }
0x35a: {  	(v2sf) =	vpush v1, $0x0  }
0x35b: {  	(v2sf) =	vpush v1, $0x1  }
0x35c: {  	(v2sf) =	vpush v1, $0x2;
	_ =	sdelay $0x3  }
0x35d: {  	s14 =	sadd.s32 $0x190, s13  }
0x35e: {  	p1 =	slt.s32 s7, s14  }
0x35f: {  	s14 =	smov.u32 @p1 s7  }
0x360: {  	s18 =	ssub.s32 s14, s13  }
0x361: {  	p1 =	slt.s32 s19, s18  }
0x362: {  	s18 =	smov.u32 @p1 s19  }
0x363: {  	s16 =	simm.s32 $0x1;
	p1 =	slt.s32 s18, $0x1  }
.Ltmp3:
0x364: {  	s16 =	simm.s32 @!p0 $0x0;
	(pc) =	sbr.rel @p1 .LBB2_6-.Ltmp3, $4  }
0x365: {  	s31 =	smul.u32 $0x640, s16  }
0x366: {  	s17 =	spop (v2sf)  }
0x367: {  	s13 =	sshrl.u32 s31, $0x2;
	s19 =	spop (v2sf)  }
0x368: {  	s14 =	sadd.s32 $0x68B8, s13;
	s13 =	spop (v2sf)  }
0x369: {  	s15 =	smin.u32 s18, $0x10  }
0x36a: {  	v1 =	vmov s15  }
0x36b: {  	p2 =	sgt.s32 s18, $0x10;
	vm1 =	vgt.u32 v1, v0  }
.Ltmp4:
0x36c: {  	_ = 	snop;
	(pc) =	sbr.rel @!p2 .LBB2_5-.Ltmp4, $2  }
0x36d: {  	_ =	sdelay $0x2  }
0x36e: {  	s20 =	simm.s32 $0x10;
	s21 =	sadd.s32 $0xFFFFFFF0, s18;
	s15 =	smov.u32 s14;
	vm0 =	vmmov vm1  }
.LBB2_4:
0x36f: {  	s22 =	smin.u32 s21, $0x10;
	s20 =	sadd.s32 $0x10, s20;
	v1 =	vld.msk [tilespmem:s15+$0x0 ss:$0x1], vm1  }
0x370: {  	v2 =	vmov s22;
	p2 =	slt.s32 s20, s18  }
0x371: {  	vm1 =	vgt.u32 v2, v0  }
.Ltmp5:
0x372: {  	(pc) =	sbr.rel @p2 .LBB2_4-.Ltmp5, $3  }
0x373: {  	_ =	sdelay $0x1  }
0x374: {  	v1 =	vshll.u32 v1, $0x4  }
0x375: {  	s21 =	sadd.s32 $0xFFFFFFF0, s21;
	[tilespmem:s15+$0x0] =	vst.msk vm0, v1;
	s15 =	sadd.s32 $0x10, s15;
	vm0 =	vmmov vm1  }
.LBB2_5:
0x376: {  	_ =	sdelay $0x4  }
0x377: {  	v1 =	vld.msk [tilespmem:s15+$0x0 ss:$0x1], vm1;
	_ =	sdelay $0x4  }
0x378: {  	v1 =	vshll.u32 v1, $0x4  }
0x379: {  	[tilespmem:s15+$0x0] =	vst.msk vm0, v1  }
.LBB2_6:
0x37a: {  	s15 =	sand.u32 $0x1, s12  }
0x37b: {  	s20 =	smul.u32 $0x190, s15  }
0x37c: {  	p2 =	sne.s32 s19, $0xFFFFFFFF  }
0x37d: {  	v1 =	vld.msk @!p2 [tilespmem:s20+$0x68B8], $0x1;
	_ =	sdelay $0x4  }
0x37e: {  	(v2sf) =	vpush @!p2 v1, $0x0;
	_ =	sdelay $0x2  }
0x37f: {  	s15 =	smul.u32 $0xC800, s15;
	_ =	sdelay $0x1  }
0x380: {  	v1 =	vld @!p2 [tilespmem:s15+$0x6BD8];
	_ =	sdelay $0x4  }
0x381: {  	[tilespmem:$0x48] =	vst @!p2 v1  }
0x382: {  	v1 =	vld.msk @!p2 [tilespmem:s15+$0x6BE8], $0x3fff;
	_ =	sdelay $0x1  }
.Ltmp6:
0x383: {  	_ = 	snop;
	(pc) =	sbr.rel @p1 .LBB2_12-.Ltmp6, $4  }
0x384: {  	_ = 	snop  }
0x385: {  	s15 =	simm.s32 @!p2 $0x58;
	s20 =	spop @!p2 (v2sf)  }
0x386: {  	s13 =	simm.s32 @!p2 $0x0;
	[tilespmem:s15+$0x0] =	vst.msk @!p2 $0x3fff, v1;
	s15 =	smov.u32 s20  }
0x387: {  	[sflag:s10] =	ssyncpa.u1 $0x0;
	s20 =	smov.u32 @p2 s17;
	s15 =	smov.u32 @p2 s19  }
0x388: {  	v1 =	vld.msk [tilespmem:s14+$0x0], $0x1;
	_ =	sdelay $0x4  }
0x389: {  	(v2sf) =	vpush v1, $0x0;
	_ =	sdelay $0xe  }
0x38a: {  	s22 =	spop (v2sf)  }
0x38b: {  	p1 =	seq.s32 s20, s22  }
0x38c: {  	s16 =	smul.u32 $0x32000, s16;
	p2 =	sgt.s32 @!p1 s20, $0x0  }
0x38d: {  	s21 =	smov.u32 s20;
	s19 =	sadd.s32 $0xFFFFFFFF, s18;
	p2 =	por !p2, p1  }
0x38e: {  	s21 =	simm.s32 @p2 $0x0;
	p2 =	sne.s32 s19, $0x0  }
.Ltmp7:
0x38f: {  	s16 =	sshrl.u32 s16, $0x2;
	(pc) =	sbr.rel @!p2 .LBB2_9-.Ltmp7, $4  }
0x390: {  	s17 =	sadd.s32 $0x6BE8, s16  }
0x391: {  	s16 =	simm.s32 $0x0;
	s23 =	simm.s32 @!p1 $0x1;
	s21 =	smin.u32 @!p1 s21, $0xFFC  }
0x392: {  	s24 =	simm.s32 @!p1 $0x3268;
	s23 =	smov.u32 @p1 s16;
	s26 =	sand.u32 @!p1 $0xFF8, s21  }
0x393: {  	s25 =	sand.u32 @!p1 $0x7, s21;
	s21 =	sadd.s32 $0x1, s14;
	s26 =	sadd.s32 @!p1 s4, s26  }
.LBB2_8:
0x394: {  	s28 =	smov.u32 s23  }
0x395: {  	[tilespmem:s24], [sflag:$0x2] =	stream.linear.gather @!p1 [hbm4b:s26+s25], $0x1E, $0x38;
	[tilespmem:$0x1FBD8] =	vst v63  }
0x396: {  	s19 =	sadd.s32 $0xFFFFFFFF, s19;
	s25 =	smov.u32 s22;
	v1 =	vld.msk [tilespmem:s21+$0x0], $0x1  }
0x397: {  	p2 =	sne.s32 s19, $0x0;
	_ =	sdelay $0x3  }
0x398: {  	(v2sf) =	vpush v1, $0x0;
	_ =	sdelay $0xe  }
0x399: {  	s22 =	spop (v2sf)  }
0x39a: {  	p1 =	seq.s32 s25, s22  }
0x39b: {  	p3 =	sgt.s32 @!p1 s25, $0x0;
	s24 =	sshll.u32 @!p1 s23, $0x7;
	s23 =	sadd.s32 @!p1 $0x1, s23  }
.Ltmp8:
0x39c: {  	p3 =	por !p3, p1;
	s24 =	sshra.s32 @!p1 s24, $0x2;
	(pc) =	sbr.rel @p2 .LBB2_8-.Ltmp8, $4  }
0x39d: {  	s23 =	smov.u32 @p1 s28;
	s25 =	simm.s32 @p3 $0x0;
	s24 =	sadd.s32 @!p1 $0x3268, s24  }
0x39e: {  	s25 =	smin.u32 @!p1 s25, $0xFFC  }
0x39f: {  	s26 =	sand.u32 @!p1 $0xFF8, s25;
	s25 =	sand.u32 @!p1 $0x7, s25  }
0x3a0: {  	s21 =	sadd.s32 $0x1, s21;
	s26 =	sadd.s32 @!p1 s4, s26  }
.LBB2_9:
0x3a1: {  	s19 =	smul.u32 $0x78, s23  }
0x3a2: {  	[tilespmem:s24], [sflag:$0x2] =	stream.linear.gather @!p1 [hbm4b:s26+s25], $0x1E, $0x38;
	[tilespmem:$0x1FBD8] =	vst v63  }
0x3a3: {  	s19 =	sshrl.u32 s19, $0x2  }
0x3a4: {  	_ =	swait.ge [sflag:s8], s19  }
0x3a5: {  	s19 =	ssub.s32 $0x0, s19;
	[sflag:s8] =	ssyncset.done $0x0  }
0x3a6: {  	[sflag:s8] =	ssyncadd.s32 s19  }
0x3a7: {  	v1 =	vld.msk [tilespmem:s14+$0x0], $0x1;
	_ =	sdelay $0x4  }
0x3a8: {  	(v2sf) =	vpush v1, $0x0;
	_ =	sdelay $0xe  }
0x3a9: {  	s19 =	spop (v2sf)  }
0x3aa: {  	p1 =	sne.s32 s20, s19  }
0x3ab: {  	p3 =	sne.s32 @p1 s20, s15  }
0x3ac: {  	p2 =	por !p3, !p1  }
0x3ad: {  	s21 =	sshll.u32 @!p2 s13, $0x7;
	s22 =	simm.s32 @!p2 $0x0  }
0x3ae: {  	s21 =	sshra.s32 @!p2 s21, $0x2;
	v1 =	vld @!p2 [tilespmem:s22+$0x3268]  }
0x3af: {  	v2 =	vld @!p2 [tilespmem:s21+$0x48];
	_ =	sdelay $0x4  }
0x3b0: {  	v1 =	vmax.f32 @!p2 v1, v2  }
0x3b1: {  	[tilespmem:s21+$0x48] =	vst @!p2 v1;
	v1 =	vld.msk @!p2 [tilespmem:s21+$0x58], $0x3fff  }
0x3b2: {  	v2 =	vld.msk @!p2 [tilespmem:s22+$0x3278], $0x3fff;
	_ =	sdelay $0x1  }
0x3b3: {  	p4 =	sgt.u32 @!p2 s20, $0xFFC  }
0x3b4: {  	p5 =	por @p1 p4, !p3  }
0x3b5: {  	p6 =	por p5, !p1;
	p5 =	por p3, !p1  }
0x3b6: {  	s23 =	sadd.s32 @!p2 $0x48, s21;
	s24 =	sshll.u32 @!p5 s13, $0x7;
	s22 =	sand.u32 @!p6 $0xFF8, s20;
	v1 =	vmax.f32 @!p2 v2, v1  }
0x3b7: {  	s20 =	sand.u32 @!p6 $0x7, s20;
	s22 =	sadd.s32 @!p6 s4, s22;
	[tilespmem:s21+$0x58] =	vst.msk @!p2 $0x3fff, v1;
	s21 =	sshra.s32 @!p5 s24, $0x2  }
0x3b8: {  	[hbm4b:s22+s20] =	stream.linear.scatter @!p6 [tilespmem:s23], [sflag:$0x8], $0x1E, $0x38;
	[tilespmem:$0x1FBD8] =	vst v63  }
0x3b9: {  	s25 =	rddreg [dreg:$0x3];
	s20 =	sadd.s32 @!p5 $0x48, s21;
	s21 =	simm.s32 @!p5 $0x1  }
0x3ba: {  	[spmem:s25] =	stream.linear.scatter @!p5 [tilespmem:s20], [sflag:$0x1], $0x1E, $0x38;
	[tilespmem:$0x1FBD8] =	vst v63  }
0x3bb: {  	s20 =	sadd.s32 @p1 $0x1, s13;
	_ =	swait.ge @!p5 [sflag:s21], $0x1E  }
0x3bc: {  	s22 =	smulhi.u32 @p1 $0x51EB851F, s20;
	[sflag:s21] =	ssyncset.done @!p5 $0x0  }
0x3bd: {  	[sflag:s21] =	ssyncadd.s32 @!p5 $0xFFFFFFE2  }
0x3be: {  	s21 =	sshrl.u32 @p1 s22, $0x7;
	v1 =	vld @p1 [tilespmem:s17+$0xFFFFFFF0]  }
0x3bf: {  	s21 =	smul.u32 @p1 $0x190, s21;
	_ =	sdelay $0x1  }
0x3c0: {  	s22 =	ssub.s32 @p1 s20, s21  }
0x3c1: {  	s20 =	sshll.u32 @p1 s22, $0x5  }
0x3c2: {  	[tilespmem:s20+$0x48] =	vst @p1 v1  }
0x3c3: {  	v1 =	vld.msk @p1 [tilespmem:s17+$0x0], $0x3fff;
	_ =	sdelay $0x4  }
0x3c4: {  	s21 =	sshll.u32 @!p1 s13, $0x7;
	[tilespmem:s20+$0x58] =	vst.msk @p1 $0x3fff, v1  }
0x3c5: {  	s21 =	sshra.s32 @!p1 s21, $0x2;
	v2 =	vld @!p1 [tilespmem:s17+$0xFFFFFFF0]  }
0x3c6: {  	p3 =	por @p1 !p4, !p3;
	v3 =	vld @!p1 [tilespmem:s21+$0x48]  }
0x3c7: {  	s18 =	sadd.s32 $0xFFFFFFFF, s18;
	p3 =	por !p3, !p1;
	s23 =	simm.s32 @!p2 $0x0  }
0x3c8: {  	s23 =	simm.s32 @!p3 $0x78;
	p3 =	sne.s32 s18, $0x0  }
.Ltmp9:
0x3c9: {  	_ = 	snop;
	(pc) =	sbr.rel @!p3 .LBB2_11-.Ltmp9, $4  }
0x3ca: {  	_ = 	snop  }
0x3cb: {  	s23 =	sadd.s32 @!p2 $0x0, s23;
	v2 =	vmax.f32 @!p1 v2, v3  }
0x3cc: {  	s24 =	simm.s32 @p1 $0x1;
	s23 =	smov.u32 @p2 s16;
	s20 =	simm.s32 $0x0;
	v1 =	vld.msk @!p1 [tilespmem:s21+$0x58], $0x3fff;
	[tilespmem:s21+$0x48] =	vst @!p1 v2  }
0x3cd: {  	s16 =	smov.u32 @p1 s23;
	s13 =	smov.u32 @p1 s22;
	s20 =	smov.u32 @p1 s24;
	v2 =	vld.msk @!p1 [tilespmem:s17+$0x0], $0x3fff  }
.LBB2_10:
0x3ce: {  	_ =	sdelay $0x3  }
0x3cf: {  	v1 =	vmax.f32 @!p1 v2, v1  }
0x3d0: {  	s14 =	sadd.s32 $0x1, s14;
	[tilespmem:s21+$0x58] =	vst.msk @!p1 $0x3fff, v1  }
0x3d1: {  	v1 =	vld.msk [tilespmem:s14+$0x0], $0x1;
	_ =	sdelay $0x4  }
0x3d2: {  	(v2sf) =	vpush v1, $0x0;
	_ =	sdelay $0xe  }
0x3d3: {  	s22 =	smov.u32 s19;
	s19 =	spop (v2sf)  }
0x3d4: {  	p1 =	sne.s32 s22, s19  }
0x3d5: {  	p4 =	sne.s32 @p1 s22, s15  }
0x3d6: {  	p3 =	por !p4, !p1  }
0x3d7: {  	s28 =	sshll.u32 @!p3 s20, $0x7  }
0x3d8: {  	s29 =	sshll.u32 @!p3 s13, $0x7;
	s28 =	sshra.s32 @!p3 s28, $0x2  }
0x3d9: {  	s29 =	sshra.s32 @!p3 s29, $0x2;
	v1 =	vld @!p3 [tilespmem:s28+$0x3268]  }
0x3da: {  	v2 =	vld @!p3 [tilespmem:s29+$0x48];
	_ =	sdelay $0x4  }
0x3db: {  	v1 =	vmax.f32 @!p3 v1, v2  }
0x3dc: {  	p6 =	sgt.u32 @!p3 s22, $0xFFC;
	[tilespmem:s29+$0x48] =	vst @!p3 v1;
	v1 =	vld.msk @!p3 [tilespmem:s29+$0x58], $0x3fff  }
0x3dd: {  	p5 =	por @p1 p6, !p4;
	p6 =	por @p1 !p6, !p4;
	v2 =	vld.msk @!p3 [tilespmem:s28+$0x3278], $0x3fff  }
0x3de: {  	s0 =	simm.s32 @!p3 $0x0;
	p6 =	por !p6, !p1  }
0x3df: {  	s0 =	simm.s32 @!p6 $0x78  }
0x3e0: {  	s23 =	smov.u32 s13;
	p5 =	por p5, !p1;
	s0 =	sadd.s32 @!p3 s0, s16  }
0x3e1: {  	p4 =	por p4, !p1;
	s31 =	sand.u32 @!p5 $0xFF8, s22;
	s0 =	smov.u32 @p3 s16  }
0x3e2: {  	s16 =	smov.u32 @p1 s0;
	s0 =	sand.u32 @!p5 $0x7, s22;
	s22 =	sshll.u32 @!p4 s23, $0x7;
	v1 =	vmax.f32 @!p3 v2, v1  }
0x3e3: {  	s30 =	sadd.s32 @!p3 $0x48, s29;
	s31 =	sadd.s32 @!p5 s4, s31;
	s22 =	sshra.s32 @!p4 s22, $0x2;
	[tilespmem:s29+$0x58] =	vst.msk @!p3 $0x3fff, v1  }
0x3e4: {  	[hbm4b:s31+s0] =	stream.linear.scatter @!p5 [tilespmem:s30], [sflag:$0x8], $0x1E, $0x38;
	[tilespmem:$0x1FBD8] =	vst v63  }
0x3e5: {  	s23 =	rddreg [dreg:$0x3];
	s0 =	sadd.s32 @!p4 $0x48, s22;
	s22 =	simm.s32 @!p4 $0x1  }
0x3e6: {  	[spmem:s23] =	stream.linear.scatter @!p4 [tilespmem:s0], [sflag:$0x1], $0x1E, $0x38;
	[tilespmem:$0x1FBD8] =	vst v63  }
0x3e7: {  	s24 =	sadd.s32 @p1 $0x1, s13;
	_ =	swait.ge @!p4 [sflag:s22], $0x1E  }
0x3e8: {  	s25 =	smulhi.u32 @p1 $0x51EB851F, s24;
	[sflag:s22] =	ssyncset.done @!p4 $0x0  }
0x3e9: {  	s17 =	sadd.s32 $0x80, s17;
	[sflag:s22] =	ssyncadd.s32 @!p4 $0xFFFFFFE2  }
0x3ea: {  	s25 =	sshrl.u32 @p1 s25, $0x7;
	v1 =	vld @p1 [tilespmem:s17+$0xFFFFFFF0]  }
0x3eb: {  	s25 =	smul.u32 @p1 $0x190, s25;
	_ =	sdelay $0x1  }
0x3ec: {  	s24 =	ssub.s32 @p1 s24, s25  }
0x3ed: {  	s0 =	sshll.u32 @p1 s24, $0x5  }
0x3ee: {  	[tilespmem:s0+$0x48] =	vst @p1 v1  }
0x3ef: {  	v1 =	vld.msk @p1 [tilespmem:s17+$0x0], $0x3fff;
	_ =	sdelay $0x4  }
0x3f0: {  	s21 =	sshll.u32 @!p1 s13, $0x7;
	[tilespmem:s0+$0x58] =	vst.msk @p1 $0x3fff, v1  }
0x3f1: {  	s21 =	sshra.s32 @!p1 s21, $0x2;
	v2 =	vld @!p1 [tilespmem:s17+$0xFFFFFFF0]  }
0x3f2: {  	v3 =	vld @!p1 [tilespmem:s21+$0x48]  }
0x3f3: {  	s18 =	sadd.s32 $0xFFFFFFFF, s18  }
0x3f4: {  	p2 =	sne.s32 s18, $0x0  }
.Ltmp10:
0x3f5: {  	_ = 	snop;
	(pc) =	sbr.rel @p2 .LBB2_10-.Ltmp10, $4  }
0x3f6: {  	_ = 	snop  }
0x3f7: {  	v2 =	vmax.f32 @!p1 v2, v3  }
0x3f8: {  	s26 =	sadd.s32 @p1 $0x1, s20;
	v1 =	vld.msk @!p1 [tilespmem:s21+$0x58], $0x3fff;
	[tilespmem:s21+$0x48] =	vst @!p1 v2  }
0x3f9: {  	s20 =	smov.u32 @p1 s26;
	s13 =	smov.u32 @p1 s24;
	v2 =	vld.msk @!p1 [tilespmem:s17+$0x0], $0x3fff  }
.LBB2_11:
0x3fa: {  	_ = 	snop  }
.Ltmp11:
0x3fb: {  	_ = 	snop;
	(pc) =	sbr.rel .LBB2_13-.Ltmp11, $3  }
0x3fc: {  	_ =	sdelay $0x1  }
0x3fd: {  	v1 =	vmax.f32 @!p1 v2, v1  }
0x3fe: {  	s14 =	sshrl.u32 s16, $0x2;
	s20 =	smov.u32 s19;
	[tilespmem:s21+$0x58] =	vst.msk @!p1 $0x3fff, v1  }
.LBB2_15:
0x3ff: {  	_ =	sfence.sel $0x180000  }
0x400: {  	s0 =	simm.s32 $0x7;
	[bflag:$0x0] =	sbarrier.arrive $0xFFFF  }
0x401: {  	s28 =	simm.s32 $0x2;
	[sflag:s0] =	ssyncpa.u1 $0x1  }
0x402: {  	[sflag:s28] =	ssyncpa.u1 $0x1  }
0x403: {  	v0 =	vld [tilespmem:$0x6488];
	_ =	sdelay $0x4  }
0x404: {  	(v2sf) =	vpush v0, $0x0  }
0x405: {  	(v2sf) =	vpush v0, $0x1;
	_ =	sdelay $0x1  }
0x406: {  	(v2sf) =	vpush v0, $0x2;
	_ =	sdelay $0xb  }
0x407: {  	s0 =	spop (v2sf)  }
0x408: {  	s1 =	spop (v2sf)  }
0x409: {  	s2 =	smov.u32 s0;
	p0 =	sne.s32 s0, s1  }
0x40a: {  	s3 =	spop (v2sf);
	s2 =	simm.s32 @!p0 $0xFFFFFFFF  }
0x40b: {  	v2 =	vimm.s32 $0x1;
	v3 =	vlaneseq.u32;
	p0 =	seq.s32 s3, $0xFFFFFFFF;
	v1 =	vmov s2  }
0x40c: {  	v0 =	vperm.xlane v0, v2;
	p1 =	sne.s32 @!p0 s0, s1;
	v1 =	vperm.xlane v1, v3  }
0x40d: {  	vm0 =	vcmask $0x3F04;
	s7 =	simm.s32 $0x6488;
	s0 =	simm.s32 @!p0 $0x1;
	p1 =	por !p1, p0  }
0x40e: {  	s2 =	sshll.u32 s5, $0x1;
	s1 =	sshll.u32 @!p0 s3, $0x7;
	s0 =	simm.s32 @p1 $0x0;
	v0 =	vsel vm0, v1, v0  }
0x40f: {  	s6 =	sor.u32 $0x400, s2;
	s1 =	sshra.s32 @!p0 s1, $0x2;
	s0 =	sor.u32 @!p0 s0, s2;
	[tilespmem:$0x6488] =	vst v0  }
0x410: {  	[spmem:s6] =	stream.linear.scatter [tilespmem:s7], [sflag:$0x1], $0x2, $0x38;
	[tilespmem:$0x1FBD8] =	vst v63  }
0x411: {  	s1 =	sadd.s32 @!p0 $0x48, s1;
	s0 =	sshll.u32 @!p0 s0, $0x5  }
0x412: {  	[spmem:s0] =	stream.linear.scatter @!p0 [tilespmem:s1], [sflag:$0x1], $0x20, $0x38;
	[tilespmem:$0x1FBD8] =	vst v63  }
0x413: {  	s0 =	simm.s32 @!p0 $0x22  }
0x414: {  	s1 =	simm.s32 $0x1;
	s0 =	simm.s32 @p0 $0x2  }
0x415: {  	_ =	swait.ge [sflag:s1], s0  }
0x416: {  	s0 =	ssub.s32 $0x0, s0;
	[sflag:s1] =	ssyncset.done $0x0  }
0x417: {  	[sflag:s1] =	ssyncadd.s32 s0  }
0x418: {  	_ =	sfence.stream.spmem  }
0x419: {  	s29 =	simm.s32 $0x3;
	[bflag:$0x0] =	sbarrier.arrive $0xFFFF  }
0x41a: {  	s30 =	simm.s32 $0x4;
	[sflag:s29] =	ssyncpa.u1 $0x1  }
0x41b: {  	s31 =	simm.s32 $0x3C;
	[sflag:s30] =	ssyncpa.u1 $0x1  }
0x41c: {  	p0 =	sne.s32 s5, $0x0;
	[sflag:s31] =	ssyncpa.u1 $0x1  }
0x41d: {  	_ =	sfence @p0  }
0x41e: {  	[sflag:s1] =	ssyncpa.u1 @p0 $0x1  }
0x41f: {  	_ =	strace @p0 $0x90000050  }
0x420: {  	[bflag:$0x2] =	sbarrier.arrive @p0 $0xFFFF  }
0x421: {  	_ =	shalt @p0  }
.LBB2_16:
0x422: {  	_ =	sfence.stream.spmem;
	s0 =	simm.s32 $0x5  }
0x423: {  	s1 =	simm.s32 $0x400;
	s2 =	simm.s32 $0x6498;
	[sflag:s0] =	ssyncpa.u1 $0x0  }
0x424: {  	[tilespmem:s2], [sflag:$0x5] =	stream.linear.gather [spmem:s1], $0x20, $0x38;
	[tilespmem:$0x1FBD8] =	vst v63  }
0x425: {  	s30 =	simm.s32 $0x64B8;
	s1 =	simm.s32 $0x0  }
0x426: {  	[tilespmem:s30], [sflag:$0x5] =	stream.linear.gather [spmem:s1], $0x400, $0x38;
	[tilespmem:$0x1FBD8] =	vst v63  }
.Ltmp12:
0x427: {  	_ = 	snop;
	(pc) =	sbr.rel .LBB2_17-.Ltmp12, $4  }
0x428: {  	_ =	swait.ge [sflag:s0], $0x420  }
0x429: {  	[sflag:s0] =	ssyncset.done $0x0  }
0x42a: {  	s31 =	simm.s32 $0x6;
	[sflag:s0] =	ssyncadd.s32 $0xFFFFFBE0  }
0x42b: {  	s2 =	simm.s32 $0x0;
	[sflag:s31] =	ssyncpa.u1 $0x0  }
.LBB2_23:
0x42c: {  	p0 =	slt.u32 s3, $0xFFD  }
0x42d: {  	s0 =	sand.u32 @p0 $0xFF8, s3  }
0x42e: {  	s3 =	sand.u32 @p0 $0x7, s3;
	s5 =	simm.s32 @p0 $0x6468;
	s0 =	sadd.s32 @p0 s4, s0  }
0x42f: {  	[tilespmem:s5], [sflag:$0x6] =	stream.linear.gather @p0 [hbm4b:s0+s3], $0x1E, $0x38;
	[tilespmem:$0x1FBD8] =	vst v63  }
0x430: {  	s0 =	simm.s32 @p0 $0x6  }
0x431: {  	_ =	swait.ge @p0 [sflag:s0], $0x1E  }
0x432: {  	[sflag:s0] =	ssyncset.done @p0 $0x0  }
0x433: {  	[sflag:s0] =	ssyncadd.s32 @p0 $0xFFFFFFE2;
	s0 =	sshll.u32 @p0 s2, $0x7  }
0x434: {  	s3 =	sshrl.u32 @p0 s0, $0x2;
	v1 =	vld @p0 [tilespmem:$0x6468]  }
0x435: {  	v2 =	vld @p0 [tilespmem:s3+$0x64B8];
	_ =	sdelay $0x4  }
0x436: {  	v1 =	vmax.f32 @p0 v1, v2  }
0x437: {  	v2 =	vld @p0 [tilespmem:s3+$0x64C8];
	[tilespmem:s3+$0x64B8] =	vst @p0 v1  }
0x438: {  	v1 =	vld @p0 [tilespmem:$0x6478];
	_ =	sdelay $0x4  }
0x439: {  	s5 =	sshll.u32 @!p0 s2, $0x7;
	v1 =	vmax.f32 @p0 v1, v2  }
0x43a: {  	s5 =	smov.u32 @p0 s0;
	[tilespmem:s3+$0x64C8] =	vst @p0 v1  }
0x43b: {  	s0 =	sshrl.u32 s5, $0x2;
	[tilespmem:s1+$0x6498] =	vst.msk $0x1, v0  }
0x43c: {  	v0 =	vld [tilespmem:s0+$0x64B8];
	_ =	sdelay $0x2  }
0x43d: {  	s31 =	sshll.u32 s1, $0x7  }
0x43e: {  	s3 =	sshra.s32 s31, $0x2  }
0x43f: {  	[tilespmem:s3+$0x64B8] =	vst v0  }
0x440: {  	v0 =	vld [tilespmem:s0+$0x64C8];
	_ =	sdelay $0x4  }
0x441: {  	s1 =	sadd.s32 $0x1, s1;
	[tilespmem:s3+$0x64C8] =	vst v0  }
.LBB2_24:
0x442: {  	s2 =	sadd.s32 $0x1, s2  }
0x443: {  	p0 =	sne.s32 s2, $0x20  }
.Ltmp13:
0x444: {  	_ = 	snop;
	(pc) =	sbr.rel @!p0 .LBB2_25-.Ltmp13, $1  }
0x445: {  	_ =	sdelay $0x3  }
.LBB2_17:
0x446: {  	v0 =	vld.msk [tilespmem:s2+$0x6498], $0x1;
	_ =	sdelay $0x4  }
0x447: {  	(v2sf) =	vpush v0, $0x0;
	_ =	sdelay $0xe  }
0x448: {  	s3 =	spop (v2sf)  }
0x449: {  	p0 =	seq.s32 s3, $0xFFFFFFFF  }
.Ltmp14:
0x44a: {  	_ = 	snop;
	(pc) =	sbr.rel @p0 .LBB2_24-.Ltmp14, $1  }
0x44b: {  	_ =	sdelay $0x3  }
0x44c: {  	p0 =	slt.s32 s1, $0x1  }
.Ltmp15:
0x44d: {  	_ = 	snop;
	(pc) =	sbr.rel @p0 .LBB2_23-.Ltmp15, $1  }
0x44e: {  	_ =	sdelay $0x3  }
0x44f: {  	s5 =	simm.s32 $0x6498;
	p0 =	por $0x0, $0x0  }
0x450: {  	v1 =	vld.msk @!p0 [tilespmem:s5+$0x0], $0x1;
	_ =	sdelay $0x4  }
0x451: {  	(v2sf) =	vpush @!p0 v1, $0x0;
	_ =	sdelay $0xd  }
0x452: {  	p2 =	sne.s32 s1, $0x1  }
.Ltmp16:
0x453: {  	s0 =	spop @!p0 (v2sf);
	(pc) =	sbr.rel @!p2 .LBB2_21-.Ltmp16, $4  }
0x454: {  	p1 =	seq.s32 @!p0 s3, s0  }
0x455: {  	s6 =	simm.s32 $0x0;
	p1 =	por !p1, p0  }
0x456: {  	s0 =	simm.s32 $0xFFFFFFFF;
	s6 =	simm.s32 @p1 $0xFFFFFFFF  }
0x457: {  	s7 =	simm.s32 $0x1;
	s6 =	smov.u32 @p0 s0  }
.LBB2_20:
0x458: {  	s0 =	smov.u32 s6;
	p0 =	sne.s32 s6, $0xFFFFFFFF  }
0x459: {  	s5 =	sadd.s32 $0x1, s5;
	s6 =	smov.u32 s7;
	s7 =	sadd.s32 $0x1, s7  }
0x45a: {  	p1 =	sne.s32 s1, s7;
	v1 =	vld.msk @!p0 [tilespmem:s5+$0x0], $0x1;
	_ =	sdelay $0x4  }
0x45b: {  	(v2sf) =	vpush @!p0 v1, $0x0;
	_ =	sdelay $0xe  }
.Ltmp17:
0x45c: {  	s8 =	spop @!p0 (v2sf);
	(pc) =	sbr.rel @p1 .LBB2_20-.Ltmp17, $4  }
0x45d: {  	p2 =	seq.s32 @!p0 s3, s8  }
0x45e: {  	p2 =	por !p2, p0  }
0x45f: {  	s6 =	simm.s32 @p2 $0xFFFFFFFF  }
0x460: {  	s6 =	smov.u32 @p0 s0  }
.LBB2_21:
0x461: {  	p0 =	seq.s32 s6, $0xFFFFFFFF  }
.Ltmp18:
0x462: {  	_ = 	snop;
	(pc) =	sbr.rel @p0 .LBB2_23-.Ltmp18, $1  }
0x463: {  	_ =	sdelay $0x3  }
0x464: {  	s0 =	sshll.u32 s2, $0x5  }
0x465: {  	s3 =	sshll.u32 s6, $0x7;
	s0 =	sand.u32 $0x3FFFFFE0, s0  }
0x466: {  	s3 =	sshra.s32 s3, $0x2;
	v0 =	vld [tilespmem:s0+$0x64B8]  }
0x467: {  	v1 =	vld [tilespmem:s3+$0x64B8];
	_ =	sdelay $0x4  }
0x468: {  	v0 =	vmax.f32 v0, v1  }
0x469: {  	v63 =	vld [tilespmem:s3+$0x64C8];
	[tilespmem:s3+$0x64B8] =	vst v0  }
0x46a: {  	v0 =	vld [tilespmem:s0+$0x64C8];
	_ =	sdelay $0x1  }
.Ltmp19:
0x46b: {  	_ = 	snop;
	(pc) =	sbr.rel .LBB2_24-.Ltmp19, $3  }
0x46c: {  	_ =	sdelay $0x1  }
0x46d: {  	v0 =	vmax.f32 v0, v63  }
0x46e: {  	[tilespmem:s3+$0x64C8] =	vst v0  }
.LBB2_25:
0x46f: {  	p0 =	slt.s32 s1, $0x1  }
.Ltmp20:
0x470: {  	_ = 	snop;
	(pc) =	sbr.rel @p0 .LBB2_29-.Ltmp20, $3  }
0x471: {  	_ =	sdelay $0x1  }
0x472: {  	s0 =	simm.s32 $0x6  }
0x473: {  	s2 =	simm.s32 $0x0;
	[sflag:s0] =	ssyncpa.u1 $0x1  }
0x474: {  	s0 =	simm.s32 $0x6498  }
0x475: {  	v0 =	vld.msk [tilespmem:s0+$0x0], $0x1;
	_ =	sdelay $0x4  }
0x476: {  	(v2sf) =	vpush v0, $0x0;
	_ =	sdelay $0xd  }
0x477: {  	s1 =	sadd.s32 $0xFFFFFFFF, s1  }
0x478: {  	p1 =	sne.s32 s1, $0x0;
	s0 =	spop (v2sf)  }
.Ltmp21:
0x479: {  	p0 =	sgt.u32 s0, $0xFFC;
	(pc) =	sbr.rel @!p1 .LBB2_28-.Ltmp21, $4  }
0x47a: {  	s3 =	simm.s32 $0x64B8;
	s5 =	sand.u32 @!p0 $0xFF8, s0  }
0x47b: {  	s6 =	simm.s32 $0x0;
	s0 =	sand.u32 @!p0 $0x7, s0;
	s5 =	sadd.s32 @!p0 s4, s5  }
0x47c: {  	[hbm4b:s5+s0] =	stream.linear.scatter @!p0 [tilespmem:s3], [sflag:$0x5], $0x1E, $0x38;
	[tilespmem:$0x1FBD8] =	vst v63  }
0x47d: {  	s6 =	simm.s32 @!p0 $0x78;
	s5 =	simm.s32 $0x6499  }
.LBB2_27:
0x47e: {  	v0 =	vld.msk [tilespmem:s5+$0x0], $0x1;
	s1 =	sadd.s32 $0xFFFFFFFF, s1;
	s2 =	sadd.s32 s2, s6  }
0x47f: {  	p0 =	sne.s32 s1, $0x0;
	_ =	sdelay $0x3  }
0x480: {  	(v2sf) =	vpush v0, $0x0;
	_ =	sdelay $0xe  }
.Ltmp22:
0x481: {  	s0 =	spop (v2sf);
	(pc) =	sbr.rel @p0 .LBB2_27-.Ltmp22, $4  }
0x482: {  	s6 =	simm.s32 $0x0;
	p1 =	sgt.u32 s0, $0xFFC  }
0x483: {  	s3 =	sadd.s32 $0x20, s3;
	s6 =	simm.s32 @!p1 $0x78;
	s7 =	sand.u32 @!p1 $0xFF8, s0  }
0x484: {  	s5 =	sadd.s32 $0x1, s5;
	s0 =	sand.u32 @!p1 $0x7, s0;
	s7 =	sadd.s32 @!p1 s4, s7  }
0x485: {  	[hbm4b:s7+s0] =	stream.linear.scatter @!p1 [tilespmem:s3], [sflag:$0x5], $0x1E, $0x38;
	[tilespmem:$0x1FBD8] =	vst v63  }
.LBB2_28:
0x486: {  	s0 =	sadd.s32 s2, s6  }
0x487: {  	s2 =	sshrl.u32 s0, $0x2  }
.LBB2_29:
0x488: {  	s0 =	simm.s32 $0x5  }
0x489: {  	_ =	swait.ge [sflag:s0], s2  }
0x48a: {  	s1 =	ssub.s32 $0x0, s2;
	[sflag:s0] =	ssyncset.done $0x0  }
0x48b: {  	[sflag:s0] =	ssyncadd.s32 s1  }
0x48c: {  	[sflag:s0] =	ssyncpa.u1 $0x1  }
0x48d: {  	s30 =	simm.s32 $0x1;
	_ =	sfence  }
0x48e: {  	[sflag:s30] =	ssyncpa.u1 $0x1  }
0x48f: {  	_ =	strace $0x90000050  }
0x490: {  	[bflag:$0x2] =	sbarrier.arrive $0xFFFF  }
0x491: {  	s31 =	rddreg [dreg:$0x2]  }
0x492: {  	s0 =	sadd.s32 $0x100000, s31  }
0x493: {  	[sflag:s0] =	ssyncadd.tile.s32 $0x1;
	_ =	shalt  }
.Lfunc_end2:
_tile_overlayer_lowered:
.L_overlay_start_2:
0x494: {  	(tag) =	ssettag $0x2  }
0x495: {  	s0 =	rddreg [dreg:$0x0];
	s2 =	stileid.u32  }
0x496: {  	s1 =	rddreg [dreg:$0x1];
	p0 =	sne.s32 s2, $0x0  }
0x497: {  	s3 =	rddreg [dreg:$0x2];
	[bflag:$0x3] =	sbarrier.arrive $0xFFFF;
	s2 =	simm.s32 @!p0 $0x1C01  }
0x498: {  	[timem:s3], [sflag:s2] =	dma.local @!p0 [hbm:s0], s1  }
0x499: {  	s0 =	simm.s32 @!p0 $0x1  }
0x49a: {  	_ =	swait.ge @!p0 [sflag:s0], s1  }
0x49b: {  	s1 =	ssub.s32 @!p0 $0x0, s1;
	[sflag:s0] =	ssyncset.done @!p0 $0x0  }
0x49c: {  	[sflag:s0] =	ssyncadd.s32 @!p0 s1  }
0x49d: {  	[bflag:$0x3] =	sbarrier.arrive $0xFFFF  }
0x49e: {  	_ =	shalt  }

</sc_bundles>
